<compile_context>
chip_gen: v7x
topology: tpu7x:2x2x1
jax: 0.10.2.dev20260603
libtpu: 0.0.44.dev20260713+nightly
codegen_flags: <defaults>
</compile_context>

<pallas_src>
import functools

import jax
import jax.numpy as jnp
from jax import lax
from jax.experimental import pallas as pl
from jax.experimental.pallas import tpu as pltpu
from jax.experimental.pallas import tpu_sc as plsc

N_USERS = 25000
N = 50000
D = 64
E = 800000
H = 32
DEGW = 16

NC = 2
NT = 16
B = 128
CPB = 10
CHUNKS = 400
BLOCKS = CHUNKS // CPB
EP_T = CHUNKS * B
PAD = NT * EP_T - E
SCRAP = N
NA = 51200
ZR = NA // NT
WB = 3128
RR = 2000

_mesh = plsc.VectorSubcoreMesh(core_axis_name="c", subcore_axis_name="s")


def _zero_fill(buf, width):
    def body(i, _):
        for w in range(width // 16):
            buf[i, pl.ds(w * 16, 16)] = jnp.zeros((16,), jnp.float32)
        return 0
    lax.fori_loop(0, B, body, 0)


def _zero_accum(accum, zbuf, t):
    def body(k, _):
        pltpu.sync_copy(zbuf, accum.at[pl.ds(t * ZR + k * B, B)])
        return 0
    lax.fori_loop(0, ZR // B, body, 0)


def _writeback(accum, out_hbm, c, t):
    @pl.when(t < NT - 1)
    def _():
        pltpu.sync_copy(accum.at[pl.ds(t * WB, WB)],
                        out_hbm.at[c, pl.ds(t * WB, WB)])

    @pl.when(t == NT - 1)
    def _():
        pltpu.sync_copy(accum.at[pl.ds((NT - 1) * WB, N - (NT - 1) * WB)],
                        out_hbm.at[c, pl.ds((NT - 1) * WB, N - (NT - 1) * WB)])


@functools.partial(
    pl.kernel,
    out_type=jax.ShapeDtypeStruct((NC, N, H), jnp.float32),
    mesh=_mesh,
    compiler_params=pltpu.CompilerParams(use_tc_tiling_on_sc=False),
    scratch_types=[
        pltpu.VMEM((CPB, B), jnp.int32),
        pltpu.VMEM((CPB, B), jnp.int32),
        pltpu.VMEM((B, H), jnp.float32),
        pltpu.VMEM((B, H), jnp.float32),
        pltpu.VMEM((B, H), jnp.float32),
        pltpu.VMEM((B, H), jnp.float32),
        pltpu.VMEM((B, H), jnp.float32),
        pltpu.VMEM((B, H), jnp.float32),
        pltpu.VMEM_SHARED((NA, H), jnp.float32),
        pltpu.SemaphoreType.DMA,
        pltpu.SemaphoreType.DMA,
        pltpu.SemaphoreType.DMA,
        pltpu.SemaphoreType.DMA,
        pltpu.SemaphoreType.DMA,
    ],
)
def _agg(s_hbm, col_hbm, row_hbm, out_hbm, col_v, row_v, buf0, buf1, buf2,
         buf3, buf4, zbuf, accum, gsem0, gsem1, gsem2, ssem0, ssem1):
    c = lax.axis_index("c")
    t = lax.axis_index("s")
    _zero_fill(zbuf, H)
    _zero_accum(accum, zbuf, t)
    plsc.subcore_barrier()

    bufs = (buf0, buf1, buf2, buf3, buf4)
    gsems = (gsem0, gsem1, gsem2)
    ssems = (ssem0, ssem1)

    def block(b, _):
        pltpu.sync_copy(col_hbm.at[c, t, pl.ds(b * CPB, CPB)], col_v)
        pltpu.sync_copy(row_hbm.at[t, pl.ds(b * CPB, CPB)], row_v)
        gds = [None] * CPB
        sds = [None] * CPB
        for p in range(3):
            gds[p] = pltpu.async_copy(s_hbm.at[col_v.at[p]], bufs[p],
                                      gsems[p])
        for j in range(CPB):
            gds[j].wait()
            if j + 3 < CPB:
                if j >= 2:
                    sds[j - 2].wait()
                gds[j + 3] = pltpu.async_copy(
                    s_hbm.at[col_v.at[j + 3]], bufs[(j + 3) % 5],
                    gsems[(j + 3) % 3])
            sds[j] = pltpu.async_copy(
                bufs[j % 5], accum.at[row_v.at[j]], ssems[j % 2], add=True)
        for j in range(CPB - 5, CPB):
            sds[j].wait()
        return 0
    lax.fori_loop(0, BLOCKS, block, 0)
    plsc.subcore_barrier()
    _writeback(accum, out_hbm, c, t)


@functools.partial(
    pl.kernel,
    out_type=jax.ShapeDtypeStruct((NC, N, DEGW), jnp.float32),
    mesh=_mesh,
    compiler_params=pltpu.CompilerParams(use_tc_tiling_on_sc=False),
    scratch_types=[
        pltpu.VMEM((CPB, B), jnp.int32),
        pltpu.VMEM((B, DEGW), jnp.float32),
        pltpu.VMEM((B, DEGW), jnp.float32),
        pltpu.VMEM_SHARED((NA, DEGW), jnp.float32),
        pltpu.SemaphoreType.DMA,
    ],
)
def _deg(row_hbm, out_hbm, row_v, ones_v, zbuf, accum, ssem):
    c = lax.axis_index("c")
    t = lax.axis_index("s")

    def fill(i, _):
        ones_v[i, pl.ds(0, 16)] = jnp.ones((16,), jnp.float32)
        zbuf[i, pl.ds(0, 16)] = jnp.zeros((16,), jnp.float32)
        return 0
    lax.fori_loop(0, B, fill, 0)
    _zero_accum(accum, zbuf, t)
    plsc.subcore_barrier()

    half = BLOCKS // NC

    def block(b, _):
        pltpu.sync_copy(row_hbm.at[t, pl.ds(b * CPB, CPB)], row_v)
        ds = [pltpu.async_copy(ones_v, accum.at[row_v.at[j]], ssem, add=True)
              for j in range(CPB)]
        for d in ds:
            d.wait()
        return 0
    lax.fori_loop(c * half, (c + 1) * half, block, 0)
    plsc.subcore_barrier()
    _writeback(accum, out_hbm, c, t)



def _dis_body(degp_ref, dis_ref, dis2_ref):
    d = degp_ref[0] + degp_ref[1]
    dis = jnp.where(d > 0, lax.rsqrt(d), 0.0)
    dis_ref[...] = dis
    dis2_ref[...] = dis * dis


_dis_call = pl.pallas_call(
    _dis_body,
    grid=(N // RR,),
    in_specs=[pl.BlockSpec((NC, RR, DEGW), lambda i: (0, i, 0))],
    out_specs=[pl.BlockSpec((RR, DEGW), lambda i: (i, 0)),
               pl.BlockSpec((RR, DEGW), lambda i: (i, 0))],
    out_shape=[jax.ShapeDtypeStruct((N, DEGW), jnp.float32)] * 2,
)


def _scale0_body(e_ref, dis_ref, s_ref):
    dv = dis_ref[:, 0:1]
    s_ref[0] = e_ref[:, 0:H] * dv
    s_ref[1] = e_ref[:, H:D] * dv


_scale0_call = pl.pallas_call(
    _scale0_body,
    grid=(N // RR,),
    in_specs=[pl.BlockSpec((RR, D), lambda i: (i, 0)),
              pl.BlockSpec((RR, DEGW), lambda i: (i, 0))],
    out_specs=pl.BlockSpec((NC, RR, H), lambda i: (0, i, 0)),
    out_shape=jax.ShapeDtypeStruct((NC, N, H), jnp.float32),
)


def _scalek_body(z_ref, dis2_ref, s_ref):
    dv = dis2_ref[:, 0:1][None]
    s_ref[...] = z_ref[...] * dv


_scalek_call = pl.pallas_call(
    _scalek_body,
    grid=(N // RR,),
    in_specs=[pl.BlockSpec((NC, RR, H), lambda i: (0, i, 0)),
              pl.BlockSpec((RR, DEGW), lambda i: (i, 0))],
    out_specs=pl.BlockSpec((NC, RR, H), lambda i: (0, i, 0)),
    out_shape=jax.ShapeDtypeStruct((NC, N, H), jnp.float32),
)


def _mean_body(e0_ref, z1_ref, z2_ref, z3_ref, dis_ref, out_ref):
    zs = z1_ref[...] + z2_ref[...] + z3_ref[...]
    dv = dis_ref[:, 0:1]
    out_ref[:, 0:H] = 0.25 * (e0_ref[:, 0:H] + dv * zs[0])
    out_ref[:, H:D] = 0.25 * (e0_ref[:, H:D] + dv * zs[1])


_mean_call = pl.pallas_call(
    _mean_body,
    grid=(N // RR,),
    in_specs=[pl.BlockSpec((RR, D), lambda i: (i, 0)),
              pl.BlockSpec((NC, RR, H), lambda i: (0, i, 0)),
              pl.BlockSpec((NC, RR, H), lambda i: (0, i, 0)),
              pl.BlockSpec((NC, RR, H), lambda i: (0, i, 0)),
              pl.BlockSpec((RR, DEGW), lambda i: (i, 0))],
    out_specs=pl.BlockSpec((RR, D), lambda i: (i, 0)),
    out_shape=jax.ShapeDtypeStruct((N, D), jnp.float32),
)


@jax.jit
def _run(user_table, item_table, edge_index):
    e0 = jnp.concatenate([user_table, item_table], axis=0)
    ei = edge_index.astype(jnp.int32)
    rowp = jnp.concatenate(
        [ei[0], jnp.full((PAD,), SCRAP, jnp.int32)]).reshape(NT, CHUNKS, B)
    colp = jnp.concatenate(
        [ei[1], jnp.zeros((PAD,), jnp.int32)]).reshape(NT, CHUNKS, B)
    col2 = jnp.stack([colp, colp + N])
    col_deg = jnp.concatenate(
        [ei[1], jnp.full((PAD,), SCRAP, jnp.int32)]).reshape(NT, CHUNKS, B)

    degp = _deg(col_deg)
    dis, dis2 = _dis_call(degp)

    s = _scale0_call(e0, dis).reshape(NC * N, H)
    z1 = _agg(s, col2, rowp)
    s = _scalek_call(z1, dis2).reshape(NC * N, H)
    z2 = _agg(s, col2, rowp)
    s = _scalek_call(z2, dis2).reshape(NC * N, H)
    z3 = _agg(s, col2, rowp)

    out = _mean_call(e0, z1, z2, z3, dis)
    return out[:N_USERS], out[N_USERS:]


def kernel(user_table, item_table, edge_index):
    return _run(user_table, item_table, edge_index)

# --- scband reference (transcript-rebuilt; emitter-appended) ---
"""Pipeline reference for scband-light-gcn-34187939676701 (READ-ONLY COPY).

The authoritative reference and input builder live on the scoring server;
editing this copy changes nothing except your own understanding.
"""

import jax, jax.numpy as jnp
import numpy as np

NUM_USERS = 25000
NUM_ITEMS = 25000
EMBED_DIM = 64
NUM_LAYERS = 3
NUM_EDGES = 800000


def setup_inputs(seed: int = 0) -> dict:
    key = jax.random.key(seed)
    k1, k2, k3 = jax.random.split(key, 3)
    n_nodes = NUM_USERS + NUM_ITEMS
    edge_index = jax.random.randint(k1, (2, NUM_EDGES), 0, n_nodes)
    user_table = jax.random.normal(k2, (NUM_USERS, EMBED_DIM), dtype=jnp.float32)
    item_table = jax.random.normal(k3, (NUM_ITEMS, EMBED_DIM), dtype=jnp.float32)
    return {"user_table": user_table, "item_table": item_table, "edge_index": edge_index}


def _propagate(edge_index, features):
    row = edge_index[0]
    col = edge_index[1]
    num_nodes = features.shape[0]
    # degree(col, num_nodes)
    deg = jnp.bincount(col, length=num_nodes).astype(features.dtype)
    deg_inv_sqrt = deg ** (-0.5)
    deg_inv_sqrt = jnp.where(jnp.isinf(deg_inv_sqrt), 0.0, deg_inv_sqrt)
    norm = deg_inv_sqrt[row] * deg_inv_sqrt[col]
    # gather neighbor features, scale, scatter-add to row
    features_j = features[col] * norm[:, None]
    features_agg = jax.ops.segment_sum(features_j, row, num_segments=num_nodes)
    return features_agg


def reference(user_table, item_table, edge_index):
    all_emb = jnp.concatenate([user_table, item_table], axis=0)
    embs = [all_emb]
    for _ in range(NUM_LAYERS):
        all_emb = _propagate(edge_index, all_emb)
        embs.append(all_emb)
    stacked = jnp.stack(embs, axis=1)
    mean_emb = jnp.mean(stacked, axis=1)
    user_embs = mean_emb[:NUM_USERS]
    item_embs = mean_emb[NUM_USERS:]
    return (user_embs, item_embs)

if __name__ == "__main__":
    import jax
    _d = setup_inputs()
    print(jax.jit(kernel)(*tuple(_d.values())))

</pallas_src>

<mosaic_0001>
#map = affine_map<(d0, d1) -> (0, 0, 0)>
module attributes {stable_mosaic.version = 14 : i64} {
  func.func @_deg(%arg0: i32, %arg1: i32, %arg2: memref<16x400x128xi32, #tpu.memory_space<hbm>>, %arg3: memref<2x50000x16xf32, #tpu.memory_space<hbm>>, %arg4: memref<10x128xi32, #tpu.memory_space<vmem>>, %arg5: memref<128x16xf32, #tpu.memory_space<vmem>>, %arg6: memref<128x16xf32, #tpu.memory_space<vmem>>, %arg7: memref<51200x16xf32, #tpu.memory_space<vmem_shared>>, %arg8: memref<!tpu.dma_semaphore, #tpu.memory_space<semaphore_mem>>) attributes {dimension_semantics = [#tpu.dimension_semantics<core_parallel>, #tpu.dimension_semantics<subcore_parallel>], iteration_bounds = array<i64: 2, 16>, scalar_prefetch = 0 : i64, scratch_operands = 5 : i64, tpu.core_type = #tpu.core_type<sc_vector_subcore>, window_params = [{transform_indices = #map}, {transform_indices = #map}]} {
    %scan3A = arith.constant 0 : i32
    %scan3A_0 = arith.constant 0 : i32
    %scan3A_1 = arith.constant 128 : i32
    %scan3A_2 = arith.addi %scan3A_0, %scan3A_1 : i32
    %scan3A_3 = arith.constant 1 : i32
    %scan3A_4 = scf.for %scan3A_34 = %scan3A_0 to %scan3A_2 step %scan3A_3 iter_args(%scan3A_35 = %scan3A) -> (i32)  : i32 {
      %broadcast_in_dim3A = arith.constant 1.000000e+00 : f32
      %broadcast_in_dim3A_36 = vector.broadcast %broadcast_in_dim3A : f32 to vector<16xf32>
      %swap3A = arith.index_cast %scan3A_34 : i32 to index
      %swap3A_37 = arith.constant 0 : index
      %swap3A_38 = tpu.vector_load %arg5[%swap3A, %swap3A_37] {strides = array<i32>} : memref<128x16xf32, #tpu.memory_space<vmem>>, vector<1x16xf32>,
      %swap3A_39 = vector.shape_cast %swap3A_38 : vector<1x16xf32> to vector<16xf32>
      %swap3A_40 = vector.shape_cast %broadcast_in_dim3A_36 : vector<16xf32> to vector<1x16xf32>
      tpu.vector_store %arg5[%swap3A, %swap3A_37], %swap3A_40 {strides = array<i32>} : memref<128x16xf32, #tpu.memory_space<vmem>>, vector<1x16xf32>,
      %broadcast_in_dim3A_41 = arith.constant 0.000000e+00 : f32
      %broadcast_in_dim3A_42 = vector.broadcast %broadcast_in_dim3A_41 : f32 to vector<16xf32>
      %swap3A_43 = arith.index_cast %scan3A_34 : i32 to index
      %swap3A_44 = arith.constant 0 : index
      %swap3A_45 = tpu.vector_load %arg6[%swap3A_43, %swap3A_44] {strides = array<i32>} : memref<128x16xf32, #tpu.memory_space<vmem>>, vector<1x16xf32>,
      %swap3A_46 = vector.shape_cast %swap3A_45 : vector<1x16xf32> to vector<16xf32>
      %swap3A_47 = vector.shape_cast %broadcast_in_dim3A_42 : vector<16xf32> to vector<1x16xf32>
      tpu.vector_store %arg6[%swap3A_43, %swap3A_44], %swap3A_47 {strides = array<i32>} : memref<128x16xf32, #tpu.memory_space<vmem>>, vector<1x16xf32>,
      %scan3A_48 = arith.constant 0 : i32
      scf.yield %scan3A_48 : i32
    }
    %scan3A_5 = arith.constant 128 : i32
    %scan3A_6 = arith.constant 0 : i32
    %scan3A_7 = arith.constant 0 : i32
    %scan3A_8 = arith.constant 25 : i32
    %scan3A_9 = arith.addi %scan3A_7, %scan3A_8 : i32
    %scan3A_10 = arith.constant 1 : i32
    %scan3A_11 = scf.for %scan3A_34 = %scan3A_7 to %scan3A_9 step %scan3A_10 iter_args(%scan3A_35 = %scan3A_6) -> (i32)  : i32 {
      %mul3A_36 = arith.constant 3200 : i32
      %mul3A_37 = arith.muli %arg1, %mul3A_36 : i32
      %mul3A_38 = arith.constant 128 : i32
      %mul3A_39 = arith.muli %scan3A_34, %mul3A_38 : i32
      %add3A_40 = arith.addi %mul3A_37, %mul3A_39 : i32
      "tpu.region"() ({
        %run_scoped3A = tpu.sem_alloc : memref<!tpu.dma_semaphore, #tpu.memory_space<semaphore_mem>>
        %dma_start3A = arith.constant 0 : i32
        %dma_start3A_42 = tpu.memref_slice %arg7[%add3A_40, %dma_start3A] : memref<51200x16xf32, #tpu.memory_space<vmem_shared>> -> memref<128x16xf32, #tpu.memory_space<vmem_shared>>
        %dma_start3A_43 = arith.constant 0 : i32
        %dma_start3A_44 = tpu.memref_slice %arg7[%add3A_40, %dma_start3A_43] : memref<51200x16xf32, #tpu.memory_space<vmem_shared>> -> memref<128x16xf32, #tpu.memory_space<vmem_shared>>
        tpu.enqueue_dma source(%arg6 : memref<128x16xf32, #tpu.memory_space<vmem>>) target(%dma_start3A_44 : memref<128x16xf32, #tpu.memory_space<vmem_shared>>) target_semaphore(%run_scoped3A : memref<!tpu.dma_semaphore, #tpu.memory_space<semaphore_mem>>)
        %dma_wait3A = arith.constant 0 : i32
        %dma_wait3A_45 = tpu.memref_slice %arg7[%add3A_40, %dma_wait3A] : memref<51200x16xf32, #tpu.memory_space<vmem_shared>> -> memref<128x16xf32, #tpu.memory_space<vmem_shared>>
        %dma_wait3A_46 = arith.constant 0 : i32
        %dma_wait3A_47 = tpu.memref_slice %arg7[%add3A_40, %dma_wait3A_46] : memref<51200x16xf32, #tpu.memory_space<vmem_shared>> -> memref<128x16xf32, #tpu.memory_space<vmem_shared>>
        tpu.wait_dma2 semaphore(%run_scoped3A : memref<!tpu.dma_semaphore, #tpu.memory_space<semaphore_mem>>) src(%arg6 : memref<128x16xf32, #tpu.memory_space<vmem>>) dst(%dma_wait3A_47 : memref<128x16xf32, #tpu.memory_space<vmem_shared>>)
        tpu.yield
      }) : () -> ()
      %scan3A_41 = arith.constant 0 : i32
      scf.yield %scan3A_41 : i32
    }
    %scan3A_12 = arith.constant 25 : i32
    %barrier3A = arith.constant 0 : index
    tpu.barrier barrier_id(%barrier3A)
    %mul3A = arith.constant 20 : i32
    %mul3A_13 = arith.muli %arg0, %mul3A : i32
    %add3A = arith.constant 1 : i32
    %add3A_14 = arith.addi %arg0, %add3A : i32
    %mul3A_15 = arith.constant 20 : i32
    %mul3A_16 = arith.muli %add3A_14, %mul3A_15 : i32
    %while3A = arith.constant 0 : i32
    %while3A_17 = arith.subi %mul3A_16, %mul3A_13 : i32
    %while3A_18 = arith.addi %mul3A_13, %while3A_17 : i32
    %while3A_19 = arith.constant 1 : i32
    %while3A_20 = arith.divsi %while3A_17, %while3A_19 : i32
    %while3A_21 = arith.muli %while3A_20, %while3A_19 : i32
    %while3A_22 = arith.addi %mul3A_13, %while3A_21 : i32
    %while3A_23 = arith.constant 1 : i32
    %while3A_24 = scf.for %while3A_34 = %mul3A_13 to %while3A_22 step %while3A_23 iter_args(%while3A_35 = %while3A) -> (i32)  : i32 {
      %mul3A_36 = arith.constant 10 : i32
      %mul3A_37 = arith.muli %while3A_34, %mul3A_36 : i32
      "tpu.region"() ({
        %run_scoped3A = tpu.sem_alloc : memref<!tpu.dma_semaphore, #tpu.memory_space<semaphore_mem>>
        %dma_start3A_177 = arith.constant 0 : i32
        %dma_start3A_178 = tpu.memref_slice %arg2[%arg1, %mul3A_37, %dma_start3A_177] : memref<16x400x128xi32, #tpu.memory_space<hbm>> -> memref<1x10x128xi32, #tpu.memory_space<hbm>>
        %dma_start3A_179 = tpu.memref_squeeze %dma_start3A_178 : memref<1x10x128xi32, #tpu.memory_space<hbm>> -> memref<10x128xi32, #tpu.memory_space<hbm>>
        %dma_start3A_180 = arith.constant 0 : i32
        %dma_start3A_181 = tpu.memref_slice %arg2[%arg1, %mul3A_37, %dma_start3A_180] : memref<16x400x128xi32, #tpu.memory_space<hbm>> -> memref<1x10x128xi32, #tpu.memory_space<hbm>>
        %dma_start3A_182 = tpu.memref_squeeze %dma_start3A_181 : memref<1x10x128xi32, #tpu.memory_space<hbm>> -> memref<10x128xi32, #tpu.memory_space<hbm>>
        tpu.enqueue_dma source(%dma_start3A_182 : memref<10x128xi32, #tpu.memory_space<hbm>>) target(%arg4 : memref<10x128xi32, #tpu.memory_space<vmem>>) target_semaphore(%run_scoped3A : memref<!tpu.dma_semaphore, #tpu.memory_space<semaphore_mem>>)
        %dma_wait3A_183 = arith.constant 0 : i32
        %dma_wait3A_184 = tpu.memref_slice %arg2[%arg1, %mul3A_37, %dma_wait3A_183] : memref<16x400x128xi32, #tpu.memory_space<hbm>> -> memref<1x10x128xi32, #tpu.memory_space<hbm>>
        %dma_wait3A_185 = tpu.memref_squeeze %dma_wait3A_184 : memref<1x10x128xi32, #tpu.memory_space<hbm>> -> memref<10x128xi32, #tpu.memory_space<hbm>>
        %dma_wait3A_186 = arith.constant 0 : i32
        %dma_wait3A_187 = tpu.memref_slice %arg2[%arg1, %mul3A_37, %dma_wait3A_186] : memref<16x400x128xi32, #tpu.memory_space<hbm>> -> memref<1x10x128xi32, #tpu.memory_space<hbm>>
        %dma_wait3A_188 = tpu.memref_squeeze %dma_wait3A_187 : memref<1x10x128xi32, #tpu.memory_space<hbm>> -> memref<10x128xi32, #tpu.memory_space<hbm>>
        tpu.wait_dma2 semaphore(%run_scoped3A : memref<!tpu.dma_semaphore, #tpu.memory_space<semaphore_mem>>) src(%dma_wait3A_188 : memref<10x128xi32, #tpu.memory_space<hbm>>) dst(%arg4 : memref<10x128xi32, #tpu.memory_space<vmem>>)
        tpu.yield
      }) : () -> ()
      %dma_start3A = arith.constant 0 : i32
      %dma_start3A_38 = arith.constant 0 : i32
      %dma_start3A_39 = tpu.memref_slice %arg4[%dma_start3A, %dma_start3A_38] : memref<10x128xi32, #tpu.memory_space<vmem>> -> memref<1x128xi32, #tpu.memory_space<vmem>>
      %dma_start3A_40 = tpu.memref_squeeze %dma_start3A_39 : memref<1x128xi32, #tpu.memory_space<vmem>> -> memref<128xi32, #tpu.memory_space<vmem>>
      %dma_start3A_41 = arith.constant 0 : i32
      %dma_start3A_42 = arith.constant 0 : i32
      %dma_start3A_43 = tpu.memref_slice %arg7[%dma_start3A_41, %dma_start3A_42] : memref<51200x16xf32, #tpu.memory_space<vmem_shared>> -> memref<51200x16xf32, #tpu.memory_space<vmem_shared>>
      tpu.enqueue_indirect_dma source(%arg5 : memref<128x16xf32, #tpu.memory_space<vmem>>) target(%dma_start3A_43 : memref<51200x16xf32, #tpu.memory_space<vmem_shared>>) offsets(%dma_start3A_40 : memref<128xi32, #tpu.memory_space<vmem>>) semaphore(%arg8 : memref<!tpu.dma_semaphore, #tpu.memory_space<semaphore_mem>>) {add = true}
      %dma_start3A_44 = arith.constant 1 : i32
      %dma_start3A_45 = arith.constant 0 : i32
      %dma_start3A_46 = tpu.memref_slice %arg4[%dma_start3A_44, %dma_start3A_45] : memref<10x128xi32, #tpu.memory_space<vmem>> -> memref<1x128xi32, #tpu.memory_space<vmem>>
      %dma_start3A_47 = tpu.memref_squeeze %dma_start3A_46 : memref<1x128xi32, #tpu.memory_space<vmem>> -> memref<128xi32, #tpu.memory_space<vmem>>
      %dma_start3A_48 = arith.constant 0 : i32
      %dma_start3A_49 = arith.constant 0 : i32
      %dma_start3A_50 = tpu.memref_slice %arg7[%dma_start3A_48, %dma_start3A_49] : memref<51200x16xf32, #tpu.memory_space<vmem_shared>> -> memref<51200x16xf32, #tpu.memory_space<vmem_shared>>
      tpu.enqueue_indirect_dma source(%arg5 : memref<128x16xf32, #tpu.memory_space<vmem>>) target(%dma_start3A_50 : memref<51200x16xf32, #tpu.memory_space<vmem_shared>>) offsets(%dma_start3A_47 : memref<128xi32, #tpu.memory_space<vmem>>) semaphore(%arg8 : memref<!tpu.dma_semaphore, #tpu.memory_space<semaphore_mem>>) {add = true}
      %dma_start3A_51 = arith.constant 2 : i32
      %dma_start3A_52 = arith.constant 0 : i32
      %dma_start3A_53 = tpu.memref_slice %arg4[%dma_start3A_51, %dma_start3A_52] : memref<10x128xi32, #tpu.memory_space<vmem>> -> memref<1x128xi32, #tpu.memory_space<vmem>>
      %dma_start3A_54 = tpu.memref_squeeze %dma_start3A_53 : memref<1x128xi32, #tpu.memory_space<vmem>> -> memref<128xi32, #tpu.memory_space<vmem>>
      %dma_start3A_55 = arith.constant 0 : i32
      %dma_start3A_56 = arith.constant 0 : i32
      %dma_start3A_57 = tpu.memref_slice %arg7[%dma_start3A_55, %dma_start3A_56] : memref<51200x16xf32, #tpu.memory_space<vmem_shared>> -> memref<51200x16xf32, #tpu.memory_space<vmem_shared>>
      tpu.enqueue_indirect_dma source(%arg5 : memref<128x16xf32, #tpu.memory_space<vmem>>) target(%dma_start3A_57 : memref<51200x16xf32, #tpu.memory_space<vmem_shared>>) offsets(%dma_start3A_54 : memref<128xi32, #tpu.memory_space<vmem>>) semaphore(%arg8 : memref<!tpu.dma_semaphore, #tpu.memory_space<semaphore_mem>>) {add = true}
      %dma_start3A_58 = arith.constant 3 : i32
      %dma_start3A_59 = arith.constant 0 : i32
      %dma_start3A_60 = tpu.memref_slice %arg4[%dma_start3A_58, %dma_start3A_59] : memref<10x128xi32, #tpu.memory_space<vmem>> -> memref<1x128xi32, #tpu.memory_space<vmem>>
      %dma_start3A_61 = tpu.memref_squeeze %dma_start3A_60 : memref<1x128xi32, #tpu.memory_space<vmem>> -> memref<128xi32, #tpu.memory_space<vmem>>
      %dma_start3A_62 = arith.constant 0 : i32
      %dma_start3A_63 = arith.constant 0 : i32
      %dma_start3A_64 = tpu.memref_slice %arg7[%dma_start3A_62, %dma_start3A_63] : memref<51200x16xf32, #tpu.memory_space<vmem_shared>> -> memref<51200x16xf32, #tpu.memory_space<vmem_shared>>
      tpu.enqueue_indirect_dma source(%arg5 : memref<128x16xf32, #tpu.memory_space<vmem>>) target(%dma_start3A_64 : memref<51200x16xf32, #tpu.memory_space<vmem_shared>>) offsets(%dma_start3A_61 : memref<128xi32, #tpu.memory_space<vmem>>) semaphore(%arg8 : memref<!tpu.dma_semaphore, #tpu.memory_space<semaphore_mem>>) {add = true}
      %dma_start3A_65 = arith.constant 4 : i32
      %dma_start3A_66 = arith.constant 0 : i32
      %dma_start3A_67 = tpu.memref_slice %arg4[%dma_start3A_65, %dma_start3A_66] : memref<10x128xi32, #tpu.memory_space<vmem>> -> memref<1x128xi32, #tpu.memory_space<vmem>>
      %dma_start3A_68 = tpu.memref_squeeze %dma_start3A_67 : memref<1x128xi32, #tpu.memory_space<vmem>> -> memref<128xi32, #tpu.memory_space<vmem>>
      %dma_start3A_69 = arith.constant 0 : i32
      %dma_start3A_70 = arith.constant 0 : i32
      %dma_start3A_71 = tpu.memref_slice %arg7[%dma_start3A_69, %dma_start3A_70] : memref<51200x16xf32, #tpu.memory_space<vmem_shared>> -> memref<51200x16xf32, #tpu.memory_space<vmem_shared>>
      tpu.enqueue_indirect_dma source(%arg5 : memref<128x16xf32, #tpu.memory_space<vmem>>) target(%dma_start3A_71 : memref<51200x16xf32, #tpu.memory_space<vmem_shared>>) offsets(%dma_start3A_68 : memref<128xi32, #tpu.memory_space<vmem>>) semaphore(%arg8 : memref<!tpu.dma_semaphore, #tpu.memory_space<semaphore_mem>>) {add = true}
      %dma_start3A_72 = arith.constant 5 : i32
      %dma_start3A_73 = arith.constant 0 : i32
      %dma_start3A_74 = tpu.memref_slice %arg4[%dma_start3A_72, %dma_start3A_73] : memref<10x128xi32, #tpu.memory_space<vmem>> -> memref<1x128xi32, #tpu.memory_space<vmem>>
      %dma_start3A_75 = tpu.memref_squeeze %dma_start3A_74 : memref<1x128xi32, #tpu.memory_space<vmem>> -> memref<128xi32, #tpu.memory_space<vmem>>
      %dma_start3A_76 = arith.constant 0 : i32
      %dma_start3A_77 = arith.constant 0 : i32
      %dma_start3A_78 = tpu.memref_slice %arg7[%dma_start3A_76, %dma_start3A_77] : memref<51200x16xf32, #tpu.memory_space<vmem_shared>> -> memref<51200x16xf32, #tpu.memory_space<vmem_shared>>
      tpu.enqueue_indirect_dma source(%arg5 : memref<128x16xf32, #tpu.memory_space<vmem>>) target(%dma_start3A_78 : memref<51200x16xf32, #tpu.memory_space<vmem_shared>>) offsets(%dma_start3A_75 : memref<128xi32, #tpu.memory_space<vmem>>) semaphore(%arg8 : memref<!tpu.dma_semaphore, #tpu.memory_space<semaphore_mem>>) {add = true}
      %dma_start3A_79 = arith.constant 6 : i32
      %dma_start3A_80 = arith.constant 0 : i32
      %dma_start3A_81 = tpu.memref_slice %arg4[%dma_start3A_79, %dma_start3A_80] : memref<10x128xi32, #tpu.memory_space<vmem>> -> memref<1x128xi32, #tpu.memory_space<vmem>>
      %dma_start3A_82 = tpu.memref_squeeze %dma_start3A_81 : memref<1x128xi32, #tpu.memory_space<vmem>> -> memref<128xi32, #tpu.memory_space<vmem>>
      %dma_start3A_83 = arith.constant 0 : i32
      %dma_start3A_84 = arith.constant 0 : i32
      %dma_start3A_85 = tpu.memref_slice %arg7[%dma_start3A_83, %dma_start3A_84] : memref<51200x16xf32, #tpu.memory_space<vmem_shared>> -> memref<51200x16xf32, #tpu.memory_space<vmem_shared>>
      tpu.enqueue_indirect_dma source(%arg5 : memref<128x16xf32, #tpu.memory_space<vmem>>) target(%dma_start3A_85 : memref<51200x16xf32, #tpu.memory_space<vmem_shared>>) offsets(%dma_start3A_82 : memref<128xi32, #tpu.memory_space<vmem>>) semaphore(%arg8 : memref<!tpu.dma_semaphore, #tpu.memory_space<semaphore_mem>>) {add = true}
      %dma_start3A_86 = arith.constant 7 : i32
      %dma_start3A_87 = arith.constant 0 : i32
      %dma_start3A_88 = tpu.memref_slice %arg4[%dma_start3A_86, %dma_start3A_87] : memref<10x128xi32, #tpu.memory_space<vmem>> -> memref<1x128xi32, #tpu.memory_space<vmem>>
      %dma_start3A_89 = tpu.memref_squeeze %dma_start3A_88 : memref<1x128xi32, #tpu.memory_space<vmem>> -> memref<128xi32, #tpu.memory_space<vmem>>
      %dma_start3A_90 = arith.constant 0 : i32
      %dma_start3A_91 = arith.constant 0 : i32
      %dma_start3A_92 = tpu.memref_slice %arg7[%dma_start3A_90, %dma_start3A_91] : memref<51200x16xf32, #tpu.memory_space<vmem_shared>> -> memref<51200x16xf32, #tpu.memory_space<vmem_shared>>
      tpu.enqueue_indirect_dma source(%arg5 : memref<128x16xf32, #tpu.memory_space<vmem>>) target(%dma_start3A_92 : memref<51200x16xf32, #tpu.memory_space<vmem_shared>>) offsets(%dma_start3A_89 : memref<128xi32, #tpu.memory_space<vmem>>) semaphore(%arg8 : memref<!tpu.dma_semaphore, #tpu.memory_space<semaphore_mem>>) {add = true}
      %dma_start3A_93 = arith.constant 8 : i32
      %dma_start3A_94 = arith.constant 0 : i32
      %dma_start3A_95 = tpu.memref_slice %arg4[%dma_start3A_93, %dma_start3A_94] : memref<10x128xi32, #tpu.memory_space<vmem>> -> memref<1x128xi32, #tpu.memory_space<vmem>>
      %dma_start3A_96 = tpu.memref_squeeze %dma_start3A_95 : memref<1x128xi32, #tpu.memory_space<vmem>> -> memref<128xi32, #tpu.memory_space<vmem>>
      %dma_start3A_97 = arith.constant 0 : i32
      %dma_start3A_98 = arith.constant 0 : i32
      %dma_start3A_99 = tpu.memref_slice %arg7[%dma_start3A_97, %dma_start3A_98] : memref<51200x16xf32, #tpu.memory_space<vmem_shared>> -> memref<51200x16xf32, #tpu.memory_space<vmem_shared>>
      tpu.enqueue_indirect_dma source(%arg5 : memref<128x16xf32, #tpu.memory_space<vmem>>) target(%dma_start3A_99 : memref<51200x16xf32, #tpu.memory_space<vmem_shared>>) offsets(%dma_start3A_96 : memref<128xi32, #tpu.memory_space<vmem>>) semaphore(%arg8 : memref<!tpu.dma_semaphore, #tpu.memory_space<semaphore_mem>>) {add = true}
      %dma_start3A_100 = arith.constant 9 : i32
      %dma_start3A_101 = arith.constant 0 : i32
      %dma_start3A_102 = tpu.memref_slice %arg4[%dma_start3A_100, %dma_start3A_101] : memref<10x128xi32, #tpu.memory_space<vmem>> -> memref<1x128xi32, #tpu.memory_space<vmem>>
      %dma_start3A_103 = tpu.memref_squeeze %dma_start3A_102 : memref<1x128xi32, #tpu.memory_space<vmem>> -> memref<128xi32, #tpu.memory_space<vmem>>
      %dma_start3A_104 = arith.constant 0 : i32
      %dma_start3A_105 = arith.constant 0 : i32
      %dma_start3A_106 = tpu.memref_slice %arg7[%dma_start3A_104, %dma_start3A_105] : memref<51200x16xf32, #tpu.memory_space<vmem_shared>> -> memref<51200x16xf32, #tpu.memory_space<vmem_shared>>
      tpu.enqueue_indirect_dma source(%arg5 : memref<128x16xf32, #tpu.memory_space<vmem>>) target(%dma_start3A_106 : memref<51200x16xf32, #tpu.memory_space<vmem_shared>>) offsets(%dma_start3A_103 : memref<128xi32, #tpu.memory_space<vmem>>) semaphore(%arg8 : memref<!tpu.dma_semaphore, #tpu.memory_space<semaphore_mem>>) {add = true}
      %dma_wait3A = arith.constant 0 : i32
      %dma_wait3A_107 = arith.constant 0 : i32
      %dma_wait3A_108 = tpu.memref_slice %arg4[%dma_wait3A, %dma_wait3A_107] : memref<10x128xi32, #tpu.memory_space<vmem>> -> memref<1x128xi32, #tpu.memory_space<vmem>>
      %dma_wait3A_109 = tpu.memref_squeeze %dma_wait3A_108 : memref<1x128xi32, #tpu.memory_space<vmem>> -> memref<128xi32, #tpu.memory_space<vmem>>
      %dma_wait3A_110 = arith.constant 0 : i32
      %dma_wait3A_111 = arith.constant 0 : i32
      %dma_wait3A_112 = tpu.memref_slice %arg7[%dma_wait3A_110, %dma_wait3A_111] : memref<51200x16xf32, #tpu.memory_space<vmem_shared>> -> memref<51200x16xf32, #tpu.memory_space<vmem_shared>>
      tpu.wait_indirect_dma semaphore(%arg8 : memref<!tpu.dma_semaphore, #tpu.memory_space<semaphore_mem>>) src(%arg5 : memref<128x16xf32, #tpu.memory_space<vmem>>) dst(%dma_wait3A_112 : memref<51200x16xf32, #tpu.memory_space<vmem_shared>>)
      %dma_wait3A_113 = arith.constant 1 : i32
      %dma_wait3A_114 = arith.constant 0 : i32
      %dma_wait3A_115 = tpu.memref_slice %arg4[%dma_wait3A_113, %dma_wait3A_114] : memref<10x128xi32, #tpu.memory_space<vmem>> -> memref<1x128xi32, #tpu.memory_space<vmem>>
      %dma_wait3A_116 = tpu.memref_squeeze %dma_wait3A_115 : memref<1x128xi32, #tpu.memory_space<vmem>> -> memref<128xi32, #tpu.memory_space<vmem>>
      %dma_wait3A_117 = arith.constant 0 : i32
      %dma_wait3A_118 = arith.constant 0 : i32
      %dma_wait3A_119 = tpu.memref_slice %arg7[%dma_wait3A_117, %dma_wait3A_118] : memref<51200x16xf32, #tpu.memory_space<vmem_shared>> -> memref<51200x16xf32, #tpu.memory_space<vmem_shared>>
      tpu.wait_indirect_dma semaphore(%arg8 : memref<!tpu.dma_semaphore, #tpu.memory_space<semaphore_mem>>) src(%arg5 : memref<128x16xf32, #tpu.memory_space<vmem>>) dst(%dma_wait3A_119 : memref<51200x16xf32, #tpu.memory_space<vmem_shared>>)
      %dma_wait3A_120 = arith.constant 2 : i32
      %dma_wait3A_121 = arith.constant 0 : i32
      %dma_wait3A_122 = tpu.memref_slice %arg4[%dma_wait3A_120, %dma_wait3A_121] : memref<10x128xi32, #tpu.memory_space<vmem>> -> memref<1x128xi32, #tpu.memory_space<vmem>>
      %dma_wait3A_123 = tpu.memref_squeeze %dma_wait3A_122 : memref<1x128xi32, #tpu.memory_space<vmem>> -> memref<128xi32, #tpu.memory_space<vmem>>
      %dma_wait3A_124 = arith.constant 0 : i32
      %dma_wait3A_125 = arith.constant 0 : i32
      %dma_wait3A_126 = tpu.memref_slice %arg7[%dma_wait3A_124, %dma_wait3A_125] : memref<51200x16xf32, #tpu.memory_space<vmem_shared>> -> memref<51200x16xf32, #tpu.memory_space<vmem_shared>>
      tpu.wait_indirect_dma semaphore(%arg8 : memref<!tpu.dma_semaphore, #tpu.memory_space<semaphore_mem>>) src(%arg5 : memref<128x16xf32, #tpu.memory_space<vmem>>) dst(%dma_wait3A_126 : memref<51200x16xf32, #tpu.memory_space<vmem_shared>>)
      %dma_wait3A_127 = arith.constant 3 : i32
      %dma_wait3A_128 = arith.constant 0 : i32
      %dma_wait3A_129 = tpu.memref_slice %arg4[%dma_wait3A_127, %dma_wait3A_128] : memref<10x128xi32, #tpu.memory_space<vmem>> -> memref<1x128xi32, #tpu.memory_space<vmem>>
      %dma_wait3A_130 = tpu.memref_squeeze %dma_wait3A_129 : memref<1x128xi32, #tpu.memory_space<vmem>> -> memref<128xi32, #tpu.memory_space<vmem>>
      %dma_wait3A_131 = arith.constant 0 : i32
      %dma_wait3A_132 = arith.constant 0 : i32
      %dma_wait3A_133 = tpu.memref_slice %arg7[%dma_wait3A_131, %dma_wait3A_132] : memref<51200x16xf32, #tpu.memory_space<vmem_shared>> -> memref<51200x16xf32, #tpu.memory_space<vmem_shared>>
      tpu.wait_indirect_dma semaphore(%arg8 : memref<!tpu.dma_semaphore, #tpu.memory_space<semaphore_mem>>) src(%arg5 : memref<128x16xf32, #tpu.memory_space<vmem>>) dst(%dma_wait3A_133 : memref<51200x16xf32, #tpu.memory_space<vmem_shared>>)
      %dma_wait3A_134 = arith.constant 4 : i32
      %dma_wait3A_135 = arith.constant 0 : i32
      %dma_wait3A_136 = tpu.memref_slice %arg4[%dma_wait3A_134, %dma_wait3A_135] : memref<10x128xi32, #tpu.memory_space<vmem>> -> memref<1x128xi32, #tpu.memory_space<vmem>>
      %dma_wait3A_137 = tpu.memref_squeeze %dma_wait3A_136 : memref<1x128xi32, #tpu.memory_space<vmem>> -> memref<128xi32, #tpu.memory_space<vmem>>
      %dma_wait3A_138 = arith.constant 0 : i32
      %dma_wait3A_139 = arith.constant 0 : i32
      %dma_wait3A_140 = tpu.memref_slice %arg7[%dma_wait3A_138, %dma_wait3A_139] : memref<51200x16xf32, #tpu.memory_space<vmem_shared>> -> memref<51200x16xf32, #tpu.memory_space<vmem_shared>>
      tpu.wait_indirect_dma semaphore(%arg8 : memref<!tpu.dma_semaphore, #tpu.memory_space<semaphore_mem>>) src(%arg5 : memref<128x16xf32, #tpu.memory_space<vmem>>) dst(%dma_wait3A_140 : memref<51200x16xf32, #tpu.memory_space<vmem_shared>>)
      %dma_wait3A_141 = arith.constant 5 : i32
      %dma_wait3A_142 = arith.constant 0 : i32
      %dma_wait3A_143 = tpu.memref_slice %arg4[%dma_wait3A_141, %dma_wait3A_142] : memref<10x128xi32, #tpu.memory_space<vmem>> -> memref<1x128xi32, #tpu.memory_space<vmem>>
      %dma_wait3A_144 = tpu.memref_squeeze %dma_wait3A_143 : memref<1x128xi32, #tpu.memory_space<vmem>> -> memref<128xi32, #tpu.memory_space<vmem>>
      %dma_wait3A_145 = arith.constant 0 : i32
      %dma_wait3A_146 = arith.constant 0 : i32
      %dma_wait3A_147 = tpu.memref_slice %arg7[%dma_wait3A_145, %dma_wait3A_146] : memref<51200x16xf32, #tpu.memory_space<vmem_shared>> -> memref<51200x16xf32, #tpu.memory_space<vmem_shared>>
      tpu.wait_indirect_dma semaphore(%arg8 : memref<!tpu.dma_semaphore, #tpu.memory_space<semaphore_mem>>) src(%arg5 : memref<128x16xf32, #tpu.memory_space<vmem>>) dst(%dma_wait3A_147 : memref<51200x16xf32, #tpu.memory_space<vmem_shared>>)
      %dma_wait3A_148 = arith.constant 6 : i32
      %dma_wait3A_149 = arith.constant 0 : i32
      %dma_wait3A_150 = tpu.memref_slice %arg4[%dma_wait3A_148, %dma_wait3A_149] : memref<10x128xi32, #tpu.memory_space<vmem>> -> memref<1x128xi32, #tpu.memory_space<vmem>>
      %dma_wait3A_151 = tpu.memref_squeeze %dma_wait3A_150 : memref<1x128xi32, #tpu.memory_space<vmem>> -> memref<128xi32, #tpu.memory_space<vmem>>
      %dma_wait3A_152 = arith.constant 0 : i32
      %dma_wait3A_153 = arith.constant 0 : i32
      %dma_wait3A_154 = tpu.memref_slice %arg7[%dma_wait3A_152, %dma_wait3A_153] : memref<51200x16xf32, #tpu.memory_space<vmem_shared>> -> memref<51200x16xf32, #tpu.memory_space<vmem_shared>>
      tpu.wait_indirect_dma semaphore(%arg8 : memref<!tpu.dma_semaphore, #tpu.memory_space<semaphore_mem>>) src(%arg5 : memref<128x16xf32, #tpu.memory_space<vmem>>) dst(%dma_wait3A_154 : memref<51200x16xf32, #tpu.memory_space<vmem_shared>>)
      %dma_wait3A_155 = arith.constant 7 : i32
      %dma_wait3A_156 = arith.constant 0 : i32
      %dma_wait3A_157 = tpu.memref_slice %arg4[%dma_wait3A_155, %dma_wait3A_156] : memref<10x128xi32, #tpu.memory_space<vmem>> -> memref<1x128xi32, #tpu.memory_space<vmem>>
      %dma_wait3A_158 = tpu.memref_squeeze %dma_wait3A_157 : memref<1x128xi32, #tpu.memory_space<vmem>> -> memref<128xi32, #tpu.memory_space<vmem>>
      %dma_wait3A_159 = arith.constant 0 : i32
      %dma_wait3A_160 = arith.constant 0 : i32
      %dma_wait3A_161 = tpu.memref_slice %arg7[%dma_wait3A_159, %dma_wait3A_160] : memref<51200x16xf32, #tpu.memory_space<vmem_shared>> -> memref<51200x16xf32, #tpu.memory_space<vmem_shared>>
      tpu.wait_indirect_dma semaphore(%arg8 : memref<!tpu.dma_semaphore, #tpu.memory_space<semaphore_mem>>) src(%arg5 : memref<128x16xf32, #tpu.memory_space<vmem>>) dst(%dma_wait3A_161 : memref<51200x16xf32, #tpu.memory_space<vmem_shared>>)
      %dma_wait3A_162 = arith.constant 8 : i32
      %dma_wait3A_163 = arith.constant 0 : i32
      %dma_wait3A_164 = tpu.memref_slice %arg4[%dma_wait3A_162, %dma_wait3A_163] : memref<10x128xi32, #tpu.memory_space<vmem>> -> memref<1x128xi32, #tpu.memory_space<vmem>>
      %dma_wait3A_165 = tpu.memref_squeeze %dma_wait3A_164 : memref<1x128xi32, #tpu.memory_space<vmem>> -> memref<128xi32, #tpu.memory_space<vmem>>
      %dma_wait3A_166 = arith.constant 0 : i32
      %dma_wait3A_167 = arith.constant 0 : i32
      %dma_wait3A_168 = tpu.memref_slice %arg7[%dma_wait3A_166, %dma_wait3A_167] : memref<51200x16xf32, #tpu.memory_space<vmem_shared>> -> memref<51200x16xf32, #tpu.memory_space<vmem_shared>>
      tpu.wait_indirect_dma semaphore(%arg8 : memref<!tpu.dma_semaphore, #tpu.memory_space<semaphore_mem>>) src(%arg5 : memref<128x16xf32, #tpu.memory_space<vmem>>) dst(%dma_wait3A_168 : memref<51200x16xf32, #tpu.memory_space<vmem_shared>>)
      %dma_wait3A_169 = arith.constant 9 : i32
      %dma_wait3A_170 = arith.constant 0 : i32
      %dma_wait3A_171 = tpu.memref_slice %arg4[%dma_wait3A_169, %dma_wait3A_170] : memref<10x128xi32, #tpu.memory_space<vmem>> -> memref<1x128xi32, #tpu.memory_space<vmem>>
      %dma_wait3A_172 = tpu.memref_squeeze %dma_wait3A_171 : memref<1x128xi32, #tpu.memory_space<vmem>> -> memref<128xi32, #tpu.memory_space<vmem>>
      %dma_wait3A_173 = arith.constant 0 : i32
      %dma_wait3A_174 = arith.constant 0 : i32
      %dma_wait3A_175 = tpu.memref_slice %arg7[%dma_wait3A_173, %dma_wait3A_174] : memref<51200x16xf32, #tpu.memory_space<vmem_shared>> -> memref<51200x16xf32, #tpu.memory_space<vmem_shared>>
      tpu.wait_indirect_dma semaphore(%arg8 : memref<!tpu.dma_semaphore, #tpu.memory_space<semaphore_mem>>) src(%arg5 : memref<128x16xf32, #tpu.memory_space<vmem>>) dst(%dma_wait3A_175 : memref<51200x16xf32, #tpu.memory_space<vmem_shared>>)
      %while3A_176 = arith.constant 0 : i32
      scf.yield %while3A_176 : i32
    }
    %while3A_25 = arith.constant 1 : i32
    %while3A_26 = scf.for %while3A_34 = %while3A_22 to %while3A_18 step %while3A_25 iter_args(%while3A_35 = %while3A_24) -> (i32)  : i32 {
      %mul3A_36 = arith.constant 10 : i32
      %mul3A_37 = arith.muli %while3A_34, %mul3A_36 : i32
      "tpu.region"() ({
        %run_scoped3A = tpu.sem_alloc : memref<!tpu.dma_semaphore, #tpu.memory_space<semaphore_mem>>
        %dma_start3A_177 = arith.constant 0 : i32
        %dma_start3A_178 = tpu.memref_slice %arg2[%arg1, %mul3A_37, %dma_start3A_177] : memref<16x400x128xi32, #tpu.memory_space<hbm>> -> memref<1x10x128xi32, #tpu.memory_space<hbm>>
        %dma_start3A_179 = tpu.memref_squeeze %dma_start3A_178 : memref<1x10x128xi32, #tpu.memory_space<hbm>> -> memref<10x128xi32, #tpu.memory_space<hbm>>
        %dma_start3A_180 = arith.constant 0 : i32
        %dma_start3A_181 = tpu.memref_slice %arg2[%arg1, %mul3A_37, %dma_start3A_180] : memref<16x400x128xi32, #tpu.memory_space<hbm>> -> memref<1x10x128xi32, #tpu.memory_space<hbm>>
        %dma_start3A_182 = tpu.memref_squeeze %dma_start3A_181 : memref<1x10x128xi32, #tpu.memory_space<hbm>> -> memref<10x128xi32, #tpu.memory_space<hbm>>
        tpu.enqueue_dma source(%dma_start3A_182 : memref<10x128xi32, #tpu.memory_space<hbm>>) target(%arg4 : memref<10x128xi32, #tpu.memory_space<vmem>>) target_semaphore(%run_scoped3A : memref<!tpu.dma_semaphore, #tpu.memory_space<semaphore_mem>>)
        %dma_wait3A_183 = arith.constant 0 : i32
        %dma_wait3A_184 = tpu.memref_slice %arg2[%arg1, %mul3A_37, %dma_wait3A_183] : memref<16x400x128xi32, #tpu.memory_space<hbm>> -> memref<1x10x128xi32, #tpu.memory_space<hbm>>
        %dma_wait3A_185 = tpu.memref_squeeze %dma_wait3A_184 : memref<1x10x128xi32, #tpu.memory_space<hbm>> -> memref<10x128xi32, #tpu.memory_space<hbm>>
        %dma_wait3A_186 = arith.constant 0 : i32
        %dma_wait3A_187 = tpu.memref_slice %arg2[%arg1, %mul3A_37, %dma_wait3A_186] : memref<16x400x128xi32, #tpu.memory_space<hbm>> -> memref<1x10x128xi32, #tpu.memory_space<hbm>>
        %dma_wait3A_188 = tpu.memref_squeeze %dma_wait3A_187 : memref<1x10x128xi32, #tpu.memory_space<hbm>> -> memref<10x128xi32, #tpu.memory_space<hbm>>
        tpu.wait_dma2 semaphore(%run_scoped3A : memref<!tpu.dma_semaphore, #tpu.memory_space<semaphore_mem>>) src(%dma_wait3A_188 : memref<10x128xi32, #tpu.memory_space<hbm>>) dst(%arg4 : memref<10x128xi32, #tpu.memory_space<vmem>>)
        tpu.yield
      }) : () -> ()
      %dma_start3A = arith.constant 0 : i32
      %dma_start3A_38 = arith.constant 0 : i32
      %dma_start3A_39 = tpu.memref_slice %arg4[%dma_start3A, %dma_start3A_38] : memref<10x128xi32, #tpu.memory_space<vmem>> -> memref<1x128xi32, #tpu.memory_space<vmem>>
      %dma_start3A_40 = tpu.memref_squeeze %dma_start3A_39 : memref<1x128xi32, #tpu.memory_space<vmem>> -> memref<128xi32, #tpu.memory_space<vmem>>
      %dma_start3A_41 = arith.constant 0 : i32
      %dma_start3A_42 = arith.constant 0 : i32
      %dma_start3A_43 = tpu.memref_slice %arg7[%dma_start3A_41, %dma_start3A_42] : memref<51200x16xf32, #tpu.memory_space<vmem_shared>> -> memref<51200x16xf32, #tpu.memory_space<vmem_shared>>
      tpu.enqueue_indirect_dma source(%arg5 : memref<128x16xf32, #tpu.memory_space<vmem>>) target(%dma_start3A_43 : memref<51200x16xf32, #tpu.memory_space<vmem_shared>>) offsets(%dma_start3A_40 : memref<128xi32, #tpu.memory_space<vmem>>) semaphore(%arg8 : memref<!tpu.dma_semaphore, #tpu.memory_space<semaphore_mem>>) {add = true}
      %dma_start3A_44 = arith.constant 1 : i32
      %dma_start3A_45 = arith.constant 0 : i32
      %dma_start3A_46 = tpu.memref_slice %arg4[%dma_start3A_44, %dma_start3A_45] : memref<10x128xi32, #tpu.memory_space<vmem>> -> memref<1x128xi32, #tpu.memory_space<vmem>>
      %dma_start3A_47 = tpu.memref_squeeze %dma_start3A_46 : memref<1x128xi32, #tpu.memory_space<vmem>> -> memref<128xi32, #tpu.memory_space<vmem>>
      %dma_start3A_48 = arith.constant 0 : i32
      %dma_start3A_49 = arith.constant 0 : i32
      %dma_start3A_50 = tpu.memref_slice %arg7[%dma_start3A_48, %dma_start3A_49] : memref<51200x16xf32, #tpu.memory_space<vmem_shared>> -> memref<51200x16xf32, #tpu.memory_space<vmem_shared>>
      tpu.enqueue_indirect_dma source(%arg5 : memref<128x16xf32, #tpu.memory_space<vmem>>) target(%dma_start3A_50 : memref<51200x16xf32, #tpu.memory_space<vmem_shared>>) offsets(%dma_start3A_47 : memref<128xi32, #tpu.memory_space<vmem>>) semaphore(%arg8 : memref<!tpu.dma_semaphore, #tpu.memory_space<semaphore_mem>>) {add = true}
      %dma_start3A_51 = arith.constant 2 : i32
      %dma_start3A_52 = arith.constant 0 : i32
      %dma_start3A_53 = tpu.memref_slice %arg4[%dma_start3A_51, %dma_start3A_52] : memref<10x128xi32, #tpu.memory_space<vmem>> -> memref<1x128xi32, #tpu.memory_space<vmem>>
      %dma_start3A_54 = tpu.memref_squeeze %dma_start3A_53 : memref<1x128xi32, #tpu.memory_space<vmem>> -> memref<128xi32, #tpu.memory_space<vmem>>
      %dma_start3A_55 = arith.constant 0 : i32
      %dma_start3A_56 = arith.constant 0 : i32
      %dma_start3A_57 = tpu.memref_slice %arg7[%dma_start3A_55, %dma_start3A_56] : memref<51200x16xf32, #tpu.memory_space<vmem_shared>> -> memref<51200x16xf32, #tpu.memory_space<vmem_shared>>
      tpu.enqueue_indirect_dma source(%arg5 : memref<128x16xf32, #tpu.memory_space<vmem>>) target(%dma_start3A_57 : memref<51200x16xf32, #tpu.memory_space<vmem_shared>>) offsets(%dma_start3A_54 : memref<128xi32, #tpu.memory_space<vmem>>) semaphore(%arg8 : memref<!tpu.dma_semaphore, #tpu.memory_space<semaphore_mem>>) {add = true}
      %dma_start3A_58 = arith.constant 3 : i32
      %dma_start3A_59 = arith.constant 0 : i32
      %dma_start3A_60 = tpu.memref_slice %arg4[%dma_start3A_58, %dma_start3A_59] : memref<10x128xi32, #tpu.memory_space<vmem>> -> memref<1x128xi32, #tpu.memory_space<vmem>>
      %dma_start3A_61 = tpu.memref_squeeze %dma_start3A_60 : memref<1x128xi32, #tpu.memory_space<vmem>> -> memref<128xi32, #tpu.memory_space<vmem>>
      %dma_start3A_62 = arith.constant 0 : i32
      %dma_start3A_63 = arith.constant 0 : i32
      %dma_start3A_64 = tpu.memref_slice %arg7[%dma_start3A_62, %dma_start3A_63] : memref<51200x16xf32, #tpu.memory_space<vmem_shared>> -> memref<51200x16xf32, #tpu.memory_space<vmem_shared>>
      tpu.enqueue_indirect_dma source(%arg5 : memref<128x16xf32, #tpu.memory_space<vmem>>) target(%dma_start3A_64 : memref<51200x16xf32, #tpu.memory_space<vmem_shared>>) offsets(%dma_start3A_61 : memref<128xi32, #tpu.memory_space<vmem>>) semaphore(%arg8 : memref<!tpu.dma_semaphore, #tpu.memory_space<semaphore_mem>>) {add = true}
      %dma_start3A_65 = arith.constant 4 : i32
      %dma_start3A_66 = arith.constant 0 : i32
      %dma_start3A_67 = tpu.memref_slice %arg4[%dma_start3A_65, %dma_start3A_66] : memref<10x128xi32, #tpu.memory_space<vmem>> -> memref<1x128xi32, #tpu.memory_space<vmem>>
      %dma_start3A_68 = tpu.memref_squeeze %dma_start3A_67 : memref<1x128xi32, #tpu.memory_space<vmem>> -> memref<128xi32, #tpu.memory_space<vmem>>
      %dma_start3A_69 = arith.constant 0 : i32
      %dma_start3A_70 = arith.constant 0 : i32
      %dma_start3A_71 = tpu.memref_slice %arg7[%dma_start3A_69, %dma_start3A_70] : memref<51200x16xf32, #tpu.memory_space<vmem_shared>> -> memref<51200x16xf32, #tpu.memory_space<vmem_shared>>
      tpu.enqueue_indirect_dma source(%arg5 : memref<128x16xf32, #tpu.memory_space<vmem>>) target(%dma_start3A_71 : memref<51200x16xf32, #tpu.memory_space<vmem_shared>>) offsets(%dma_start3A_68 : memref<128xi32, #tpu.memory_space<vmem>>) semaphore(%arg8 : memref<!tpu.dma_semaphore, #tpu.memory_space<semaphore_mem>>) {add = true}
      %dma_start3A_72 = arith.constant 5 : i32
      %dma_start3A_73 = arith.constant 0 : i32
      %dma_start3A_74 = tpu.memref_slice %arg4[%dma_start3A_72, %dma_start3A_73] : memref<10x128xi32, #tpu.memory_space<vmem>> -> memref<1x128xi32, #tpu.memory_space<vmem>>
      %dma_start3A_75 = tpu.memref_squeeze %dma_start3A_74 : memref<1x128xi32, #tpu.memory_space<vmem>> -> memref<128xi32, #tpu.memory_space<vmem>>
      %dma_start3A_76 = arith.constant 0 : i32
      %dma_start3A_77 = arith.constant 0 : i32
      %dma_start3A_78 = tpu.memref_slice %arg7[%dma_start3A_76, %dma_start3A_77] : memref<51200x16xf32, #tpu.memory_space<vmem_shared>> -> memref<51200x16xf32, #tpu.memory_space<vmem_shared>>
      tpu.enqueue_indirect_dma source(%arg5 : memref<128x16xf32, #tpu.memory_space<vmem>>) target(%dma_start3A_78 : memref<51200x16xf32, #tpu.memory_space<vmem_shared>>) offsets(%dma_start3A_75 : memref<128xi32, #tpu.memory_space<vmem>>) semaphore(%arg8 : memref<!tpu.dma_semaphore, #tpu.memory_space<semaphore_mem>>) {add = true}
      %dma_start3A_79 = arith.constant 6 : i32
      %dma_start3A_80 = arith.constant 0 : i32
      %dma_start3A_81 = tpu.memref_slice %arg4[%dma_start3A_79, %dma_start3A_80] : memref<10x128xi32, #tpu.memory_space<vmem>> -> memref<1x128xi32, #tpu.memory_space<vmem>>
      %dma_start3A_82 = tpu.memref_squeeze %dma_start3A_81 : memref<1x128xi32, #tpu.memory_space<vmem>> -> memref<128xi32, #tpu.memory_space<vmem>>
      %dma_start3A_83 = arith.constant 0 : i32
      %dma_start3A_84 = arith.constant 0 : i32
      %dma_start3A_85 = tpu.memref_slice %arg7[%dma_start3A_83, %dma_start3A_84] : memref<51200x16xf32, #tpu.memory_space<vmem_shared>> -> memref<51200x16xf32, #tpu.memory_space<vmem_shared>>
      tpu.enqueue_indirect_dma source(%arg5 : memref<128x16xf32, #tpu.memory_space<vmem>>) target(%dma_start3A_85 : memref<51200x16xf32, #tpu.memory_space<vmem_shared>>) offsets(%dma_start3A_82 : memref<128xi32, #tpu.memory_space<vmem>>) semaphore(%arg8 : memref<!tpu.dma_semaphore, #tpu.memory_space<semaphore_mem>>) {add = true}
      %dma_start3A_86 = arith.constant 7 : i32
      %dma_start3A_87 = arith.constant 0 : i32
      %dma_start3A_88 = tpu.memref_slice %arg4[%dma_start3A_86, %dma_start3A_87] : memref<10x128xi32, #tpu.memory_space<vmem>> -> memref<1x128xi32, #tpu.memory_space<vmem>>
      %dma_start3A_89 = tpu.memref_squeeze %dma_start3A_88 : memref<1x128xi32, #tpu.memory_space<vmem>> -> memref<128xi32, #tpu.memory_space<vmem>>
      %dma_start3A_90 = arith.constant 0 : i32
      %dma_start3A_91 = arith.constant 0 : i32
      %dma_start3A_92 = tpu.memref_slice %arg7[%dma_start3A_90, %dma_start3A_91] : memref<51200x16xf32, #tpu.memory_space<vmem_shared>> -> memref<51200x16xf32, #tpu.memory_space<vmem_shared>>
      tpu.enqueue_indirect_dma source(%arg5 : memref<128x16xf32, #tpu.memory_space<vmem>>) target(%dma_start3A_92 : memref<51200x16xf32, #tpu.memory_space<vmem_shared>>) offsets(%dma_start3A_89 : memref<128xi32, #tpu.memory_space<vmem>>) semaphore(%arg8 : memref<!tpu.dma_semaphore, #tpu.memory_space<semaphore_mem>>) {add = true}
      %dma_start3A_93 = arith.constant 8 : i32
      %dma_start3A_94 = arith.constant 0 : i32
      %dma_start3A_95 = tpu.memref_slice %arg4[%dma_start3A_93, %dma_start3A_94] : memref<10x128xi32, #tpu.memory_space<vmem>> -> memref<1x128xi32, #tpu.memory_space<vmem>>
      %dma_start3A_96 = tpu.memref_squeeze %dma_start3A_95 : memref<1x128xi32, #tpu.memory_space<vmem>> -> memref<128xi32, #tpu.memory_space<vmem>>
      %dma_start3A_97 = arith.constant 0 : i32
      %dma_start3A_98 = arith.constant 0 : i32
      %dma_start3A_99 = tpu.memref_slice %arg7[%dma_start3A_97, %dma_start3A_98] : memref<51200x16xf32, #tpu.memory_space<vmem_shared>> -> memref<51200x16xf32, #tpu.memory_space<vmem_shared>>
      tpu.enqueue_indirect_dma source(%arg5 : memref<128x16xf32, #tpu.memory_space<vmem>>) target(%dma_start3A_99 : memref<51200x16xf32, #tpu.memory_space<vmem_shared>>) offsets(%dma_start3A_96 : memref<128xi32, #tpu.memory_space<vmem>>) semaphore(%arg8 : memref<!tpu.dma_semaphore, #tpu.memory_space<semaphore_mem>>) {add = true}
      %dma_start3A_100 = arith.constant 9 : i32
      %dma_start3A_101 = arith.constant 0 : i32
      %dma_start3A_102 = tpu.memref_slice %arg4[%dma_start3A_100, %dma_start3A_101] : memref<10x128xi32, #tpu.memory_space<vmem>> -> memref<1x128xi32, #tpu.memory_space<vmem>>
      %dma_start3A_103 = tpu.memref_squeeze %dma_start3A_102 : memref<1x128xi32, #tpu.memory_space<vmem>> -> memref<128xi32, #tpu.memory_space<vmem>>
      %dma_start3A_104 = arith.constant 0 : i32
      %dma_start3A_105 = arith.constant 0 : i32
      %dma_start3A_106 = tpu.memref_slice %arg7[%dma_start3A_104, %dma_start3A_105] : memref<51200x16xf32, #tpu.memory_space<vmem_shared>> -> memref<51200x16xf32, #tpu.memory_space<vmem_shared>>
      tpu.enqueue_indirect_dma source(%arg5 : memref<128x16xf32, #tpu.memory_space<vmem>>) target(%dma_start3A_106 : memref<51200x16xf32, #tpu.memory_space<vmem_shared>>) offsets(%dma_start3A_103 : memref<128xi32, #tpu.memory_space<vmem>>) semaphore(%arg8 : memref<!tpu.dma_semaphore, #tpu.memory_space<semaphore_mem>>) {add = true}
      %dma_wait3A = arith.constant 0 : i32
      %dma_wait3A_107 = arith.constant 0 : i32
      %dma_wait3A_108 = tpu.memref_slice %arg4[%dma_wait3A, %dma_wait3A_107] : memref<10x128xi32, #tpu.memory_space<vmem>> -> memref<1x128xi32, #tpu.memory_space<vmem>>
      %dma_wait3A_109 = tpu.memref_squeeze %dma_wait3A_108 : memref<1x128xi32, #tpu.memory_space<vmem>> -> memref<128xi32, #tpu.memory_space<vmem>>
      %dma_wait3A_110 = arith.constant 0 : i32
      %dma_wait3A_111 = arith.constant 0 : i32
      %dma_wait3A_112 = tpu.memref_slice %arg7[%dma_wait3A_110, %dma_wait3A_111] : memref<51200x16xf32, #tpu.memory_space<vmem_shared>> -> memref<51200x16xf32, #tpu.memory_space<vmem_shared>>
      tpu.wait_indirect_dma semaphore(%arg8 : memref<!tpu.dma_semaphore, #tpu.memory_space<semaphore_mem>>) src(%arg5 : memref<128x16xf32, #tpu.memory_space<vmem>>) dst(%dma_wait3A_112 : memref<51200x16xf32, #tpu.memory_space<vmem_shared>>)
      %dma_wait3A_113 = arith.constant 1 : i32
      %dma_wait3A_114 = arith.constant 0 : i32
      %dma_wait3A_115 = tpu.memref_slice %arg4[%dma_wait3A_113, %dma_wait3A_114] : memref<10x128xi32, #tpu.memory_space<vmem>> -> memref<1x128xi32, #tpu.memory_space<vmem>>
      %dma_wait3A_116 = tpu.memref_squeeze %dma_wait3A_115 : memref<1x128xi32, #tpu.memory_space<vmem>> -> memref<128xi32, #tpu.memory_space<vmem>>
      %dma_wait3A_117 = arith.constant 0 : i32
      %dma_wait3A_118 = arith.constant 0 : i32
      %dma_wait3A_119 = tpu.memref_slice %arg7[%dma_wait3A_117, %dma_wait3A_118] : memref<51200x16xf32, #tpu.memory_space<vmem_shared>> -> memref<51200x16xf32, #tpu.memory_space<vmem_shared>>
      tpu.wait_indirect_dma semaphore(%arg8 : memref<!tpu.dma_semaphore, #tpu.memory_space<semaphore_mem>>) src(%arg5 : memref<128x16xf32, #tpu.memory_space<vmem>>) dst(%dma_wait3A_119 : memref<51200x16xf32, #tpu.memory_space<vmem_shared>>)
      %dma_wait3A_120 = arith.constant 2 : i32
      %dma_wait3A_121 = arith.constant 0 : i32
      %dma_wait3A_122 = tpu.memref_slice %arg4[%dma_wait3A_120, %dma_wait3A_121] : memref<10x128xi32, #tpu.memory_space<vmem>> -> memref<1x128xi32, #tpu.memory_space<vmem>>
      %dma_wait3A_123 = tpu.memref_squeeze %dma_wait3A_122 : memref<1x128xi32, #tpu.memory_space<vmem>> -> memref<128xi32, #tpu.memory_space<vmem>>
      %dma_wait3A_124 = arith.constant 0 : i32
      %dma_wait3A_125 = arith.constant 0 : i32
      %dma_wait3A_126 = tpu.memref_slice %arg7[%dma_wait3A_124, %dma_wait3A_125] : memref<51200x16xf32, #tpu.memory_space<vmem_shared>> -> memref<51200x16xf32, #tpu.memory_space<vmem_shared>>
      tpu.wait_indirect_dma semaphore(%arg8 : memref<!tpu.dma_semaphore, #tpu.memory_space<semaphore_mem>>) src(%arg5 : memref<128x16xf32, #tpu.memory_space<vmem>>) dst(%dma_wait3A_126 : memref<51200x16xf32, #tpu.memory_space<vmem_shared>>)
      %dma_wait3A_127 = arith.constant 3 : i32
      %dma_wait3A_128 = arith.constant 0 : i32
      %dma_wait3A_129 = tpu.memref_slice %arg4[%dma_wait3A_127, %dma_wait3A_128] : memref<10x128xi32, #tpu.memory_space<vmem>> -> memref<1x128xi32, #tpu.memory_space<vmem>>
      %dma_wait3A_130 = tpu.memref_squeeze %dma_wait3A_129 : memref<1x128xi32, #tpu.memory_space<vmem>> -> memref<128xi32, #tpu.memory_space<vmem>>
      %dma_wait3A_131 = arith.constant 0 : i32
      %dma_wait3A_132 = arith.constant 0 : i32
      %dma_wait3A_133 = tpu.memref_slice %arg7[%dma_wait3A_131, %dma_wait3A_132] : memref<51200x16xf32, #tpu.memory_space<vmem_shared>> -> memref<51200x16xf32, #tpu.memory_space<vmem_shared>>
      tpu.wait_indirect_dma semaphore(%arg8 : memref<!tpu.dma_semaphore, #tpu.memory_space<semaphore_mem>>) src(%arg5 : memref<128x16xf32, #tpu.memory_space<vmem>>) dst(%dma_wait3A_133 : memref<51200x16xf32, #tpu.memory_space<vmem_shared>>)
      %dma_wait3A_134 = arith.constant 4 : i32
      %dma_wait3A_135 = arith.constant 0 : i32
      %dma_wait3A_136 = tpu.memref_slice %arg4[%dma_wait3A_134, %dma_wait3A_135] : memref<10x128xi32, #tpu.memory_space<vmem>> -> memref<1x128xi32, #tpu.memory_space<vmem>>
      %dma_wait3A_137 = tpu.memref_squeeze %dma_wait3A_136 : memref<1x128xi32, #tpu.memory_space<vmem>> -> memref<128xi32, #tpu.memory_space<vmem>>
      %dma_wait3A_138 = arith.constant 0 : i32
      %dma_wait3A_139 = arith.constant 0 : i32
      %dma_wait3A_140 = tpu.memref_slice %arg7[%dma_wait3A_138, %dma_wait3A_139] : memref<51200x16xf32, #tpu.memory_space<vmem_shared>> -> memref<51200x16xf32, #tpu.memory_space<vmem_shared>>
      tpu.wait_indirect_dma semaphore(%arg8 : memref<!tpu.dma_semaphore, #tpu.memory_space<semaphore_mem>>) src(%arg5 : memref<128x16xf32, #tpu.memory_space<vmem>>) dst(%dma_wait3A_140 : memref<51200x16xf32, #tpu.memory_space<vmem_shared>>)
      %dma_wait3A_141 = arith.constant 5 : i32
      %dma_wait3A_142 = arith.constant 0 : i32
      %dma_wait3A_143 = tpu.memref_slice %arg4[%dma_wait3A_141, %dma_wait3A_142] : memref<10x128xi32, #tpu.memory_space<vmem>> -> memref<1x128xi32, #tpu.memory_space<vmem>>
      %dma_wait3A_144 = tpu.memref_squeeze %dma_wait3A_143 : memref<1x128xi32, #tpu.memory_space<vmem>> -> memref<128xi32, #tpu.memory_space<vmem>>
      %dma_wait3A_145 = arith.constant 0 : i32
      %dma_wait3A_146 = arith.constant 0 : i32
      %dma_wait3A_147 = tpu.memref_slice %arg7[%dma_wait3A_145, %dma_wait3A_146] : memref<51200x16xf32, #tpu.memory_space<vmem_shared>> -> memref<51200x16xf32, #tpu.memory_space<vmem_shared>>
      tpu.wait_indirect_dma semaphore(%arg8 : memref<!tpu.dma_semaphore, #tpu.memory_space<semaphore_mem>>) src(%arg5 : memref<128x16xf32, #tpu.memory_space<vmem>>) dst(%dma_wait3A_147 : memref<51200x16xf32, #tpu.memory_space<vmem_shared>>)
      %dma_wait3A_148 = arith.constant 6 : i32
      %dma_wait3A_149 = arith.constant 0 : i32
      %dma_wait3A_150 = tpu.memref_slice %arg4[%dma_wait3A_148, %dma_wait3A_149] : memref<10x128xi32, #tpu.memory_space<vmem>> -> memref<1x128xi32, #tpu.memory_space<vmem>>
      %dma_wait3A_151 = tpu.memref_squeeze %dma_wait3A_150 : memref<1x128xi32, #tpu.memory_space<vmem>> -> memref<128xi32, #tpu.memory_space<vmem>>
      %dma_wait3A_152 = arith.constant 0 : i32
      %dma_wait3A_153 = arith.constant 0 : i32
      %dma_wait3A_154 = tpu.memref_slice %arg7[%dma_wait3A_152, %dma_wait3A_153] : memref<51200x16xf32, #tpu.memory_space<vmem_shared>> -> memref<51200x16xf32, #tpu.memory_space<vmem_shared>>
      tpu.wait_indirect_dma semaphore(%arg8 : memref<!tpu.dma_semaphore, #tpu.memory_space<semaphore_mem>>) src(%arg5 : memref<128x16xf32, #tpu.memory_space<vmem>>) dst(%dma_wait3A_154 : memref<51200x16xf32, #tpu.memory_space<vmem_shared>>)
      %dma_wait3A_155 = arith.constant 7 : i32
      %dma_wait3A_156 = arith.constant 0 : i32
      %dma_wait3A_157 = tpu.memref_slice %arg4[%dma_wait3A_155, %dma_wait3A_156] : memref<10x128xi32, #tpu.memory_space<vmem>> -> memref<1x128xi32, #tpu.memory_space<vmem>>
      %dma_wait3A_158 = tpu.memref_squeeze %dma_wait3A_157 : memref<1x128xi32, #tpu.memory_space<vmem>> -> memref<128xi32, #tpu.memory_space<vmem>>
      %dma_wait3A_159 = arith.constant 0 : i32
      %dma_wait3A_160 = arith.constant 0 : i32
      %dma_wait3A_161 = tpu.memref_slice %arg7[%dma_wait3A_159, %dma_wait3A_160] : memref<51200x16xf32, #tpu.memory_space<vmem_shared>> -> memref<51200x16xf32, #tpu.memory_space<vmem_shared>>
      tpu.wait_indirect_dma semaphore(%arg8 : memref<!tpu.dma_semaphore, #tpu.memory_space<semaphore_mem>>) src(%arg5 : memref<128x16xf32, #tpu.memory_space<vmem>>) dst(%dma_wait3A_161 : memref<51200x16xf32, #tpu.memory_space<vmem_shared>>)
      %dma_wait3A_162 = arith.constant 8 : i32
      %dma_wait3A_163 = arith.constant 0 : i32
      %dma_wait3A_164 = tpu.memref_slice %arg4[%dma_wait3A_162, %dma_wait3A_163] : memref<10x128xi32, #tpu.memory_space<vmem>> -> memref<1x128xi32, #tpu.memory_space<vmem>>
      %dma_wait3A_165 = tpu.memref_squeeze %dma_wait3A_164 : memref<1x128xi32, #tpu.memory_space<vmem>> -> memref<128xi32, #tpu.memory_space<vmem>>
      %dma_wait3A_166 = arith.constant 0 : i32
      %dma_wait3A_167 = arith.constant 0 : i32
      %dma_wait3A_168 = tpu.memref_slice %arg7[%dma_wait3A_166, %dma_wait3A_167] : memref<51200x16xf32, #tpu.memory_space<vmem_shared>> -> memref<51200x16xf32, #tpu.memory_space<vmem_shared>>
      tpu.wait_indirect_dma semaphore(%arg8 : memref<!tpu.dma_semaphore, #tpu.memory_space<semaphore_mem>>) src(%arg5 : memref<128x16xf32, #tpu.memory_space<vmem>>) dst(%dma_wait3A_168 : memref<51200x16xf32, #tpu.memory_space<vmem_shared>>)
      %dma_wait3A_169 = arith.constant 9 : i32
      %dma_wait3A_170 = arith.constant 0 : i32
      %dma_wait3A_171 = tpu.memref_slice %arg4[%dma_wait3A_169, %dma_wait3A_170] : memref<10x128xi32, #tpu.memory_space<vmem>> -> memref<1x128xi32, #tpu.memory_space<vmem>>
      %dma_wait3A_172 = tpu.memref_squeeze %dma_wait3A_171 : memref<1x128xi32, #tpu.memory_space<vmem>> -> memref<128xi32, #tpu.memory_space<vmem>>
      %dma_wait3A_173 = arith.constant 0 : i32
      %dma_wait3A_174 = arith.constant 0 : i32
      %dma_wait3A_175 = tpu.memref_slice %arg7[%dma_wait3A_173, %dma_wait3A_174] : memref<51200x16xf32, #tpu.memory_space<vmem_shared>> -> memref<51200x16xf32, #tpu.memory_space<vmem_shared>>
      tpu.wait_indirect_dma semaphore(%arg8 : memref<!tpu.dma_semaphore, #tpu.memory_space<semaphore_mem>>) src(%arg5 : memref<128x16xf32, #tpu.memory_space<vmem>>) dst(%dma_wait3A_175 : memref<51200x16xf32, #tpu.memory_space<vmem_shared>>)
      %while3A_176 = arith.constant 0 : i32
      scf.yield %while3A_176 : i32
    }
    %barrier3A_27 = arith.constant 0 : index
    tpu.barrier barrier_id(%barrier3A_27)
    %lt3A = arith.constant 15 : i32
    %lt3A_28 = arith.cmpi slt, %arg1, %lt3A : i32
    %convert_element_type3A = arith.extui %lt3A_28 : i1 to i32
    %cond3A = arith.constant 0 : i32
    %cond3A_29 = arith.cmpi ne, %convert_element_type3A, %cond3A : i32
    scf.if %cond3A_29 {
      %mul3A_34 = arith.constant 3128 : i32
      %mul3A_35 = arith.muli %arg1, %mul3A_34 : i32
      %mul3A_36 = arith.constant 3128 : i32
      %mul3A_37 = arith.muli %arg1, %mul3A_36 : i32
      "tpu.region"() ({
        %run_scoped3A = tpu.sem_alloc : memref<!tpu.dma_semaphore, #tpu.memory_space<semaphore_mem>>
        %dma_start3A = arith.constant 0 : i32
        %dma_start3A_38 = tpu.memref_slice %arg3[%arg0, %mul3A_37, %dma_start3A] : memref<2x50000x16xf32, #tpu.memory_space<hbm>> -> memref<1x3128x16xf32, #tpu.memory_space<hbm>>
        %dma_start3A_39 = tpu.memref_squeeze %dma_start3A_38 : memref<1x3128x16xf32, #tpu.memory_space<hbm>> -> memref<3128x16xf32, #tpu.memory_space<hbm>>
        %dma_start3A_40 = arith.constant 0 : i32
        %dma_start3A_41 = tpu.memref_slice %arg7[%mul3A_35, %dma_start3A_40] : memref<51200x16xf32, #tpu.memory_space<vmem_shared>> -> memref<3128x16xf32, #tpu.memory_space<vmem_shared>>
        tpu.enqueue_dma source(%dma_start3A_41 : memref<3128x16xf32, #tpu.memory_space<vmem_shared>>) target(%dma_start3A_39 : memref<3128x16xf32, #tpu.memory_space<hbm>>) target_semaphore(%run_scoped3A : memref<!tpu.dma_semaphore, #tpu.memory_space<semaphore_mem>>)
        %dma_wait3A = arith.constant 0 : i32
        %dma_wait3A_42 = tpu.memref_slice %arg3[%arg0, %mul3A_37, %dma_wait3A] : memref<2x50000x16xf32, #tpu.memory_space<hbm>> -> memref<1x3128x16xf32, #tpu.memory_space<hbm>>
        %dma_wait3A_43 = tpu.memref_squeeze %dma_wait3A_42 : memref<1x3128x16xf32, #tpu.memory_space<hbm>> -> memref<3128x16xf32, #tpu.memory_space<hbm>>
        %dma_wait3A_44 = arith.constant 0 : i32
        %dma_wait3A_45 = tpu.memref_slice %arg7[%mul3A_35, %dma_wait3A_44] : memref<51200x16xf32, #tpu.memory_space<vmem_shared>> -> memref<3128x16xf32, #tpu.memory_space<vmem_shared>>
        tpu.wait_dma2 semaphore(%run_scoped3A : memref<!tpu.dma_semaphore, #tpu.memory_space<semaphore_mem>>) src(%dma_wait3A_45 : memref<3128x16xf32, #tpu.memory_space<vmem_shared>>) dst(%dma_wait3A_43 : memref<3128x16xf32, #tpu.memory_space<hbm>>)
        tpu.yield
      }) : () -> ()
    } else {
    }
    %eq3A = arith.constant 15 : i32
    %eq3A_30 = arith.cmpi eq, %arg1, %eq3A : i32
    %convert_element_type3A_31 = arith.extui %eq3A_30 : i1 to i32
    %cond3A_32 = arith.constant 0 : i32
    %cond3A_33 = arith.cmpi ne, %convert_element_type3A_31, %cond3A_32 : i32
    scf.if %cond3A_33 {
      "tpu.region"() ({
        %run_scoped3A = tpu.sem_alloc : memref<!tpu.dma_semaphore, #tpu.memory_space<semaphore_mem>>
        %dma_start3A = arith.constant 46920 : i32
        %dma_start3A_34 = arith.constant 0 : i32
        %dma_start3A_35 = tpu.memref_slice %arg3[%arg0, %dma_start3A, %dma_start3A_34] : memref<2x50000x16xf32, #tpu.memory_space<hbm>> -> memref<1x3080x16xf32, #tpu.memory_space<hbm>>
        %dma_start3A_36 = tpu.memref_squeeze %dma_start3A_35 : memref<1x3080x16xf32, #tpu.memory_space<hbm>> -> memref<3080x16xf32, #tpu.memory_space<hbm>>
        %dma_start3A_37 = arith.constant 46920 : i32
        %dma_start3A_38 = arith.constant 0 : i32
        %dma_start3A_39 = tpu.memref_slice %arg7[%dma_start3A_37, %dma_start3A_38] : memref<51200x16xf32, #tpu.memory_space<vmem_shared>> -> memref<3080x16xf32, #tpu.memory_space<vmem_shared>>
        tpu.enqueue_dma source(%dma_start3A_39 : memref<3080x16xf32, #tpu.memory_space<vmem_shared>>) target(%dma_start3A_36 : memref<3080x16xf32, #tpu.memory_space<hbm>>) target_semaphore(%run_scoped3A : memref<!tpu.dma_semaphore, #tpu.memory_space<semaphore_mem>>)
        %dma_wait3A = arith.constant 46920 : i32
        %dma_wait3A_40 = arith.constant 0 : i32
        %dma_wait3A_41 = tpu.memref_slice %arg3[%arg0, %dma_wait3A, %dma_wait3A_40] : memref<2x50000x16xf32, #tpu.memory_space<hbm>> -> memref<1x3080x16xf32, #tpu.memory_space<hbm>>
        %dma_wait3A_42 = tpu.memref_squeeze %dma_wait3A_41 : memref<1x3080x16xf32, #tpu.memory_space<hbm>> -> memref<3080x16xf32, #tpu.memory_space<hbm>>
        %dma_wait3A_43 = arith.constant 46920 : i32
        %dma_wait3A_44 = arith.constant 0 : i32
        %dma_wait3A_45 = tpu.memref_slice %arg7[%dma_wait3A_43, %dma_wait3A_44] : memref<51200x16xf32, #tpu.memory_space<vmem_shared>> -> memref<3080x16xf32, #tpu.memory_space<vmem_shared>>
        tpu.wait_dma2 semaphore(%run_scoped3A : memref<!tpu.dma_semaphore, #tpu.memory_space<semaphore_mem>>) src(%dma_wait3A_45 : memref<3080x16xf32, #tpu.memory_space<vmem_shared>>) dst(%dma_wait3A_42 : memref<3080x16xf32, #tpu.memory_space<hbm>>)
        tpu.yield
      }) : () -> ()
    } else {
    }
    return
  }
}

#map = affine_map<(d0, d1) -> (0, 0)>
#map1 = affine_map<(d0, d1) -> (0, 0, 0, 0)>
#map2 = affine_map<(d0, d1) -> (0, 0, 0)>
module attributes {stable_mosaic.version = 14 : i64} {
  func.func @_agg(%arg0: i32, %arg1: i32, %arg2: memref<100000x32xf32, #tpu.memory_space<hbm>>, %arg3: memref<2x16x400x128xi32, #tpu.memory_space<hbm>>, %arg4: memref<16x400x128xi32, #tpu.memory_space<hbm>>, %arg5: memref<2x50000x32xf32, #tpu.memory_space<hbm>>, %arg6: memref<10x128xi32, #tpu.memory_space<vmem>>, %arg7: memref<10x128xi32, #tpu.memory_space<vmem>>, %arg8: memref<128x32xf32, #tpu.memory_space<vmem>>, %arg9: memref<128x32xf32, #tpu.memory_space<vmem>>, %arg10: memref<128x32xf32, #tpu.memory_space<vmem>>, %arg11: memref<128x32xf32, #tpu.memory_space<vmem>>, %arg12: memref<128x32xf32, #tpu.memory_space<vmem>>, %arg13: memref<128x32xf32, #tpu.memory_space<vmem>>, %arg14: memref<51200x32xf32, #tpu.memory_space<vmem_shared>>, %arg15: memref<!tpu.dma_semaphore, #tpu.memory_space<semaphore_mem>>, %arg16: memref<!tpu.dma_semaphore, #tpu.memory_space<semaphore_mem>>, %arg17: memref<!tpu.dma_semaphore, #tpu.memory_space<semaphore_mem>>, %arg18: memref<!tpu.dma_semaphore, #tpu.memory_space<semaphore_mem>>, %arg19: memref<!tpu.dma_semaphore, #tpu.memory_space<semaphore_mem>>) attributes {dimension_semantics = [#tpu.dimension_semantics<core_parallel>, #tpu.dimension_semantics<subcore_parallel>], iteration_bounds = array<i64: 2, 16>, scalar_prefetch = 0 : i64, scratch_operands = 14 : i64, tpu.core_type = #tpu.core_type<sc_vector_subcore>, window_params = [{transform_indices = #map}, {transform_indices = #map1}, {transform_indices = #map2}, {transform_indices = #map2}]} {
    %scan3A = arith.constant 0 : i32
    %scan3A_0 = arith.constant 0 : i32
    %scan3A_1 = arith.constant 128 : i32
    %scan3A_2 = arith.addi %scan3A_0, %scan3A_1 : i32
    %scan3A_3 = arith.constant 1 : i32
    %scan3A_4 = scf.for %scan3A_27 = %scan3A_0 to %scan3A_2 step %scan3A_3 iter_args(%scan3A_28 = %scan3A) -> (i32)  : i32 {
      %broadcast_in_dim3A = arith.constant 0.000000e+00 : f32
      %broadcast_in_dim3A_29 = vector.broadcast %broadcast_in_dim3A : f32 to vector<16xf32>
      %swap3A = arith.index_cast %scan3A_27 : i32 to index
      %swap3A_30 = arith.constant 0 : index
      %swap3A_31 = tpu.vector_load %arg13[%swap3A, %swap3A_30] {strides = array<i32>} : memref<128x32xf32, #tpu.memory_space<vmem>>, vector<1x16xf32>,
      %swap3A_32 = vector.shape_cast %swap3A_31 : vector<1x16xf32> to vector<16xf32>
      %swap3A_33 = vector.shape_cast %broadcast_in_dim3A_29 : vector<16xf32> to vector<1x16xf32>
      tpu.vector_store %arg13[%swap3A, %swap3A_30], %swap3A_33 {strides = array<i32>} : memref<128x32xf32, #tpu.memory_space<vmem>>, vector<1x16xf32>,
      %broadcast_in_dim3A_34 = arith.constant 0.000000e+00 : f32
      %broadcast_in_dim3A_35 = vector.broadcast %broadcast_in_dim3A_34 : f32 to vector<16xf32>
      %swap3A_36 = arith.index_cast %scan3A_27 : i32 to index
      %swap3A_37 = arith.constant 16 : index
      %swap3A_38 = tpu.vector_load %arg13[%swap3A_36, %swap3A_37] {strides = array<i32>} : memref<128x32xf32, #tpu.memory_space<vmem>>, vector<1x16xf32>,
      %swap3A_39 = vector.shape_cast %swap3A_38 : vector<1x16xf32> to vector<16xf32>
      %swap3A_40 = vector.shape_cast %broadcast_in_dim3A_35 : vector<16xf32> to vector<1x16xf32>
      tpu.vector_store %arg13[%swap3A_36, %swap3A_37], %swap3A_40 {strides = array<i32>} : memref<128x32xf32, #tpu.memory_space<vmem>>, vector<1x16xf32>,
      %scan3A_41 = arith.constant 0 : i32
      scf.yield %scan3A_41 : i32
    }
    %scan3A_5 = arith.constant 128 : i32
    %scan3A_6 = arith.constant 0 : i32
    %scan3A_7 = arith.constant 0 : i32
    %scan3A_8 = arith.constant 25 : i32
    %scan3A_9 = arith.addi %scan3A_7, %scan3A_8 : i32
    %scan3A_10 = arith.constant 1 : i32
    %scan3A_11 = scf.for %scan3A_27 = %scan3A_7 to %scan3A_9 step %scan3A_10 iter_args(%scan3A_28 = %scan3A_6) -> (i32)  : i32 {
      %mul3A = arith.constant 3200 : i32
      %mul3A_29 = arith.muli %arg1, %mul3A : i32
      %mul3A_30 = arith.constant 128 : i32
      %mul3A_31 = arith.muli %scan3A_27, %mul3A_30 : i32
      %add3A = arith.addi %mul3A_29, %mul3A_31 : i32
      "tpu.region"() ({
        %run_scoped3A = tpu.sem_alloc : memref<!tpu.dma_semaphore, #tpu.memory_space<semaphore_mem>>
        %dma_start3A = arith.constant 0 : i32
        %dma_start3A_33 = tpu.memref_slice %arg14[%add3A, %dma_start3A] : memref<51200x32xf32, #tpu.memory_space<vmem_shared>> -> memref<128x32xf32, #tpu.memory_space<vmem_shared>>
        %dma_start3A_34 = arith.constant 0 : i32
        %dma_start3A_35 = tpu.memref_slice %arg14[%add3A, %dma_start3A_34] : memref<51200x32xf32, #tpu.memory_space<vmem_shared>> -> memref<128x32xf32, #tpu.memory_space<vmem_shared>>
        tpu.enqueue_dma source(%arg13 : memref<128x32xf32, #tpu.memory_space<vmem>>) target(%dma_start3A_35 : memref<128x32xf32, #tpu.memory_space<vmem_shared>>) target_semaphore(%run_scoped3A : memref<!tpu.dma_semaphore, #tpu.memory_space<semaphore_mem>>)
        %dma_wait3A = arith.constant 0 : i32
        %dma_wait3A_36 = tpu.memref_slice %arg14[%add3A, %dma_wait3A] : memref<51200x32xf32, #tpu.memory_space<vmem_shared>> -> memref<128x32xf32, #tpu.memory_space<vmem_shared>>
        %dma_wait3A_37 = arith.constant 0 : i32
        %dma_wait3A_38 = tpu.memref_slice %arg14[%add3A, %dma_wait3A_37] : memref<51200x32xf32, #tpu.memory_space<vmem_shared>> -> memref<128x32xf32, #tpu.memory_space<vmem_shared>>
        tpu.wait_dma2 semaphore(%run_scoped3A : memref<!tpu.dma_semaphore, #tpu.memory_space<semaphore_mem>>) src(%arg13 : memref<128x32xf32, #tpu.memory_space<vmem>>) dst(%dma_wait3A_38 : memref<128x32xf32, #tpu.memory_space<vmem_shared>>)
        tpu.yield
      }) : () -> ()
      %scan3A_32 = arith.constant 0 : i32
      scf.yield %scan3A_32 : i32
    }
    %scan3A_12 = arith.constant 25 : i32
    %barrier3A = arith.constant 0 : index
    tpu.barrier barrier_id(%barrier3A)
    %scan3A_13 = arith.constant 0 : i32
    %scan3A_14 = arith.constant 0 : i32
    %scan3A_15 = arith.constant 40 : i32
    %scan3A_16 = arith.addi %scan3A_14, %scan3A_15 : i32
    %scan3A_17 = arith.constant 1 : i32
    %scan3A_18 = scf.for %scan3A_27 = %scan3A_14 to %scan3A_16 step %scan3A_17 iter_args(%scan3A_28 = %scan3A_13) -> (i32)  : i32 {
      %mul3A = arith.constant 10 : i32
      %mul3A_29 = arith.muli %scan3A_27, %mul3A : i32
      "tpu.region"() ({
        %run_scoped3A = tpu.sem_alloc : memref<!tpu.dma_semaphore, #tpu.memory_space<semaphore_mem>>
        %dma_start3A_311 = arith.constant 0 : i32
        %dma_start3A_312 = tpu.memref_slice %arg3[%arg0, %arg1, %mul3A_29, %dma_start3A_311] : memref<2x16x400x128xi32, #tpu.memory_space<hbm>> -> memref<1x1x10x128xi32, #tpu.memory_space<hbm>>
        %dma_start3A_313 = tpu.memref_squeeze %dma_start3A_312 : memref<1x1x10x128xi32, #tpu.memory_space<hbm>> -> memref<10x128xi32, #tpu.memory_space<hbm>>
        %dma_start3A_314 = arith.constant 0 : i32
        %dma_start3A_315 = tpu.memref_slice %arg3[%arg0, %arg1, %mul3A_29, %dma_start3A_314] : memref<2x16x400x128xi32, #tpu.memory_space<hbm>> -> memref<1x1x10x128xi32, #tpu.memory_space<hbm>>
        %dma_start3A_316 = tpu.memref_squeeze %dma_start3A_315 : memref<1x1x10x128xi32, #tpu.memory_space<hbm>> -> memref<10x128xi32, #tpu.memory_space<hbm>>
        tpu.enqueue_dma source(%dma_start3A_316 : memref<10x128xi32, #tpu.memory_space<hbm>>) target(%arg6 : memref<10x128xi32, #tpu.memory_space<vmem>>) target_semaphore(%run_scoped3A : memref<!tpu.dma_semaphore, #tpu.memory_space<semaphore_mem>>)
        %dma_wait3A_317 = arith.constant 0 : i32
        %dma_wait3A_318 = tpu.memref_slice %arg3[%arg0, %arg1, %mul3A_29, %dma_wait3A_317] : memref<2x16x400x128xi32, #tpu.memory_space<hbm>> -> memref<1x1x10x128xi32, #tpu.memory_space<hbm>>
        %dma_wait3A_319 = tpu.memref_squeeze %dma_wait3A_318 : memref<1x1x10x128xi32, #tpu.memory_space<hbm>> -> memref<10x128xi32, #tpu.memory_space<hbm>>
        %dma_wait3A_320 = arith.constant 0 : i32
        %dma_wait3A_321 = tpu.memref_slice %arg3[%arg0, %arg1, %mul3A_29, %dma_wait3A_320] : memref<2x16x400x128xi32, #tpu.memory_space<hbm>> -> memref<1x1x10x128xi32, #tpu.memory_space<hbm>>
        %dma_wait3A_322 = tpu.memref_squeeze %dma_wait3A_321 : memref<1x1x10x128xi32, #tpu.memory_space<hbm>> -> memref<10x128xi32, #tpu.memory_space<hbm>>
        tpu.wait_dma2 semaphore(%run_scoped3A : memref<!tpu.dma_semaphore, #tpu.memory_space<semaphore_mem>>) src(%dma_wait3A_322 : memref<10x128xi32, #tpu.memory_space<hbm>>) dst(%arg6 : memref<10x128xi32, #tpu.memory_space<vmem>>)
        tpu.yield
      }) : () -> ()
      %mul3A_30 = arith.constant 10 : i32
      %mul3A_31 = arith.muli %scan3A_27, %mul3A_30 : i32
      "tpu.region"() ({
        %run_scoped3A = tpu.sem_alloc : memref<!tpu.dma_semaphore, #tpu.memory_space<semaphore_mem>>
        %dma_start3A_311 = arith.constant 0 : i32
        %dma_start3A_312 = tpu.memref_slice %arg4[%arg1, %mul3A_31, %dma_start3A_311] : memref<16x400x128xi32, #tpu.memory_space<hbm>> -> memref<1x10x128xi32, #tpu.memory_space<hbm>>
        %dma_start3A_313 = tpu.memref_squeeze %dma_start3A_312 : memref<1x10x128xi32, #tpu.memory_space<hbm>> -> memref<10x128xi32, #tpu.memory_space<hbm>>
        %dma_start3A_314 = arith.constant 0 : i32
        %dma_start3A_315 = tpu.memref_slice %arg4[%arg1, %mul3A_31, %dma_start3A_314] : memref<16x400x128xi32, #tpu.memory_space<hbm>> -> memref<1x10x128xi32, #tpu.memory_space<hbm>>
        %dma_start3A_316 = tpu.memref_squeeze %dma_start3A_315 : memref<1x10x128xi32, #tpu.memory_space<hbm>> -> memref<10x128xi32, #tpu.memory_space<hbm>>
        tpu.enqueue_dma source(%dma_start3A_316 : memref<10x128xi32, #tpu.memory_space<hbm>>) target(%arg7 : memref<10x128xi32, #tpu.memory_space<vmem>>) target_semaphore(%run_scoped3A : memref<!tpu.dma_semaphore, #tpu.memory_space<semaphore_mem>>)
        %dma_wait3A_317 = arith.constant 0 : i32
        %dma_wait3A_318 = tpu.memref_slice %arg4[%arg1, %mul3A_31, %dma_wait3A_317] : memref<16x400x128xi32, #tpu.memory_space<hbm>> -> memref<1x10x128xi32, #tpu.memory_space<hbm>>
        %dma_wait3A_319 = tpu.memref_squeeze %dma_wait3A_318 : memref<1x10x128xi32, #tpu.memory_space<hbm>> -> memref<10x128xi32, #tpu.memory_space<hbm>>
        %dma_wait3A_320 = arith.constant 0 : i32
        %dma_wait3A_321 = tpu.memref_slice %arg4[%arg1, %mul3A_31, %dma_wait3A_320] : memref<16x400x128xi32, #tpu.memory_space<hbm>> -> memref<1x10x128xi32, #tpu.memory_space<hbm>>
        %dma_wait3A_322 = tpu.memref_squeeze %dma_wait3A_321 : memref<1x10x128xi32, #tpu.memory_space<hbm>> -> memref<10x128xi32, #tpu.memory_space<hbm>>
        tpu.wait_dma2 semaphore(%run_scoped3A : memref<!tpu.dma_semaphore, #tpu.memory_space<semaphore_mem>>) src(%dma_wait3A_322 : memref<10x128xi32, #tpu.memory_space<hbm>>) dst(%arg7 : memref<10x128xi32, #tpu.memory_space<vmem>>)
        tpu.yield
      }) : () -> ()
      %dma_start3A = arith.constant 0 : i32
      %dma_start3A_32 = arith.constant 0 : i32
      %dma_start3A_33 = tpu.memref_slice %arg6[%dma_start3A, %dma_start3A_32] : memref<10x128xi32, #tpu.memory_space<vmem>> -> memref<1x128xi32, #tpu.memory_space<vmem>>
      %dma_start3A_34 = tpu.memref_squeeze %dma_start3A_33 : memref<1x128xi32, #tpu.memory_space<vmem>> -> memref<128xi32, #tpu.memory_space<vmem>>
      %dma_start3A_35 = arith.constant 0 : i32
      %dma_start3A_36 = arith.constant 0 : i32
      %dma_start3A_37 = tpu.memref_slice %arg2[%dma_start3A_35, %dma_start3A_36] : memref<100000x32xf32, #tpu.memory_space<hbm>> -> memref<100000x32xf32, #tpu.memory_space<hbm>>
      tpu.enqueue_indirect_dma source(%dma_start3A_37 : memref<100000x32xf32, #tpu.memory_space<hbm>>) target(%arg8 : memref<128x32xf32, #tpu.memory_space<vmem>>) offsets(%dma_start3A_34 : memref<128xi32, #tpu.memory_space<vmem>>) semaphore(%arg15 : memref<!tpu.dma_semaphore, #tpu.memory_space<semaphore_mem>>)
      %dma_start3A_38 = arith.constant 1 : i32
      %dma_start3A_39 = arith.constant 0 : i32
      %dma_start3A_40 = tpu.memref_slice %arg6[%dma_start3A_38, %dma_start3A_39] : memref<10x128xi32, #tpu.memory_space<vmem>> -> memref<1x128xi32, #tpu.memory_space<vmem>>
      %dma_start3A_41 = tpu.memref_squeeze %dma_start3A_40 : memref<1x128xi32, #tpu.memory_space<vmem>> -> memref<128xi32, #tpu.memory_space<vmem>>
      %dma_start3A_42 = arith.constant 0 : i32
      %dma_start3A_43 = arith.constant 0 : i32
      %dma_start3A_44 = tpu.memref_slice %arg2[%dma_start3A_42, %dma_start3A_43] : memref<100000x32xf32, #tpu.memory_space<hbm>> -> memref<100000x32xf32, #tpu.memory_space<hbm>>
      tpu.enqueue_indirect_dma source(%dma_start3A_44 : memref<100000x32xf32, #tpu.memory_space<hbm>>) target(%arg9 : memref<128x32xf32, #tpu.memory_space<vmem>>) offsets(%dma_start3A_41 : memref<128xi32, #tpu.memory_space<vmem>>) semaphore(%arg16 : memref<!tpu.dma_semaphore, #tpu.memory_space<semaphore_mem>>)
      %dma_start3A_45 = arith.constant 2 : i32
      %dma_start3A_46 = arith.constant 0 : i32
      %dma_start3A_47 = tpu.memref_slice %arg6[%dma_start3A_45, %dma_start3A_46] : memref<10x128xi32, #tpu.memory_space<vmem>> -> memref<1x128xi32, #tpu.memory_space<vmem>>
      %dma_start3A_48 = tpu.memref_squeeze %dma_start3A_47 : memref<1x128xi32, #tpu.memory_space<vmem>> -> memref<128xi32, #tpu.memory_space<vmem>>
      %dma_start3A_49 = arith.constant 0 : i32
      %dma_start3A_50 = arith.constant 0 : i32
      %dma_start3A_51 = tpu.memref_slice %arg2[%dma_start3A_49, %dma_start3A_50] : memref<100000x32xf32, #tpu.memory_space<hbm>> -> memref<100000x32xf32, #tpu.memory_space<hbm>>
      tpu.enqueue_indirect_dma source(%dma_start3A_51 : memref<100000x32xf32, #tpu.memory_space<hbm>>) target(%arg10 : memref<128x32xf32, #tpu.memory_space<vmem>>) offsets(%dma_start3A_48 : memref<128xi32, #tpu.memory_space<vmem>>) semaphore(%arg17 : memref<!tpu.dma_semaphore, #tpu.memory_space<semaphore_mem>>)
      %dma_wait3A = arith.constant 0 : i32
      %dma_wait3A_52 = arith.constant 0 : i32
      %dma_wait3A_53 = tpu.memref_slice %arg6[%dma_wait3A, %dma_wait3A_52] : memref<10x128xi32, #tpu.memory_space<vmem>> -> memref<1x128xi32, #tpu.memory_space<vmem>>
      %dma_wait3A_54 = tpu.memref_squeeze %dma_wait3A_53 : memref<1x128xi32, #tpu.memory_space<vmem>> -> memref<128xi32, #tpu.memory_space<vmem>>
      %dma_wait3A_55 = arith.constant 0 : i32
      %dma_wait3A_56 = arith.constant 0 : i32
      %dma_wait3A_57 = tpu.memref_slice %arg2[%dma_wait3A_55, %dma_wait3A_56] : memref<100000x32xf32, #tpu.memory_space<hbm>> -> memref<100000x32xf32, #tpu.memory_space<hbm>>
      tpu.wait_indirect_dma semaphore(%arg15 : memref<!tpu.dma_semaphore, #tpu.memory_space<semaphore_mem>>) src(%dma_wait3A_57 : memref<100000x32xf32, #tpu.memory_space<hbm>>) dst(%arg8 : memref<128x32xf32, #tpu.memory_space<vmem>>)
      %dma_start3A_58 = arith.constant 3 : i32
      %dma_start3A_59 = arith.constant 0 : i32
      %dma_start3A_60 = tpu.memref_slice %arg6[%dma_start3A_58, %dma_start3A_59] : memref<10x128xi32, #tpu.memory_space<vmem>> -> memref<1x128xi32, #tpu.memory_space<vmem>>
      %dma_start3A_61 = tpu.memref_squeeze %dma_start3A_60 : memref<1x128xi32, #tpu.memory_space<vmem>> -> memref<128xi32, #tpu.memory_space<vmem>>
      %dma_start3A_62 = arith.constant 0 : i32
      %dma_start3A_63 = arith.constant 0 : i32
      %dma_start3A_64 = tpu.memref_slice %arg2[%dma_start3A_62, %dma_start3A_63] : memref<100000x32xf32, #tpu.memory_space<hbm>> -> memref<100000x32xf32, #tpu.memory_space<hbm>>
      tpu.enqueue_indirect_dma source(%dma_start3A_64 : memref<100000x32xf32, #tpu.memory_space<hbm>>) target(%arg11 : memref<128x32xf32, #tpu.memory_space<vmem>>) offsets(%dma_start3A_61 : memref<128xi32, #tpu.memory_space<vmem>>) semaphore(%arg15 : memref<!tpu.dma_semaphore, #tpu.memory_space<semaphore_mem>>)
      %dma_start3A_65 = arith.constant 0 : i32
      %dma_start3A_66 = arith.constant 0 : i32
      %dma_start3A_67 = tpu.memref_slice %arg7[%dma_start3A_65, %dma_start3A_66] : memref<10x128xi32, #tpu.memory_space<vmem>> -> memref<1x128xi32, #tpu.memory_space<vmem>>
      %dma_start3A_68 = tpu.memref_squeeze %dma_start3A_67 : memref<1x128xi32, #tpu.memory_space<vmem>> -> memref<128xi32, #tpu.memory_space<vmem>>
      %dma_start3A_69 = arith.constant 0 : i32
      %dma_start3A_70 = arith.constant 0 : i32
      %dma_start3A_71 = tpu.memref_slice %arg14[%dma_start3A_69, %dma_start3A_70] : memref<51200x32xf32, #tpu.memory_space<vmem_shared>> -> memref<51200x32xf32, #tpu.memory_space<vmem_shared>>
      tpu.enqueue_indirect_dma source(%arg8 : memref<128x32xf32, #tpu.memory_space<vmem>>) target(%dma_start3A_71 : memref<51200x32xf32, #tpu.memory_space<vmem_shared>>) offsets(%dma_start3A_68 : memref<128xi32, #tpu.memory_space<vmem>>) semaphore(%arg18 : memref<!tpu.dma_semaphore, #tpu.memory_space<semaphore_mem>>) {add = true}
      %dma_wait3A_72 = arith.constant 1 : i32
      %dma_wait3A_73 = arith.constant 0 : i32
      %dma_wait3A_74 = tpu.memref_slice %arg6[%dma_wait3A_72, %dma_wait3A_73] : memref<10x128xi32, #tpu.memory_space<vmem>> -> memref<1x128xi32, #tpu.memory_space<vmem>>
      %dma_wait3A_75 = tpu.memref_squeeze %dma_wait3A_74 : memref<1x128xi32, #tpu.memory_space<vmem>> -> memref<128xi32, #tpu.memory_space<vmem>>
      %dma_wait3A_76 = arith.constant 0 : i32
      %dma_wait3A_77 = arith.constant 0 : i32
      %dma_wait3A_78 = tpu.memref_slice %arg2[%dma_wait3A_76, %dma_wait3A_77] : memref<100000x32xf32, #tpu.memory_space<hbm>> -> memref<100000x32xf32, #tpu.memory_space<hbm>>
      tpu.wait_indirect_dma semaphore(%arg16 : memref<!tpu.dma_semaphore, #tpu.memory_space<semaphore_mem>>) src(%dma_wait3A_78 : memref<100000x32xf32, #tpu.memory_space<hbm>>) dst(%arg9 : memref<128x32xf32, #tpu.memory_space<vmem>>)
      %dma_start3A_79 = arith.constant 4 : i32
      %dma_start3A_80 = arith.constant 0 : i32
      %dma_start3A_81 = tpu.memref_slice %arg6[%dma_start3A_79, %dma_start3A_80] : memref<10x128xi32, #tpu.memory_space<vmem>> -> memref<1x128xi32, #tpu.memory_space<vmem>>
      %dma_start3A_82 = tpu.memref_squeeze %dma_start3A_81 : memref<1x128xi32, #tpu.memory_space<vmem>> -> memref<128xi32, #tpu.memory_space<vmem>>
      %dma_start3A_83 = arith.constant 0 : i32
      %dma_start3A_84 = arith.constant 0 : i32
      %dma_start3A_85 = tpu.memref_slice %arg2[%dma_start3A_83, %dma_start3A_84] : memref<100000x32xf32, #tpu.memory_space<hbm>> -> memref<100000x32xf32, #tpu.memory_space<hbm>>
      tpu.enqueue_indirect_dma source(%dma_start3A_85 : memref<100000x32xf32, #tpu.memory_space<hbm>>) target(%arg12 : memref<128x32xf32, #tpu.memory_space<vmem>>) offsets(%dma_start3A_82 : memref<128xi32, #tpu.memory_space<vmem>>) semaphore(%arg16 : memref<!tpu.dma_semaphore, #tpu.memory_space<semaphore_mem>>)
      %dma_start3A_86 = arith.constant 1 : i32
      %dma_start3A_87 = arith.constant 0 : i32
      %dma_start3A_88 = tpu.memref_slice %arg7[%dma_start3A_86, %dma_start3A_87] : memref<10x128xi32, #tpu.memory_space<vmem>> -> memref<1x128xi32, #tpu.memory_space<vmem>>
      %dma_start3A_89 = tpu.memref_squeeze %dma_start3A_88 : memref<1x128xi32, #tpu.memory_space<vmem>> -> memref<128xi32, #tpu.memory_space<vmem>>
      %dma_start3A_90 = arith.constant 0 : i32
      %dma_start3A_91 = arith.constant 0 : i32
      %dma_start3A_92 = tpu.memref_slice %arg14[%dma_start3A_90, %dma_start3A_91] : memref<51200x32xf32, #tpu.memory_space<vmem_shared>> -> memref<51200x32xf32, #tpu.memory_space<vmem_shared>>
      tpu.enqueue_indirect_dma source(%arg9 : memref<128x32xf32, #tpu.memory_space<vmem>>) target(%dma_start3A_92 : memref<51200x32xf32, #tpu.memory_space<vmem_shared>>) offsets(%dma_start3A_89 : memref<128xi32, #tpu.memory_space<vmem>>) semaphore(%arg19 : memref<!tpu.dma_semaphore, #tpu.memory_space<semaphore_mem>>) {add = true}
      %dma_wait3A_93 = arith.constant 2 : i32
      %dma_wait3A_94 = arith.constant 0 : i32
      %dma_wait3A_95 = tpu.memref_slice %arg6[%dma_wait3A_93, %dma_wait3A_94] : memref<10x128xi32, #tpu.memory_space<vmem>> -> memref<1x128xi32, #tpu.memory_space<vmem>>
      %dma_wait3A_96 = tpu.memref_squeeze %dma_wait3A_95 : memref<1x128xi32, #tpu.memory_space<vmem>> -> memref<128xi32, #tpu.memory_space<vmem>>
      %dma_wait3A_97 = arith.constant 0 : i32
      %dma_wait3A_98 = arith.constant 0 : i32
      %dma_wait3A_99 = tpu.memref_slice %arg2[%dma_wait3A_97, %dma_wait3A_98] : memref<100000x32xf32, #tpu.memory_space<hbm>> -> memref<100000x32xf32, #tpu.memory_space<hbm>>
      tpu.wait_indirect_dma semaphore(%arg17 : memref<!tpu.dma_semaphore, #tpu.memory_space<semaphore_mem>>) src(%dma_wait3A_99 : memref<100000x32xf32, #tpu.memory_space<hbm>>) dst(%arg10 : memref<128x32xf32, #tpu.memory_space<vmem>>)
      %dma_wait3A_100 = arith.constant 0 : i32
      %dma_wait3A_101 = arith.constant 0 : i32
      %dma_wait3A_102 = tpu.memref_slice %arg7[%dma_wait3A_100, %dma_wait3A_101] : memref<10x128xi32, #tpu.memory_space<vmem>> -> memref<1x128xi32, #tpu.memory_space<vmem>>
      %dma_wait3A_103 = tpu.memref_squeeze %dma_wait3A_102 : memref<1x128xi32, #tpu.memory_space<vmem>> -> memref<128xi32, #tpu.memory_space<vmem>>
      %dma_wait3A_104 = arith.constant 0 : i32
      %dma_wait3A_105 = arith.constant 0 : i32
      %dma_wait3A_106 = tpu.memref_slice %arg14[%dma_wait3A_104, %dma_wait3A_105] : memref<51200x32xf32, #tpu.memory_space<vmem_shared>> -> memref<51200x32xf32, #tpu.memory_space<vmem_shared>>
      tpu.wait_indirect_dma semaphore(%arg18 : memref<!tpu.dma_semaphore, #tpu.memory_space<semaphore_mem>>) src(%arg8 : memref<128x32xf32, #tpu.memory_space<vmem>>) dst(%dma_wait3A_106 : memref<51200x32xf32, #tpu.memory_space<vmem_shared>>)
      %dma_start3A_107 = arith.constant 5 : i32
      %dma_start3A_108 = arith.constant 0 : i32
      %dma_start3A_109 = tpu.memref_slice %arg6[%dma_start3A_107, %dma_start3A_108] : memref<10x128xi32, #tpu.memory_space<vmem>> -> memref<1x128xi32, #tpu.memory_space<vmem>>
      %dma_start3A_110 = tpu.memref_squeeze %dma_start3A_109 : memref<1x128xi32, #tpu.memory_space<vmem>> -> memref<128xi32, #tpu.memory_space<vmem>>
      %dma_start3A_111 = arith.constant 0 : i32
      %dma_start3A_112 = arith.constant 0 : i32
      %dma_start3A_113 = tpu.memref_slice %arg2[%dma_start3A_111, %dma_start3A_112] : memref<100000x32xf32, #tpu.memory_space<hbm>> -> memref<100000x32xf32, #tpu.memory_space<hbm>>
      tpu.enqueue_indirect_dma source(%dma_start3A_113 : memref<100000x32xf32, #tpu.memory_space<hbm>>) target(%arg8 : memref<128x32xf32, #tpu.memory_space<vmem>>) offsets(%dma_start3A_110 : memref<128xi32, #tpu.memory_space<vmem>>) semaphore(%arg17 : memref<!tpu.dma_semaphore, #tpu.memory_space<semaphore_mem>>)
      %dma_start3A_114 = arith.constant 2 : i32
      %dma_start3A_115 = arith.constant 0 : i32
      %dma_start3A_116 = tpu.memref_slice %arg7[%dma_start3A_114, %dma_start3A_115] : memref<10x128xi32, #tpu.memory_space<vmem>> -> memref<1x128xi32, #tpu.memory_space<vmem>>
      %dma_start3A_117 = tpu.memref_squeeze %dma_start3A_116 : memref<1x128xi32, #tpu.memory_space<vmem>> -> memref<128xi32, #tpu.memory_space<vmem>>
      %dma_start3A_118 = arith.constant 0 : i32
      %dma_start3A_119 = arith.constant 0 : i32
      %dma_start3A_120 = tpu.memref_slice %arg14[%dma_start3A_118, %dma_start3A_119] : memref<51200x32xf32, #tpu.memory_space<vmem_shared>> -> memref<51200x32xf32, #tpu.memory_space<vmem_shared>>
      tpu.enqueue_indirect_dma source(%arg10 : memref<128x32xf32, #tpu.memory_space<vmem>>) target(%dma_start3A_120 : memref<51200x32xf32, #tpu.memory_space<vmem_shared>>) offsets(%dma_start3A_117 : memref<128xi32, #tpu.memory_space<vmem>>) semaphore(%arg18 : memref<!tpu.dma_semaphore, #tpu.memory_space<semaphore_mem>>) {add = true}
      %dma_wait3A_121 = arith.constant 3 : i32
      %dma_wait3A_122 = arith.constant 0 : i32
      %dma_wait3A_123 = tpu.memref_slice %arg6[%dma_wait3A_121, %dma_wait3A_122] : memref<10x128xi32, #tpu.memory_space<vmem>> -> memref<1x128xi32, #tpu.memory_space<vmem>>
      %dma_wait3A_124 = tpu.memref_squeeze %dma_wait3A_123 : memref<1x128xi32, #tpu.memory_space<vmem>> -> memref<128xi32, #tpu.memory_space<vmem>>
      %dma_wait3A_125 = arith.constant 0 : i32
      %dma_wait3A_126 = arith.constant 0 : i32
      %dma_wait3A_127 = tpu.memref_slice %arg2[%dma_wait3A_125, %dma_wait3A_126] : memref<100000x32xf32, #tpu.memory_space<hbm>> -> memref<100000x32xf32, #tpu.memory_space<hbm>>
      tpu.wait_indirect_dma semaphore(%arg15 : memref<!tpu.dma_semaphore, #tpu.memory_space<semaphore_mem>>) src(%dma_wait3A_127 : memref<100000x32xf32, #tpu.memory_space<hbm>>) dst(%arg11 : memref<128x32xf32, #tpu.memory_space<vmem>>)
      %dma_wait3A_128 = arith.constant 1 : i32
      %dma_wait3A_129 = arith.constant 0 : i32
      %dma_wait3A_130 = tpu.memref_slice %arg7[%dma_wait3A_128, %dma_wait3A_129] : memref<10x128xi32, #tpu.memory_space<vmem>> -> memref<1x128xi32, #tpu.memory_space<vmem>>
      %dma_wait3A_131 = tpu.memref_squeeze %dma_wait3A_130 : memref<1x128xi32, #tpu.memory_space<vmem>> -> memref<128xi32, #tpu.memory_space<vmem>>
      %dma_wait3A_132 = arith.constant 0 : i32
      %dma_wait3A_133 = arith.constant 0 : i32
      %dma_wait3A_134 = tpu.memref_slice %arg14[%dma_wait3A_132, %dma_wait3A_133] : memref<51200x32xf32, #tpu.memory_space<vmem_shared>> -> memref<51200x32xf32, #tpu.memory_space<vmem_shared>>
      tpu.wait_indirect_dma semaphore(%arg19 : memref<!tpu.dma_semaphore, #tpu.memory_space<semaphore_mem>>) src(%arg9 : memref<128x32xf32, #tpu.memory_space<vmem>>) dst(%dma_wait3A_134 : memref<51200x32xf32, #tpu.memory_space<vmem_shared>>)
      %dma_start3A_135 = arith.constant 6 : i32
      %dma_start3A_136 = arith.constant 0 : i32
      %dma_start3A_137 = tpu.memref_slice %arg6[%dma_start3A_135, %dma_start3A_136] : memref<10x128xi32, #tpu.memory_space<vmem>> -> memref<1x128xi32, #tpu.memory_space<vmem>>
      %dma_start3A_138 = tpu.memref_squeeze %dma_start3A_137 : memref<1x128xi32, #tpu.memory_space<vmem>> -> memref<128xi32, #tpu.memory_space<vmem>>
      %dma_start3A_139 = arith.constant 0 : i32
      %dma_start3A_140 = arith.constant 0 : i32
      %dma_start3A_141 = tpu.memref_slice %arg2[%dma_start3A_139, %dma_start3A_140] : memref<100000x32xf32, #tpu.memory_space<hbm>> -> memref<100000x32xf32, #tpu.memory_space<hbm>>
      tpu.enqueue_indirect_dma source(%dma_start3A_141 : memref<100000x32xf32, #tpu.memory_space<hbm>>) target(%arg9 : memref<128x32xf32, #tpu.memory_space<vmem>>) offsets(%dma_start3A_138 : memref<128xi32, #tpu.memory_space<vmem>>) semaphore(%arg15 : memref<!tpu.dma_semaphore, #tpu.memory_space<semaphore_mem>>)
      %dma_start3A_142 = arith.constant 3 : i32
      %dma_start3A_143 = arith.constant 0 : i32
      %dma_start3A_144 = tpu.memref_slice %arg7[%dma_start3A_142, %dma_start3A_143] : memref<10x128xi32, #tpu.memory_space<vmem>> -> memref<1x128xi32, #tpu.memory_space<vmem>>
      %dma_start3A_145 = tpu.memref_squeeze %dma_start3A_144 : memref<1x128xi32, #tpu.memory_space<vmem>> -> memref<128xi32, #tpu.memory_space<vmem>>
      %dma_start3A_146 = arith.constant 0 : i32
      %dma_start3A_147 = arith.constant 0 : i32
      %dma_start3A_148 = tpu.memref_slice %arg14[%dma_start3A_146, %dma_start3A_147] : memref<51200x32xf32, #tpu.memory_space<vmem_shared>> -> memref<51200x32xf32, #tpu.memory_space<vmem_shared>>
      tpu.enqueue_indirect_dma source(%arg11 : memref<128x32xf32, #tpu.memory_space<vmem>>) target(%dma_start3A_148 : memref<51200x32xf32, #tpu.memory_space<vmem_shared>>) offsets(%dma_start3A_145 : memref<128xi32, #tpu.memory_space<vmem>>) semaphore(%arg19 : memref<!tpu.dma_semaphore, #tpu.memory_space<semaphore_mem>>) {add = true}
      %dma_wait3A_149 = arith.constant 4 : i32
      %dma_wait3A_150 = arith.constant 0 : i32
      %dma_wait3A_151 = tpu.memref_slice %arg6[%dma_wait3A_149, %dma_wait3A_150] : memref<10x128xi32, #tpu.memory_space<vmem>> -> memref<1x128xi32, #tpu.memory_space<vmem>>
      %dma_wait3A_152 = tpu.memref_squeeze %dma_wait3A_151 : memref<1x128xi32, #tpu.memory_space<vmem>> -> memref<128xi32, #tpu.memory_space<vmem>>
      %dma_wait3A_153 = arith.constant 0 : i32
      %dma_wait3A_154 = arith.constant 0 : i32
      %dma_wait3A_155 = tpu.memref_slice %arg2[%dma_wait3A_153, %dma_wait3A_154] : memref<100000x32xf32, #tpu.memory_space<hbm>> -> memref<100000x32xf32, #tpu.memory_space<hbm>>
      tpu.wait_indirect_dma semaphore(%arg16 : memref<!tpu.dma_semaphore, #tpu.memory_space<semaphore_mem>>) src(%dma_wait3A_155 : memref<100000x32xf32, #tpu.memory_space<hbm>>) dst(%arg12 : memref<128x32xf32, #tpu.memory_space<vmem>>)
      %dma_wait3A_156 = arith.constant 2 : i32
      %dma_wait3A_157 = arith.constant 0 : i32
      %dma_wait3A_158 = tpu.memref_slice %arg7[%dma_wait3A_156, %dma_wait3A_157] : memref<10x128xi32, #tpu.memory_space<vmem>> -> memref<1x128xi32, #tpu.memory_space<vmem>>
      %dma_wait3A_159 = tpu.memref_squeeze %dma_wait3A_158 : memref<1x128xi32, #tpu.memory_space<vmem>> -> memref<128xi32, #tpu.memory_space<vmem>>
      %dma_wait3A_160 = arith.constant 0 : i32
      %dma_wait3A_161 = arith.constant 0 : i32
      %dma_wait3A_162 = tpu.memref_slice %arg14[%dma_wait3A_160, %dma_wait3A_161] : memref<51200x32xf32, #tpu.memory_space<vmem_shared>> -> memref<51200x32xf32, #tpu.memory_space<vmem_shared>>
      tpu.wait_indirect_dma semaphore(%arg18 : memref<!tpu.dma_semaphore, #tpu.memory_space<semaphore_mem>>) src(%arg10 : memref<128x32xf32, #tpu.memory_space<vmem>>) dst(%dma_wait3A_162 : memref<51200x32xf32, #tpu.memory_space<vmem_shared>>)
      %dma_start3A_163 = arith.constant 7 : i32
      %dma_start3A_164 = arith.constant 0 : i32
      %dma_start3A_165 = tpu.memref_slice %arg6[%dma_start3A_163, %dma_start3A_164] : memref<10x128xi32, #tpu.memory_space<vmem>> -> memref<1x128xi32, #tpu.memory_space<vmem>>
      %dma_start3A_166 = tpu.memref_squeeze %dma_start3A_165 : memref<1x128xi32, #tpu.memory_space<vmem>> -> memref<128xi32, #tpu.memory_space<vmem>>
      %dma_start3A_167 = arith.constant 0 : i32
      %dma_start3A_168 = arith.constant 0 : i32
      %dma_start3A_169 = tpu.memref_slice %arg2[%dma_start3A_167, %dma_start3A_168] : memref<100000x32xf32, #tpu.memory_space<hbm>> -> memref<100000x32xf32, #tpu.memory_space<hbm>>
      tpu.enqueue_indirect_dma source(%dma_start3A_169 : memref<100000x32xf32, #tpu.memory_space<hbm>>) target(%arg10 : memref<128x32xf32, #tpu.memory_space<vmem>>) offsets(%dma_start3A_166 : memref<128xi32, #tpu.memory_space<vmem>>) semaphore(%arg16 : memref<!tpu.dma_semaphore, #tpu.memory_space<semaphore_mem>>)
      %dma_start3A_170 = arith.constant 4 : i32
      %dma_start3A_171 = arith.constant 0 : i32
      %dma_start3A_172 = tpu.memref_slice %arg7[%dma_start3A_170, %dma_start3A_171] : memref<10x128xi32, #tpu.memory_space<vmem>> -> memref<1x128xi32, #tpu.memory_space<vmem>>
      %dma_start3A_173 = tpu.memref_squeeze %dma_start3A_172 : memref<1x128xi32, #tpu.memory_space<vmem>> -> memref<128xi32, #tpu.memory_space<vmem>>
      %dma_start3A_174 = arith.constant 0 : i32
      %dma_start3A_175 = arith.constant 0 : i32
      %dma_start3A_176 = tpu.memref_slice %arg14[%dma_start3A_174, %dma_start3A_175] : memref<51200x32xf32, #tpu.memory_space<vmem_shared>> -> memref<51200x32xf32, #tpu.memory_space<vmem_shared>>
      tpu.enqueue_indirect_dma source(%arg12 : memref<128x32xf32, #tpu.memory_space<vmem>>) target(%dma_start3A_176 : memref<51200x32xf32, #tpu.memory_space<vmem_shared>>) offsets(%dma_start3A_173 : memref<128xi32, #tpu.memory_space<vmem>>) semaphore(%arg18 : memref<!tpu.dma_semaphore, #tpu.memory_space<semaphore_mem>>) {add = true}
      %dma_wait3A_177 = arith.constant 5 : i32
      %dma_wait3A_178 = arith.constant 0 : i32
      %dma_wait3A_179 = tpu.memref_slice %arg6[%dma_wait3A_177, %dma_wait3A_178] : memref<10x128xi32, #tpu.memory_space<vmem>> -> memref<1x128xi32, #tpu.memory_space<vmem>>
      %dma_wait3A_180 = tpu.memref_squeeze %dma_wait3A_179 : memref<1x128xi32, #tpu.memory_space<vmem>> -> memref<128xi32, #tpu.memory_space<vmem>>
      %dma_wait3A_181 = arith.constant 0 : i32
      %dma_wait3A_182 = arith.constant 0 : i32
      %dma_wait3A_183 = tpu.memref_slice %arg2[%dma_wait3A_181, %dma_wait3A_182] : memref<100000x32xf32, #tpu.memory_space<hbm>> -> memref<100000x32xf32, #tpu.memory_space<hbm>>
      tpu.wait_indirect_dma semaphore(%arg17 : memref<!tpu.dma_semaphore, #tpu.memory_space<semaphore_mem>>) src(%dma_wait3A_183 : memref<100000x32xf32, #tpu.memory_space<hbm>>) dst(%arg8 : memref<128x32xf32, #tpu.memory_space<vmem>>)
      %dma_wait3A_184 = arith.constant 3 : i32
      %dma_wait3A_185 = arith.constant 0 : i32
      %dma_wait3A_186 = tpu.memref_slice %arg7[%dma_wait3A_184, %dma_wait3A_185] : memref<10x128xi32, #tpu.memory_space<vmem>> -> memref<1x128xi32, #tpu.memory_space<vmem>>
      %dma_wait3A_187 = tpu.memref_squeeze %dma_wait3A_186 : memref<1x128xi32, #tpu.memory_space<vmem>> -> memref<128xi32, #tpu.memory_space<vmem>>
      %dma_wait3A_188 = arith.constant 0 : i32
      %dma_wait3A_189 = arith.constant 0 : i32
      %dma_wait3A_190 = tpu.memref_slice %arg14[%dma_wait3A_188, %dma_wait3A_189] : memref<51200x32xf32, #tpu.memory_space<vmem_shared>> -> memref<51200x32xf32, #tpu.memory_space<vmem_shared>>
      tpu.wait_indirect_dma semaphore(%arg19 : memref<!tpu.dma_semaphore, #tpu.memory_space<semaphore_mem>>) src(%arg11 : memref<128x32xf32, #tpu.memory_space<vmem>>) dst(%dma_wait3A_190 : memref<51200x32xf32, #tpu.memory_space<vmem_shared>>)
      %dma_start3A_191 = arith.constant 8 : i32
      %dma_start3A_192 = arith.constant 0 : i32
      %dma_start3A_193 = tpu.memref_slice %arg6[%dma_start3A_191, %dma_start3A_192] : memref<10x128xi32, #tpu.memory_space<vmem>> -> memref<1x128xi32, #tpu.memory_space<vmem>>
      %dma_start3A_194 = tpu.memref_squeeze %dma_start3A_193 : memref<1x128xi32, #tpu.memory_space<vmem>> -> memref<128xi32, #tpu.memory_space<vmem>>
      %dma_start3A_195 = arith.constant 0 : i32
      %dma_start3A_196 = arith.constant 0 : i32
      %dma_start3A_197 = tpu.memref_slice %arg2[%dma_start3A_195, %dma_start3A_196] : memref<100000x32xf32, #tpu.memory_space<hbm>> -> memref<100000x32xf32, #tpu.memory_space<hbm>>
      tpu.enqueue_indirect_dma source(%dma_start3A_197 : memref<100000x32xf32, #tpu.memory_space<hbm>>) target(%arg11 : memref<128x32xf32, #tpu.memory_space<vmem>>) offsets(%dma_start3A_194 : memref<128xi32, #tpu.memory_space<vmem>>) semaphore(%arg17 : memref<!tpu.dma_semaphore, #tpu.memory_space<semaphore_mem>>)
      %dma_start3A_198 = arith.constant 5 : i32
      %dma_start3A_199 = arith.constant 0 : i32
      %dma_start3A_200 = tpu.memref_slice %arg7[%dma_start3A_198, %dma_start3A_199] : memref<10x128xi32, #tpu.memory_space<vmem>> -> memref<1x128xi32, #tpu.memory_space<vmem>>
      %dma_start3A_201 = tpu.memref_squeeze %dma_start3A_200 : memref<1x128xi32, #tpu.memory_space<vmem>> -> memref<128xi32, #tpu.memory_space<vmem>>
      %dma_start3A_202 = arith.constant 0 : i32
      %dma_start3A_203 = arith.constant 0 : i32
      %dma_start3A_204 = tpu.memref_slice %arg14[%dma_start3A_202, %dma_start3A_203] : memref<51200x32xf32, #tpu.memory_space<vmem_shared>> -> memref<51200x32xf32, #tpu.memory_space<vmem_shared>>
      tpu.enqueue_indirect_dma source(%arg8 : memref<128x32xf32, #tpu.memory_space<vmem>>) target(%dma_start3A_204 : memref<51200x32xf32, #tpu.memory_space<vmem_shared>>) offsets(%dma_start3A_201 : memref<128xi32, #tpu.memory_space<vmem>>) semaphore(%arg19 : memref<!tpu.dma_semaphore, #tpu.memory_space<semaphore_mem>>) {add = true}
      %dma_wait3A_205 = arith.constant 6 : i32
      %dma_wait3A_206 = arith.constant 0 : i32
      %dma_wait3A_207 = tpu.memref_slice %arg6[%dma_wait3A_205, %dma_wait3A_206] : memref<10x128xi32, #tpu.memory_space<vmem>> -> memref<1x128xi32, #tpu.memory_space<vmem>>
      %dma_wait3A_208 = tpu.memref_squeeze %dma_wait3A_207 : memref<1x128xi32, #tpu.memory_space<vmem>> -> memref<128xi32, #tpu.memory_space<vmem>>
      %dma_wait3A_209 = arith.constant 0 : i32
      %dma_wait3A_210 = arith.constant 0 : i32
      %dma_wait3A_211 = tpu.memref_slice %arg2[%dma_wait3A_209, %dma_wait3A_210] : memref<100000x32xf32, #tpu.memory_space<hbm>> -> memref<100000x32xf32, #tpu.memory_space<hbm>>
      tpu.wait_indirect_dma semaphore(%arg15 : memref<!tpu.dma_semaphore, #tpu.memory_space<semaphore_mem>>) src(%dma_wait3A_211 : memref<100000x32xf32, #tpu.memory_space<hbm>>) dst(%arg9 : memref<128x32xf32, #tpu.memory_space<vmem>>)
      %dma_wait3A_212 = arith.constant 4 : i32
      %dma_wait3A_213 = arith.constant 0 : i32
      %dma_wait3A_214 = tpu.memref_slice %arg7[%dma_wait3A_212, %dma_wait3A_213] : memref<10x128xi32, #tpu.memory_space<vmem>> -> memref<1x128xi32, #tpu.memory_space<vmem>>
      %dma_wait3A_215 = tpu.memref_squeeze %dma_wait3A_214 : memref<1x128xi32, #tpu.memory_space<vmem>> -> memref<128xi32, #tpu.memory_space<vmem>>
      %dma_wait3A_216 = arith.constant 0 : i32
      %dma_wait3A_217 = arith.constant 0 : i32
      %dma_wait3A_218 = tpu.memref_slice %arg14[%dma_wait3A_216, %dma_wait3A_217] : memref<51200x32xf32, #tpu.memory_space<vmem_shared>> -> memref<51200x32xf32, #tpu.memory_space<vmem_shared>>
      tpu.wait_indirect_dma semaphore(%arg18 : memref<!tpu.dma_semaphore, #tpu.memory_space<semaphore_mem>>) src(%arg12 : memref<128x32xf32, #tpu.memory_space<vmem>>) dst(%dma_wait3A_218 : memref<51200x32xf32, #tpu.memory_space<vmem_shared>>)
      %dma_start3A_219 = arith.constant 9 : i32
      %dma_start3A_220 = arith.constant 0 : i32
      %dma_start3A_221 = tpu.memref_slice %arg6[%dma_start3A_219, %dma_start3A_220] : memref<10x128xi32, #tpu.memory_space<vmem>> -> memref<1x128xi32, #tpu.memory_space<vmem>>
      %dma_start3A_222 = tpu.memref_squeeze %dma_start3A_221 : memref<1x128xi32, #tpu.memory_space<vmem>> -> memref<128xi32, #tpu.memory_space<vmem>>
      %dma_start3A_223 = arith.constant 0 : i32
      %dma_start3A_224 = arith.constant 0 : i32
      %dma_start3A_225 = tpu.memref_slice %arg2[%dma_start3A_223, %dma_start3A_224] : memref<100000x32xf32, #tpu.memory_space<hbm>> -> memref<100000x32xf32, #tpu.memory_space<hbm>>
      tpu.enqueue_indirect_dma source(%dma_start3A_225 : memref<100000x32xf32, #tpu.memory_space<hbm>>) target(%arg12 : memref<128x32xf32, #tpu.memory_space<vmem>>) offsets(%dma_start3A_222 : memref<128xi32, #tpu.memory_space<vmem>>) semaphore(%arg15 : memref<!tpu.dma_semaphore, #tpu.memory_space<semaphore_mem>>)
      %dma_start3A_226 = arith.constant 6 : i32
      %dma_start3A_227 = arith.constant 0 : i32
      %dma_start3A_228 = tpu.memref_slice %arg7[%dma_start3A_226, %dma_start3A_227] : memref<10x128xi32, #tpu.memory_space<vmem>> -> memref<1x128xi32, #tpu.memory_space<vmem>>
      %dma_start3A_229 = tpu.memref_squeeze %dma_start3A_228 : memref<1x128xi32, #tpu.memory_space<vmem>> -> memref<128xi32, #tpu.memory_space<vmem>>
      %dma_start3A_230 = arith.constant 0 : i32
      %dma_start3A_231 = arith.constant 0 : i32
      %dma_start3A_232 = tpu.memref_slice %arg14[%dma_start3A_230, %dma_start3A_231] : memref<51200x32xf32, #tpu.memory_space<vmem_shared>> -> memref<51200x32xf32, #tpu.memory_space<vmem_shared>>
      tpu.enqueue_indirect_dma source(%arg9 : memref<128x32xf32, #tpu.memory_space<vmem>>) target(%dma_start3A_232 : memref<51200x32xf32, #tpu.memory_space<vmem_shared>>) offsets(%dma_start3A_229 : memref<128xi32, #tpu.memory_space<vmem>>) semaphore(%arg18 : memref<!tpu.dma_semaphore, #tpu.memory_space<semaphore_mem>>) {add = true}
      %dma_wait3A_233 = arith.constant 7 : i32
      %dma_wait3A_234 = arith.constant 0 : i32
      %dma_wait3A_235 = tpu.memref_slice %arg6[%dma_wait3A_233, %dma_wait3A_234] : memref<10x128xi32, #tpu.memory_space<vmem>> -> memref<1x128xi32, #tpu.memory_space<vmem>>
      %dma_wait3A_236 = tpu.memref_squeeze %dma_wait3A_235 : memref<1x128xi32, #tpu.memory_space<vmem>> -> memref<128xi32, #tpu.memory_space<vmem>>
      %dma_wait3A_237 = arith.constant 0 : i32
      %dma_wait3A_238 = arith.constant 0 : i32
      %dma_wait3A_239 = tpu.memref_slice %arg2[%dma_wait3A_237, %dma_wait3A_238] : memref<100000x32xf32, #tpu.memory_space<hbm>> -> memref<100000x32xf32, #tpu.memory_space<hbm>>
      tpu.wait_indirect_dma semaphore(%arg16 : memref<!tpu.dma_semaphore, #tpu.memory_space<semaphore_mem>>) src(%dma_wait3A_239 : memref<100000x32xf32, #tpu.memory_space<hbm>>) dst(%arg10 : memref<128x32xf32, #tpu.memory_space<vmem>>)
      %dma_start3A_240 = arith.constant 7 : i32
      %dma_start3A_241 = arith.constant 0 : i32
      %dma_start3A_242 = tpu.memref_slice %arg7[%dma_start3A_240, %dma_start3A_241] : memref<10x128xi32, #tpu.memory_space<vmem>> -> memref<1x128xi32, #tpu.memory_space<vmem>>
      %dma_start3A_243 = tpu.memref_squeeze %dma_start3A_242 : memref<1x128xi32, #tpu.memory_space<vmem>> -> memref<128xi32, #tpu.memory_space<vmem>>
      %dma_start3A_244 = arith.constant 0 : i32
      %dma_start3A_245 = arith.constant 0 : i32
      %dma_start3A_246 = tpu.memref_slice %arg14[%dma_start3A_244, %dma_start3A_245] : memref<51200x32xf32, #tpu.memory_space<vmem_shared>> -> memref<51200x32xf32, #tpu.memory_space<vmem_shared>>
      tpu.enqueue_indirect_dma source(%arg10 : memref<128x32xf32, #tpu.memory_space<vmem>>) target(%dma_start3A_246 : memref<51200x32xf32, #tpu.memory_space<vmem_shared>>) offsets(%dma_start3A_243 : memref<128xi32, #tpu.memory_space<vmem>>) semaphore(%arg19 : memref<!tpu.dma_semaphore, #tpu.memory_space<semaphore_mem>>) {add = true}
      %dma_wait3A_247 = arith.constant 8 : i32
      %dma_wait3A_248 = arith.constant 0 : i32
      %dma_wait3A_249 = tpu.memref_slice %arg6[%dma_wait3A_247, %dma_wait3A_248] : memref<10x128xi32, #tpu.memory_space<vmem>> -> memref<1x128xi32, #tpu.memory_space<vmem>>
      %dma_wait3A_250 = tpu.memref_squeeze %dma_wait3A_249 : memref<1x128xi32, #tpu.memory_space<vmem>> -> memref<128xi32, #tpu.memory_space<vmem>>
      %dma_wait3A_251 = arith.constant 0 : i32
      %dma_wait3A_252 = arith.constant 0 : i32
      %dma_wait3A_253 = tpu.memref_slice %arg2[%dma_wait3A_251, %dma_wait3A_252] : memref<100000x32xf32, #tpu.memory_space<hbm>> -> memref<100000x32xf32, #tpu.memory_space<hbm>>
      tpu.wait_indirect_dma semaphore(%arg17 : memref<!tpu.dma_semaphore, #tpu.memory_space<semaphore_mem>>) src(%dma_wait3A_253 : memref<100000x32xf32, #tpu.memory_space<hbm>>) dst(%arg11 : memref<128x32xf32, #tpu.memory_space<vmem>>)
      %dma_start3A_254 = arith.constant 8 : i32
      %dma_start3A_255 = arith.constant 0 : i32
      %dma_start3A_256 = tpu.memref_slice %arg7[%dma_start3A_254, %dma_start3A_255] : memref<10x128xi32, #tpu.memory_space<vmem>> -> memref<1x128xi32, #tpu.memory_space<vmem>>
      %dma_start3A_257 = tpu.memref_squeeze %dma_start3A_256 : memref<1x128xi32, #tpu.memory_space<vmem>> -> memref<128xi32, #tpu.memory_space<vmem>>
      %dma_start3A_258 = arith.constant 0 : i32
      %dma_start3A_259 = arith.constant 0 : i32
      %dma_start3A_260 = tpu.memref_slice %arg14[%dma_start3A_258, %dma_start3A_259] : memref<51200x32xf32, #tpu.memory_space<vmem_shared>> -> memref<51200x32xf32, #tpu.memory_space<vmem_shared>>
      tpu.enqueue_indirect_dma source(%arg11 : memref<128x32xf32, #tpu.memory_space<vmem>>) target(%dma_start3A_260 : memref<51200x32xf32, #tpu.memory_space<vmem_shared>>) offsets(%dma_start3A_257 : memref<128xi32, #tpu.memory_space<vmem>>) semaphore(%arg18 : memref<!tpu.dma_semaphore, #tpu.memory_space<semaphore_mem>>) {add = true}
      %dma_wait3A_261 = arith.constant 9 : i32
      %dma_wait3A_262 = arith.constant 0 : i32
      %dma_wait3A_263 = tpu.memref_slice %arg6[%dma_wait3A_261, %dma_wait3A_262] : memref<10x128xi32, #tpu.memory_space<vmem>> -> memref<1x128xi32, #tpu.memory_space<vmem>>
      %dma_wait3A_264 = tpu.memref_squeeze %dma_wait3A_263 : memref<1x128xi32, #tpu.memory_space<vmem>> -> memref<128xi32, #tpu.memory_space<vmem>>
      %dma_wait3A_265 = arith.constant 0 : i32
      %dma_wait3A_266 = arith.constant 0 : i32
      %dma_wait3A_267 = tpu.memref_slice %arg2[%dma_wait3A_265, %dma_wait3A_266] : memref<100000x32xf32, #tpu.memory_space<hbm>> -> memref<100000x32xf32, #tpu.memory_space<hbm>>
      tpu.wait_indirect_dma semaphore(%arg15 : memref<!tpu.dma_semaphore, #tpu.memory_space<semaphore_mem>>) src(%dma_wait3A_267 : memref<100000x32xf32, #tpu.memory_space<hbm>>) dst(%arg12 : memref<128x32xf32, #tpu.memory_space<vmem>>)
      %dma_start3A_268 = arith.constant 9 : i32
      %dma_start3A_269 = arith.constant 0 : i32
      %dma_start3A_270 = tpu.memref_slice %arg7[%dma_start3A_268, %dma_start3A_269] : memref<10x128xi32, #tpu.memory_space<vmem>> -> memref<1x128xi32, #tpu.memory_space<vmem>>
      %dma_start3A_271 = tpu.memref_squeeze %dma_start3A_270 : memref<1x128xi32, #tpu.memory_space<vmem>> -> memref<128xi32, #tpu.memory_space<vmem>>
      %dma_start3A_272 = arith.constant 0 : i32
      %dma_start3A_273 = arith.constant 0 : i32
      %dma_start3A_274 = tpu.memref_slice %arg14[%dma_start3A_272, %dma_start3A_273] : memref<51200x32xf32, #tpu.memory_space<vmem_shared>> -> memref<51200x32xf32, #tpu.memory_space<vmem_shared>>
      tpu.enqueue_indirect_dma source(%arg12 : memref<128x32xf32, #tpu.memory_space<vmem>>) target(%dma_start3A_274 : memref<51200x32xf32, #tpu.memory_space<vmem_shared>>) offsets(%dma_start3A_271 : memref<128xi32, #tpu.memory_space<vmem>>) semaphore(%arg19 : memref<!tpu.dma_semaphore, #tpu.memory_space<semaphore_mem>>) {add = true}
      %dma_wait3A_275 = arith.constant 5 : i32
      %dma_wait3A_276 = arith.constant 0 : i32
      %dma_wait3A_277 = tpu.memref_slice %arg7[%dma_wait3A_275, %dma_wait3A_276] : memref<10x128xi32, #tpu.memory_space<vmem>> -> memref<1x128xi32, #tpu.memory_space<vmem>>
      %dma_wait3A_278 = tpu.memref_squeeze %dma_wait3A_277 : memref<1x128xi32, #tpu.memory_space<vmem>> -> memref<128xi32, #tpu.memory_space<vmem>>
      %dma_wait3A_279 = arith.constant 0 : i32
      %dma_wait3A_280 = arith.constant 0 : i32
      %dma_wait3A_281 = tpu.memref_slice %arg14[%dma_wait3A_279, %dma_wait3A_280] : memref<51200x32xf32, #tpu.memory_space<vmem_shared>> -> memref<51200x32xf32, #tpu.memory_space<vmem_shared>>
      tpu.wait_indirect_dma semaphore(%arg19 : memref<!tpu.dma_semaphore, #tpu.memory_space<semaphore_mem>>) src(%arg8 : memref<128x32xf32, #tpu.memory_space<vmem>>) dst(%dma_wait3A_281 : memref<51200x32xf32, #tpu.memory_space<vmem_shared>>)
      %dma_wait3A_282 = arith.constant 6 : i32
      %dma_wait3A_283 = arith.constant 0 : i32
      %dma_wait3A_284 = tpu.memref_slice %arg7[%dma_wait3A_282, %dma_wait3A_283] : memref<10x128xi32, #tpu.memory_space<vmem>> -> memref<1x128xi32, #tpu.memory_space<vmem>>
      %dma_wait3A_285 = tpu.memref_squeeze %dma_wait3A_284 : memref<1x128xi32, #tpu.memory_space<vmem>> -> memref<128xi32, #tpu.memory_space<vmem>>
      %dma_wait3A_286 = arith.constant 0 : i32
      %dma_wait3A_287 = arith.constant 0 : i32
      %dma_wait3A_288 = tpu.memref_slice %arg14[%dma_wait3A_286, %dma_wait3A_287] : memref<51200x32xf32, #tpu.memory_space<vmem_shared>> -> memref<51200x32xf32, #tpu.memory_space<vmem_shared>>
      tpu.wait_indirect_dma semaphore(%arg18 : memref<!tpu.dma_semaphore, #tpu.memory_space<semaphore_mem>>) src(%arg9 : memref<128x32xf32, #tpu.memory_space<vmem>>) dst(%dma_wait3A_288 : memref<51200x32xf32, #tpu.memory_space<vmem_shared>>)
      %dma_wait3A_289 = arith.constant 7 : i32
      %dma_wait3A_290 = arith.constant 0 : i32
      %dma_wait3A_291 = tpu.memref_slice %arg7[%dma_wait3A_289, %dma_wait3A_290] : memref<10x128xi32, #tpu.memory_space<vmem>> -> memref<1x128xi32, #tpu.memory_space<vmem>>
      %dma_wait3A_292 = tpu.memref_squeeze %dma_wait3A_291 : memref<1x128xi32, #tpu.memory_space<vmem>> -> memref<128xi32, #tpu.memory_space<vmem>>
      %dma_wait3A_293 = arith.constant 0 : i32
      %dma_wait3A_294 = arith.constant 0 : i32
      %dma_wait3A_295 = tpu.memref_slice %arg14[%dma_wait3A_293, %dma_wait3A_294] : memref<51200x32xf32, #tpu.memory_space<vmem_shared>> -> memref<51200x32xf32, #tpu.memory_space<vmem_shared>>
      tpu.wait_indirect_dma semaphore(%arg19 : memref<!tpu.dma_semaphore, #tpu.memory_space<semaphore_mem>>) src(%arg10 : memref<128x32xf32, #tpu.memory_space<vmem>>) dst(%dma_wait3A_295 : memref<51200x32xf32, #tpu.memory_space<vmem_shared>>)
      %dma_wait3A_296 = arith.constant 8 : i32
      %dma_wait3A_297 = arith.constant 0 : i32
      %dma_wait3A_298 = tpu.memref_slice %arg7[%dma_wait3A_296, %dma_wait3A_297] : memref<10x128xi32, #tpu.memory_space<vmem>> -> memref<1x128xi32, #tpu.memory_space<vmem>>
      %dma_wait3A_299 = tpu.memref_squeeze %dma_wait3A_298 : memref<1x128xi32, #tpu.memory_space<vmem>> -> memref<128xi32, #tpu.memory_space<vmem>>
      %dma_wait3A_300 = arith.constant 0 : i32
      %dma_wait3A_301 = arith.constant 0 : i32
      %dma_wait3A_302 = tpu.memref_slice %arg14[%dma_wait3A_300, %dma_wait3A_301] : memref<51200x32xf32, #tpu.memory_space<vmem_shared>> -> memref<51200x32xf32, #tpu.memory_space<vmem_shared>>
      tpu.wait_indirect_dma semaphore(%arg18 : memref<!tpu.dma_semaphore, #tpu.memory_space<semaphore_mem>>) src(%arg11 : memref<128x32xf32, #tpu.memory_space<vmem>>) dst(%dma_wait3A_302 : memref<51200x32xf32, #tpu.memory_space<vmem_shared>>)
      %dma_wait3A_303 = arith.constant 9 : i32
      %dma_wait3A_304 = arith.constant 0 : i32
      %dma_wait3A_305 = tpu.memref_slice %arg7[%dma_wait3A_303, %dma_wait3A_304] : memref<10x128xi32, #tpu.memory_space<vmem>> -> memref<1x128xi32, #tpu.memory_space<vmem>>
      %dma_wait3A_306 = tpu.memref_squeeze %dma_wait3A_305 : memref<1x128xi32, #tpu.memory_space<vmem>> -> memref<128xi32, #tpu.memory_space<vmem>>
      %dma_wait3A_307 = arith.constant 0 : i32
      %dma_wait3A_308 = arith.constant 0 : i32
      %dma_wait3A_309 = tpu.memref_slice %arg14[%dma_wait3A_307, %dma_wait3A_308] : memref<51200x32xf32, #tpu.memory_space<vmem_shared>> -> memref<51200x32xf32, #tpu.memory_space<vmem_shared>>
      tpu.wait_indirect_dma semaphore(%arg19 : memref<!tpu.dma_semaphore, #tpu.memory_space<semaphore_mem>>) src(%arg12 : memref<128x32xf32, #tpu.memory_space<vmem>>) dst(%dma_wait3A_309 : memref<51200x32xf32, #tpu.memory_space<vmem_shared>>)
      %scan3A_310 = arith.constant 0 : i32
      scf.yield %scan3A_310 : i32
    }
    %scan3A_19 = arith.constant 40 : i32
    %barrier3A_20 = arith.constant 0 : index
    tpu.barrier barrier_id(%barrier3A_20)
    %lt3A = arith.constant 15 : i32
    %lt3A_21 = arith.cmpi slt, %arg1, %lt3A : i32
    %convert_element_type3A = arith.extui %lt3A_21 : i1 to i32
    %cond3A = arith.constant 0 : i32
    %cond3A_22 = arith.cmpi ne, %convert_element_type3A, %cond3A : i32
    scf.if %cond3A_22 {
      %mul3A = arith.constant 3128 : i32
      %mul3A_27 = arith.muli %arg1, %mul3A : i32
      %mul3A_28 = arith.constant 3128 : i32
      %mul3A_29 = arith.muli %arg1, %mul3A_28 : i32
      "tpu.region"() ({
        %run_scoped3A = tpu.sem_alloc : memref<!tpu.dma_semaphore, #tpu.memory_space<semaphore_mem>>
        %dma_start3A = arith.constant 0 : i32
        %dma_start3A_30 = tpu.memref_slice %arg5[%arg0, %mul3A_29, %dma_start3A] : memref<2x50000x32xf32, #tpu.memory_space<hbm>> -> memref<1x3128x32xf32, #tpu.memory_space<hbm>>
        %dma_start3A_31 = tpu.memref_squeeze %dma_start3A_30 : memref<1x3128x32xf32, #tpu.memory_space<hbm>> -> memref<3128x32xf32, #tpu.memory_space<hbm>>
        %dma_start3A_32 = arith.constant 0 : i32
        %dma_start3A_33 = tpu.memref_slice %arg14[%mul3A_27, %dma_start3A_32] : memref<51200x32xf32, #tpu.memory_space<vmem_shared>> -> memref<3128x32xf32, #tpu.memory_space<vmem_shared>>
        tpu.enqueue_dma source(%dma_start3A_33 : memref<3128x32xf32, #tpu.memory_space<vmem_shared>>) target(%dma_start3A_31 : memref<3128x32xf32, #tpu.memory_space<hbm>>) target_semaphore(%run_scoped3A : memref<!tpu.dma_semaphore, #tpu.memory_space<semaphore_mem>>)
        %dma_wait3A = arith.constant 0 : i32
        %dma_wait3A_34 = tpu.memref_slice %arg5[%arg0, %mul3A_29, %dma_wait3A] : memref<2x50000x32xf32, #tpu.memory_space<hbm>> -> memref<1x3128x32xf32, #tpu.memory_space<hbm>>
        %dma_wait3A_35 = tpu.memref_squeeze %dma_wait3A_34 : memref<1x3128x32xf32, #tpu.memory_space<hbm>> -> memref<3128x32xf32, #tpu.memory_space<hbm>>
        %dma_wait3A_36 = arith.constant 0 : i32
        %dma_wait3A_37 = tpu.memref_slice %arg14[%mul3A_27, %dma_wait3A_36] : memref<51200x32xf32, #tpu.memory_space<vmem_shared>> -> memref<3128x32xf32, #tpu.memory_space<vmem_shared>>
        tpu.wait_dma2 semaphore(%run_scoped3A : memref<!tpu.dma_semaphore, #tpu.memory_space<semaphore_mem>>) src(%dma_wait3A_37 : memref<3128x32xf32, #tpu.memory_space<vmem_shared>>) dst(%dma_wait3A_35 : memref<3128x32xf32, #tpu.memory_space<hbm>>)
        tpu.yield
      }) : () -> ()
    } else {
    }
    %eq3A = arith.constant 15 : i32
    %eq3A_23 = arith.cmpi eq, %arg1, %eq3A : i32
    %convert_element_type3A_24 = arith.extui %eq3A_23 : i1 to i32
    %cond3A_25 = arith.constant 0 : i32
    %cond3A_26 = arith.cmpi ne, %convert_element_type3A_24, %cond3A_25 : i32
    scf.if %cond3A_26 {
      "tpu.region"() ({
        %run_scoped3A = tpu.sem_alloc : memref<!tpu.dma_semaphore, #tpu.memory_space<semaphore_mem>>
        %dma_start3A = arith.constant 46920 : i32
        %dma_start3A_27 = arith.constant 0 : i32
        %dma_start3A_28 = tpu.memref_slice %arg5[%arg0, %dma_start3A, %dma_start3A_27] : memref<2x50000x32xf32, #tpu.memory_space<hbm>> -> memref<1x3080x32xf32, #tpu.memory_space<hbm>>
        %dma_start3A_29 = tpu.memref_squeeze %dma_start3A_28 : memref<1x3080x32xf32, #tpu.memory_space<hbm>> -> memref<3080x32xf32, #tpu.memory_space<hbm>>
        %dma_start3A_30 = arith.constant 46920 : i32
        %dma_start3A_31 = arith.constant 0 : i32
        %dma_start3A_32 = tpu.memref_slice %arg14[%dma_start3A_30, %dma_start3A_31] : memref<51200x32xf32, #tpu.memory_space<vmem_shared>> -> memref<3080x32xf32, #tpu.memory_space<vmem_shared>>
        tpu.enqueue_dma source(%dma_start3A_32 : memref<3080x32xf32, #tpu.memory_space<vmem_shared>>) target(%dma_start3A_29 : memref<3080x32xf32, #tpu.memory_space<hbm>>) target_semaphore(%run_scoped3A : memref<!tpu.dma_semaphore, #tpu.memory_space<semaphore_mem>>)
        %dma_wait3A = arith.constant 46920 : i32
        %dma_wait3A_33 = arith.constant 0 : i32
        %dma_wait3A_34 = tpu.memref_slice %arg5[%arg0, %dma_wait3A, %dma_wait3A_33] : memref<2x50000x32xf32, #tpu.memory_space<hbm>> -> memref<1x3080x32xf32, #tpu.memory_space<hbm>>
        %dma_wait3A_35 = tpu.memref_squeeze %dma_wait3A_34 : memref<1x3080x32xf32, #tpu.memory_space<hbm>> -> memref<3080x32xf32, #tpu.memory_space<hbm>>
        %dma_wait3A_36 = arith.constant 46920 : i32
        %dma_wait3A_37 = arith.constant 0 : i32
        %dma_wait3A_38 = tpu.memref_slice %arg14[%dma_wait3A_36, %dma_wait3A_37] : memref<51200x32xf32, #tpu.memory_space<vmem_shared>> -> memref<3080x32xf32, #tpu.memory_space<vmem_shared>>
        tpu.wait_dma2 semaphore(%run_scoped3A : memref<!tpu.dma_semaphore, #tpu.memory_space<semaphore_mem>>) src(%dma_wait3A_38 : memref<3080x32xf32, #tpu.memory_space<vmem_shared>>) dst(%dma_wait3A_35 : memref<3080x32xf32, #tpu.memory_space<hbm>>)
        tpu.yield
      }) : () -> ()
    } else {
    }
    return
  }
}

#map = affine_map<(d0, d1) -> (0, 0)>
#map1 = affine_map<(d0, d1) -> (0, 0, 0, 0)>
#map2 = affine_map<(d0, d1) -> (0, 0, 0)>
module attributes {stable_mosaic.version = 14 : i64} {
  func.func @_agg(%arg0: i32, %arg1: i32, %arg2: memref<100000x32xf32, #tpu.memory_space<hbm>>, %arg3: memref<2x16x400x128xi32, #tpu.memory_space<hbm>>, %arg4: memref<16x400x128xi32, #tpu.memory_space<hbm>>, %arg5: memref<2x50000x32xf32, #tpu.memory_space<hbm>>, %arg6: memref<10x128xi32, #tpu.memory_space<vmem>>, %arg7: memref<10x128xi32, #tpu.memory_space<vmem>>, %arg8: memref<128x32xf32, #tpu.memory_space<vmem>>, %arg9: memref<128x32xf32, #tpu.memory_space<vmem>>, %arg10: memref<128x32xf32, #tpu.memory_space<vmem>>, %arg11: memref<128x32xf32, #tpu.memory_space<vmem>>, %arg12: memref<128x32xf32, #tpu.memory_space<vmem>>, %arg13: memref<128x32xf32, #tpu.memory_space<vmem>>, %arg14: memref<51200x32xf32, #tpu.memory_space<vmem_shared>>, %arg15: memref<!tpu.dma_semaphore, #tpu.memory_space<semaphore_mem>>, %arg16: memref<!tpu.dma_semaphore, #tpu.memory_space<semaphore_mem>>, %arg17: memref<!tpu.dma_semaphore, #tpu.memory_space<semaphore_mem>>, %arg18: memref<!tpu.dma_semaphore, #tpu.memory_space<semaphore_mem>>, %arg19: memref<!tpu.dma_semaphore, #tpu.memory_space<semaphore_mem>>) attributes {dimension_semantics = [#tpu.dimension_semantics<core_parallel>, #tpu.dimension_semantics<subcore_parallel>], iteration_bounds = array<i64: 2, 16>, scalar_prefetch = 0 : i64, scratch_operands = 14 : i64, tpu.core_type = #tpu.core_type<sc_vector_subcore>, window_params = [{transform_indices = #map}, {transform_indices = #map1}, {transform_indices = #map2}, {transform_indices = #map2}]} {
    %scan3A = arith.constant 0 : i32
    %scan3A_0 = arith.constant 0 : i32
    %scan3A_1 = arith.constant 128 : i32
    %scan3A_2 = arith.addi %scan3A_0, %scan3A_1 : i32
    %scan3A_3 = arith.constant 1 : i32
    %scan3A_4 = scf.for %scan3A_27 = %scan3A_0 to %scan3A_2 step %scan3A_3 iter_args(%scan3A_28 = %scan3A) -> (i32)  : i32 {
      %broadcast_in_dim3A = arith.constant 0.000000e+00 : f32
      %broadcast_in_dim3A_29 = vector.broadcast %broadcast_in_dim3A : f32 to vector<16xf32>
      %swap3A = arith.index_cast %scan3A_27 : i32 to index
      %swap3A_30 = arith.constant 0 : index
      %swap3A_31 = tpu.vector_load %arg13[%swap3A, %swap3A_30] {strides = array<i32>} : memref<128x32xf32, #tpu.memory_space<vmem>>, vector<1x16xf32>,
      %swap3A_32 = vector.shape_cast %swap3A_31 : vector<1x16xf32> to vector<16xf32>
      %swap3A_33 = vector.shape_cast %broadcast_in_dim3A_29 : vector<16xf32> to vector<1x16xf32>
      tpu.vector_store %arg13[%swap3A, %swap3A_30], %swap3A_33 {strides = array<i32>} : memref<128x32xf32, #tpu.memory_space<vmem>>, vector<1x16xf32>,
      %broadcast_in_dim3A_34 = arith.constant 0.000000e+00 : f32
      %broadcast_in_dim3A_35 = vector.broadcast %broadcast_in_dim3A_34 : f32 to vector<16xf32>
      %swap3A_36 = arith.index_cast %scan3A_27 : i32 to index
      %swap3A_37 = arith.constant 16 : index
      %swap3A_38 = tpu.vector_load %arg13[%swap3A_36, %swap3A_37] {strides = array<i32>} : memref<128x32xf32, #tpu.memory_space<vmem>>, vector<1x16xf32>,
      %swap3A_39 = vector.shape_cast %swap3A_38 : vector<1x16xf32> to vector<16xf32>
      %swap3A_40 = vector.shape_cast %broadcast_in_dim3A_35 : vector<16xf32> to vector<1x16xf32>
      tpu.vector_store %arg13[%swap3A_36, %swap3A_37], %swap3A_40 {strides = array<i32>} : memref<128x32xf32, #tpu.memory_space<vmem>>, vector<1x16xf32>,
      %scan3A_41 = arith.constant 0 : i32
      scf.yield %scan3A_41 : i32
    }
    %scan3A_5 = arith.constant 128 : i32
    %scan3A_6 = arith.constant 0 : i32
    %scan3A_7 = arith.constant 0 : i32
    %scan3A_8 = arith.constant 25 : i32
    %scan3A_9 = arith.addi %scan3A_7, %scan3A_8 : i32
    %scan3A_10 = arith.constant 1 : i32
    %scan3A_11 = scf.for %scan3A_27 = %scan3A_7 to %scan3A_9 step %scan3A_10 iter_args(%scan3A_28 = %scan3A_6) -> (i32)  : i32 {
      %mul3A = arith.constant 3200 : i32
      %mul3A_29 = arith.muli %arg1, %mul3A : i32
      %mul3A_30 = arith.constant 128 : i32
      %mul3A_31 = arith.muli %scan3A_27, %mul3A_30 : i32
      %add3A = arith.addi %mul3A_29, %mul3A_31 : i32
      "tpu.region"() ({
        %run_scoped3A = tpu.sem_alloc : memref<!tpu.dma_semaphore, #tpu.memory_space<semaphore_mem>>
        %dma_start3A = arith.constant 0 : i32
        %dma_start3A_33 = tpu.memref_slice %arg14[%add3A, %dma_start3A] : memref<51200x32xf32, #tpu.memory_space<vmem_shared>> -> memref<128x32xf32, #tpu.memory_space<vmem_shared>>
        %dma_start3A_34 = arith.constant 0 : i32
        %dma_start3A_35 = tpu.memref_slice %arg14[%add3A, %dma_start3A_34] : memref<51200x32xf32, #tpu.memory_space<vmem_shared>> -> memref<128x32xf32, #tpu.memory_space<vmem_shared>>
        tpu.enqueue_dma source(%arg13 : memref<128x32xf32, #tpu.memory_space<vmem>>) target(%dma_start3A_35 : memref<128x32xf32, #tpu.memory_space<vmem_shared>>) target_semaphore(%run_scoped3A : memref<!tpu.dma_semaphore, #tpu.memory_space<semaphore_mem>>)
        %dma_wait3A = arith.constant 0 : i32
        %dma_wait3A_36 = tpu.memref_slice %arg14[%add3A, %dma_wait3A] : memref<51200x32xf32, #tpu.memory_space<vmem_shared>> -> memref<128x32xf32, #tpu.memory_space<vmem_shared>>
        %dma_wait3A_37 = arith.constant 0 : i32
        %dma_wait3A_38 = tpu.memref_slice %arg14[%add3A, %dma_wait3A_37] : memref<51200x32xf32, #tpu.memory_space<vmem_shared>> -> memref<128x32xf32, #tpu.memory_space<vmem_shared>>
        tpu.wait_dma2 semaphore(%run_scoped3A : memref<!tpu.dma_semaphore, #tpu.memory_space<semaphore_mem>>) src(%arg13 : memref<128x32xf32, #tpu.memory_space<vmem>>) dst(%dma_wait3A_38 : memref<128x32xf32, #tpu.memory_space<vmem_shared>>)
        tpu.yield
      }) : () -> ()
      %scan3A_32 = arith.constant 0 : i32
      scf.yield %scan3A_32 : i32
    }
    %scan3A_12 = arith.constant 25 : i32
    %barrier3A = arith.constant 0 : index
    tpu.barrier barrier_id(%barrier3A)
    %scan3A_13 = arith.constant 0 : i32
    %scan3A_14 = arith.constant 0 : i32
    %scan3A_15 = arith.constant 40 : i32
    %scan3A_16 = arith.addi %scan3A_14, %scan3A_15 : i32
    %scan3A_17 = arith.constant 1 : i32
    %scan3A_18 = scf.for %scan3A_27 = %scan3A_14 to %scan3A_16 step %scan3A_17 iter_args(%scan3A_28 = %scan3A_13) -> (i32)  : i32 {
      %mul3A = arith.constant 10 : i32
      %mul3A_29 = arith.muli %scan3A_27, %mul3A : i32
      "tpu.region"() ({
        %run_scoped3A = tpu.sem_alloc : memref<!tpu.dma_semaphore, #tpu.memory_space<semaphore_mem>>
        %dma_start3A_311 = arith.constant 0 : i32
        %dma_start3A_312 = tpu.memref_slice %arg3[%arg0, %arg1, %mul3A_29, %dma_start3A_311] : memref<2x16x400x128xi32, #tpu.memory_space<hbm>> -> memref<1x1x10x128xi32, #tpu.memory_space<hbm>>
        %dma_start3A_313 = tpu.memref_squeeze %dma_start3A_312 : memref<1x1x10x128xi32, #tpu.memory_space<hbm>> -> memref<10x128xi32, #tpu.memory_space<hbm>>
        %dma_start3A_314 = arith.constant 0 : i32
        %dma_start3A_315 = tpu.memref_slice %arg3[%arg0, %arg1, %mul3A_29, %dma_start3A_314] : memref<2x16x400x128xi32, #tpu.memory_space<hbm>> -> memref<1x1x10x128xi32, #tpu.memory_space<hbm>>
        %dma_start3A_316 = tpu.memref_squeeze %dma_start3A_315 : memref<1x1x10x128xi32, #tpu.memory_space<hbm>> -> memref<10x128xi32, #tpu.memory_space<hbm>>
        tpu.enqueue_dma source(%dma_start3A_316 : memref<10x128xi32, #tpu.memory_space<hbm>>) target(%arg6 : memref<10x128xi32, #tpu.memory_space<vmem>>) target_semaphore(%run_scoped3A : memref<!tpu.dma_semaphore, #tpu.memory_space<semaphore_mem>>)
        %dma_wait3A_317 = arith.constant 0 : i32
        %dma_wait3A_318 = tpu.memref_slice %arg3[%arg0, %arg1, %mul3A_29, %dma_wait3A_317] : memref<2x16x400x128xi32, #tpu.memory_space<hbm>> -> memref<1x1x10x128xi32, #tpu.memory_space<hbm>>
        %dma_wait3A_319 = tpu.memref_squeeze %dma_wait3A_318 : memref<1x1x10x128xi32, #tpu.memory_space<hbm>> -> memref<10x128xi32, #tpu.memory_space<hbm>>
        %dma_wait3A_320 = arith.constant 0 : i32
        %dma_wait3A_321 = tpu.memref_slice %arg3[%arg0, %arg1, %mul3A_29, %dma_wait3A_320] : memref<2x16x400x128xi32, #tpu.memory_space<hbm>> -> memref<1x1x10x128xi32, #tpu.memory_space<hbm>>
        %dma_wait3A_322 = tpu.memref_squeeze %dma_wait3A_321 : memref<1x1x10x128xi32, #tpu.memory_space<hbm>> -> memref<10x128xi32, #tpu.memory_space<hbm>>
        tpu.wait_dma2 semaphore(%run_scoped3A : memref<!tpu.dma_semaphore, #tpu.memory_space<semaphore_mem>>) src(%dma_wait3A_322 : memref<10x128xi32, #tpu.memory_space<hbm>>) dst(%arg6 : memref<10x128xi32, #tpu.memory_space<vmem>>)
        tpu.yield
      }) : () -> ()
      %mul3A_30 = arith.constant 10 : i32
      %mul3A_31 = arith.muli %scan3A_27, %mul3A_30 : i32
      "tpu.region"() ({
        %run_scoped3A = tpu.sem_alloc : memref<!tpu.dma_semaphore, #tpu.memory_space<semaphore_mem>>
        %dma_start3A_311 = arith.constant 0 : i32
        %dma_start3A_312 = tpu.memref_slice %arg4[%arg1, %mul3A_31, %dma_start3A_311] : memref<16x400x128xi32, #tpu.memory_space<hbm>> -> memref<1x10x128xi32, #tpu.memory_space<hbm>>
        %dma_start3A_313 = tpu.memref_squeeze %dma_start3A_312 : memref<1x10x128xi32, #tpu.memory_space<hbm>> -> memref<10x128xi32, #tpu.memory_space<hbm>>
        %dma_start3A_314 = arith.constant 0 : i32
        %dma_start3A_315 = tpu.memref_slice %arg4[%arg1, %mul3A_31, %dma_start3A_314] : memref<16x400x128xi32, #tpu.memory_space<hbm>> -> memref<1x10x128xi32, #tpu.memory_space<hbm>>
        %dma_start3A_316 = tpu.memref_squeeze %dma_start3A_315 : memref<1x10x128xi32, #tpu.memory_space<hbm>> -> memref<10x128xi32, #tpu.memory_space<hbm>>
        tpu.enqueue_dma source(%dma_start3A_316 : memref<10x128xi32, #tpu.memory_space<hbm>>) target(%arg7 : memref<10x128xi32, #tpu.memory_space<vmem>>) target_semaphore(%run_scoped3A : memref<!tpu.dma_semaphore, #tpu.memory_space<semaphore_mem>>)
        %dma_wait3A_317 = arith.constant 0 : i32
        %dma_wait3A_318 = tpu.memref_slice %arg4[%arg1, %mul3A_31, %dma_wait3A_317] : memref<16x400x128xi32, #tpu.memory_space<hbm>> -> memref<1x10x128xi32, #tpu.memory_space<hbm>>
        %dma_wait3A_319 = tpu.memref_squeeze %dma_wait3A_318 : memref<1x10x128xi32, #tpu.memory_space<hbm>> -> memref<10x128xi32, #tpu.memory_space<hbm>>
        %dma_wait3A_320 = arith.constant 0 : i32
        %dma_wait3A_321 = tpu.memref_slice %arg4[%arg1, %mul3A_31, %dma_wait3A_320] : memref<16x400x128xi32, #tpu.memory_space<hbm>> -> memref<1x10x128xi32, #tpu.memory_space<hbm>>
        %dma_wait3A_322 = tpu.memref_squeeze %dma_wait3A_321 : memref<1x10x128xi32, #tpu.memory_space<hbm>> -> memref<10x128xi32, #tpu.memory_space<hbm>>
        tpu.wait_dma2 semaphore(%run_scoped3A : memref<!tpu.dma_semaphore, #tpu.memory_space<semaphore_mem>>) src(%dma_wait3A_322 : memref<10x128xi32, #tpu.memory_space<hbm>>) dst(%arg7 : memref<10x128xi32, #tpu.memory_space<vmem>>)
        tpu.yield
      }) : () -> ()
      %dma_start3A = arith.constant 0 : i32
      %dma_start3A_32 = arith.constant 0 : i32
      %dma_start3A_33 = tpu.memref_slice %arg6[%dma_start3A, %dma_start3A_32] : memref<10x128xi32, #tpu.memory_space<vmem>> -> memref<1x128xi32, #tpu.memory_space<vmem>>
      %dma_start3A_34 = tpu.memref_squeeze %dma_start3A_33 : memref<1x128xi32, #tpu.memory_space<vmem>> -> memref<128xi32, #tpu.memory_space<vmem>>
      %dma_start3A_35 = arith.constant 0 : i32
      %dma_start3A_36 = arith.constant 0 : i32
      %dma_start3A_37 = tpu.memref_slice %arg2[%dma_start3A_35, %dma_start3A_36] : memref<100000x32xf32, #tpu.memory_space<hbm>> -> memref<100000x32xf32, #tpu.memory_space<hbm>>
      tpu.enqueue_indirect_dma source(%dma_start3A_37 : memref<100000x32xf32, #tpu.memory_space<hbm>>) target(%arg8 : memref<128x32xf32, #tpu.memory_space<vmem>>) offsets(%dma_start3A_34 : memref<128xi32, #tpu.memory_space<vmem>>) semaphore(%arg15 : memref<!tpu.dma_semaphore, #tpu.memory_space<semaphore_mem>>)
      %dma_start3A_38 = arith.constant 1 : i32
      %dma_start3A_39 = arith.constant 0 : i32
      %dma_start3A_40 = tpu.memref_slice %arg6[%dma_start3A_38, %dma_start3A_39] : memref<10x128xi32, #tpu.memory_space<vmem>> -> memref<1x128xi32, #tpu.memory_space<vmem>>
      %dma_start3A_41 = tpu.memref_squeeze %dma_start3A_40 : memref<1x128xi32, #tpu.memory_space<vmem>> -> memref<128xi32, #tpu.memory_space<vmem>>
      %dma_start3A_42 = arith.constant 0 : i32
      %dma_start3A_43 = arith.constant 0 : i32
      %dma_start3A_44 = tpu.memref_slice %arg2[%dma_start3A_42, %dma_start3A_43] : memref<100000x32xf32, #tpu.memory_space<hbm>> -> memref<100000x32xf32, #tpu.memory_space<hbm>>
      tpu.enqueue_indirect_dma source(%dma_start3A_44 : memref<100000x32xf32, #tpu.memory_space<hbm>>) target(%arg9 : memref<128x32xf32, #tpu.memory_space<vmem>>) offsets(%dma_start3A_41 : memref<128xi32, #tpu.memory_space<vmem>>) semaphore(%arg16 : memref<!tpu.dma_semaphore, #tpu.memory_space<semaphore_mem>>)
      %dma_start3A_45 = arith.constant 2 : i32
      %dma_start3A_46 = arith.constant 0 : i32
      %dma_start3A_47 = tpu.memref_slice %arg6[%dma_start3A_45, %dma_start3A_46] : memref<10x128xi32, #tpu.memory_space<vmem>> -> memref<1x128xi32, #tpu.memory_space<vmem>>
      %dma_start3A_48 = tpu.memref_squeeze %dma_start3A_47 : memref<1x128xi32, #tpu.memory_space<vmem>> -> memref<128xi32, #tpu.memory_space<vmem>>
      %dma_start3A_49 = arith.constant 0 : i32
      %dma_start3A_50 = arith.constant 0 : i32
      %dma_start3A_51 = tpu.memref_slice %arg2[%dma_start3A_49, %dma_start3A_50] : memref<100000x32xf32, #tpu.memory_space<hbm>> -> memref<100000x32xf32, #tpu.memory_space<hbm>>
      tpu.enqueue_indirect_dma source(%dma_start3A_51 : memref<100000x32xf32, #tpu.memory_space<hbm>>) target(%arg10 : memref<128x32xf32, #tpu.memory_space<vmem>>) offsets(%dma_start3A_48 : memref<128xi32, #tpu.memory_space<vmem>>) semaphore(%arg17 : memref<!tpu.dma_semaphore, #tpu.memory_space<semaphore_mem>>)
      %dma_wait3A = arith.constant 0 : i32
      %dma_wait3A_52 = arith.constant 0 : i32
      %dma_wait3A_53 = tpu.memref_slice %arg6[%dma_wait3A, %dma_wait3A_52] : memref<10x128xi32, #tpu.memory_space<vmem>> -> memref<1x128xi32, #tpu.memory_space<vmem>>
      %dma_wait3A_54 = tpu.memref_squeeze %dma_wait3A_53 : memref<1x128xi32, #tpu.memory_space<vmem>> -> memref<128xi32, #tpu.memory_space<vmem>>
      %dma_wait3A_55 = arith.constant 0 : i32
      %dma_wait3A_56 = arith.constant 0 : i32
      %dma_wait3A_57 = tpu.memref_slice %arg2[%dma_wait3A_55, %dma_wait3A_56] : memref<100000x32xf32, #tpu.memory_space<hbm>> -> memref<100000x32xf32, #tpu.memory_space<hbm>>
      tpu.wait_indirect_dma semaphore(%arg15 : memref<!tpu.dma_semaphore, #tpu.memory_space<semaphore_mem>>) src(%dma_wait3A_57 : memref<100000x32xf32, #tpu.memory_space<hbm>>) dst(%arg8 : memref<128x32xf32, #tpu.memory_space<vmem>>)
      %dma_start3A_58 = arith.constant 3 : i32
      %dma_start3A_59 = arith.constant 0 : i32
      %dma_start3A_60 = tpu.memref_slice %arg6[%dma_start3A_58, %dma_start3A_59] : memref<10x128xi32, #tpu.memory_space<vmem>> -> memref<1x128xi32, #tpu.memory_space<vmem>>
      %dma_start3A_61 = tpu.memref_squeeze %dma_start3A_60 : memref<1x128xi32, #tpu.memory_space<vmem>> -> memref<128xi32, #tpu.memory_space<vmem>>
      %dma_start3A_62 = arith.constant 0 : i32
      %dma_start3A_63 = arith.constant 0 : i32
      %dma_start3A_64 = tpu.memref_slice %arg2[%dma_start3A_62, %dma_start3A_63] : memref<100000x32xf32, #tpu.memory_space<hbm>> -> memref<100000x32xf32, #tpu.memory_space<hbm>>
      tpu.enqueue_indirect_dma source(%dma_start3A_64 : memref<100000x32xf32, #tpu.memory_space<hbm>>) target(%arg11 : memref<128x32xf32, #tpu.memory_space<vmem>>) offsets(%dma_start3A_61 : memref<128xi32, #tpu.memory_space<vmem>>) semaphore(%arg15 : memref<!tpu.dma_semaphore, #tpu.memory_space<semaphore_mem>>)
      %dma_start3A_65 = arith.constant 0 : i32
      %dma_start3A_66 = arith.constant 0 : i32
      %dma_start3A_67 = tpu.memref_slice %arg7[%dma_start3A_65, %dma_start3A_66] : memref<10x128xi32, #tpu.memory_space<vmem>> -> memref<1x128xi32, #tpu.memory_space<vmem>>
      %dma_start3A_68 = tpu.memref_squeeze %dma_start3A_67 : memref<1x128xi32, #tpu.memory_space<vmem>> -> memref<128xi32, #tpu.memory_space<vmem>>
      %dma_start3A_69 = arith.constant 0 : i32
      %dma_start3A_70 = arith.constant 0 : i32
      %dma_start3A_71 = tpu.memref_slice %arg14[%dma_start3A_69, %dma_start3A_70] : memref<51200x32xf32, #tpu.memory_space<vmem_shared>> -> memref<51200x32xf32, #tpu.memory_space<vmem_shared>>
      tpu.enqueue_indirect_dma source(%arg8 : memref<128x32xf32, #tpu.memory_space<vmem>>) target(%dma_start3A_71 : memref<51200x32xf32, #tpu.memory_space<vmem_shared>>) offsets(%dma_start3A_68 : memref<128xi32, #tpu.memory_space<vmem>>) semaphore(%arg18 : memref<!tpu.dma_semaphore, #tpu.memory_space<semaphore_mem>>) {add = true}
      %dma_wait3A_72 = arith.constant 1 : i32
      %dma_wait3A_73 = arith.constant 0 : i32
      %dma_wait3A_74 = tpu.memref_slice %arg6[%dma_wait3A_72, %dma_wait3A_73] : memref<10x128xi32, #tpu.memory_space<vmem>> -> memref<1x128xi32, #tpu.memory_space<vmem>>
      %dma_wait3A_75 = tpu.memref_squeeze %dma_wait3A_74 : memref<1x128xi32, #tpu.memory_space<vmem>> -> memref<128xi32, #tpu.memory_space<vmem>>
      %dma_wait3A_76 = arith.constant 0 : i32
      %dma_wait3A_77 = arith.constant 0 : i32
      %dma_wait3A_78 = tpu.memref_slice %arg2[%dma_wait3A_76, %dma_wait3A_77] : memref<100000x32xf32, #tpu.memory_space<hbm>> -> memref<100000x32xf32, #tpu.memory_space<hbm>>
      tpu.wait_indirect_dma semaphore(%arg16 : memref<!tpu.dma_semaphore, #tpu.memory_space<semaphore_mem>>) src(%dma_wait3A_78 : memref<100000x32xf32, #tpu.memory_space<hbm>>) dst(%arg9 : memref<128x32xf32, #tpu.memory_space<vmem>>)
      %dma_start3A_79 = arith.constant 4 : i32
      %dma_start3A_80 = arith.constant 0 : i32
      %dma_start3A_81 = tpu.memref_slice %arg6[%dma_start3A_79, %dma_start3A_80] : memref<10x128xi32, #tpu.memory_space<vmem>> -> memref<1x128xi32, #tpu.memory_space<vmem>>
      %dma_start3A_82 = tpu.memref_squeeze %dma_start3A_81 : memref<1x128xi32, #tpu.memory_space<vmem>> -> memref<128xi32, #tpu.memory_space<vmem>>
      %dma_start3A_83 = arith.constant 0 : i32
      %dma_start3A_84 = arith.constant 0 : i32
      %dma_start3A_85 = tpu.memref_slice %arg2[%dma_start3A_83, %dma_start3A_84] : memref<100000x32xf32, #tpu.memory_space<hbm>> -> memref<100000x32xf32, #tpu.memory_space<hbm>>
      tpu.enqueue_indirect_dma source(%dma_start3A_85 : memref<100000x32xf32, #tpu.memory_space<hbm>>) target(%arg12 : memref<128x32xf32, #tpu.memory_space<vmem>>) offsets(%dma_start3A_82 : memref<128xi32, #tpu.memory_space<vmem>>) semaphore(%arg16 : memref<!tpu.dma_semaphore, #tpu.memory_space<semaphore_mem>>)
      %dma_start3A_86 = arith.constant 1 : i32
      %dma_start3A_87 = arith.constant 0 : i32
      %dma_start3A_88 = tpu.memref_slice %arg7[%dma_start3A_86, %dma_start3A_87] : memref<10x128xi32, #tpu.memory_space<vmem>> -> memref<1x128xi32, #tpu.memory_space<vmem>>
      %dma_start3A_89 = tpu.memref_squeeze %dma_start3A_88 : memref<1x128xi32, #tpu.memory_space<vmem>> -> memref<128xi32, #tpu.memory_space<vmem>>
      %dma_start3A_90 = arith.constant 0 : i32
      %dma_start3A_91 = arith.constant 0 : i32
      %dma_start3A_92 = tpu.memref_slice %arg14[%dma_start3A_90, %dma_start3A_91] : memref<51200x32xf32, #tpu.memory_space<vmem_shared>> -> memref<51200x32xf32, #tpu.memory_space<vmem_shared>>
      tpu.enqueue_indirect_dma source(%arg9 : memref<128x32xf32, #tpu.memory_space<vmem>>) target(%dma_start3A_92 : memref<51200x32xf32, #tpu.memory_space<vmem_shared>>) offsets(%dma_start3A_89 : memref<128xi32, #tpu.memory_space<vmem>>) semaphore(%arg19 : memref<!tpu.dma_semaphore, #tpu.memory_space<semaphore_mem>>) {add = true}
      %dma_wait3A_93 = arith.constant 2 : i32
      %dma_wait3A_94 = arith.constant 0 : i32
      %dma_wait3A_95 = tpu.memref_slice %arg6[%dma_wait3A_93, %dma_wait3A_94] : memref<10x128xi32, #tpu.memory_space<vmem>> -> memref<1x128xi32, #tpu.memory_space<vmem>>
      %dma_wait3A_96 = tpu.memref_squeeze %dma_wait3A_95 : memref<1x128xi32, #tpu.memory_space<vmem>> -> memref<128xi32, #tpu.memory_space<vmem>>
      %dma_wait3A_97 = arith.constant 0 : i32
      %dma_wait3A_98 = arith.constant 0 : i32
      %dma_wait3A_99 = tpu.memref_slice %arg2[%dma_wait3A_97, %dma_wait3A_98] : memref<100000x32xf32, #tpu.memory_space<hbm>> -> memref<100000x32xf32, #tpu.memory_space<hbm>>
      tpu.wait_indirect_dma semaphore(%arg17 : memref<!tpu.dma_semaphore, #tpu.memory_space<semaphore_mem>>) src(%dma_wait3A_99 : memref<100000x32xf32, #tpu.memory_space<hbm>>) dst(%arg10 : memref<128x32xf32, #tpu.memory_space<vmem>>)
      %dma_wait3A_100 = arith.constant 0 : i32
      %dma_wait3A_101 = arith.constant 0 : i32
      %dma_wait3A_102 = tpu.memref_slice %arg7[%dma_wait3A_100, %dma_wait3A_101] : memref<10x128xi32, #tpu.memory_space<vmem>> -> memref<1x128xi32, #tpu.memory_space<vmem>>
      %dma_wait3A_103 = tpu.memref_squeeze %dma_wait3A_102 : memref<1x128xi32, #tpu.memory_space<vmem>> -> memref<128xi32, #tpu.memory_space<vmem>>
      %dma_wait3A_104 = arith.constant 0 : i32
      %dma_wait3A_105 = arith.constant 0 : i32
      %dma_wait3A_106 = tpu.memref_slice %arg14[%dma_wait3A_104, %dma_wait3A_105] : memref<51200x32xf32, #tpu.memory_space<vmem_shared>> -> memref<51200x32xf32, #tpu.memory_space<vmem_shared>>
      tpu.wait_indirect_dma semaphore(%arg18 : memref<!tpu.dma_semaphore, #tpu.memory_space<semaphore_mem>>) src(%arg8 : memref<128x32xf32, #tpu.memory_space<vmem>>) dst(%dma_wait3A_106 : memref<51200x32xf32, #tpu.memory_space<vmem_shared>>)
      %dma_start3A_107 = arith.constant 5 : i32
      %dma_start3A_108 = arith.constant 0 : i32
      %dma_start3A_109 = tpu.memref_slice %arg6[%dma_start3A_107, %dma_start3A_108] : memref<10x128xi32, #tpu.memory_space<vmem>> -> memref<1x128xi32, #tpu.memory_space<vmem>>
      %dma_start3A_110 = tpu.memref_squeeze %dma_start3A_109 : memref<1x128xi32, #tpu.memory_space<vmem>> -> memref<128xi32, #tpu.memory_space<vmem>>
      %dma_start3A_111 = arith.constant 0 : i32
      %dma_start3A_112 = arith.constant 0 : i32
      %dma_start3A_113 = tpu.memref_slice %arg2[%dma_start3A_111, %dma_start3A_112] : memref<100000x32xf32, #tpu.memory_space<hbm>> -> memref<100000x32xf32, #tpu.memory_space<hbm>>
      tpu.enqueue_indirect_dma source(%dma_start3A_113 : memref<100000x32xf32, #tpu.memory_space<hbm>>) target(%arg8 : memref<128x32xf32, #tpu.memory_space<vmem>>) offsets(%dma_start3A_110 : memref<128xi32, #tpu.memory_space<vmem>>) semaphore(%arg17 : memref<!tpu.dma_semaphore, #tpu.memory_space<semaphore_mem>>)
      %dma_start3A_114 = arith.constant 2 : i32
      %dma_start3A_115 = arith.constant 0 : i32
      %dma_start3A_116 = tpu.memref_slice %arg7[%dma_start3A_114, %dma_start3A_115] : memref<10x128xi32, #tpu.memory_space<vmem>> -> memref<1x128xi32, #tpu.memory_space<vmem>>
      %dma_start3A_117 = tpu.memref_squeeze %dma_start3A_116 : memref<1x128xi32, #tpu.memory_space<vmem>> -> memref<128xi32, #tpu.memory_space<vmem>>
      %dma_start3A_118 = arith.constant 0 : i32
      %dma_start3A_119 = arith.constant 0 : i32
      %dma_start3A_120 = tpu.memref_slice %arg14[%dma_start3A_118, %dma_start3A_119] : memref<51200x32xf32, #tpu.memory_space<vmem_shared>> -> memref<51200x32xf32, #tpu.memory_space<vmem_shared>>
      tpu.enqueue_indirect_dma source(%arg10 : memref<128x32xf32, #tpu.memory_space<vmem>>) target(%dma_start3A_120 : memref<51200x32xf32, #tpu.memory_space<vmem_shared>>) offsets(%dma_start3A_117 : memref<128xi32, #tpu.memory_space<vmem>>) semaphore(%arg18 : memref<!tpu.dma_semaphore, #tpu.memory_space<semaphore_mem>>) {add = true}
      %dma_wait3A_121 = arith.constant 3 : i32
      %dma_wait3A_122 = arith.constant 0 : i32
      %dma_wait3A_123 = tpu.memref_slice %arg6[%dma_wait3A_121, %dma_wait3A_122] : memref<10x128xi32, #tpu.memory_space<vmem>> -> memref<1x128xi32, #tpu.memory_space<vmem>>
      %dma_wait3A_124 = tpu.memref_squeeze %dma_wait3A_123 : memref<1x128xi32, #tpu.memory_space<vmem>> -> memref<128xi32, #tpu.memory_space<vmem>>
      %dma_wait3A_125 = arith.constant 0 : i32
      %dma_wait3A_126 = arith.constant 0 : i32
      %dma_wait3A_127 = tpu.memref_slice %arg2[%dma_wait3A_125, %dma_wait3A_126] : memref<100000x32xf32, #tpu.memory_space<hbm>> -> memref<100000x32xf32, #tpu.memory_space<hbm>>
      tpu.wait_indirect_dma semaphore(%arg15 : memref<!tpu.dma_semaphore, #tpu.memory_space<semaphore_mem>>) src(%dma_wait3A_127 : memref<100000x32xf32, #tpu.memory_space<hbm>>) dst(%arg11 : memref<128x32xf32, #tpu.memory_space<vmem>>)
      %dma_wait3A_128 = arith.constant 1 : i32
      %dma_wait3A_129 = arith.constant 0 : i32
      %dma_wait3A_130 = tpu.memref_slice %arg7[%dma_wait3A_128, %dma_wait3A_129] : memref<10x128xi32, #tpu.memory_space<vmem>> -> memref<1x128xi32, #tpu.memory_space<vmem>>
      %dma_wait3A_131 = tpu.memref_squeeze %dma_wait3A_130 : memref<1x128xi32, #tpu.memory_space<vmem>> -> memref<128xi32, #tpu.memory_space<vmem>>
      %dma_wait3A_132 = arith.constant 0 : i32
      %dma_wait3A_133 = arith.constant 0 : i32
      %dma_wait3A_134 = tpu.memref_slice %arg14[%dma_wait3A_132, %dma_wait3A_133] : memref<51200x32xf32, #tpu.memory_space<vmem_shared>> -> memref<51200x32xf32, #tpu.memory_space<vmem_shared>>
      tpu.wait_indirect_dma semaphore(%arg19 : memref<!tpu.dma_semaphore, #tpu.memory_space<semaphore_mem>>) src(%arg9 : memref<128x32xf32, #tpu.memory_space<vmem>>) dst(%dma_wait3A_134 : memref<51200x32xf32, #tpu.memory_space<vmem_shared>>)
      %dma_start3A_135 = arith.constant 6 : i32
      %dma_start3A_136 = arith.constant 0 : i32
      %dma_start3A_137 = tpu.memref_slice %arg6[%dma_start3A_135, %dma_start3A_136] : memref<10x128xi32, #tpu.memory_space<vmem>> -> memref<1x128xi32, #tpu.memory_space<vmem>>
      %dma_start3A_138 = tpu.memref_squeeze %dma_start3A_137 : memref<1x128xi32, #tpu.memory_space<vmem>> -> memref<128xi32, #tpu.memory_space<vmem>>
      %dma_start3A_139 = arith.constant 0 : i32
      %dma_start3A_140 = arith.constant 0 : i32
      %dma_start3A_141 = tpu.memref_slice %arg2[%dma_start3A_139, %dma_start3A_140] : memref<100000x32xf32, #tpu.memory_space<hbm>> -> memref<100000x32xf32, #tpu.memory_space<hbm>>
      tpu.enqueue_indirect_dma source(%dma_start3A_141 : memref<100000x32xf32, #tpu.memory_space<hbm>>) target(%arg9 : memref<128x32xf32, #tpu.memory_space<vmem>>) offsets(%dma_start3A_138 : memref<128xi32, #tpu.memory_space<vmem>>) semaphore(%arg15 : memref<!tpu.dma_semaphore, #tpu.memory_space<semaphore_mem>>)
      %dma_start3A_142 = arith.constant 3 : i32
      %dma_start3A_143 = arith.constant 0 : i32
      %dma_start3A_144 = tpu.memref_slice %arg7[%dma_start3A_142, %dma_start3A_143] : memref<10x128xi32, #tpu.memory_space<vmem>> -> memref<1x128xi32, #tpu.memory_space<vmem>>
      %dma_start3A_145 = tpu.memref_squeeze %dma_start3A_144 : memref<1x128xi32, #tpu.memory_space<vmem>> -> memref<128xi32, #tpu.memory_space<vmem>>
      %dma_start3A_146 = arith.constant 0 : i32
      %dma_start3A_147 = arith.constant 0 : i32
      %dma_start3A_148 = tpu.memref_slice %arg14[%dma_start3A_146, %dma_start3A_147] : memref<51200x32xf32, #tpu.memory_space<vmem_shared>> -> memref<51200x32xf32, #tpu.memory_space<vmem_shared>>
      tpu.enqueue_indirect_dma source(%arg11 : memref<128x32xf32, #tpu.memory_space<vmem>>) target(%dma_start3A_148 : memref<51200x32xf32, #tpu.memory_space<vmem_shared>>) offsets(%dma_start3A_145 : memref<128xi32, #tpu.memory_space<vmem>>) semaphore(%arg19 : memref<!tpu.dma_semaphore, #tpu.memory_space<semaphore_mem>>) {add = true}
      %dma_wait3A_149 = arith.constant 4 : i32
      %dma_wait3A_150 = arith.constant 0 : i32
      %dma_wait3A_151 = tpu.memref_slice %arg6[%dma_wait3A_149, %dma_wait3A_150] : memref<10x128xi32, #tpu.memory_space<vmem>> -> memref<1x128xi32, #tpu.memory_space<vmem>>
      %dma_wait3A_152 = tpu.memref_squeeze %dma_wait3A_151 : memref<1x128xi32, #tpu.memory_space<vmem>> -> memref<128xi32, #tpu.memory_space<vmem>>
      %dma_wait3A_153 = arith.constant 0 : i32
      %dma_wait3A_154 = arith.constant 0 : i32
      %dma_wait3A_155 = tpu.memref_slice %arg2[%dma_wait3A_153, %dma_wait3A_154] : memref<100000x32xf32, #tpu.memory_space<hbm>> -> memref<100000x32xf32, #tpu.memory_space<hbm>>
      tpu.wait_indirect_dma semaphore(%arg16 : memref<!tpu.dma_semaphore, #tpu.memory_space<semaphore_mem>>) src(%dma_wait3A_155 : memref<100000x32xf32, #tpu.memory_space<hbm>>) dst(%arg12 : memref<128x32xf32, #tpu.memory_space<vmem>>)
      %dma_wait3A_156 = arith.constant 2 : i32
      %dma_wait3A_157 = arith.constant 0 : i32
      %dma_wait3A_158 = tpu.memref_slice %arg7[%dma_wait3A_156, %dma_wait3A_157] : memref<10x128xi32, #tpu.memory_space<vmem>> -> memref<1x128xi32, #tpu.memory_space<vmem>>
      %dma_wait3A_159 = tpu.memref_squeeze %dma_wait3A_158 : memref<1x128xi32, #tpu.memory_space<vmem>> -> memref<128xi32, #tpu.memory_space<vmem>>
      %dma_wait3A_160 = arith.constant 0 : i32
      %dma_wait3A_161 = arith.constant 0 : i32
      %dma_wait3A_162 = tpu.memref_slice %arg14[%dma_wait3A_160, %dma_wait3A_161] : memref<51200x32xf32, #tpu.memory_space<vmem_shared>> -> memref<51200x32xf32, #tpu.memory_space<vmem_shared>>
      tpu.wait_indirect_dma semaphore(%arg18 : memref<!tpu.dma_semaphore, #tpu.memory_space<semaphore_mem>>) src(%arg10 : memref<128x32xf32, #tpu.memory_space<vmem>>) dst(%dma_wait3A_162 : memref<51200x32xf32, #tpu.memory_space<vmem_shared>>)
      %dma_start3A_163 = arith.constant 7 : i32
      %dma_start3A_164 = arith.constant 0 : i32
      %dma_start3A_165 = tpu.memref_slice %arg6[%dma_start3A_163, %dma_start3A_164] : memref<10x128xi32, #tpu.memory_space<vmem>> -> memref<1x128xi32, #tpu.memory_space<vmem>>
      %dma_start3A_166 = tpu.memref_squeeze %dma_start3A_165 : memref<1x128xi32, #tpu.memory_space<vmem>> -> memref<128xi32, #tpu.memory_space<vmem>>
      %dma_start3A_167 = arith.constant 0 : i32
      %dma_start3A_168 = arith.constant 0 : i32
      %dma_start3A_169 = tpu.memref_slice %arg2[%dma_start3A_167, %dma_start3A_168] : memref<100000x32xf32, #tpu.memory_space<hbm>> -> memref<100000x32xf32, #tpu.memory_space<hbm>>
      tpu.enqueue_indirect_dma source(%dma_start3A_169 : memref<100000x32xf32, #tpu.memory_space<hbm>>) target(%arg10 : memref<128x32xf32, #tpu.memory_space<vmem>>) offsets(%dma_start3A_166 : memref<128xi32, #tpu.memory_space<vmem>>) semaphore(%arg16 : memref<!tpu.dma_semaphore, #tpu.memory_space<semaphore_mem>>)
      %dma_start3A_170 = arith.constant 4 : i32
      %dma_start3A_171 = arith.constant 0 : i32
      %dma_start3A_172 = tpu.memref_slice %arg7[%dma_start3A_170, %dma_start3A_171] : memref<10x128xi32, #tpu.memory_space<vmem>> -> memref<1x128xi32, #tpu.memory_space<vmem>>
      %dma_start3A_173 = tpu.memref_squeeze %dma_start3A_172 : memref<1x128xi32, #tpu.memory_space<vmem>> -> memref<128xi32, #tpu.memory_space<vmem>>
      %dma_start3A_174 = arith.constant 0 : i32
      %dma_start3A_175 = arith.constant 0 : i32
      %dma_start3A_176 = tpu.memref_slice %arg14[%dma_start3A_174, %dma_start3A_175] : memref<51200x32xf32, #tpu.memory_space<vmem_shared>> -> memref<51200x32xf32, #tpu.memory_space<vmem_shared>>
      tpu.enqueue_indirect_dma source(%arg12 : memref<128x32xf32, #tpu.memory_space<vmem>>) target(%dma_start3A_176 : memref<51200x32xf32, #tpu.memory_space<vmem_shared>>) offsets(%dma_start3A_173 : memref<128xi32, #tpu.memory_space<vmem>>) semaphore(%arg18 : memref<!tpu.dma_semaphore, #tpu.memory_space<semaphore_mem>>) {add = true}
      %dma_wait3A_177 = arith.constant 5 : i32
      %dma_wait3A_178 = arith.constant 0 : i32
      %dma_wait3A_179 = tpu.memref_slice %arg6[%dma_wait3A_177, %dma_wait3A_178] : memref<10x128xi32, #tpu.memory_space<vmem>> -> memref<1x128xi32, #tpu.memory_space<vmem>>
      %dma_wait3A_180 = tpu.memref_squeeze %dma_wait3A_179 : memref<1x128xi32, #tpu.memory_space<vmem>> -> memref<128xi32, #tpu.memory_space<vmem>>
      %dma_wait3A_181 = arith.constant 0 : i32
      %dma_wait3A_182 = arith.constant 0 : i32
      %dma_wait3A_183 = tpu.memref_slice %arg2[%dma_wait3A_181, %dma_wait3A_182] : memref<100000x32xf32, #tpu.memory_space<hbm>> -> memref<100000x32xf32, #tpu.memory_space<hbm>>
      tpu.wait_indirect_dma semaphore(%arg17 : memref<!tpu.dma_semaphore, #tpu.memory_space<semaphore_mem>>) src(%dma_wait3A_183 : memref<100000x32xf32, #tpu.memory_space<hbm>>) dst(%arg8 : memref<128x32xf32, #tpu.memory_space<vmem>>)
      %dma_wait3A_184 = arith.constant 3 : i32
      %dma_wait3A_185 = arith.constant 0 : i32
      %dma_wait3A_186 = tpu.memref_slice %arg7[%dma_wait3A_184, %dma_wait3A_185] : memref<10x128xi32, #tpu.memory_space<vmem>> -> memref<1x128xi32, #tpu.memory_space<vmem>>
      %dma_wait3A_187 = tpu.memref_squeeze %dma_wait3A_186 : memref<1x128xi32, #tpu.memory_space<vmem>> -> memref<128xi32, #tpu.memory_space<vmem>>
      %dma_wait3A_188 = arith.constant 0 : i32
      %dma_wait3A_189 = arith.constant 0 : i32
      %dma_wait3A_190 = tpu.memref_slice %arg14[%dma_wait3A_188, %dma_wait3A_189] : memref<51200x32xf32, #tpu.memory_space<vmem_shared>> -> memref<51200x32xf32, #tpu.memory_space<vmem_shared>>
      tpu.wait_indirect_dma semaphore(%arg19 : memref<!tpu.dma_semaphore, #tpu.memory_space<semaphore_mem>>) src(%arg11 : memref<128x32xf32, #tpu.memory_space<vmem>>) dst(%dma_wait3A_190 : memref<51200x32xf32, #tpu.memory_space<vmem_shared>>)
      %dma_start3A_191 = arith.constant 8 : i32
      %dma_start3A_192 = arith.constant 0 : i32
      %dma_start3A_193 = tpu.memref_slice %arg6[%dma_start3A_191, %dma_start3A_192] : memref<10x128xi32, #tpu.memory_space<vmem>> -> memref<1x128xi32, #tpu.memory_space<vmem>>
      %dma_start3A_194 = tpu.memref_squeeze %dma_start3A_193 : memref<1x128xi32, #tpu.memory_space<vmem>> -> memref<128xi32, #tpu.memory_space<vmem>>
      %dma_start3A_195 = arith.constant 0 : i32
      %dma_start3A_196 = arith.constant 0 : i32
      %dma_start3A_197 = tpu.memref_slice %arg2[%dma_start3A_195, %dma_start3A_196] : memref<100000x32xf32, #tpu.memory_space<hbm>> -> memref<100000x32xf32, #tpu.memory_space<hbm>>
      tpu.enqueue_indirect_dma source(%dma_start3A_197 : memref<100000x32xf32, #tpu.memory_space<hbm>>) target(%arg11 : memref<128x32xf32, #tpu.memory_space<vmem>>) offsets(%dma_start3A_194 : memref<128xi32, #tpu.memory_space<vmem>>) semaphore(%arg17 : memref<!tpu.dma_semaphore, #tpu.memory_space<semaphore_mem>>)
      %dma_start3A_198 = arith.constant 5 : i32
      %dma_start3A_199 = arith.constant 0 : i32
      %dma_start3A_200 = tpu.memref_slice %arg7[%dma_start3A_198, %dma_start3A_199] : memref<10x128xi32, #tpu.memory_space<vmem>> -> memref<1x128xi32, #tpu.memory_space<vmem>>
      %dma_start3A_201 = tpu.memref_squeeze %dma_start3A_200 : memref<1x128xi32, #tpu.memory_space<vmem>> -> memref<128xi32, #tpu.memory_space<vmem>>
      %dma_start3A_202 = arith.constant 0 : i32
      %dma_start3A_203 = arith.constant 0 : i32
      %dma_start3A_204 = tpu.memref_slice %arg14[%dma_start3A_202, %dma_start3A_203] : memref<51200x32xf32, #tpu.memory_space<vmem_shared>> -> memref<51200x32xf32, #tpu.memory_space<vmem_shared>>
      tpu.enqueue_indirect_dma source(%arg8 : memref<128x32xf32, #tpu.memory_space<vmem>>) target(%dma_start3A_204 : memref<51200x32xf32, #tpu.memory_space<vmem_shared>>) offsets(%dma_start3A_201 : memref<128xi32, #tpu.memory_space<vmem>>) semaphore(%arg19 : memref<!tpu.dma_semaphore, #tpu.memory_space<semaphore_mem>>) {add = true}
      %dma_wait3A_205 = arith.constant 6 : i32
      %dma_wait3A_206 = arith.constant 0 : i32
      %dma_wait3A_207 = tpu.memref_slice %arg6[%dma_wait3A_205, %dma_wait3A_206] : memref<10x128xi32, #tpu.memory_space<vmem>> -> memref<1x128xi32, #tpu.memory_space<vmem>>
      %dma_wait3A_208 = tpu.memref_squeeze %dma_wait3A_207 : memref<1x128xi32, #tpu.memory_space<vmem>> -> memref<128xi32, #tpu.memory_space<vmem>>
      %dma_wait3A_209 = arith.constant 0 : i32
      %dma_wait3A_210 = arith.constant 0 : i32
      %dma_wait3A_211 = tpu.memref_slice %arg2[%dma_wait3A_209, %dma_wait3A_210] : memref<100000x32xf32, #tpu.memory_space<hbm>> -> memref<100000x32xf32, #tpu.memory_space<hbm>>
      tpu.wait_indirect_dma semaphore(%arg15 : memref<!tpu.dma_semaphore, #tpu.memory_space<semaphore_mem>>) src(%dma_wait3A_211 : memref<100000x32xf32, #tpu.memory_space<hbm>>) dst(%arg9 : memref<128x32xf32, #tpu.memory_space<vmem>>)
      %dma_wait3A_212 = arith.constant 4 : i32
      %dma_wait3A_213 = arith.constant 0 : i32
      %dma_wait3A_214 = tpu.memref_slice %arg7[%dma_wait3A_212, %dma_wait3A_213] : memref<10x128xi32, #tpu.memory_space<vmem>> -> memref<1x128xi32, #tpu.memory_space<vmem>>
      %dma_wait3A_215 = tpu.memref_squeeze %dma_wait3A_214 : memref<1x128xi32, #tpu.memory_space<vmem>> -> memref<128xi32, #tpu.memory_space<vmem>>
      %dma_wait3A_216 = arith.constant 0 : i32
      %dma_wait3A_217 = arith.constant 0 : i32
      %dma_wait3A_218 = tpu.memref_slice %arg14[%dma_wait3A_216, %dma_wait3A_217] : memref<51200x32xf32, #tpu.memory_space<vmem_shared>> -> memref<51200x32xf32, #tpu.memory_space<vmem_shared>>
      tpu.wait_indirect_dma semaphore(%arg18 : memref<!tpu.dma_semaphore, #tpu.memory_space<semaphore_mem>>) src(%arg12 : memref<128x32xf32, #tpu.memory_space<vmem>>) dst(%dma_wait3A_218 : memref<51200x32xf32, #tpu.memory_space<vmem_shared>>)
      %dma_start3A_219 = arith.constant 9 : i32
      %dma_start3A_220 = arith.constant 0 : i32
      %dma_start3A_221 = tpu.memref_slice %arg6[%dma_start3A_219, %dma_start3A_220] : memref<10x128xi32, #tpu.memory_space<vmem>> -> memref<1x128xi32, #tpu.memory_space<vmem>>
      %dma_start3A_222 = tpu.memref_squeeze %dma_start3A_221 : memref<1x128xi32, #tpu.memory_space<vmem>> -> memref<128xi32, #tpu.memory_space<vmem>>
      %dma_start3A_223 = arith.constant 0 : i32
      %dma_start3A_224 = arith.constant 0 : i32
      %dma_start3A_225 = tpu.memref_slice %arg2[%dma_start3A_223, %dma_start3A_224] : memref<100000x32xf32, #tpu.memory_space<hbm>> -> memref<100000x32xf32, #tpu.memory_space<hbm>>
      tpu.enqueue_indirect_dma source(%dma_start3A_225 : memref<100000x32xf32, #tpu.memory_space<hbm>>) target(%arg12 : memref<128x32xf32, #tpu.memory_space<vmem>>) offsets(%dma_start3A_222 : memref<128xi32, #tpu.memory_space<vmem>>) semaphore(%arg15 : memref<!tpu.dma_semaphore, #tpu.memory_space<semaphore_mem>>)
      %dma_start3A_226 = arith.constant 6 : i32
      %dma_start3A_227 = arith.constant 0 : i32
      %dma_start3A_228 = tpu.memref_slice %arg7[%dma_start3A_226, %dma_start3A_227] : memref<10x128xi32, #tpu.memory_space<vmem>> -> memref<1x128xi32, #tpu.memory_space<vmem>>
      %dma_start3A_229 = tpu.memref_squeeze %dma_start3A_228 : memref<1x128xi32, #tpu.memory_space<vmem>> -> memref<128xi32, #tpu.memory_space<vmem>>
      %dma_start3A_230 = arith.constant 0 : i32
      %dma_start3A_231 = arith.constant 0 : i32
      %dma_start3A_232 = tpu.memref_slice %arg14[%dma_start3A_230, %dma_start3A_231] : memref<51200x32xf32, #tpu.memory_space<vmem_shared>> -> memref<51200x32xf32, #tpu.memory_space<vmem_shared>>
      tpu.enqueue_indirect_dma source(%arg9 : memref<128x32xf32, #tpu.memory_space<vmem>>) target(%dma_start3A_232 : memref<51200x32xf32, #tpu.memory_space<vmem_shared>>) offsets(%dma_start3A_229 : memref<128xi32, #tpu.memory_space<vmem>>) semaphore(%arg18 : memref<!tpu.dma_semaphore, #tpu.memory_space<semaphore_mem>>) {add = true}
      %dma_wait3A_233 = arith.constant 7 : i32
      %dma_wait3A_234 = arith.constant 0 : i32
      %dma_wait3A_235 = tpu.memref_slice %arg6[%dma_wait3A_233, %dma_wait3A_234] : memref<10x128xi32, #tpu.memory_space<vmem>> -> memref<1x128xi32, #tpu.memory_space<vmem>>
      %dma_wait3A_236 = tpu.memref_squeeze %dma_wait3A_235 : memref<1x128xi32, #tpu.memory_space<vmem>> -> memref<128xi32, #tpu.memory_space<vmem>>
      %dma_wait3A_237 = arith.constant 0 : i32
      %dma_wait3A_238 = arith.constant 0 : i32
      %dma_wait3A_239 = tpu.memref_slice %arg2[%dma_wait3A_237, %dma_wait3A_238] : memref<100000x32xf32, #tpu.memory_space<hbm>> -> memref<100000x32xf32, #tpu.memory_space<hbm>>
      tpu.wait_indirect_dma semaphore(%arg16 : memref<!tpu.dma_semaphore, #tpu.memory_space<semaphore_mem>>) src(%dma_wait3A_239 : memref<100000x32xf32, #tpu.memory_space<hbm>>) dst(%arg10 : memref<128x32xf32, #tpu.memory_space<vmem>>)
      %dma_start3A_240 = arith.constant 7 : i32
      %dma_start3A_241 = arith.constant 0 : i32
      %dma_start3A_242 = tpu.memref_slice %arg7[%dma_start3A_240, %dma_start3A_241] : memref<10x128xi32, #tpu.memory_space<vmem>> -> memref<1x128xi32, #tpu.memory_space<vmem>>
      %dma_start3A_243 = tpu.memref_squeeze %dma_start3A_242 : memref<1x128xi32, #tpu.memory_space<vmem>> -> memref<128xi32, #tpu.memory_space<vmem>>
      %dma_start3A_244 = arith.constant 0 : i32
      %dma_start3A_245 = arith.constant 0 : i32
      %dma_start3A_246 = tpu.memref_slice %arg14[%dma_start3A_244, %dma_start3A_245] : memref<51200x32xf32, #tpu.memory_space<vmem_shared>> -> memref<51200x32xf32, #tpu.memory_space<vmem_shared>>
      tpu.enqueue_indirect_dma source(%arg10 : memref<128x32xf32, #tpu.memory_space<vmem>>) target(%dma_start3A_246 : memref<51200x32xf32, #tpu.memory_space<vmem_shared>>) offsets(%dma_start3A_243 : memref<128xi32, #tpu.memory_space<vmem>>) semaphore(%arg19 : memref<!tpu.dma_semaphore, #tpu.memory_space<semaphore_mem>>) {add = true}
      %dma_wait3A_247 = arith.constant 8 : i32
      %dma_wait3A_248 = arith.constant 0 : i32
      %dma_wait3A_249 = tpu.memref_slice %arg6[%dma_wait3A_247, %dma_wait3A_248] : memref<10x128xi32, #tpu.memory_space<vmem>> -> memref<1x128xi32, #tpu.memory_space<vmem>>
      %dma_wait3A_250 = tpu.memref_squeeze %dma_wait3A_249 : memref<1x128xi32, #tpu.memory_space<vmem>> -> memref<128xi32, #tpu.memory_space<vmem>>
      %dma_wait3A_251 = arith.constant 0 : i32
      %dma_wait3A_252 = arith.constant 0 : i32
      %dma_wait3A_253 = tpu.memref_slice %arg2[%dma_wait3A_251, %dma_wait3A_252] : memref<100000x32xf32, #tpu.memory_space<hbm>> -> memref<100000x32xf32, #tpu.memory_space<hbm>>
      tpu.wait_indirect_dma semaphore(%arg17 : memref<!tpu.dma_semaphore, #tpu.memory_space<semaphore_mem>>) src(%dma_wait3A_253 : memref<100000x32xf32, #tpu.memory_space<hbm>>) dst(%arg11 : memref<128x32xf32, #tpu.memory_space<vmem>>)
      %dma_start3A_254 = arith.constant 8 : i32
      %dma_start3A_255 = arith.constant 0 : i32
      %dma_start3A_256 = tpu.memref_slice %arg7[%dma_start3A_254, %dma_start3A_255] : memref<10x128xi32, #tpu.memory_space<vmem>> -> memref<1x128xi32, #tpu.memory_space<vmem>>
      %dma_start3A_257 = tpu.memref_squeeze %dma_start3A_256 : memref<1x128xi32, #tpu.memory_space<vmem>> -> memref<128xi32, #tpu.memory_space<vmem>>
      %dma_start3A_258 = arith.constant 0 : i32
      %dma_start3A_259 = arith.constant 0 : i32
      %dma_start3A_260 = tpu.memref_slice %arg14[%dma_start3A_258, %dma_start3A_259] : memref<51200x32xf32, #tpu.memory_space<vmem_shared>> -> memref<51200x32xf32, #tpu.memory_space<vmem_shared>>
      tpu.enqueue_indirect_dma source(%arg11 : memref<128x32xf32, #tpu.memory_space<vmem>>) target(%dma_start3A_260 : memref<51200x32xf32, #tpu.memory_space<vmem_shared>>) offsets(%dma_start3A_257 : memref<128xi32, #tpu.memory_space<vmem>>) semaphore(%arg18 : memref<!tpu.dma_semaphore, #tpu.memory_space<semaphore_mem>>) {add = true}
      %dma_wait3A_261 = arith.constant 9 : i32
      %dma_wait3A_262 = arith.constant 0 : i32
      %dma_wait3A_263 = tpu.memref_slice %arg6[%dma_wait3A_261, %dma_wait3A_262] : memref<10x128xi32, #tpu.memory_space<vmem>> -> memref<1x128xi32, #tpu.memory_space<vmem>>
      %dma_wait3A_264 = tpu.memref_squeeze %dma_wait3A_263 : memref<1x128xi32, #tpu.memory_space<vmem>> -> memref<128xi32, #tpu.memory_space<vmem>>
      %dma_wait3A_265 = arith.constant 0 : i32
      %dma_wait3A_266 = arith.constant 0 : i32
      %dma_wait3A_267 = tpu.memref_slice %arg2[%dma_wait3A_265, %dma_wait3A_266] : memref<100000x32xf32, #tpu.memory_space<hbm>> -> memref<100000x32xf32, #tpu.memory_space<hbm>>
      tpu.wait_indirect_dma semaphore(%arg15 : memref<!tpu.dma_semaphore, #tpu.memory_space<semaphore_mem>>) src(%dma_wait3A_267 : memref<100000x32xf32, #tpu.memory_space<hbm>>) dst(%arg12 : memref<128x32xf32, #tpu.memory_space<vmem>>)
      %dma_start3A_268 = arith.constant 9 : i32
      %dma_start3A_269 = arith.constant 0 : i32
      %dma_start3A_270 = tpu.memref_slice %arg7[%dma_start3A_268, %dma_start3A_269] : memref<10x128xi32, #tpu.memory_space<vmem>> -> memref<1x128xi32, #tpu.memory_space<vmem>>
      %dma_start3A_271 = tpu.memref_squeeze %dma_start3A_270 : memref<1x128xi32, #tpu.memory_space<vmem>> -> memref<128xi32, #tpu.memory_space<vmem>>
      %dma_start3A_272 = arith.constant 0 : i32
      %dma_start3A_273 = arith.constant 0 : i32
      %dma_start3A_274 = tpu.memref_slice %arg14[%dma_start3A_272, %dma_start3A_273] : memref<51200x32xf32, #tpu.memory_space<vmem_shared>> -> memref<51200x32xf32, #tpu.memory_space<vmem_shared>>
      tpu.enqueue_indirect_dma source(%arg12 : memref<128x32xf32, #tpu.memory_space<vmem>>) target(%dma_start3A_274 : memref<51200x32xf32, #tpu.memory_space<vmem_shared>>) offsets(%dma_start3A_271 : memref<128xi32, #tpu.memory_space<vmem>>) semaphore(%arg19 : memref<!tpu.dma_semaphore, #tpu.memory_space<semaphore_mem>>) {add = true}
      %dma_wait3A_275 = arith.constant 5 : i32
      %dma_wait3A_276 = arith.constant 0 : i32
      %dma_wait3A_277 = tpu.memref_slice %arg7[%dma_wait3A_275, %dma_wait3A_276] : memref<10x128xi32, #tpu.memory_space<vmem>> -> memref<1x128xi32, #tpu.memory_space<vmem>>
      %dma_wait3A_278 = tpu.memref_squeeze %dma_wait3A_277 : memref<1x128xi32, #tpu.memory_space<vmem>> -> memref<128xi32, #tpu.memory_space<vmem>>
      %dma_wait3A_279 = arith.constant 0 : i32
      %dma_wait3A_280 = arith.constant 0 : i32
      %dma_wait3A_281 = tpu.memref_slice %arg14[%dma_wait3A_279, %dma_wait3A_280] : memref<51200x32xf32, #tpu.memory_space<vmem_shared>> -> memref<51200x32xf32, #tpu.memory_space<vmem_shared>>
      tpu.wait_indirect_dma semaphore(%arg19 : memref<!tpu.dma_semaphore, #tpu.memory_space<semaphore_mem>>) src(%arg8 : memref<128x32xf32, #tpu.memory_space<vmem>>) dst(%dma_wait3A_281 : memref<51200x32xf32, #tpu.memory_space<vmem_shared>>)
      %dma_wait3A_282 = arith.constant 6 : i32
      %dma_wait3A_283 = arith.constant 0 : i32
      %dma_wait3A_284 = tpu.memref_slice %arg7[%dma_wait3A_282, %dma_wait3A_283] : memref<10x128xi32, #tpu.memory_space<vmem>> -> memref<1x128xi32, #tpu.memory_space<vmem>>
      %dma_wait3A_285 = tpu.memref_squeeze %dma_wait3A_284 : memref<1x128xi32, #tpu.memory_space<vmem>> -> memref<128xi32, #tpu.memory_space<vmem>>
      %dma_wait3A_286 = arith.constant 0 : i32
      %dma_wait3A_287 = arith.constant 0 : i32
      %dma_wait3A_288 = tpu.memref_slice %arg14[%dma_wait3A_286, %dma_wait3A_287] : memref<51200x32xf32, #tpu.memory_space<vmem_shared>> -> memref<51200x32xf32, #tpu.memory_space<vmem_shared>>
      tpu.wait_indirect_dma semaphore(%arg18 : memref<!tpu.dma_semaphore, #tpu.memory_space<semaphore_mem>>) src(%arg9 : memref<128x32xf32, #tpu.memory_space<vmem>>) dst(%dma_wait3A_288 : memref<51200x32xf32, #tpu.memory_space<vmem_shared>>)
      %dma_wait3A_289 = arith.constant 7 : i32
      %dma_wait3A_290 = arith.constant 0 : i32
      %dma_wait3A_291 = tpu.memref_slice %arg7[%dma_wait3A_289, %dma_wait3A_290] : memref<10x128xi32, #tpu.memory_space<vmem>> -> memref<1x128xi32, #tpu.memory_space<vmem>>
      %dma_wait3A_292 = tpu.memref_squeeze %dma_wait3A_291 : memref<1x128xi32, #tpu.memory_space<vmem>> -> memref<128xi32, #tpu.memory_space<vmem>>
      %dma_wait3A_293 = arith.constant 0 : i32
      %dma_wait3A_294 = arith.constant 0 : i32
      %dma_wait3A_295 = tpu.memref_slice %arg14[%dma_wait3A_293, %dma_wait3A_294] : memref<51200x32xf32, #tpu.memory_space<vmem_shared>> -> memref<51200x32xf32, #tpu.memory_space<vmem_shared>>
      tpu.wait_indirect_dma semaphore(%arg19 : memref<!tpu.dma_semaphore, #tpu.memory_space<semaphore_mem>>) src(%arg10 : memref<128x32xf32, #tpu.memory_space<vmem>>) dst(%dma_wait3A_295 : memref<51200x32xf32, #tpu.memory_space<vmem_shared>>)
      %dma_wait3A_296 = arith.constant 8 : i32
      %dma_wait3A_297 = arith.constant 0 : i32
      %dma_wait3A_298 = tpu.memref_slice %arg7[%dma_wait3A_296, %dma_wait3A_297] : memref<10x128xi32, #tpu.memory_space<vmem>> -> memref<1x128xi32, #tpu.memory_space<vmem>>
      %dma_wait3A_299 = tpu.memref_squeeze %dma_wait3A_298 : memref<1x128xi32, #tpu.memory_space<vmem>> -> memref<128xi32, #tpu.memory_space<vmem>>
      %dma_wait3A_300 = arith.constant 0 : i32
      %dma_wait3A_301 = arith.constant 0 : i32
      %dma_wait3A_302 = tpu.memref_slice %arg14[%dma_wait3A_300, %dma_wait3A_301] : memref<51200x32xf32, #tpu.memory_space<vmem_shared>> -> memref<51200x32xf32, #tpu.memory_space<vmem_shared>>
      tpu.wait_indirect_dma semaphore(%arg18 : memref<!tpu.dma_semaphore, #tpu.memory_space<semaphore_mem>>) src(%arg11 : memref<128x32xf32, #tpu.memory_space<vmem>>) dst(%dma_wait3A_302 : memref<51200x32xf32, #tpu.memory_space<vmem_shared>>)
      %dma_wait3A_303 = arith.constant 9 : i32
      %dma_wait3A_304 = arith.constant 0 : i32
      %dma_wait3A_305 = tpu.memref_slice %arg7[%dma_wait3A_303, %dma_wait3A_304] : memref<10x128xi32, #tpu.memory_space<vmem>> -> memref<1x128xi32, #tpu.memory_space<vmem>>
      %dma_wait3A_306 = tpu.memref_squeeze %dma_wait3A_305 : memref<1x128xi32, #tpu.memory_space<vmem>> -> memref<128xi32, #tpu.memory_space<vmem>>
      %dma_wait3A_307 = arith.constant 0 : i32
      %dma_wait3A_308 = arith.constant 0 : i32
      %dma_wait3A_309 = tpu.memref_slice %arg14[%dma_wait3A_307, %dma_wait3A_308] : memref<51200x32xf32, #tpu.memory_space<vmem_shared>> -> memref<51200x32xf32, #tpu.memory_space<vmem_shared>>
      tpu.wait_indirect_dma semaphore(%arg19 : memref<!tpu.dma_semaphore, #tpu.memory_space<semaphore_mem>>) src(%arg12 : memref<128x32xf32, #tpu.memory_space<vmem>>) dst(%dma_wait3A_309 : memref<51200x32xf32, #tpu.memory_space<vmem_shared>>)
      %scan3A_310 = arith.constant 0 : i32
      scf.yield %scan3A_310 : i32
    }
    %scan3A_19 = arith.constant 40 : i32
    %barrier3A_20 = arith.constant 0 : index
    tpu.barrier barrier_id(%barrier3A_20)
    %lt3A = arith.constant 15 : i32
    %lt3A_21 = arith.cmpi slt, %arg1, %lt3A : i32
    %convert_element_type3A = arith.extui %lt3A_21 : i1 to i32
    %cond3A = arith.constant 0 : i32
    %cond3A_22 = arith.cmpi ne, %convert_element_type3A, %cond3A : i32
    scf.if %cond3A_22 {
      %mul3A = arith.constant 3128 : i32
      %mul3A_27 = arith.muli %arg1, %mul3A : i32
      %mul3A_28 = arith.constant 3128 : i32
      %mul3A_29 = arith.muli %arg1, %mul3A_28 : i32
      "tpu.region"() ({
        %run_scoped3A = tpu.sem_alloc : memref<!tpu.dma_semaphore, #tpu.memory_space<semaphore_mem>>
        %dma_start3A = arith.constant 0 : i32
        %dma_start3A_30 = tpu.memref_slice %arg5[%arg0, %mul3A_29, %dma_start3A] : memref<2x50000x32xf32, #tpu.memory_space<hbm>> -> memref<1x3128x32xf32, #tpu.memory_space<hbm>>
        %dma_start3A_31 = tpu.memref_squeeze %dma_start3A_30 : memref<1x3128x32xf32, #tpu.memory_space<hbm>> -> memref<3128x32xf32, #tpu.memory_space<hbm>>
        %dma_start3A_32 = arith.constant 0 : i32
        %dma_start3A_33 = tpu.memref_slice %arg14[%mul3A_27, %dma_start3A_32] : memref<51200x32xf32, #tpu.memory_space<vmem_shared>> -> memref<3128x32xf32, #tpu.memory_space<vmem_shared>>
        tpu.enqueue_dma source(%dma_start3A_33 : memref<3128x32xf32, #tpu.memory_space<vmem_shared>>) target(%dma_start3A_31 : memref<3128x32xf32, #tpu.memory_space<hbm>>) target_semaphore(%run_scoped3A : memref<!tpu.dma_semaphore, #tpu.memory_space<semaphore_mem>>)
        %dma_wait3A = arith.constant 0 : i32
        %dma_wait3A_34 = tpu.memref_slice %arg5[%arg0, %mul3A_29, %dma_wait3A] : memref<2x50000x32xf32, #tpu.memory_space<hbm>> -> memref<1x3128x32xf32, #tpu.memory_space<hbm>>
        %dma_wait3A_35 = tpu.memref_squeeze %dma_wait3A_34 : memref<1x3128x32xf32, #tpu.memory_space<hbm>> -> memref<3128x32xf32, #tpu.memory_space<hbm>>
        %dma_wait3A_36 = arith.constant 0 : i32
        %dma_wait3A_37 = tpu.memref_slice %arg14[%mul3A_27, %dma_wait3A_36] : memref<51200x32xf32, #tpu.memory_space<vmem_shared>> -> memref<3128x32xf32, #tpu.memory_space<vmem_shared>>
        tpu.wait_dma2 semaphore(%run_scoped3A : memref<!tpu.dma_semaphore, #tpu.memory_space<semaphore_mem>>) src(%dma_wait3A_37 : memref<3128x32xf32, #tpu.memory_space<vmem_shared>>) dst(%dma_wait3A_35 : memref<3128x32xf32, #tpu.memory_space<hbm>>)
        tpu.yield
      }) : () -> ()
    } else {
    }
    %eq3A = arith.constant 15 : i32
    %eq3A_23 = arith.cmpi eq, %arg1, %eq3A : i32
    %convert_element_type3A_24 = arith.extui %eq3A_23 : i1 to i32
    %cond3A_25 = arith.constant 0 : i32
    %cond3A_26 = arith.cmpi ne, %convert_element_type3A_24, %cond3A_25 : i32
    scf.if %cond3A_26 {
      "tpu.region"() ({
        %run_scoped3A = tpu.sem_alloc : memref<!tpu.dma_semaphore, #tpu.memory_space<semaphore_mem>>
        %dma_start3A = arith.constant 46920 : i32
        %dma_start3A_27 = arith.constant 0 : i32
        %dma_start3A_28 = tpu.memref_slice %arg5[%arg0, %dma_start3A, %dma_start3A_27] : memref<2x50000x32xf32, #tpu.memory_space<hbm>> -> memref<1x3080x32xf32, #tpu.memory_space<hbm>>
        %dma_start3A_29 = tpu.memref_squeeze %dma_start3A_28 : memref<1x3080x32xf32, #tpu.memory_space<hbm>> -> memref<3080x32xf32, #tpu.memory_space<hbm>>
        %dma_start3A_30 = arith.constant 46920 : i32
        %dma_start3A_31 = arith.constant 0 : i32
        %dma_start3A_32 = tpu.memref_slice %arg14[%dma_start3A_30, %dma_start3A_31] : memref<51200x32xf32, #tpu.memory_space<vmem_shared>> -> memref<3080x32xf32, #tpu.memory_space<vmem_shared>>
        tpu.enqueue_dma source(%dma_start3A_32 : memref<3080x32xf32, #tpu.memory_space<vmem_shared>>) target(%dma_start3A_29 : memref<3080x32xf32, #tpu.memory_space<hbm>>) target_semaphore(%run_scoped3A : memref<!tpu.dma_semaphore, #tpu.memory_space<semaphore_mem>>)
        %dma_wait3A = arith.constant 46920 : i32
        %dma_wait3A_33 = arith.constant 0 : i32
        %dma_wait3A_34 = tpu.memref_slice %arg5[%arg0, %dma_wait3A, %dma_wait3A_33] : memref<2x50000x32xf32, #tpu.memory_space<hbm>> -> memref<1x3080x32xf32, #tpu.memory_space<hbm>>
        %dma_wait3A_35 = tpu.memref_squeeze %dma_wait3A_34 : memref<1x3080x32xf32, #tpu.memory_space<hbm>> -> memref<3080x32xf32, #tpu.memory_space<hbm>>
        %dma_wait3A_36 = arith.constant 46920 : i32
        %dma_wait3A_37 = arith.constant 0 : i32
        %dma_wait3A_38 = tpu.memref_slice %arg14[%dma_wait3A_36, %dma_wait3A_37] : memref<51200x32xf32, #tpu.memory_space<vmem_shared>> -> memref<3080x32xf32, #tpu.memory_space<vmem_shared>>
        tpu.wait_dma2 semaphore(%run_scoped3A : memref<!tpu.dma_semaphore, #tpu.memory_space<semaphore_mem>>) src(%dma_wait3A_38 : memref<3080x32xf32, #tpu.memory_space<vmem_shared>>) dst(%dma_wait3A_35 : memref<3080x32xf32, #tpu.memory_space<hbm>>)
        tpu.yield
      }) : () -> ()
    } else {
    }
    return
  }
}

#map = affine_map<(d0, d1) -> (0, 0)>
#map1 = affine_map<(d0, d1) -> (0, 0, 0, 0)>
#map2 = affine_map<(d0, d1) -> (0, 0, 0)>
module attributes {stable_mosaic.version = 14 : i64} {
  func.func @_agg(%arg0: i32, %arg1: i32, %arg2: memref<100000x32xf32, #tpu.memory_space<hbm>>, %arg3: memref<2x16x400x128xi32, #tpu.memory_space<hbm>>, %arg4: memref<16x400x128xi32, #tpu.memory_space<hbm>>, %arg5: memref<2x50000x32xf32, #tpu.memory_space<hbm>>, %arg6: memref<10x128xi32, #tpu.memory_space<vmem>>, %arg7: memref<10x128xi32, #tpu.memory_space<vmem>>, %arg8: memref<128x32xf32, #tpu.memory_space<vmem>>, %arg9: memref<128x32xf32, #tpu.memory_space<vmem>>, %arg10: memref<128x32xf32, #tpu.memory_space<vmem>>, %arg11: memref<128x32xf32, #tpu.memory_space<vmem>>, %arg12: memref<128x32xf32, #tpu.memory_space<vmem>>, %arg13: memref<128x32xf32, #tpu.memory_space<vmem>>, %arg14: memref<51200x32xf32, #tpu.memory_space<vmem_shared>>, %arg15: memref<!tpu.dma_semaphore, #tpu.memory_space<semaphore_mem>>, %arg16: memref<!tpu.dma_semaphore, #tpu.memory_space<semaphore_mem>>, %arg17: memref<!tpu.dma_semaphore, #tpu.memory_space<semaphore_mem>>, %arg18: memref<!tpu.dma_semaphore, #tpu.memory_space<semaphore_mem>>, %arg19: memref<!tpu.dma_semaphore, #tpu.memory_space<semaphore_mem>>) attributes {dimension_semantics = [#tpu.dimension_semantics<core_parallel>, #tpu.dimension_semantics<subcore_parallel>], iteration_bounds = array<i64: 2, 16>, scalar_prefetch = 0 : i64, scratch_operands = 14 : i64, tpu.core_type = #tpu.core_type<sc_vector_subcore>, window_params = [{transform_indices = #map}, {transform_indices = #map1}, {transform_indices = #map2}, {transform_indices = #map2}]} {
    %scan3A = arith.constant 0 : i32
    %scan3A_0 = arith.constant 0 : i32
    %scan3A_1 = arith.constant 128 : i32
    %scan3A_2 = arith.addi %scan3A_0, %scan3A_1 : i32
    %scan3A_3 = arith.constant 1 : i32
    %scan3A_4 = scf.for %scan3A_27 = %scan3A_0 to %scan3A_2 step %scan3A_3 iter_args(%scan3A_28 = %scan3A) -> (i32)  : i32 {
      %broadcast_in_dim3A = arith.constant 0.000000e+00 : f32
      %broadcast_in_dim3A_29 = vector.broadcast %broadcast_in_dim3A : f32 to vector<16xf32>
      %swap3A = arith.index_cast %scan3A_27 : i32 to index
      %swap3A_30 = arith.constant 0 : index
      %swap3A_31 = tpu.vector_load %arg13[%swap3A, %swap3A_30] {strides = array<i32>} : memref<128x32xf32, #tpu.memory_space<vmem>>, vector<1x16xf32>,
      %swap3A_32 = vector.shape_cast %swap3A_31 : vector<1x16xf32> to vector<16xf32>
      %swap3A_33 = vector.shape_cast %broadcast_in_dim3A_29 : vector<16xf32> to vector<1x16xf32>
      tpu.vector_store %arg13[%swap3A, %swap3A_30], %swap3A_33 {strides = array<i32>} : memref<128x32xf32, #tpu.memory_space<vmem>>, vector<1x16xf32>,
      %broadcast_in_dim3A_34 = arith.constant 0.000000e+00 : f32
      %broadcast_in_dim3A_35 = vector.broadcast %broadcast_in_dim3A_34 : f32 to vector<16xf32>
      %swap3A_36 = arith.index_cast %scan3A_27 : i32 to index
      %swap3A_37 = arith.constant 16 : index
      %swap3A_38 = tpu.vector_load %arg13[%swap3A_36, %swap3A_37] {strides = array<i32>} : memref<128x32xf32, #tpu.memory_space<vmem>>, vector<1x16xf32>,
      %swap3A_39 = vector.shape_cast %swap3A_38 : vector<1x16xf32> to vector<16xf32>
      %swap3A_40 = vector.shape_cast %broadcast_in_dim3A_35 : vector<16xf32> to vector<1x16xf32>
      tpu.vector_store %arg13[%swap3A_36, %swap3A_37], %swap3A_40 {strides = array<i32>} : memref<128x32xf32, #tpu.memory_space<vmem>>, vector<1x16xf32>,
      %scan3A_41 = arith.constant 0 : i32
      scf.yield %scan3A_41 : i32
    }
    %scan3A_5 = arith.constant 128 : i32
    %scan3A_6 = arith.constant 0 : i32
    %scan3A_7 = arith.constant 0 : i32
    %scan3A_8 = arith.constant 25 : i32
    %scan3A_9 = arith.addi %scan3A_7, %scan3A_8 : i32
    %scan3A_10 = arith.constant 1 : i32
    %scan3A_11 = scf.for %scan3A_27 = %scan3A_7 to %scan3A_9 step %scan3A_10 iter_args(%scan3A_28 = %scan3A_6) -> (i32)  : i32 {
      %mul3A = arith.constant 3200 : i32
      %mul3A_29 = arith.muli %arg1, %mul3A : i32
      %mul3A_30 = arith.constant 128 : i32
      %mul3A_31 = arith.muli %scan3A_27, %mul3A_30 : i32
      %add3A = arith.addi %mul3A_29, %mul3A_31 : i32
      "tpu.region"() ({
        %run_scoped3A = tpu.sem_alloc : memref<!tpu.dma_semaphore, #tpu.memory_space<semaphore_mem>>
        %dma_start3A = arith.constant 0 : i32
        %dma_start3A_33 = tpu.memref_slice %arg14[%add3A, %dma_start3A] : memref<51200x32xf32, #tpu.memory_space<vmem_shared>> -> memref<128x32xf32, #tpu.memory_space<vmem_shared>>
        %dma_start3A_34 = arith.constant 0 : i32
        %dma_start3A_35 = tpu.memref_slice %arg14[%add3A, %dma_start3A_34] : memref<51200x32xf32, #tpu.memory_space<vmem_shared>> -> memref<128x32xf32, #tpu.memory_space<vmem_shared>>
        tpu.enqueue_dma source(%arg13 : memref<128x32xf32, #tpu.memory_space<vmem>>) target(%dma_start3A_35 : memref<128x32xf32, #tpu.memory_space<vmem_shared>>) target_semaphore(%run_scoped3A : memref<!tpu.dma_semaphore, #tpu.memory_space<semaphore_mem>>)
        %dma_wait3A = arith.constant 0 : i32
        %dma_wait3A_36 = tpu.memref_slice %arg14[%add3A, %dma_wait3A] : memref<51200x32xf32, #tpu.memory_space<vmem_shared>> -> memref<128x32xf32, #tpu.memory_space<vmem_shared>>
        %dma_wait3A_37 = arith.constant 0 : i32
        %dma_wait3A_38 = tpu.memref_slice %arg14[%add3A, %dma_wait3A_37] : memref<51200x32xf32, #tpu.memory_space<vmem_shared>> -> memref<128x32xf32, #tpu.memory_space<vmem_shared>>
        tpu.wait_dma2 semaphore(%run_scoped3A : memref<!tpu.dma_semaphore, #tpu.memory_space<semaphore_mem>>) src(%arg13 : memref<128x32xf32, #tpu.memory_space<vmem>>) dst(%dma_wait3A_38 : memref<128x32xf32, #tpu.memory_space<vmem_shared>>)
        tpu.yield
      }) : () -> ()
      %scan3A_32 = arith.constant 0 : i32
      scf.yield %scan3A_32 : i32
    }
    %scan3A_12 = arith.constant 25 : i32
    %barrier3A = arith.constant 0 : index
    tpu.barrier barrier_id(%barrier3A)
    %scan3A_13 = arith.constant 0 : i32
    %scan3A_14 = arith.constant 0 : i32
    %scan3A_15 = arith.constant 40 : i32
    %scan3A_16 = arith.addi %scan3A_14, %scan3A_15 : i32
    %scan3A_17 = arith.constant 1 : i32
    %scan3A_18 = scf.for %scan3A_27 = %scan3A_14 to %scan3A_16 step %scan3A_17 iter_args(%scan3A_28 = %scan3A_13) -> (i32)  : i32 {
      %mul3A = arith.constant 10 : i32
      %mul3A_29 = arith.muli %scan3A_27, %mul3A : i32
      "tpu.region"() ({
        %run_scoped3A = tpu.sem_alloc : memref<!tpu.dma_semaphore, #tpu.memory_space<semaphore_mem>>
        %dma_start3A_311 = arith.constant 0 : i32
        %dma_start3A_312 = tpu.memref_slice %arg3[%arg0, %arg1, %mul3A_29, %dma_start3A_311] : memref<2x16x400x128xi32, #tpu.memory_space<hbm>> -> memref<1x1x10x128xi32, #tpu.memory_space<hbm>>
        %dma_start3A_313 = tpu.memref_squeeze %dma_start3A_312 : memref<1x1x10x128xi32, #tpu.memory_space<hbm>> -> memref<10x128xi32, #tpu.memory_space<hbm>>
        %dma_start3A_314 = arith.constant 0 : i32
        %dma_start3A_315 = tpu.memref_slice %arg3[%arg0, %arg1, %mul3A_29, %dma_start3A_314] : memref<2x16x400x128xi32, #tpu.memory_space<hbm>> -> memref<1x1x10x128xi32, #tpu.memory_space<hbm>>
        %dma_start3A_316 = tpu.memref_squeeze %dma_start3A_315 : memref<1x1x10x128xi32, #tpu.memory_space<hbm>> -> memref<10x128xi32, #tpu.memory_space<hbm>>
        tpu.enqueue_dma source(%dma_start3A_316 : memref<10x128xi32, #tpu.memory_space<hbm>>) target(%arg6 : memref<10x128xi32, #tpu.memory_space<vmem>>) target_semaphore(%run_scoped3A : memref<!tpu.dma_semaphore, #tpu.memory_space<semaphore_mem>>)
        %dma_wait3A_317 = arith.constant 0 : i32
        %dma_wait3A_318 = tpu.memref_slice %arg3[%arg0, %arg1, %mul3A_29, %dma_wait3A_317] : memref<2x16x400x128xi32, #tpu.memory_space<hbm>> -> memref<1x1x10x128xi32, #tpu.memory_space<hbm>>
        %dma_wait3A_319 = tpu.memref_squeeze %dma_wait3A_318 : memref<1x1x10x128xi32, #tpu.memory_space<hbm>> -> memref<10x128xi32, #tpu.memory_space<hbm>>
        %dma_wait3A_320 = arith.constant 0 : i32
        %dma_wait3A_321 = tpu.memref_slice %arg3[%arg0, %arg1, %mul3A_29, %dma_wait3A_320] : memref<2x16x400x128xi32, #tpu.memory_space<hbm>> -> memref<1x1x10x128xi32, #tpu.memory_space<hbm>>
        %dma_wait3A_322 = tpu.memref_squeeze %dma_wait3A_321 : memref<1x1x10x128xi32, #tpu.memory_space<hbm>> -> memref<10x128xi32, #tpu.memory_space<hbm>>
        tpu.wait_dma2 semaphore(%run_scoped3A : memref<!tpu.dma_semaphore, #tpu.memory_space<semaphore_mem>>) src(%dma_wait3A_322 : memref<10x128xi32, #tpu.memory_space<hbm>>) dst(%arg6 : memref<10x128xi32, #tpu.memory_space<vmem>>)
        tpu.yield
      }) : () -> ()
      %mul3A_30 = arith.constant 10 : i32
      %mul3A_31 = arith.muli %scan3A_27, %mul3A_30 : i32
      "tpu.region"() ({
        %run_scoped3A = tpu.sem_alloc : memref<!tpu.dma_semaphore, #tpu.memory_space<semaphore_mem>>
        %dma_start3A_311 = arith.constant 0 : i32
        %dma_start3A_312 = tpu.memref_slice %arg4[%arg1, %mul3A_31, %dma_start3A_311] : memref<16x400x128xi32, #tpu.memory_space<hbm>> -> memref<1x10x128xi32, #tpu.memory_space<hbm>>
        %dma_start3A_313 = tpu.memref_squeeze %dma_start3A_312 : memref<1x10x128xi32, #tpu.memory_space<hbm>> -> memref<10x128xi32, #tpu.memory_space<hbm>>
        %dma_start3A_314 = arith.constant 0 : i32
        %dma_start3A_315 = tpu.memref_slice %arg4[%arg1, %mul3A_31, %dma_start3A_314] : memref<16x400x128xi32, #tpu.memory_space<hbm>> -> memref<1x10x128xi32, #tpu.memory_space<hbm>>
        %dma_start3A_316 = tpu.memref_squeeze %dma_start3A_315 : memref<1x10x128xi32, #tpu.memory_space<hbm>> -> memref<10x128xi32, #tpu.memory_space<hbm>>
        tpu.enqueue_dma source(%dma_start3A_316 : memref<10x128xi32, #tpu.memory_space<hbm>>) target(%arg7 : memref<10x128xi32, #tpu.memory_space<vmem>>) target_semaphore(%run_scoped3A : memref<!tpu.dma_semaphore, #tpu.memory_space<semaphore_mem>>)
        %dma_wait3A_317 = arith.constant 0 : i32
        %dma_wait3A_318 = tpu.memref_slice %arg4[%arg1, %mul3A_31, %dma_wait3A_317] : memref<16x400x128xi32, #tpu.memory_space<hbm>> -> memref<1x10x128xi32, #tpu.memory_space<hbm>>
        %dma_wait3A_319 = tpu.memref_squeeze %dma_wait3A_318 : memref<1x10x128xi32, #tpu.memory_space<hbm>> -> memref<10x128xi32, #tpu.memory_space<hbm>>
        %dma_wait3A_320 = arith.constant 0 : i32
        %dma_wait3A_321 = tpu.memref_slice %arg4[%arg1, %mul3A_31, %dma_wait3A_320] : memref<16x400x128xi32, #tpu.memory_space<hbm>> -> memref<1x10x128xi32, #tpu.memory_space<hbm>>
        %dma_wait3A_322 = tpu.memref_squeeze %dma_wait3A_321 : memref<1x10x128xi32, #tpu.memory_space<hbm>> -> memref<10x128xi32, #tpu.memory_space<hbm>>
        tpu.wait_dma2 semaphore(%run_scoped3A : memref<!tpu.dma_semaphore, #tpu.memory_space<semaphore_mem>>) src(%dma_wait3A_322 : memref<10x128xi32, #tpu.memory_space<hbm>>) dst(%arg7 : memref<10x128xi32, #tpu.memory_space<vmem>>)
        tpu.yield
      }) : () -> ()
      %dma_start3A = arith.constant 0 : i32
      %dma_start3A_32 = arith.constant 0 : i32
      %dma_start3A_33 = tpu.memref_slice %arg6[%dma_start3A, %dma_start3A_32] : memref<10x128xi32, #tpu.memory_space<vmem>> -> memref<1x128xi32, #tpu.memory_space<vmem>>
      %dma_start3A_34 = tpu.memref_squeeze %dma_start3A_33 : memref<1x128xi32, #tpu.memory_space<vmem>> -> memref<128xi32, #tpu.memory_space<vmem>>
      %dma_start3A_35 = arith.constant 0 : i32
      %dma_start3A_36 = arith.constant 0 : i32
      %dma_start3A_37 = tpu.memref_slice %arg2[%dma_start3A_35, %dma_start3A_36] : memref<100000x32xf32, #tpu.memory_space<hbm>> -> memref<100000x32xf32, #tpu.memory_space<hbm>>
      tpu.enqueue_indirect_dma source(%dma_start3A_37 : memref<100000x32xf32, #tpu.memory_space<hbm>>) target(%arg8 : memref<128x32xf32, #tpu.memory_space<vmem>>) offsets(%dma_start3A_34 : memref<128xi32, #tpu.memory_space<vmem>>) semaphore(%arg15 : memref<!tpu.dma_semaphore, #tpu.memory_space<semaphore_mem>>)
      %dma_start3A_38 = arith.constant 1 : i32
      %dma_start3A_39 = arith.constant 0 : i32
      %dma_start3A_40 = tpu.memref_slice %arg6[%dma_start3A_38, %dma_start3A_39] : memref<10x128xi32, #tpu.memory_space<vmem>> -> memref<1x128xi32, #tpu.memory_space<vmem>>
      %dma_start3A_41 = tpu.memref_squeeze %dma_start3A_40 : memref<1x128xi32, #tpu.memory_space<vmem>> -> memref<128xi32, #tpu.memory_space<vmem>>
      %dma_start3A_42 = arith.constant 0 : i32
      %dma_start3A_43 = arith.constant 0 : i32
      %dma_start3A_44 = tpu.memref_slice %arg2[%dma_start3A_42, %dma_start3A_43] : memref<100000x32xf32, #tpu.memory_space<hbm>> -> memref<100000x32xf32, #tpu.memory_space<hbm>>
      tpu.enqueue_indirect_dma source(%dma_start3A_44 : memref<100000x32xf32, #tpu.memory_space<hbm>>) target(%arg9 : memref<128x32xf32, #tpu.memory_space<vmem>>) offsets(%dma_start3A_41 : memref<128xi32, #tpu.memory_space<vmem>>) semaphore(%arg16 : memref<!tpu.dma_semaphore, #tpu.memory_space<semaphore_mem>>)
      %dma_start3A_45 = arith.constant 2 : i32
      %dma_start3A_46 = arith.constant 0 : i32
      %dma_start3A_47 = tpu.memref_slice %arg6[%dma_start3A_45, %dma_start3A_46] : memref<10x128xi32, #tpu.memory_space<vmem>> -> memref<1x128xi32, #tpu.memory_space<vmem>>
      %dma_start3A_48 = tpu.memref_squeeze %dma_start3A_47 : memref<1x128xi32, #tpu.memory_space<vmem>> -> memref<128xi32, #tpu.memory_space<vmem>>
      %dma_start3A_49 = arith.constant 0 : i32
      %dma_start3A_50 = arith.constant 0 : i32
      %dma_start3A_51 = tpu.memref_slice %arg2[%dma_start3A_49, %dma_start3A_50] : memref<100000x32xf32, #tpu.memory_space<hbm>> -> memref<100000x32xf32, #tpu.memory_space<hbm>>
      tpu.enqueue_indirect_dma source(%dma_start3A_51 : memref<100000x32xf32, #tpu.memory_space<hbm>>) target(%arg10 : memref<128x32xf32, #tpu.memory_space<vmem>>) offsets(%dma_start3A_48 : memref<128xi32, #tpu.memory_space<vmem>>) semaphore(%arg17 : memref<!tpu.dma_semaphore, #tpu.memory_space<semaphore_mem>>)
      %dma_wait3A = arith.constant 0 : i32
      %dma_wait3A_52 = arith.constant 0 : i32
      %dma_wait3A_53 = tpu.memref_slice %arg6[%dma_wait3A, %dma_wait3A_52] : memref<10x128xi32, #tpu.memory_space<vmem>> -> memref<1x128xi32, #tpu.memory_space<vmem>>
      %dma_wait3A_54 = tpu.memref_squeeze %dma_wait3A_53 : memref<1x128xi32, #tpu.memory_space<vmem>> -> memref<128xi32, #tpu.memory_space<vmem>>
      %dma_wait3A_55 = arith.constant 0 : i32
      %dma_wait3A_56 = arith.constant 0 : i32
      %dma_wait3A_57 = tpu.memref_slice %arg2[%dma_wait3A_55, %dma_wait3A_56] : memref<100000x32xf32, #tpu.memory_space<hbm>> -> memref<100000x32xf32, #tpu.memory_space<hbm>>
      tpu.wait_indirect_dma semaphore(%arg15 : memref<!tpu.dma_semaphore, #tpu.memory_space<semaphore_mem>>) src(%dma_wait3A_57 : memref<100000x32xf32, #tpu.memory_space<hbm>>) dst(%arg8 : memref<128x32xf32, #tpu.memory_space<vmem>>)
      %dma_start3A_58 = arith.constant 3 : i32
      %dma_start3A_59 = arith.constant 0 : i32
      %dma_start3A_60 = tpu.memref_slice %arg6[%dma_start3A_58, %dma_start3A_59] : memref<10x128xi32, #tpu.memory_space<vmem>> -> memref<1x128xi32, #tpu.memory_space<vmem>>
      %dma_start3A_61 = tpu.memref_squeeze %dma_start3A_60 : memref<1x128xi32, #tpu.memory_space<vmem>> -> memref<128xi32, #tpu.memory_space<vmem>>
      %dma_start3A_62 = arith.constant 0 : i32
      %dma_start3A_63 = arith.constant 0 : i32
      %dma_start3A_64 = tpu.memref_slice %arg2[%dma_start3A_62, %dma_start3A_63] : memref<100000x32xf32, #tpu.memory_space<hbm>> -> memref<100000x32xf32, #tpu.memory_space<hbm>>
      tpu.enqueue_indirect_dma source(%dma_start3A_64 : memref<100000x32xf32, #tpu.memory_space<hbm>>) target(%arg11 : memref<128x32xf32, #tpu.memory_space<vmem>>) offsets(%dma_start3A_61 : memref<128xi32, #tpu.memory_space<vmem>>) semaphore(%arg15 : memref<!tpu.dma_semaphore, #tpu.memory_space<semaphore_mem>>)
      %dma_start3A_65 = arith.constant 0 : i32
      %dma_start3A_66 = arith.constant 0 : i32
      %dma_start3A_67 = tpu.memref_slice %arg7[%dma_start3A_65, %dma_start3A_66] : memref<10x128xi32, #tpu.memory_space<vmem>> -> memref<1x128xi32, #tpu.memory_space<vmem>>
      %dma_start3A_68 = tpu.memref_squeeze %dma_start3A_67 : memref<1x128xi32, #tpu.memory_space<vmem>> -> memref<128xi32, #tpu.memory_space<vmem>>
      %dma_start3A_69 = arith.constant 0 : i32
      %dma_start3A_70 = arith.constant 0 : i32
      %dma_start3A_71 = tpu.memref_slice %arg14[%dma_start3A_69, %dma_start3A_70] : memref<51200x32xf32, #tpu.memory_space<vmem_shared>> -> memref<51200x32xf32, #tpu.memory_space<vmem_shared>>
      tpu.enqueue_indirect_dma source(%arg8 : memref<128x32xf32, #tpu.memory_space<vmem>>) target(%dma_start3A_71 : memref<51200x32xf32, #tpu.memory_space<vmem_shared>>) offsets(%dma_start3A_68 : memref<128xi32, #tpu.memory_space<vmem>>) semaphore(%arg18 : memref<!tpu.dma_semaphore, #tpu.memory_space<semaphore_mem>>) {add = true}
      %dma_wait3A_72 = arith.constant 1 : i32
      %dma_wait3A_73 = arith.constant 0 : i32
      %dma_wait3A_74 = tpu.memref_slice %arg6[%dma_wait3A_72, %dma_wait3A_73] : memref<10x128xi32, #tpu.memory_space<vmem>> -> memref<1x128xi32, #tpu.memory_space<vmem>>
      %dma_wait3A_75 = tpu.memref_squeeze %dma_wait3A_74 : memref<1x128xi32, #tpu.memory_space<vmem>> -> memref<128xi32, #tpu.memory_space<vmem>>
      %dma_wait3A_76 = arith.constant 0 : i32
      %dma_wait3A_77 = arith.constant 0 : i32
      %dma_wait3A_78 = tpu.memref_slice %arg2[%dma_wait3A_76, %dma_wait3A_77] : memref<100000x32xf32, #tpu.memory_space<hbm>> -> memref<100000x32xf32, #tpu.memory_space<hbm>>
      tpu.wait_indirect_dma semaphore(%arg16 : memref<!tpu.dma_semaphore, #tpu.memory_space<semaphore_mem>>) src(%dma_wait3A_78 : memref<100000x32xf32, #tpu.memory_space<hbm>>) dst(%arg9 : memref<128x32xf32, #tpu.memory_space<vmem>>)
      %dma_start3A_79 = arith.constant 4 : i32
      %dma_start3A_80 = arith.constant 0 : i32
      %dma_start3A_81 = tpu.memref_slice %arg6[%dma_start3A_79, %dma_start3A_80] : memref<10x128xi32, #tpu.memory_space<vmem>> -> memref<1x128xi32, #tpu.memory_space<vmem>>
      %dma_start3A_82 = tpu.memref_squeeze %dma_start3A_81 : memref<1x128xi32, #tpu.memory_space<vmem>> -> memref<128xi32, #tpu.memory_space<vmem>>
      %dma_start3A_83 = arith.constant 0 : i32
      %dma_start3A_84 = arith.constant 0 : i32
      %dma_start3A_85 = tpu.memref_slice %arg2[%dma_start3A_83, %dma_start3A_84] : memref<100000x32xf32, #tpu.memory_space<hbm>> -> memref<100000x32xf32, #tpu.memory_space<hbm>>
      tpu.enqueue_indirect_dma source(%dma_start3A_85 : memref<100000x32xf32, #tpu.memory_space<hbm>>) target(%arg12 : memref<128x32xf32, #tpu.memory_space<vmem>>) offsets(%dma_start3A_82 : memref<128xi32, #tpu.memory_space<vmem>>) semaphore(%arg16 : memref<!tpu.dma_semaphore, #tpu.memory_space<semaphore_mem>>)
      %dma_start3A_86 = arith.constant 1 : i32
      %dma_start3A_87 = arith.constant 0 : i32
      %dma_start3A_88 = tpu.memref_slice %arg7[%dma_start3A_86, %dma_start3A_87] : memref<10x128xi32, #tpu.memory_space<vmem>> -> memref<1x128xi32, #tpu.memory_space<vmem>>
      %dma_start3A_89 = tpu.memref_squeeze %dma_start3A_88 : memref<1x128xi32, #tpu.memory_space<vmem>> -> memref<128xi32, #tpu.memory_space<vmem>>
      %dma_start3A_90 = arith.constant 0 : i32
      %dma_start3A_91 = arith.constant 0 : i32
      %dma_start3A_92 = tpu.memref_slice %arg14[%dma_start3A_90, %dma_start3A_91] : memref<51200x32xf32, #tpu.memory_space<vmem_shared>> -> memref<51200x32xf32, #tpu.memory_space<vmem_shared>>
      tpu.enqueue_indirect_dma source(%arg9 : memref<128x32xf32, #tpu.memory_space<vmem>>) target(%dma_start3A_92 : memref<51200x32xf32, #tpu.memory_space<vmem_shared>>) offsets(%dma_start3A_89 : memref<128xi32, #tpu.memory_space<vmem>>) semaphore(%arg19 : memref<!tpu.dma_semaphore, #tpu.memory_space<semaphore_mem>>) {add = true}
      %dma_wait3A_93 = arith.constant 2 : i32
      %dma_wait3A_94 = arith.constant 0 : i32
      %dma_wait3A_95 = tpu.memref_slice %arg6[%dma_wait3A_93, %dma_wait3A_94] : memref<10x128xi32, #tpu.memory_space<vmem>> -> memref<1x128xi32, #tpu.memory_space<vmem>>
      %dma_wait3A_96 = tpu.memref_squeeze %dma_wait3A_95 : memref<1x128xi32, #tpu.memory_space<vmem>> -> memref<128xi32, #tpu.memory_space<vmem>>
      %dma_wait3A_97 = arith.constant 0 : i32
      %dma_wait3A_98 = arith.constant 0 : i32
      %dma_wait3A_99 = tpu.memref_slice %arg2[%dma_wait3A_97, %dma_wait3A_98] : memref<100000x32xf32, #tpu.memory_space<hbm>> -> memref<100000x32xf32, #tpu.memory_space<hbm>>
      tpu.wait_indirect_dma semaphore(%arg17 : memref<!tpu.dma_semaphore, #tpu.memory_space<semaphore_mem>>) src(%dma_wait3A_99 : memref<100000x32xf32, #tpu.memory_space<hbm>>) dst(%arg10 : memref<128x32xf32, #tpu.memory_space<vmem>>)
      %dma_wait3A_100 = arith.constant 0 : i32
      %dma_wait3A_101 = arith.constant 0 : i32
      %dma_wait3A_102 = tpu.memref_slice %arg7[%dma_wait3A_100, %dma_wait3A_101] : memref<10x128xi32, #tpu.memory_space<vmem>> -> memref<1x128xi32, #tpu.memory_space<vmem>>
      %dma_wait3A_103 = tpu.memref_squeeze %dma_wait3A_102 : memref<1x128xi32, #tpu.memory_space<vmem>> -> memref<128xi32, #tpu.memory_space<vmem>>
      %dma_wait3A_104 = arith.constant 0 : i32
      %dma_wait3A_105 = arith.constant 0 : i32
      %dma_wait3A_106 = tpu.memref_slice %arg14[%dma_wait3A_104, %dma_wait3A_105] : memref<51200x32xf32, #tpu.memory_space<vmem_shared>> -> memref<51200x32xf32, #tpu.memory_space<vmem_shared>>
      tpu.wait_indirect_dma semaphore(%arg18 : memref<!tpu.dma_semaphore, #tpu.memory_space<semaphore_mem>>) src(%arg8 : memref<128x32xf32, #tpu.memory_space<vmem>>) dst(%dma_wait3A_106 : memref<51200x32xf32, #tpu.memory_space<vmem_shared>>)
      %dma_start3A_107 = arith.constant 5 : i32
      %dma_start3A_108 = arith.constant 0 : i32
      %dma_start3A_109 = tpu.memref_slice %arg6[%dma_start3A_107, %dma_start3A_108] : memref<10x128xi32, #tpu.memory_space<vmem>> -> memref<1x128xi32, #tpu.memory_space<vmem>>
      %dma_start3A_110 = tpu.memref_squeeze %dma_start3A_109 : memref<1x128xi32, #tpu.memory_space<vmem>> -> memref<128xi32, #tpu.memory_space<vmem>>
      %dma_start3A_111 = arith.constant 0 : i32
      %dma_start3A_112 = arith.constant 0 : i32
      %dma_start3A_113 = tpu.memref_slice %arg2[%dma_start3A_111, %dma_start3A_112] : memref<100000x32xf32, #tpu.memory_space<hbm>> -> memref<100000x32xf32, #tpu.memory_space<hbm>>
      tpu.enqueue_indirect_dma source(%dma_start3A_113 : memref<100000x32xf32, #tpu.memory_space<hbm>>) target(%arg8 : memref<128x32xf32, #tpu.memory_space<vmem>>) offsets(%dma_start3A_110 : memref<128xi32, #tpu.memory_space<vmem>>) semaphore(%arg17 : memref<!tpu.dma_semaphore, #tpu.memory_space<semaphore_mem>>)
      %dma_start3A_114 = arith.constant 2 : i32
      %dma_start3A_115 = arith.constant 0 : i32
      %dma_start3A_116 = tpu.memref_slice %arg7[%dma_start3A_114, %dma_start3A_115] : memref<10x128xi32, #tpu.memory_space<vmem>> -> memref<1x128xi32, #tpu.memory_space<vmem>>
      %dma_start3A_117 = tpu.memref_squeeze %dma_start3A_116 : memref<1x128xi32, #tpu.memory_space<vmem>> -> memref<128xi32, #tpu.memory_space<vmem>>
      %dma_start3A_118 = arith.constant 0 : i32
      %dma_start3A_119 = arith.constant 0 : i32
      %dma_start3A_120 = tpu.memref_slice %arg14[%dma_start3A_118, %dma_start3A_119] : memref<51200x32xf32, #tpu.memory_space<vmem_shared>> -> memref<51200x32xf32, #tpu.memory_space<vmem_shared>>
      tpu.enqueue_indirect_dma source(%arg10 : memref<128x32xf32, #tpu.memory_space<vmem>>) target(%dma_start3A_120 : memref<51200x32xf32, #tpu.memory_space<vmem_shared>>) offsets(%dma_start3A_117 : memref<128xi32, #tpu.memory_space<vmem>>) semaphore(%arg18 : memref<!tpu.dma_semaphore, #tpu.memory_space<semaphore_mem>>) {add = true}
      %dma_wait3A_121 = arith.constant 3 : i32
      %dma_wait3A_122 = arith.constant 0 : i32
      %dma_wait3A_123 = tpu.memref_slice %arg6[%dma_wait3A_121, %dma_wait3A_122] : memref<10x128xi32, #tpu.memory_space<vmem>> -> memref<1x128xi32, #tpu.memory_space<vmem>>
      %dma_wait3A_124 = tpu.memref_squeeze %dma_wait3A_123 : memref<1x128xi32, #tpu.memory_space<vmem>> -> memref<128xi32, #tpu.memory_space<vmem>>
      %dma_wait3A_125 = arith.constant 0 : i32
      %dma_wait3A_126 = arith.constant 0 : i32
      %dma_wait3A_127 = tpu.memref_slice %arg2[%dma_wait3A_125, %dma_wait3A_126] : memref<100000x32xf32, #tpu.memory_space<hbm>> -> memref<100000x32xf32, #tpu.memory_space<hbm>>
      tpu.wait_indirect_dma semaphore(%arg15 : memref<!tpu.dma_semaphore, #tpu.memory_space<semaphore_mem>>) src(%dma_wait3A_127 : memref<100000x32xf32, #tpu.memory_space<hbm>>) dst(%arg11 : memref<128x32xf32, #tpu.memory_space<vmem>>)
      %dma_wait3A_128 = arith.constant 1 : i32
      %dma_wait3A_129 = arith.constant 0 : i32
      %dma_wait3A_130 = tpu.memref_slice %arg7[%dma_wait3A_128, %dma_wait3A_129] : memref<10x128xi32, #tpu.memory_space<vmem>> -> memref<1x128xi32, #tpu.memory_space<vmem>>
      %dma_wait3A_131 = tpu.memref_squeeze %dma_wait3A_130 : memref<1x128xi32, #tpu.memory_space<vmem>> -> memref<128xi32, #tpu.memory_space<vmem>>
      %dma_wait3A_132 = arith.constant 0 : i32
      %dma_wait3A_133 = arith.constant 0 : i32
      %dma_wait3A_134 = tpu.memref_slice %arg14[%dma_wait3A_132, %dma_wait3A_133] : memref<51200x32xf32, #tpu.memory_space<vmem_shared>> -> memref<51200x32xf32, #tpu.memory_space<vmem_shared>>
      tpu.wait_indirect_dma semaphore(%arg19 : memref<!tpu.dma_semaphore, #tpu.memory_space<semaphore_mem>>) src(%arg9 : memref<128x32xf32, #tpu.memory_space<vmem>>) dst(%dma_wait3A_134 : memref<51200x32xf32, #tpu.memory_space<vmem_shared>>)
      %dma_start3A_135 = arith.constant 6 : i32
      %dma_start3A_136 = arith.constant 0 : i32
      %dma_start3A_137 = tpu.memref_slice %arg6[%dma_start3A_135, %dma_start3A_136] : memref<10x128xi32, #tpu.memory_space<vmem>> -> memref<1x128xi32, #tpu.memory_space<vmem>>
      %dma_start3A_138 = tpu.memref_squeeze %dma_start3A_137 : memref<1x128xi32, #tpu.memory_space<vmem>> -> memref<128xi32, #tpu.memory_space<vmem>>
      %dma_start3A_139 = arith.constant 0 : i32
      %dma_start3A_140 = arith.constant 0 : i32
      %dma_start3A_141 = tpu.memref_slice %arg2[%dma_start3A_139, %dma_start3A_140] : memref<100000x32xf32, #tpu.memory_space<hbm>> -> memref<100000x32xf32, #tpu.memory_space<hbm>>
      tpu.enqueue_indirect_dma source(%dma_start3A_141 : memref<100000x32xf32, #tpu.memory_space<hbm>>) target(%arg9 : memref<128x32xf32, #tpu.memory_space<vmem>>) offsets(%dma_start3A_138 : memref<128xi32, #tpu.memory_space<vmem>>) semaphore(%arg15 : memref<!tpu.dma_semaphore, #tpu.memory_space<semaphore_mem>>)
      %dma_start3A_142 = arith.constant 3 : i32
      %dma_start3A_143 = arith.constant 0 : i32
      %dma_start3A_144 = tpu.memref_slice %arg7[%dma_start3A_142, %dma_start3A_143] : memref<10x128xi32, #tpu.memory_space<vmem>> -> memref<1x128xi32, #tpu.memory_space<vmem>>
      %dma_start3A_145 = tpu.memref_squeeze %dma_start3A_144 : memref<1x128xi32, #tpu.memory_space<vmem>> -> memref<128xi32, #tpu.memory_space<vmem>>
      %dma_start3A_146 = arith.constant 0 : i32
      %dma_start3A_147 = arith.constant 0 : i32
      %dma_start3A_148 = tpu.memref_slice %arg14[%dma_start3A_146, %dma_start3A_147] : memref<51200x32xf32, #tpu.memory_space<vmem_shared>> -> memref<51200x32xf32, #tpu.memory_space<vmem_shared>>
      tpu.enqueue_indirect_dma source(%arg11 : memref<128x32xf32, #tpu.memory_space<vmem>>) target(%dma_start3A_148 : memref<51200x32xf32, #tpu.memory_space<vmem_shared>>) offsets(%dma_start3A_145 : memref<128xi32, #tpu.memory_space<vmem>>) semaphore(%arg19 : memref<!tpu.dma_semaphore, #tpu.memory_space<semaphore_mem>>) {add = true}
      %dma_wait3A_149 = arith.constant 4 : i32
      %dma_wait3A_150 = arith.constant 0 : i32
      %dma_wait3A_151 = tpu.memref_slice %arg6[%dma_wait3A_149, %dma_wait3A_150] : memref<10x128xi32, #tpu.memory_space<vmem>> -> memref<1x128xi32, #tpu.memory_space<vmem>>
      %dma_wait3A_152 = tpu.memref_squeeze %dma_wait3A_151 : memref<1x128xi32, #tpu.memory_space<vmem>> -> memref<128xi32, #tpu.memory_space<vmem>>
      %dma_wait3A_153 = arith.constant 0 : i32
      %dma_wait3A_154 = arith.constant 0 : i32
      %dma_wait3A_155 = tpu.memref_slice %arg2[%dma_wait3A_153, %dma_wait3A_154] : memref<100000x32xf32, #tpu.memory_space<hbm>> -> memref<100000x32xf32, #tpu.memory_space<hbm>>
      tpu.wait_indirect_dma semaphore(%arg16 : memref<!tpu.dma_semaphore, #tpu.memory_space<semaphore_mem>>) src(%dma_wait3A_155 : memref<100000x32xf32, #tpu.memory_space<hbm>>) dst(%arg12 : memref<128x32xf32, #tpu.memory_space<vmem>>)
      %dma_wait3A_156 = arith.constant 2 : i32
      %dma_wait3A_157 = arith.constant 0 : i32
      %dma_wait3A_158 = tpu.memref_slice %arg7[%dma_wait3A_156, %dma_wait3A_157] : memref<10x128xi32, #tpu.memory_space<vmem>> -> memref<1x128xi32, #tpu.memory_space<vmem>>
      %dma_wait3A_159 = tpu.memref_squeeze %dma_wait3A_158 : memref<1x128xi32, #tpu.memory_space<vmem>> -> memref<128xi32, #tpu.memory_space<vmem>>
      %dma_wait3A_160 = arith.constant 0 : i32
      %dma_wait3A_161 = arith.constant 0 : i32
      %dma_wait3A_162 = tpu.memref_slice %arg14[%dma_wait3A_160, %dma_wait3A_161] : memref<51200x32xf32, #tpu.memory_space<vmem_shared>> -> memref<51200x32xf32, #tpu.memory_space<vmem_shared>>
      tpu.wait_indirect_dma semaphore(%arg18 : memref<!tpu.dma_semaphore, #tpu.memory_space<semaphore_mem>>) src(%arg10 : memref<128x32xf32, #tpu.memory_space<vmem>>) dst(%dma_wait3A_162 : memref<51200x32xf32, #tpu.memory_space<vmem_shared>>)
      %dma_start3A_163 = arith.constant 7 : i32
      %dma_start3A_164 = arith.constant 0 : i32
      %dma_start3A_165 = tpu.memref_slice %arg6[%dma_start3A_163, %dma_start3A_164] : memref<10x128xi32, #tpu.memory_space<vmem>> -> memref<1x128xi32, #tpu.memory_space<vmem>>
      %dma_start3A_166 = tpu.memref_squeeze %dma_start3A_165 : memref<1x128xi32, #tpu.memory_space<vmem>> -> memref<128xi32, #tpu.memory_space<vmem>>
      %dma_start3A_167 = arith.constant 0 : i32
      %dma_start3A_168 = arith.constant 0 : i32
      %dma_start3A_169 = tpu.memref_slice %arg2[%dma_start3A_167, %dma_start3A_168] : memref<100000x32xf32, #tpu.memory_space<hbm>> -> memref<100000x32xf32, #tpu.memory_space<hbm>>
      tpu.enqueue_indirect_dma source(%dma_start3A_169 : memref<100000x32xf32, #tpu.memory_space<hbm>>) target(%arg10 : memref<128x32xf32, #tpu.memory_space<vmem>>) offsets(%dma_start3A_166 : memref<128xi32, #tpu.memory_space<vmem>>) semaphore(%arg16 : memref<!tpu.dma_semaphore, #tpu.memory_space<semaphore_mem>>)
      %dma_start3A_170 = arith.constant 4 : i32
      %dma_start3A_171 = arith.constant 0 : i32
      %dma_start3A_172 = tpu.memref_slice %arg7[%dma_start3A_170, %dma_start3A_171] : memref<10x128xi32, #tpu.memory_space<vmem>> -> memref<1x128xi32, #tpu.memory_space<vmem>>
      %dma_start3A_173 = tpu.memref_squeeze %dma_start3A_172 : memref<1x128xi32, #tpu.memory_space<vmem>> -> memref<128xi32, #tpu.memory_space<vmem>>
      %dma_start3A_174 = arith.constant 0 : i32
      %dma_start3A_175 = arith.constant 0 : i32
      %dma_start3A_176 = tpu.memref_slice %arg14[%dma_start3A_174, %dma_start3A_175] : memref<51200x32xf32, #tpu.memory_space<vmem_shared>> -> memref<51200x32xf32, #tpu.memory_space<vmem_shared>>
      tpu.enqueue_indirect_dma source(%arg12 : memref<128x32xf32, #tpu.memory_space<vmem>>) target(%dma_start3A_176 : memref<51200x32xf32, #tpu.memory_space<vmem_shared>>) offsets(%dma_start3A_173 : memref<128xi32, #tpu.memory_space<vmem>>) semaphore(%arg18 : memref<!tpu.dma_semaphore, #tpu.memory_space<semaphore_mem>>) {add = true}
      %dma_wait3A_177 = arith.constant 5 : i32
      %dma_wait3A_178 = arith.constant 0 : i32
      %dma_wait3A_179 = tpu.memref_slice %arg6[%dma_wait3A_177, %dma_wait3A_178] : memref<10x128xi32, #tpu.memory_space<vmem>> -> memref<1x128xi32, #tpu.memory_space<vmem>>
      %dma_wait3A_180 = tpu.memref_squeeze %dma_wait3A_179 : memref<1x128xi32, #tpu.memory_space<vmem>> -> memref<128xi32, #tpu.memory_space<vmem>>
      %dma_wait3A_181 = arith.constant 0 : i32
      %dma_wait3A_182 = arith.constant 0 : i32
      %dma_wait3A_183 = tpu.memref_slice %arg2[%dma_wait3A_181, %dma_wait3A_182] : memref<100000x32xf32, #tpu.memory_space<hbm>> -> memref<100000x32xf32, #tpu.memory_space<hbm>>
      tpu.wait_indirect_dma semaphore(%arg17 : memref<!tpu.dma_semaphore, #tpu.memory_space<semaphore_mem>>) src(%dma_wait3A_183 : memref<100000x32xf32, #tpu.memory_space<hbm>>) dst(%arg8 : memref<128x32xf32, #tpu.memory_space<vmem>>)
      %dma_wait3A_184 = arith.constant 3 : i32
      %dma_wait3A_185 = arith.constant 0 : i32
      %dma_wait3A_186 = tpu.memref_slice %arg7[%dma_wait3A_184, %dma_wait3A_185] : memref<10x128xi32, #tpu.memory_space<vmem>> -> memref<1x128xi32, #tpu.memory_space<vmem>>
      %dma_wait3A_187 = tpu.memref_squeeze %dma_wait3A_186 : memref<1x128xi32, #tpu.memory_space<vmem>> -> memref<128xi32, #tpu.memory_space<vmem>>
      %dma_wait3A_188 = arith.constant 0 : i32
      %dma_wait3A_189 = arith.constant 0 : i32
      %dma_wait3A_190 = tpu.memref_slice %arg14[%dma_wait3A_188, %dma_wait3A_189] : memref<51200x32xf32, #tpu.memory_space<vmem_shared>> -> memref<51200x32xf32, #tpu.memory_space<vmem_shared>>
      tpu.wait_indirect_dma semaphore(%arg19 : memref<!tpu.dma_semaphore, #tpu.memory_space<semaphore_mem>>) src(%arg11 : memref<128x32xf32, #tpu.memory_space<vmem>>) dst(%dma_wait3A_190 : memref<51200x32xf32, #tpu.memory_space<vmem_shared>>)
      %dma_start3A_191 = arith.constant 8 : i32
      %dma_start3A_192 = arith.constant 0 : i32
      %dma_start3A_193 = tpu.memref_slice %arg6[%dma_start3A_191, %dma_start3A_192] : memref<10x128xi32, #tpu.memory_space<vmem>> -> memref<1x128xi32, #tpu.memory_space<vmem>>
      %dma_start3A_194 = tpu.memref_squeeze %dma_start3A_193 : memref<1x128xi32, #tpu.memory_space<vmem>> -> memref<128xi32, #tpu.memory_space<vmem>>
      %dma_start3A_195 = arith.constant 0 : i32
      %dma_start3A_196 = arith.constant 0 : i32
      %dma_start3A_197 = tpu.memref_slice %arg2[%dma_start3A_195, %dma_start3A_196] : memref<100000x32xf32, #tpu.memory_space<hbm>> -> memref<100000x32xf32, #tpu.memory_space<hbm>>
      tpu.enqueue_indirect_dma source(%dma_start3A_197 : memref<100000x32xf32, #tpu.memory_space<hbm>>) target(%arg11 : memref<128x32xf32, #tpu.memory_space<vmem>>) offsets(%dma_start3A_194 : memref<128xi32, #tpu.memory_space<vmem>>) semaphore(%arg17 : memref<!tpu.dma_semaphore, #tpu.memory_space<semaphore_mem>>)
      %dma_start3A_198 = arith.constant 5 : i32
      %dma_start3A_199 = arith.constant 0 : i32
      %dma_start3A_200 = tpu.memref_slice %arg7[%dma_start3A_198, %dma_start3A_199] : memref<10x128xi32, #tpu.memory_space<vmem>> -> memref<1x128xi32, #tpu.memory_space<vmem>>
      %dma_start3A_201 = tpu.memref_squeeze %dma_start3A_200 : memref<1x128xi32, #tpu.memory_space<vmem>> -> memref<128xi32, #tpu.memory_space<vmem>>
      %dma_start3A_202 = arith.constant 0 : i32
      %dma_start3A_203 = arith.constant 0 : i32
      %dma_start3A_204 = tpu.memref_slice %arg14[%dma_start3A_202, %dma_start3A_203] : memref<51200x32xf32, #tpu.memory_space<vmem_shared>> -> memref<51200x32xf32, #tpu.memory_space<vmem_shared>>
      tpu.enqueue_indirect_dma source(%arg8 : memref<128x32xf32, #tpu.memory_space<vmem>>) target(%dma_start3A_204 : memref<51200x32xf32, #tpu.memory_space<vmem_shared>>) offsets(%dma_start3A_201 : memref<128xi32, #tpu.memory_space<vmem>>) semaphore(%arg19 : memref<!tpu.dma_semaphore, #tpu.memory_space<semaphore_mem>>) {add = true}
      %dma_wait3A_205 = arith.constant 6 : i32
      %dma_wait3A_206 = arith.constant 0 : i32
      %dma_wait3A_207 = tpu.memref_slice %arg6[%dma_wait3A_205, %dma_wait3A_206] : memref<10x128xi32, #tpu.memory_space<vmem>> -> memref<1x128xi32, #tpu.memory_space<vmem>>
      %dma_wait3A_208 = tpu.memref_squeeze %dma_wait3A_207 : memref<1x128xi32, #tpu.memory_space<vmem>> -> memref<128xi32, #tpu.memory_space<vmem>>
      %dma_wait3A_209 = arith.constant 0 : i32
      %dma_wait3A_210 = arith.constant 0 : i32
      %dma_wait3A_211 = tpu.memref_slice %arg2[%dma_wait3A_209, %dma_wait3A_210] : memref<100000x32xf32, #tpu.memory_space<hbm>> -> memref<100000x32xf32, #tpu.memory_space<hbm>>
      tpu.wait_indirect_dma semaphore(%arg15 : memref<!tpu.dma_semaphore, #tpu.memory_space<semaphore_mem>>) src(%dma_wait3A_211 : memref<100000x32xf32, #tpu.memory_space<hbm>>) dst(%arg9 : memref<128x32xf32, #tpu.memory_space<vmem>>)
      %dma_wait3A_212 = arith.constant 4 : i32
      %dma_wait3A_213 = arith.constant 0 : i32
      %dma_wait3A_214 = tpu.memref_slice %arg7[%dma_wait3A_212, %dma_wait3A_213] : memref<10x128xi32, #tpu.memory_space<vmem>> -> memref<1x128xi32, #tpu.memory_space<vmem>>
      %dma_wait3A_215 = tpu.memref_squeeze %dma_wait3A_214 : memref<1x128xi32, #tpu.memory_space<vmem>> -> memref<128xi32, #tpu.memory_space<vmem>>
      %dma_wait3A_216 = arith.constant 0 : i32
      %dma_wait3A_217 = arith.constant 0 : i32
      %dma_wait3A_218 = tpu.memref_slice %arg14[%dma_wait3A_216, %dma_wait3A_217] : memref<51200x32xf32, #tpu.memory_space<vmem_shared>> -> memref<51200x32xf32, #tpu.memory_space<vmem_shared>>
      tpu.wait_indirect_dma semaphore(%arg18 : memref<!tpu.dma_semaphore, #tpu.memory_space<semaphore_mem>>) src(%arg12 : memref<128x32xf32, #tpu.memory_space<vmem>>) dst(%dma_wait3A_218 : memref<51200x32xf32, #tpu.memory_space<vmem_shared>>)
      %dma_start3A_219 = arith.constant 9 : i32
      %dma_start3A_220 = arith.constant 0 : i32
      %dma_start3A_221 = tpu.memref_slice %arg6[%dma_start3A_219, %dma_start3A_220] : memref<10x128xi32, #tpu.memory_space<vmem>> -> memref<1x128xi32, #tpu.memory_space<vmem>>
      %dma_start3A_222 = tpu.memref_squeeze %dma_start3A_221 : memref<1x128xi32, #tpu.memory_space<vmem>> -> memref<128xi32, #tpu.memory_space<vmem>>
      %dma_start3A_223 = arith.constant 0 : i32
      %dma_start3A_224 = arith.constant 0 : i32
      %dma_start3A_225 = tpu.memref_slice %arg2[%dma_start3A_223, %dma_start3A_224] : memref<100000x32xf32, #tpu.memory_space<hbm>> -> memref<100000x32xf32, #tpu.memory_space<hbm>>
      tpu.enqueue_indirect_dma source(%dma_start3A_225 : memref<100000x32xf32, #tpu.memory_space<hbm>>) target(%arg12 : memref<128x32xf32, #tpu.memory_space<vmem>>) offsets(%dma_start3A_222 : memref<128xi32, #tpu.memory_space<vmem>>) semaphore(%arg15 : memref<!tpu.dma_semaphore, #tpu.memory_space<semaphore_mem>>)
      %dma_start3A_226 = arith.constant 6 : i32
      %dma_start3A_227 = arith.constant 0 : i32
      %dma_start3A_228 = tpu.memref_slice %arg7[%dma_start3A_226, %dma_start3A_227] : memref<10x128xi32, #tpu.memory_space<vmem>> -> memref<1x128xi32, #tpu.memory_space<vmem>>
      %dma_start3A_229 = tpu.memref_squeeze %dma_start3A_228 : memref<1x128xi32, #tpu.memory_space<vmem>> -> memref<128xi32, #tpu.memory_space<vmem>>
      %dma_start3A_230 = arith.constant 0 : i32
      %dma_start3A_231 = arith.constant 0 : i32
      %dma_start3A_232 = tpu.memref_slice %arg14[%dma_start3A_230, %dma_start3A_231] : memref<51200x32xf32, #tpu.memory_space<vmem_shared>> -> memref<51200x32xf32, #tpu.memory_space<vmem_shared>>
      tpu.enqueue_indirect_dma source(%arg9 : memref<128x32xf32, #tpu.memory_space<vmem>>) target(%dma_start3A_232 : memref<51200x32xf32, #tpu.memory_space<vmem_shared>>) offsets(%dma_start3A_229 : memref<128xi32, #tpu.memory_space<vmem>>) semaphore(%arg18 : memref<!tpu.dma_semaphore, #tpu.memory_space<semaphore_mem>>) {add = true}
      %dma_wait3A_233 = arith.constant 7 : i32
      %dma_wait3A_234 = arith.constant 0 : i32
      %dma_wait3A_235 = tpu.memref_slice %arg6[%dma_wait3A_233, %dma_wait3A_234] : memref<10x128xi32, #tpu.memory_space<vmem>> -> memref<1x128xi32, #tpu.memory_space<vmem>>
      %dma_wait3A_236 = tpu.memref_squeeze %dma_wait3A_235 : memref<1x128xi32, #tpu.memory_space<vmem>> -> memref<128xi32, #tpu.memory_space<vmem>>
      %dma_wait3A_237 = arith.constant 0 : i32
      %dma_wait3A_238 = arith.constant 0 : i32
      %dma_wait3A_239 = tpu.memref_slice %arg2[%dma_wait3A_237, %dma_wait3A_238] : memref<100000x32xf32, #tpu.memory_space<hbm>> -> memref<100000x32xf32, #tpu.memory_space<hbm>>
      tpu.wait_indirect_dma semaphore(%arg16 : memref<!tpu.dma_semaphore, #tpu.memory_space<semaphore_mem>>) src(%dma_wait3A_239 : memref<100000x32xf32, #tpu.memory_space<hbm>>) dst(%arg10 : memref<128x32xf32, #tpu.memory_space<vmem>>)
      %dma_start3A_240 = arith.constant 7 : i32
      %dma_start3A_241 = arith.constant 0 : i32
      %dma_start3A_242 = tpu.memref_slice %arg7[%dma_start3A_240, %dma_start3A_241] : memref<10x128xi32, #tpu.memory_space<vmem>> -> memref<1x128xi32, #tpu.memory_space<vmem>>
      %dma_start3A_243 = tpu.memref_squeeze %dma_start3A_242 : memref<1x128xi32, #tpu.memory_space<vmem>> -> memref<128xi32, #tpu.memory_space<vmem>>
      %dma_start3A_244 = arith.constant 0 : i32
      %dma_start3A_245 = arith.constant 0 : i32
      %dma_start3A_246 = tpu.memref_slice %arg14[%dma_start3A_244, %dma_start3A_245] : memref<51200x32xf32, #tpu.memory_space<vmem_shared>> -> memref<51200x32xf32, #tpu.memory_space<vmem_shared>>
      tpu.enqueue_indirect_dma source(%arg10 : memref<128x32xf32, #tpu.memory_space<vmem>>) target(%dma_start3A_246 : memref<51200x32xf32, #tpu.memory_space<vmem_shared>>) offsets(%dma_start3A_243 : memref<128xi32, #tpu.memory_space<vmem>>) semaphore(%arg19 : memref<!tpu.dma_semaphore, #tpu.memory_space<semaphore_mem>>) {add = true}
      %dma_wait3A_247 = arith.constant 8 : i32
      %dma_wait3A_248 = arith.constant 0 : i32
      %dma_wait3A_249 = tpu.memref_slice %arg6[%dma_wait3A_247, %dma_wait3A_248] : memref<10x128xi32, #tpu.memory_space<vmem>> -> memref<1x128xi32, #tpu.memory_space<vmem>>
      %dma_wait3A_250 = tpu.memref_squeeze %dma_wait3A_249 : memref<1x128xi32, #tpu.memory_space<vmem>> -> memref<128xi32, #tpu.memory_space<vmem>>
      %dma_wait3A_251 = arith.constant 0 : i32
      %dma_wait3A_252 = arith.constant 0 : i32
      %dma_wait3A_253 = tpu.memref_slice %arg2[%dma_wait3A_251, %dma_wait3A_252] : memref<100000x32xf32, #tpu.memory_space<hbm>> -> memref<100000x32xf32, #tpu.memory_space<hbm>>
      tpu.wait_indirect_dma semaphore(%arg17 : memref<!tpu.dma_semaphore, #tpu.memory_space<semaphore_mem>>) src(%dma_wait3A_253 : memref<100000x32xf32, #tpu.memory_space<hbm>>) dst(%arg11 : memref<128x32xf32, #tpu.memory_space<vmem>>)
      %dma_start3A_254 = arith.constant 8 : i32
      %dma_start3A_255 = arith.constant 0 : i32
      %dma_start3A_256 = tpu.memref_slice %arg7[%dma_start3A_254, %dma_start3A_255] : memref<10x128xi32, #tpu.memory_space<vmem>> -> memref<1x128xi32, #tpu.memory_space<vmem>>
      %dma_start3A_257 = tpu.memref_squeeze %dma_start3A_256 : memref<1x128xi32, #tpu.memory_space<vmem>> -> memref<128xi32, #tpu.memory_space<vmem>>
      %dma_start3A_258 = arith.constant 0 : i32
      %dma_start3A_259 = arith.constant 0 : i32
      %dma_start3A_260 = tpu.memref_slice %arg14[%dma_start3A_258, %dma_start3A_259] : memref<51200x32xf32, #tpu.memory_space<vmem_shared>> -> memref<51200x32xf32, #tpu.memory_space<vmem_shared>>
      tpu.enqueue_indirect_dma source(%arg11 : memref<128x32xf32, #tpu.memory_space<vmem>>) target(%dma_start3A_260 : memref<51200x32xf32, #tpu.memory_space<vmem_shared>>) offsets(%dma_start3A_257 : memref<128xi32, #tpu.memory_space<vmem>>) semaphore(%arg18 : memref<!tpu.dma_semaphore, #tpu.memory_space<semaphore_mem>>) {add = true}
      %dma_wait3A_261 = arith.constant 9 : i32
      %dma_wait3A_262 = arith.constant 0 : i32
      %dma_wait3A_263 = tpu.memref_slice %arg6[%dma_wait3A_261, %dma_wait3A_262] : memref<10x128xi32, #tpu.memory_space<vmem>> -> memref<1x128xi32, #tpu.memory_space<vmem>>
      %dma_wait3A_264 = tpu.memref_squeeze %dma_wait3A_263 : memref<1x128xi32, #tpu.memory_space<vmem>> -> memref<128xi32, #tpu.memory_space<vmem>>
      %dma_wait3A_265 = arith.constant 0 : i32
      %dma_wait3A_266 = arith.constant 0 : i32
      %dma_wait3A_267 = tpu.memref_slice %arg2[%dma_wait3A_265, %dma_wait3A_266] : memref<100000x32xf32, #tpu.memory_space<hbm>> -> memref<100000x32xf32, #tpu.memory_space<hbm>>
      tpu.wait_indirect_dma semaphore(%arg15 : memref<!tpu.dma_semaphore, #tpu.memory_space<semaphore_mem>>) src(%dma_wait3A_267 : memref<100000x32xf32, #tpu.memory_space<hbm>>) dst(%arg12 : memref<128x32xf32, #tpu.memory_space<vmem>>)
      %dma_start3A_268 = arith.constant 9 : i32
      %dma_start3A_269 = arith.constant 0 : i32
      %dma_start3A_270 = tpu.memref_slice %arg7[%dma_start3A_268, %dma_start3A_269] : memref<10x128xi32, #tpu.memory_space<vmem>> -> memref<1x128xi32, #tpu.memory_space<vmem>>
      %dma_start3A_271 = tpu.memref_squeeze %dma_start3A_270 : memref<1x128xi32, #tpu.memory_space<vmem>> -> memref<128xi32, #tpu.memory_space<vmem>>
      %dma_start3A_272 = arith.constant 0 : i32
      %dma_start3A_273 = arith.constant 0 : i32
      %dma_start3A_274 = tpu.memref_slice %arg14[%dma_start3A_272, %dma_start3A_273] : memref<51200x32xf32, #tpu.memory_space<vmem_shared>> -> memref<51200x32xf32, #tpu.memory_space<vmem_shared>>
      tpu.enqueue_indirect_dma source(%arg12 : memref<128x32xf32, #tpu.memory_space<vmem>>) target(%dma_start3A_274 : memref<51200x32xf32, #tpu.memory_space<vmem_shared>>) offsets(%dma_start3A_271 : memref<128xi32, #tpu.memory_space<vmem>>) semaphore(%arg19 : memref<!tpu.dma_semaphore, #tpu.memory_space<semaphore_mem>>) {add = true}
      %dma_wait3A_275 = arith.constant 5 : i32
      %dma_wait3A_276 = arith.constant 0 : i32
      %dma_wait3A_277 = tpu.memref_slice %arg7[%dma_wait3A_275, %dma_wait3A_276] : memref<10x128xi32, #tpu.memory_space<vmem>> -> memref<1x128xi32, #tpu.memory_space<vmem>>
      %dma_wait3A_278 = tpu.memref_squeeze %dma_wait3A_277 : memref<1x128xi32, #tpu.memory_space<vmem>> -> memref<128xi32, #tpu.memory_space<vmem>>
      %dma_wait3A_279 = arith.constant 0 : i32
      %dma_wait3A_280 = arith.constant 0 : i32
      %dma_wait3A_281 = tpu.memref_slice %arg14[%dma_wait3A_279, %dma_wait3A_280] : memref<51200x32xf32, #tpu.memory_space<vmem_shared>> -> memref<51200x32xf32, #tpu.memory_space<vmem_shared>>
      tpu.wait_indirect_dma semaphore(%arg19 : memref<!tpu.dma_semaphore, #tpu.memory_space<semaphore_mem>>) src(%arg8 : memref<128x32xf32, #tpu.memory_space<vmem>>) dst(%dma_wait3A_281 : memref<51200x32xf32, #tpu.memory_space<vmem_shared>>)
      %dma_wait3A_282 = arith.constant 6 : i32
      %dma_wait3A_283 = arith.constant 0 : i32
      %dma_wait3A_284 = tpu.memref_slice %arg7[%dma_wait3A_282, %dma_wait3A_283] : memref<10x128xi32, #tpu.memory_space<vmem>> -> memref<1x128xi32, #tpu.memory_space<vmem>>
      %dma_wait3A_285 = tpu.memref_squeeze %dma_wait3A_284 : memref<1x128xi32, #tpu.memory_space<vmem>> -> memref<128xi32, #tpu.memory_space<vmem>>
      %dma_wait3A_286 = arith.constant 0 : i32
      %dma_wait3A_287 = arith.constant 0 : i32
      %dma_wait3A_288 = tpu.memref_slice %arg14[%dma_wait3A_286, %dma_wait3A_287] : memref<51200x32xf32, #tpu.memory_space<vmem_shared>> -> memref<51200x32xf32, #tpu.memory_space<vmem_shared>>
      tpu.wait_indirect_dma semaphore(%arg18 : memref<!tpu.dma_semaphore, #tpu.memory_space<semaphore_mem>>) src(%arg9 : memref<128x32xf32, #tpu.memory_space<vmem>>) dst(%dma_wait3A_288 : memref<51200x32xf32, #tpu.memory_space<vmem_shared>>)
      %dma_wait3A_289 = arith.constant 7 : i32
      %dma_wait3A_290 = arith.constant 0 : i32
      %dma_wait3A_291 = tpu.memref_slice %arg7[%dma_wait3A_289, %dma_wait3A_290] : memref<10x128xi32, #tpu.memory_space<vmem>> -> memref<1x128xi32, #tpu.memory_space<vmem>>
      %dma_wait3A_292 = tpu.memref_squeeze %dma_wait3A_291 : memref<1x128xi32, #tpu.memory_space<vmem>> -> memref<128xi32, #tpu.memory_space<vmem>>
      %dma_wait3A_293 = arith.constant 0 : i32
      %dma_wait3A_294 = arith.constant 0 : i32
      %dma_wait3A_295 = tpu.memref_slice %arg14[%dma_wait3A_293, %dma_wait3A_294] : memref<51200x32xf32, #tpu.memory_space<vmem_shared>> -> memref<51200x32xf32, #tpu.memory_space<vmem_shared>>
      tpu.wait_indirect_dma semaphore(%arg19 : memref<!tpu.dma_semaphore, #tpu.memory_space<semaphore_mem>>) src(%arg10 : memref<128x32xf32, #tpu.memory_space<vmem>>) dst(%dma_wait3A_295 : memref<51200x32xf32, #tpu.memory_space<vmem_shared>>)
      %dma_wait3A_296 = arith.constant 8 : i32
      %dma_wait3A_297 = arith.constant 0 : i32
      %dma_wait3A_298 = tpu.memref_slice %arg7[%dma_wait3A_296, %dma_wait3A_297] : memref<10x128xi32, #tpu.memory_space<vmem>> -> memref<1x128xi32, #tpu.memory_space<vmem>>
      %dma_wait3A_299 = tpu.memref_squeeze %dma_wait3A_298 : memref<1x128xi32, #tpu.memory_space<vmem>> -> memref<128xi32, #tpu.memory_space<vmem>>
      %dma_wait3A_300 = arith.constant 0 : i32
      %dma_wait3A_301 = arith.constant 0 : i32
      %dma_wait3A_302 = tpu.memref_slice %arg14[%dma_wait3A_300, %dma_wait3A_301] : memref<51200x32xf32, #tpu.memory_space<vmem_shared>> -> memref<51200x32xf32, #tpu.memory_space<vmem_shared>>
      tpu.wait_indirect_dma semaphore(%arg18 : memref<!tpu.dma_semaphore, #tpu.memory_space<semaphore_mem>>) src(%arg11 : memref<128x32xf32, #tpu.memory_space<vmem>>) dst(%dma_wait3A_302 : memref<51200x32xf32, #tpu.memory_space<vmem_shared>>)
      %dma_wait3A_303 = arith.constant 9 : i32
      %dma_wait3A_304 = arith.constant 0 : i32
      %dma_wait3A_305 = tpu.memref_slice %arg7[%dma_wait3A_303, %dma_wait3A_304] : memref<10x128xi32, #tpu.memory_space<vmem>> -> memref<1x128xi32, #tpu.memory_space<vmem>>
      %dma_wait3A_306 = tpu.memref_squeeze %dma_wait3A_305 : memref<1x128xi32, #tpu.memory_space<vmem>> -> memref<128xi32, #tpu.memory_space<vmem>>
      %dma_wait3A_307 = arith.constant 0 : i32
      %dma_wait3A_308 = arith.constant 0 : i32
      %dma_wait3A_309 = tpu.memref_slice %arg14[%dma_wait3A_307, %dma_wait3A_308] : memref<51200x32xf32, #tpu.memory_space<vmem_shared>> -> memref<51200x32xf32, #tpu.memory_space<vmem_shared>>
      tpu.wait_indirect_dma semaphore(%arg19 : memref<!tpu.dma_semaphore, #tpu.memory_space<semaphore_mem>>) src(%arg12 : memref<128x32xf32, #tpu.memory_space<vmem>>) dst(%dma_wait3A_309 : memref<51200x32xf32, #tpu.memory_space<vmem_shared>>)
      %scan3A_310 = arith.constant 0 : i32
      scf.yield %scan3A_310 : i32
    }
    %scan3A_19 = arith.constant 40 : i32
    %barrier3A_20 = arith.constant 0 : index
    tpu.barrier barrier_id(%barrier3A_20)
    %lt3A = arith.constant 15 : i32
    %lt3A_21 = arith.cmpi slt, %arg1, %lt3A : i32
    %convert_element_type3A = arith.extui %lt3A_21 : i1 to i32
    %cond3A = arith.constant 0 : i32
    %cond3A_22 = arith.cmpi ne, %convert_element_type3A, %cond3A : i32
    scf.if %cond3A_22 {
      %mul3A = arith.constant 3128 : i32
      %mul3A_27 = arith.muli %arg1, %mul3A : i32
      %mul3A_28 = arith.constant 3128 : i32
      %mul3A_29 = arith.muli %arg1, %mul3A_28 : i32
      "tpu.region"() ({
        %run_scoped3A = tpu.sem_alloc : memref<!tpu.dma_semaphore, #tpu.memory_space<semaphore_mem>>
        %dma_start3A = arith.constant 0 : i32
        %dma_start3A_30 = tpu.memref_slice %arg5[%arg0, %mul3A_29, %dma_start3A] : memref<2x50000x32xf32, #tpu.memory_space<hbm>> -> memref<1x3128x32xf32, #tpu.memory_space<hbm>>
        %dma_start3A_31 = tpu.memref_squeeze %dma_start3A_30 : memref<1x3128x32xf32, #tpu.memory_space<hbm>> -> memref<3128x32xf32, #tpu.memory_space<hbm>>
        %dma_start3A_32 = arith.constant 0 : i32
        %dma_start3A_33 = tpu.memref_slice %arg14[%mul3A_27, %dma_start3A_32] : memref<51200x32xf32, #tpu.memory_space<vmem_shared>> -> memref<3128x32xf32, #tpu.memory_space<vmem_shared>>
        tpu.enqueue_dma source(%dma_start3A_33 : memref<3128x32xf32, #tpu.memory_space<vmem_shared>>) target(%dma_start3A_31 : memref<3128x32xf32, #tpu.memory_space<hbm>>) target_semaphore(%run_scoped3A : memref<!tpu.dma_semaphore, #tpu.memory_space<semaphore_mem>>)
        %dma_wait3A = arith.constant 0 : i32
        %dma_wait3A_34 = tpu.memref_slice %arg5[%arg0, %mul3A_29, %dma_wait3A] : memref<2x50000x32xf32, #tpu.memory_space<hbm>> -> memref<1x3128x32xf32, #tpu.memory_space<hbm>>
        %dma_wait3A_35 = tpu.memref_squeeze %dma_wait3A_34 : memref<1x3128x32xf32, #tpu.memory_space<hbm>> -> memref<3128x32xf32, #tpu.memory_space<hbm>>
        %dma_wait3A_36 = arith.constant 0 : i32
        %dma_wait3A_37 = tpu.memref_slice %arg14[%mul3A_27, %dma_wait3A_36] : memref<51200x32xf32, #tpu.memory_space<vmem_shared>> -> memref<3128x32xf32, #tpu.memory_space<vmem_shared>>
        tpu.wait_dma2 semaphore(%run_scoped3A : memref<!tpu.dma_semaphore, #tpu.memory_space<semaphore_mem>>) src(%dma_wait3A_37 : memref<3128x32xf32, #tpu.memory_space<vmem_shared>>) dst(%dma_wait3A_35 : memref<3128x32xf32, #tpu.memory_space<hbm>>)
        tpu.yield
      }) : () -> ()
    } else {
    }
    %eq3A = arith.constant 15 : i32
    %eq3A_23 = arith.cmpi eq, %arg1, %eq3A : i32
    %convert_element_type3A_24 = arith.extui %eq3A_23 : i1 to i32
    %cond3A_25 = arith.constant 0 : i32
    %cond3A_26 = arith.cmpi ne, %convert_element_type3A_24, %cond3A_25 : i32
    scf.if %cond3A_26 {
      "tpu.region"() ({
        %run_scoped3A = tpu.sem_alloc : memref<!tpu.dma_semaphore, #tpu.memory_space<semaphore_mem>>
        %dma_start3A = arith.constant 46920 : i32
        %dma_start3A_27 = arith.constant 0 : i32
        %dma_start3A_28 = tpu.memref_slice %arg5[%arg0, %dma_start3A, %dma_start3A_27] : memref<2x50000x32xf32, #tpu.memory_space<hbm>> -> memref<1x3080x32xf32, #tpu.memory_space<hbm>>
        %dma_start3A_29 = tpu.memref_squeeze %dma_start3A_28 : memref<1x3080x32xf32, #tpu.memory_space<hbm>> -> memref<3080x32xf32, #tpu.memory_space<hbm>>
        %dma_start3A_30 = arith.constant 46920 : i32
        %dma_start3A_31 = arith.constant 0 : i32
        %dma_start3A_32 = tpu.memref_slice %arg14[%dma_start3A_30, %dma_start3A_31] : memref<51200x32xf32, #tpu.memory_space<vmem_shared>> -> memref<3080x32xf32, #tpu.memory_space<vmem_shared>>
        tpu.enqueue_dma source(%dma_start3A_32 : memref<3080x32xf32, #tpu.memory_space<vmem_shared>>) target(%dma_start3A_29 : memref<3080x32xf32, #tpu.memory_space<hbm>>) target_semaphore(%run_scoped3A : memref<!tpu.dma_semaphore, #tpu.memory_space<semaphore_mem>>)
        %dma_wait3A = arith.constant 46920 : i32
        %dma_wait3A_33 = arith.constant 0 : i32
        %dma_wait3A_34 = tpu.memref_slice %arg5[%arg0, %dma_wait3A, %dma_wait3A_33] : memref<2x50000x32xf32, #tpu.memory_space<hbm>> -> memref<1x3080x32xf32, #tpu.memory_space<hbm>>
        %dma_wait3A_35 = tpu.memref_squeeze %dma_wait3A_34 : memref<1x3080x32xf32, #tpu.memory_space<hbm>> -> memref<3080x32xf32, #tpu.memory_space<hbm>>
        %dma_wait3A_36 = arith.constant 46920 : i32
        %dma_wait3A_37 = arith.constant 0 : i32
        %dma_wait3A_38 = tpu.memref_slice %arg14[%dma_wait3A_36, %dma_wait3A_37] : memref<51200x32xf32, #tpu.memory_space<vmem_shared>> -> memref<3080x32xf32, #tpu.memory_space<vmem_shared>>
        tpu.wait_dma2 semaphore(%run_scoped3A : memref<!tpu.dma_semaphore, #tpu.memory_space<semaphore_mem>>) src(%dma_wait3A_38 : memref<3080x32xf32, #tpu.memory_space<vmem_shared>>) dst(%dma_wait3A_35 : memref<3080x32xf32, #tpu.memory_space<hbm>>)
        tpu.yield
      }) : () -> ()
    } else {
    }
    return
  }
}

module attributes {stable_mosaic.version = 14 : i64} {
  func.func @_dis_body(%arg0: i32, %arg1: memref<2x2000x16xf32, #tpu.memory_space<vmem>>, %arg2: memref<2000x16xf32, #tpu.memory_space<vmem>>, %arg3: memref<2000x16xf32, #tpu.memory_space<vmem>>) attributes {dimension_semantics = [#tpu.dimension_semantics<arbitrary>], iteration_bounds = array<i64: 25>, scalar_prefetch = 0 : i64, scratch_operands = 0 : i64, tpu.core_type = #tpu.core_type<tc>, window_params = [{transform_indices = @transform_0, window_bounds = array<i64: 2, 2000, 16>}, {transform_indices = @transform_1, window_bounds = array<i64: 2000, 16>}, {transform_indices = @transform_2, window_bounds = array<i64: 2000, 16>}]} {
    %get3A = arith.constant 0 : index
    %get3A_0 = arith.constant 0 : index
    %get3A_1 = arith.constant 0 : index
    %get3A_2 = vector.load %arg1[%get3A, %get3A_0, %get3A_1] : memref<2x2000x16xf32, #tpu.memory_space<vmem>>, vector<1x2000x16xf32>
    %get3A_3 = vector.shape_cast %get3A_2 : vector<1x2000x16xf32> to vector<2000x16xf32>
    %get3A_4 = arith.constant 1 : index
    %get3A_5 = arith.constant 0 : index
    %get3A_6 = arith.constant 0 : index
    %get3A_7 = vector.load %arg1[%get3A_4, %get3A_5, %get3A_6] : memref<2x2000x16xf32, #tpu.memory_space<vmem>>, vector<1x2000x16xf32>
    %get3A_8 = vector.shape_cast %get3A_7 : vector<1x2000x16xf32> to vector<2000x16xf32>
    %add3A = arith.addf %get3A_3, %get3A_8 : vector<2000x16xf32>
    %gt3A = arith.constant 0.000000e+00 : f32
    %gt3A_9 = vector.broadcast %gt3A : f32 to vector<2000x16xf32>
    %gt3A_10 = arith.cmpf ogt, %add3A, %gt3A_9 : vector<2000x16xf32>
    %rsqrt3A = math.rsqrt %add3A : vector<2000x16xf32>
    %jit3A = arith.constant 0.000000e+00 : f32
    %broadcast_in_dim3A = vector.broadcast %jit3A : f32 to vector<2000x16xf32>
    %select_n3A = arith.select %gt3A_10, %rsqrt3A, %broadcast_in_dim3A : vector<2000x16xi1>, vector<2000x16xf32>
    %swap3A = arith.constant 0 : index
    %swap3A_11 = arith.constant 0 : index
    %swap3A_12 = vector.load %arg2[%swap3A, %swap3A_11] : memref<2000x16xf32, #tpu.memory_space<vmem>>, vector<2000x16xf32>
    tpu.vector_store %arg2[%swap3A, %swap3A_11], %select_n3A {strides = array<i32>} : memref<2000x16xf32, #tpu.memory_space<vmem>>, vector<2000x16xf32>,
    %mul3A = arith.mulf %select_n3A, %select_n3A : vector<2000x16xf32>
    %swap3A_13 = arith.constant 0 : index
    %swap3A_14 = arith.constant 0 : index
    %swap3A_15 = vector.load %arg3[%swap3A_13, %swap3A_14] : memref<2000x16xf32, #tpu.memory_space<vmem>>, vector<2000x16xf32>
    tpu.vector_store %arg3[%swap3A_13, %swap3A_14], %mul3A {strides = array<i32>} : memref<2000x16xf32, #tpu.memory_space<vmem>>, vector<2000x16xf32>,
    return
  }
  func.func @transform_0(%arg0: i32) -> (i32, i32, i32) {
    %c0_i32 = arith.constant 0 : i32
    %c0_i32_0 = arith.constant 0 : i32
    %c0_i32_1 = arith.constant 0 : i32
    return %c0_i32, %arg0, %c0_i32_0 : i32, i32, i32
  }
  func.func @transform_1(%arg0: i32) -> (i32, i32) {
    %c0_i32 = arith.constant 0 : i32
    %c0_i32_0 = arith.constant 0 : i32
    return %arg0, %c0_i32 : i32, i32
  }
  func.func @transform_2(%arg0: i32) -> (i32, i32) {
    %c0_i32 = arith.constant 0 : i32
    %c0_i32_0 = arith.constant 0 : i32
    return %arg0, %c0_i32 : i32, i32
  }
}

module attributes {stable_mosaic.version = 14 : i64} {
  func.func @_scale0_body(%arg0: i32, %arg1: memref<2000x64xf32, #tpu.memory_space<vmem>>, %arg2: memref<2000x16xf32, #tpu.memory_space<vmem>>, %arg3: memref<2x2000x32xf32, #tpu.memory_space<vmem>>) attributes {dimension_semantics = [#tpu.dimension_semantics<arbitrary>], iteration_bounds = array<i64: 25>, scalar_prefetch = 0 : i64, scratch_operands = 0 : i64, tpu.core_type = #tpu.core_type<tc>, window_params = [{transform_indices = @transform_0, window_bounds = array<i64: 2000, 64>}, {transform_indices = @transform_1, window_bounds = array<i64: 2000, 16>}, {transform_indices = @transform_2, window_bounds = array<i64: 2, 2000, 32>}]} {
    %get3A = arith.constant 0 : index
    %get3A_0 = arith.constant 0 : index
    %get3A_1 = vector.load %arg2[%get3A, %get3A_0] : memref<2000x16xf32, #tpu.memory_space<vmem>>, vector<2000x1xf32>
    %get3A_2 = arith.constant 0 : index
    %get3A_3 = arith.constant 0 : index
    %get3A_4 = vector.load %arg1[%get3A_2, %get3A_3] : memref<2000x64xf32, #tpu.memory_space<vmem>>, vector<2000x32xf32>
    %mul3A = vector.broadcast %get3A_1 : vector<2000x1xf32> to vector<2000x32xf32>
    %mul3A_5 = arith.mulf %get3A_4, %mul3A : vector<2000x32xf32>
    %swap3A = arith.constant 0 : index
    %swap3A_6 = arith.constant 0 : index
    %swap3A_7 = arith.constant 0 : index
    %swap3A_8 = vector.load %arg3[%swap3A, %swap3A_6, %swap3A_7] : memref<2x2000x32xf32, #tpu.memory_space<vmem>>, vector<1x2000x32xf32>
    %swap3A_9 = vector.shape_cast %swap3A_8 : vector<1x2000x32xf32> to vector<2000x32xf32>
    %swap3A_10 = vector.shape_cast %mul3A_5 : vector<2000x32xf32> to vector<1x2000x32xf32>
    tpu.vector_store %arg3[%swap3A, %swap3A_6, %swap3A_7], %swap3A_10 {strides = array<i32>} : memref<2x2000x32xf32, #tpu.memory_space<vmem>>, vector<1x2000x32xf32>,
    %get3A_11 = arith.constant 0 : index
    %get3A_12 = arith.constant 32 : index
    %get3A_13 = vector.load %arg1[%get3A_11, %get3A_12] : memref<2000x64xf32, #tpu.memory_space<vmem>>, vector<2000x32xf32>
    %mul3A_14 = vector.broadcast %get3A_1 : vector<2000x1xf32> to vector<2000x32xf32>
    %mul3A_15 = arith.mulf %get3A_13, %mul3A_14 : vector<2000x32xf32>
    %swap3A_16 = arith.constant 1 : index
    %swap3A_17 = arith.constant 0 : index
    %swap3A_18 = arith.constant 0 : index
    %swap3A_19 = vector.load %arg3[%swap3A_16, %swap3A_17, %swap3A_18] : memref<2x2000x32xf32, #tpu.memory_space<vmem>>, vector<1x2000x32xf32>
    %swap3A_20 = vector.shape_cast %swap3A_19 : vector<1x2000x32xf32> to vector<2000x32xf32>
    %swap3A_21 = vector.shape_cast %mul3A_15 : vector<2000x32xf32> to vector<1x2000x32xf32>
    tpu.vector_store %arg3[%swap3A_16, %swap3A_17, %swap3A_18], %swap3A_21 {strides = array<i32>} : memref<2x2000x32xf32, #tpu.memory_space<vmem>>, vector<1x2000x32xf32>,
    return
  }
  func.func @transform_0(%arg0: i32) -> (i32, i32) {
    %c0_i32 = arith.constant 0 : i32
    %c0_i32_0 = arith.constant 0 : i32
    return %arg0, %c0_i32 : i32, i32
  }
  func.func @transform_1(%arg0: i32) -> (i32, i32) {
    %c0_i32 = arith.constant 0 : i32
    %c0_i32_0 = arith.constant 0 : i32
    return %arg0, %c0_i32 : i32, i32
  }
  func.func @transform_2(%arg0: i32) -> (i32, i32, i32) {
    %c0_i32 = arith.constant 0 : i32
    %c0_i32_0 = arith.constant 0 : i32
    %c0_i32_1 = arith.constant 0 : i32
    return %c0_i32, %arg0, %c0_i32_0 : i32, i32, i32
  }
}

module attributes {stable_mosaic.version = 14 : i64} {
  func.func @_scalek_body(%arg0: i32, %arg1: memref<2x2000x32xf32, #tpu.memory_space<vmem>>, %arg2: memref<2000x16xf32, #tpu.memory_space<vmem>>, %arg3: memref<2x2000x32xf32, #tpu.memory_space<vmem>>) attributes {dimension_semantics = [#tpu.dimension_semantics<arbitrary>], iteration_bounds = array<i64: 25>, scalar_prefetch = 0 : i64, scratch_operands = 0 : i64, tpu.core_type = #tpu.core_type<tc>, window_params = [{transform_indices = @transform_0, window_bounds = array<i64: 2, 2000, 32>}, {transform_indices = @transform_1, window_bounds = array<i64: 2000, 16>}, {transform_indices = @transform_2, window_bounds = array<i64: 2, 2000, 32>}]} {
    %get3A = arith.constant 0 : index
    %get3A_0 = arith.constant 0 : index
    %get3A_1 = vector.load %arg2[%get3A, %get3A_0] : memref<2000x16xf32, #tpu.memory_space<vmem>>, vector<2000x1xf32>
    %broadcast_in_dim3A = vector.shape_cast %get3A_1 : vector<2000x1xf32> to vector<1x2000x1xf32>
    %get3A_2 = arith.constant 0 : index
    %get3A_3 = arith.constant 0 : index
    %get3A_4 = arith.constant 0 : index
    %get3A_5 = vector.load %arg1[%get3A_2, %get3A_3, %get3A_4] : memref<2x2000x32xf32, #tpu.memory_space<vmem>>, vector<2x2000x32xf32>
    %mul3A = vector.broadcast %broadcast_in_dim3A : vector<1x2000x1xf32> to vector<2x2000x32xf32>
    %mul3A_6 = arith.mulf %get3A_5, %mul3A : vector<2x2000x32xf32>
    %swap3A = arith.constant 0 : index
    %swap3A_7 = arith.constant 0 : index
    %swap3A_8 = arith.constant 0 : index
    %swap3A_9 = vector.load %arg3[%swap3A, %swap3A_7, %swap3A_8] : memref<2x2000x32xf32, #tpu.memory_space<vmem>>, vector<2x2000x32xf32>
    tpu.vector_store %arg3[%swap3A, %swap3A_7, %swap3A_8], %mul3A_6 {strides = array<i32>} : memref<2x2000x32xf32, #tpu.memory_space<vmem>>, vector<2x2000x32xf32>,
    return
  }
  func.func @transform_0(%arg0: i32) -> (i32, i32, i32) {
    %c0_i32 = arith.constant 0 : i32
    %c0_i32_0 = arith.constant 0 : i32
    %c0_i32_1 = arith.constant 0 : i32
    return %c0_i32, %arg0, %c0_i32_0 : i32, i32, i32
  }
  func.func @transform_1(%arg0: i32) -> (i32, i32) {
    %c0_i32 = arith.constant 0 : i32
    %c0_i32_0 = arith.constant 0 : i32
    return %arg0, %c0_i32 : i32, i32
  }
  func.func @transform_2(%arg0: i32) -> (i32, i32, i32) {
    %c0_i32 = arith.constant 0 : i32
    %c0_i32_0 = arith.constant 0 : i32
    %c0_i32_1 = arith.constant 0 : i32
    return %c0_i32, %arg0, %c0_i32_0 : i32, i32, i32
  }
}

module attributes {stable_mosaic.version = 14 : i64} {
  func.func @_mean_body(%arg0: i32, %arg1: memref<2000x64xf32, #tpu.memory_space<vmem>>, %arg2: memref<2x2000x32xf32, #tpu.memory_space<vmem>>, %arg3: memref<2x2000x32xf32, #tpu.memory_space<vmem>>, %arg4: memref<2x2000x32xf32, #tpu.memory_space<vmem>>, %arg5: memref<2000x16xf32, #tpu.memory_space<vmem>>, %arg6: memref<2000x64xf32, #tpu.memory_space<vmem>>) attributes {dimension_semantics = [#tpu.dimension_semantics<arbitrary>], iteration_bounds = array<i64: 25>, scalar_prefetch = 0 : i64, scratch_operands = 0 : i64, tpu.core_type = #tpu.core_type<tc>, window_params = [{transform_indices = @transform_0, window_bounds = array<i64: 2000, 64>}, {transform_indices = @transform_1, window_bounds = array<i64: 2, 2000, 32>}, {transform_indices = @transform_2, window_bounds = array<i64: 2, 2000, 32>}, {transform_indices = @transform_3, window_bounds = array<i64: 2, 2000, 32>}, {transform_indices = @transform_4, window_bounds = array<i64: 2000, 16>}, {transform_indices = @transform_5, window_bounds = array<i64: 2000, 64>}]} {
    %get3A = arith.constant 0 : index
    %get3A_0 = arith.constant 0 : index
    %get3A_1 = arith.constant 0 : index
    %get3A_2 = vector.load %arg2[%get3A, %get3A_0, %get3A_1] : memref<2x2000x32xf32, #tpu.memory_space<vmem>>, vector<2x2000x32xf32>
    %get3A_3 = arith.constant 0 : index
    %get3A_4 = arith.constant 0 : index
    %get3A_5 = arith.constant 0 : index
    %get3A_6 = vector.load %arg3[%get3A_3, %get3A_4, %get3A_5] : memref<2x2000x32xf32, #tpu.memory_space<vmem>>, vector<2x2000x32xf32>
    %add3A = arith.addf %get3A_2, %get3A_6 : vector<2x2000x32xf32>
    %get3A_7 = arith.constant 0 : index
    %get3A_8 = arith.constant 0 : index
    %get3A_9 = arith.constant 0 : index
    %get3A_10 = vector.load %arg4[%get3A_7, %get3A_8, %get3A_9] : memref<2x2000x32xf32, #tpu.memory_space<vmem>>, vector<2x2000x32xf32>
    %add3A_11 = arith.addf %add3A, %get3A_10 : vector<2x2000x32xf32>
    %get3A_12 = arith.constant 0 : index
    %get3A_13 = arith.constant 0 : index
    %get3A_14 = vector.load %arg5[%get3A_12, %get3A_13] : memref<2000x16xf32, #tpu.memory_space<vmem>>, vector<2000x1xf32>
    %get3A_15 = arith.constant 0 : index
    %get3A_16 = arith.constant 0 : index
    %get3A_17 = vector.load %arg1[%get3A_15, %get3A_16] : memref<2000x64xf32, #tpu.memory_space<vmem>>, vector<2000x32xf32>
    %slice3A = vector.extract_strided_slice %add3A_11 {offsets = [0, 0, 0], sizes = [1, 2000, 32], strides = [1, 1, 1]} : vector<2x2000x32xf32> to vector<1x2000x32xf32>
    %squeeze3A = vector.shape_cast %slice3A : vector<1x2000x32xf32> to vector<2000x32xf32>
    %mul3A = vector.broadcast %get3A_14 : vector<2000x1xf32> to vector<2000x32xf32>
    %mul3A_18 = arith.mulf %mul3A, %squeeze3A : vector<2000x32xf32>
    %add3A_19 = arith.addf %get3A_17, %mul3A_18 : vector<2000x32xf32>
    %mul3A_20 = arith.constant 2.500000e-01 : f32
    %mul3A_21 = vector.broadcast %mul3A_20 : f32 to vector<2000x32xf32>
    %mul3A_22 = arith.mulf %mul3A_21, %add3A_19 : vector<2000x32xf32>
    %swap3A = arith.constant 0 : index
    %swap3A_23 = arith.constant 0 : index
    %swap3A_24 = vector.load %arg6[%swap3A, %swap3A_23] : memref<2000x64xf32, #tpu.memory_space<vmem>>, vector<2000x32xf32>
    tpu.vector_store %arg6[%swap3A, %swap3A_23], %mul3A_22 {strides = array<i32>} : memref<2000x64xf32, #tpu.memory_space<vmem>>, vector<2000x32xf32>,
    %get3A_25 = arith.constant 0 : index
    %get3A_26 = arith.constant 32 : index
    %get3A_27 = vector.load %arg1[%get3A_25, %get3A_26] : memref<2000x64xf32, #tpu.memory_space<vmem>>, vector<2000x32xf32>
    %slice3A_28 = vector.extract_strided_slice %add3A_11 {offsets = [1, 0, 0], sizes = [1, 2000, 32], strides = [1, 1, 1]} : vector<2x2000x32xf32> to vector<1x2000x32xf32>
    %squeeze3A_29 = vector.shape_cast %slice3A_28 : vector<1x2000x32xf32> to vector<2000x32xf32>
    %mul3A_30 = vector.broadcast %get3A_14 : vector<2000x1xf32> to vector<2000x32xf32>
    %mul3A_31 = arith.mulf %mul3A_30, %squeeze3A_29 : vector<2000x32xf32>
    %add3A_32 = arith.addf %get3A_27, %mul3A_31 : vector<2000x32xf32>
    %mul3A_33 = arith.constant 2.500000e-01 : f32
    %mul3A_34 = vector.broadcast %mul3A_33 : f32 to vector<2000x32xf32>
    %mul3A_35 = arith.mulf %mul3A_34, %add3A_32 : vector<2000x32xf32>
    %swap3A_36 = arith.constant 0 : index
    %swap3A_37 = arith.constant 32 : index
    %swap3A_38 = vector.load %arg6[%swap3A_36, %swap3A_37] : memref<2000x64xf32, #tpu.memory_space<vmem>>, vector<2000x32xf32>
    tpu.vector_store %arg6[%swap3A_36, %swap3A_37], %mul3A_35 {strides = array<i32>} : memref<2000x64xf32, #tpu.memory_space<vmem>>, vector<2000x32xf32>,
    return
  }
  func.func @transform_0(%arg0: i32) -> (i32, i32) {
    %c0_i32 = arith.constant 0 : i32
    %c0_i32_0 = arith.constant 0 : i32
    return %arg0, %c0_i32 : i32, i32
  }
  func.func @transform_1(%arg0: i32) -> (i32, i32, i32) {
    %c0_i32 = arith.constant 0 : i32
    %c0_i32_0 = arith.constant 0 : i32
    %c0_i32_1 = arith.constant 0 : i32
    return %c0_i32, %arg0, %c0_i32_0 : i32, i32, i32
  }
  func.func @transform_2(%arg0: i32) -> (i32, i32, i32) {
    %c0_i32 = arith.constant 0 : i32
    %c0_i32_0 = arith.constant 0 : i32
    %c0_i32_1 = arith.constant 0 : i32
    return %c0_i32, %arg0, %c0_i32_0 : i32, i32, i32
  }
  func.func @transform_3(%arg0: i32) -> (i32, i32, i32) {
    %c0_i32 = arith.constant 0 : i32
    %c0_i32_0 = arith.constant 0 : i32
    %c0_i32_1 = arith.constant 0 : i32
    return %c0_i32, %arg0, %c0_i32_0 : i32, i32, i32
  }
  func.func @transform_4(%arg0: i32) -> (i32, i32) {
    %c0_i32 = arith.constant 0 : i32
    %c0_i32_0 = arith.constant 0 : i32
    return %arg0, %c0_i32 : i32, i32
  }
  func.func @transform_5(%arg0: i32) -> (i32, i32) {
    %c0_i32 = arith.constant 0 : i32
    %c0_i32_0 = arith.constant 0 : i32
    return %arg0, %c0_i32 : i32, i32
  }
}

</mosaic_0001>

<sc_bundles>
// kernel: _run.11.cloned.1.call-start
scs
__scs_entry_jumppad:
0x0: {  	(pc) =	sbr.rel $0x88, $3  }
0x1: {  	(tag) =	ssettag $0x0;
	lr =	simm.s32 $0x1  }
0x2: {  	[smem:$0x3F9E] =	sst lr;
	_ =	strace $0xD0000000  }
0x3: {  	_ = 	snop  }
0x4: {  	_ = 	snop  }
0x5: {  	_ = 	snop  }
0x6: {  	_ = 	snop  }
0x7: {  	_ = 	snop  }
__scs_overlays_trampoline_lowered:
0x8: {  	[smem:$0x3FAD] =	sst s0  }
0x9: {  	[smem:$0x3FAE] =	sst s1  }
0xa: {  	[smem:$0x3FAF] =	sst s2  }
0xb: {  	[smem:$0x3FB0] =	sst s3  }
0xc: {  	[smem:$0x3FB1] =	sst s4  }
0xd: {  	[smem:$0x3FB2] =	sst s5  }
0xe: {  	[smem:$0x3FB3] =	sst s6  }
0xf: {  	[smem:$0x3FB4] =	sst s7  }
0x10: {  	[smem:$0x3FB5] =	sst s8  }
0x11: {  	[smem:$0x3FB6] =	sst s9;
	s0 =	simm.s32 @!p0 $0x0  }
0x12: {  	s1 =	sld [smem:$0x3F9C];
	s0 =	simm.s32 @p0 $0x1  }
0x13: {  	[smem:$0x3FB7] =	sst s0;
	s0 =	simm.s32 @!p1 $0x0  }
0x14: {  	s2 =	sld [smem:$0x3F9B];
	s0 =	simm.s32 @p1 $0x1  }
0x15: {  	[smem:$0x3FB8] =	sst s0;
	s0 =	simm.s32 @!p2 $0x0  }
0x16: {  	s3 =	sld [smem:$0x3FDB];
	s0 =	simm.s32 @p2 $0x1  }
0x17: {  	s4 =	simm.s32 $0x1BF5;
	[smem:$0x3FBA] =	sst s0  }
0x18: {  	s0 =	sld [smem:$0x3F9D];
	_ =	swait.ge [sflag:s4], $0x0  }
0x19: {  	s7 =	sld [smem:$0x3F9E]  }
0x1a: {  	s8 =	sadd.s32 $0xFFFFE003, lr  }
0x1b: {  	s9 =	sadd.s32 $0xFFFFFEF7, lr;
	s5 =	simm.s32 $0xFFFFFFFF;
	p2 =	slt.u32 s8, $0xFFFFF086  }
0x1c: {  	p1 =	slt.u32 s9, $0xF7A;
	s5 =	simm.s32 @!p2 $0x0  }
0x1d: {  	s5 =	simm.s32 @p1 $0x1;
	p0 =	seq.s32 s7, s2  }
0x1e: {  	s7 =	smul.u32 @!p0 $0xF7A, s2;
	p2 =	seq.s32 @!p0 s5, $0x0  }
0x1f: {  	s9 =	smul.u32 $0xF7A, s1;
	s8 =	simm.s32 @!p0 $0x1BF5;
	p2 =	por !p2, p0  }
0x20: {  	[sflag:s8] =	ssyncset.s32 @!p0 $0xFFFFF086;
	s6 =	sadd.s32 @!p0 s3, s7;
	s7 =	simm.s32 @!p0 $0x108  }
0x21: {  	s3 =	sadd.s32 s3, s9;
	s6 =	sadd.s32 @!p0 $0x88, s6;
	s7 =	simm.s32 @p2 $0x1082  }
0x22: {  	[simem:s7], [sflag:s8] =	dma.local @!p0 [hbm:s6], $0xF7A  }
0x23: {  	s9 =	sor.u32 $0xD0000000, s2;
	s6 =	simm.s32 $0x108;
	_ =	swait.ge @!p0 [sflag:s8], $0x0  }
0x24: {  	s3 =	sadd.s32 $0x88, s3;
	s6 =	simm.s32 @!p1 $0x1082;
	[sflag:s4] =	ssyncset.s32 $0xFFFFF086  }
0x25: {  	[simem:s6], [sflag:s4] =	dma.local [hbm:s3], $0xF7A  }
0x26: {  	[smem:$0x3F9E] =	sst s1;
	(tag) =	ssettag s2;
	_ =	strace s9  }
0x27: {  	s1 =	sld [smem:$0x3FAE]  }
0x28: {  	s2 =	sld [smem:$0x3FAF]  }
0x29: {  	s4 =	sld [smem:$0x3FB1]  }
0x2a: {  	p0 =	seq.s32 s5, $0x0;
	s5 =	sld [smem:$0x3FB2]  }
0x2b: {  	s6 =	sld [smem:$0x3FB3]  }
0x2c: {  	s7 =	sld [smem:$0x3FB4]  }
0x2d: {  	s3 =	simm.s32 $0x108;
	s8 =	sld [smem:$0x3FB5]  }
0x2e: {  	s3 =	simm.s32 @!p0 $0x1082;
	s9 =	sld [smem:$0x3FB6]  }
0x2f: {  	lr =	sadd.s32 s0, s3;
	s0 =	sld [smem:$0x3FAD]  }
0x30: {  	s3 =	sld [smem:$0x3FB0]  }
0x31: {  	[smem:$0x3FB9] =	sst s10  }
0x32: {  	s10 =	sld [smem:$0x3FB7];
	_ =	sdelay $0x3  }
0x33: {  	p0 =	seq.s32 s10, $0x1;
	s10 =	sld [smem:$0x3FB9];
	_ =	sdelay $0x3  }
0x34: {  	[smem:$0x3FB9] =	sst s10  }
0x35: {  	s10 =	sld [smem:$0x3FB8];
	_ =	sdelay $0x3  }
0x36: {  	p1 =	seq.s32 s10, $0x1;
	s10 =	sld [smem:$0x3FB9];
	_ =	sdelay $0x3  }
0x37: {  	[smem:$0x3FB9] =	sst s10  }
0x38: {  	s10 =	sld [smem:$0x3FBA]  }
0x39: {  	_ = 	snop;
	(pc) =	sbr.ind lr, $3  }
0x3a: {  	_ = 	snop  }
0x3b: {  	_ = 	snop  }
0x3c: {  	p2 =	seq.s32 s10, $0x1;
	s10 =	sld [smem:$0x3FB9]  }
0x3d: {  	_ =	shalt  }
0x3e: {  	_ =	shalt  }
0x3f: {  	_ =	shalt  }
0x40: {  	_ =	shalt  }
0x41: {  	_ =	shalt  }
0x42: {  	_ =	shalt  }
0x43: {  	_ =	shalt  }
0x44: {  	_ =	shalt  }
0x45: {  	_ =	shalt  }
0x46: {  	_ =	shalt  }
0x47: {  	_ =	shalt  }
0x48: {  	_ =	shalt  }
0x49: {  	_ =	shalt  }
0x4a: {  	_ =	shalt  }
0x4b: {  	_ =	shalt  }
0x4c: {  	_ =	shalt  }
0x4d: {  	_ =	shalt  }
0x4e: {  	_ =	shalt  }
0x4f: {  	_ =	shalt  }
0x50: {  	_ =	shalt  }
0x51: {  	_ =	shalt  }
0x52: {  	_ =	shalt  }
0x53: {  	_ =	shalt  }
0x54: {  	_ =	shalt  }
0x55: {  	_ =	shalt  }
0x56: {  	_ =	shalt  }
0x57: {  	_ =	shalt  }
0x58: {  	_ =	shalt  }
0x59: {  	_ =	shalt  }
0x5a: {  	_ =	shalt  }
0x5b: {  	_ =	shalt  }
0x5c: {  	_ =	shalt  }
0x5d: {  	_ =	shalt  }
0x5e: {  	_ =	shalt  }
0x5f: {  	_ =	shalt  }
0x60: {  	_ =	shalt  }
0x61: {  	_ =	shalt  }
0x62: {  	_ =	shalt  }
0x63: {  	_ =	shalt  }
0x64: {  	_ =	shalt  }
0x65: {  	_ =	shalt  }
0x66: {  	_ =	shalt  }
0x67: {  	_ =	shalt  }
0x68: {  	_ =	shalt  }
0x69: {  	_ =	shalt  }
0x6a: {  	_ =	shalt  }
0x6b: {  	_ =	shalt  }
0x6c: {  	_ =	shalt  }
0x6d: {  	_ =	shalt  }
0x6e: {  	_ =	shalt  }
0x6f: {  	_ =	shalt  }
0x70: {  	_ =	shalt  }
0x71: {  	_ =	shalt  }
0x72: {  	_ =	shalt  }
0x73: {  	_ =	shalt  }
0x74: {  	_ =	shalt  }
0x75: {  	_ =	shalt  }
0x76: {  	_ =	shalt  }
0x77: {  	_ =	shalt  }
0x78: {  	_ =	shalt  }
0x79: {  	_ =	shalt  }
0x7a: {  	_ =	shalt  }
0x7b: {  	_ =	shalt  }
0x7c: {  	_ =	shalt  }
0x7d: {  	_ =	shalt  }
0x7e: {  	_ =	shalt  }
0x7f: {  	_ =	shalt  }
0x80: {  	_ =	shalt  }
0x81: {  	_ =	shalt  }
0x82: {  	_ =	shalt  }
0x83: {  	_ =	shalt  }
0x84: {  	_ =	shalt  }
0x85: {  	_ =	shalt  }
0x86: {  	_ =	shalt  }
0x87: {  	_ =	shalt  }
.Lfunc_end0:
.L_simem_size_0:
called_computation_lowered:
.L_overlay_start_0:
0x88: {  	s2 =	sld [smem:$0x3FD9]  }
0x89: {  	s3 =	sld [smem:$0x3FFE];
	_ =	sdelay $0x1  }
0x8a: {  	s1 =	srdreg.scid  }
0x8b: {  	s0 =	sand.u32 $0x1, s1  }
0x8c: {  	s15 =	sshll.u32 s0, $0xA;
	s2 =	sadd.s32 s3, s2  }
0x8d: {  	s2 =	sadd.s32 s2, s15  }
0x8e: {  	[smem:$0x3FC5] =	sst s2  }
0x8f: {  	_ = 	snop  }
0x90: {  	s2 =	sld [smem:$0x3FD0];
	_ =	sdelay $0x2  }
0x91: {  	s16 =	simm.s32 $0xA;
	s4 =	simm.s32 $0x10  }
0x92: {  	[smem:s4], [sflag:s16] =	dma.local [hbm:s2], $0x1  }
0x93: {  	_ =	swait.eq [sflag:s16], $0x1  }
0x94: {  	[sflag:s16] =	ssyncset.done $0x0  }
0x95: {  	s17 =	sld [smem:$0x10];
	[sflag:s16] =	ssyncadd.s32 $0xFFFFFFFF  }
0x96: {  	s18 =	sld [smem:$0x11];
	(tm) =	ssettm $0x1  }
0x97: {  	s19 =	sld [smem:$0x3FFB];
	_ =	sdelay $0x3  }
0x98: {  	_ =	strace s19  }
0x99: {  	s4 =	sld [smem:$0x3FFC];
	_ =	sdelay $0x3  }
0x9a: {  	_ =	strace s4  }
0x9b: {  	s4 =	sld [smem:$0x3FFD];
	_ =	sdelay $0x3  }
0x9c: {  	_ =	strace s4  }
0x9d: {  	_ =	strace $0x8FFFFFFF  }
0x9e: {  	s20 =	sld [smem:$0x3FDB];
	_ =	sdelay $0x1  }
0x9f: {  	s5 =	simm.s32 $_scs_section_size  }
0xa0: {  	s6 =	simm.s32 $_size__tile_overlayer_lowered;
	s7 =	simm.s32 $_tile_overlayer_lowered  }
0xa1: {  	s23 =	simm.s32 $0x1BFF;
	s22 =	sshll.u32 s7, $0x1;
	s4 =	sadd.s32 s5, s20  }
0xa2: {  	s8 =	simm.s32 $0x0;
	s21 =	sshll.u32 s6, $0x1;
	s6 =	sadd.s32 s22, s4  }
0xa3: {  	[timem:s8], [sflag:s23] =	dma.local [hbm:s6], s21  }
0xa4: {  	_ =	swait.ge [sflag:s23], s21  }
0xa5: {  	s5 =	ssub.s32 $0x0, s21;
	[sflag:s23] =	ssyncset.done $0x0  }
0xa6: {  	[sflag:s23] =	ssyncadd.s32 s5;
	_ =	sdelay $0x1  }
0xa7: {  	s24 =	simm.s32 $0x1B8B  }
0xa8: {  	_ =	swait.ge [sflag:s24], $0x1  }
0xa9: {  	[sflag:s24] =	ssyncset.done $0x0  }
0xaa: {  	s25 =	simm.s32 $0x1B8E;
	[sflag:s24] =	ssyncadd.s32 $0xFFFFFFFF  }
0xab: {  	s26 =	simm.s32 $execute0_lowered;
	[smem:$0x3FD2] =	sst s25  }
0xac: {  	s5 =	sshll.u32 s26, $0x1;
	_ =	strace $0x80000046;
	[dreg:$0x1] =	wrdreg $0xFFFFFFFF  }
0xad: {  	s28 =	simm.s32 $_size_execute0_lowered;
	s4 =	sadd.s32 s4, s5;
	[dreg:$0x0] =	wrdreg $0x0  }
0xae: {  	s5 =	sshll.u32 s28, $0x1;
	[dreg:$0x2] =	wrdreg s4  }
0xaf: {  	[dreg:$0x3] =	wrdreg s5  }
0xb0: {  	[dreg:$0x4] =	wrdreg $0xC0  }
0xb1: {  	_ =	task [dreg:s8], $0x5FFFF  }
0xb2: {  	[dreg:$0x1] =	wrdreg $0xFFFFFFFF  }
0xb3: {  	[dreg:$0x0] =	wrdreg $0x60  }
0xb4: {  	[dreg:$0x2] =	wrdreg s17  }
0xb5: {  	[dreg:$0x3] =	wrdreg s18  }
0xb6: {  	[dreg:$0x4] =	wrdreg $0x15000  }
0xb7: {  	[dreg:$0x5] =	wrdreg $0x9  }
0xb8: {  	_ =	task.clear_ibuf [dreg:s8], $0x6FFFF;
	_ =	strace $0x90000046  }
0xb9: {  	s29 =	simm.s32 $0x9;
	_ =	strace $0x80000048  }
0xba: {  	_ =	swait.ge [sflag:s29], $0x1  }
0xbb: {  	[sflag:s29] =	ssyncadd.s32 $0xFFFFFFFF  }
0xbc: {  	_ =	strace $0x90000048  }
0xbd: {  	_ =	sfence  }
0xbe: {  	s30 =	sld [smem:$0x0];
	_ =	sdelay $0x2  }
0xbf: {  	s31 =	sshll.u32 s1, $0xD;
	s1 =	sshrl.u32 s1, $0x2  }
0xc0: {  	s3 =	sand.u32 $0x4000, s31;
	s1 =	sadd.s32 s1, s30  }
0xc1: {  	s0 =	sor.u32 s3, s0;
	s1 =	sshll.u32 s1, $0x11  }
0xc2: {  	s0 =	sor.u32 s1, s0  }
0xc3: {  	s0 =	sadd.s32 $0x8F2B, s0  }
0xc4: {  	[sflag:s0] =	ssyncadd.remote.s32 $0x1  }
0xc5: {  	_ =	sfence.sel $0xFFFF  }
0xc6: {  	[dreg:$0x0] =	wrdreg $0xFFFFFFFF;
	(pc) =	sbr.abs _section_cstart, $3  }
0xc7: {  	[dreg:$0x1] =	wrdreg $0xFFFFFFFF  }
0xc8: {  	_ =	task.clear_ibuf [dreg:s8], $0x2FFFF;
	_ =	strace $0x9FFFFFFF  }
0xc9: {  	(tm) =	ssettm $0x7FFFFFFF  }
tec
execute0_lowered:
.L_overlay_start_1:
0x0: {  	(tag) =	ssettag $0x1  }
0x1: {  	s8 =	rddreg [dreg:$0x0]  }
0x2: {  	s6 =	rddreg [dreg:$0x1]  }
0x3: {  	s2 =	rddreg [dreg:$0x2];
	s3 =	srdreg.scid  }
0x4: {  	s1 =	stileid.u32;
	s0 =	rddreg [dreg:$0x3];
	s14 =	simm.s32 $0x180  }
0x5: {  	s15 =	simm.s32 $0x200;
	s16 =	simm.s32 $0x280;
	s17 =	simm.s32 $0x300  }
0x6: {  	s18 =	simm.s32 $0x380;
	s19 =	simm.s32 $0x400;
	s20 =	simm.s32 $0x480  }
0x7: {  	s21 =	simm.s32 $0x1;
	s24 =	simm.s32 $0x0;
	s5 =	smul.u32 $0x32000, s1  }
0x8: {  	s4 =	sand.u32 $0x1, s3;
	s3 =	simm.s32 $0x0;
	s11 =	smul.u32 $0xC380, s1  }
0x9: {  	s30 =	smul.u32 $0xC800, s1;
	s22 =	sadd.s32 $0xB7480, s2;
	p0 =	seq.s32 s1, $0xF  }
0xa: {  	s7 =	ssub.s32 $0x2, s4;
	s9 =	smul.u32 $0xC3500, s4;
	[smem:$0x7FF] =	sst s3  }
0xb: {  	s13 =	smul.u32 $0x6400, s4;
	s22 =	sshrl.u32 @p0 s22, $0x3;
	s10 =	sshrl.u32 s7, $0x1  }
0xc: {  	_ =	strace $0x80000047;
	s5 =	sshrl.u32 s5, $0x2;
	s23 =	sadd.s32 s11, s2  }
0xd: {  	s7 =	ssub.s32 s7, s10;
	s12 =	sadd.s32 s11, s9;
	s9 =	sshrl.u32 s9, $0x3  }
0xe: {  	s4 =	sadd.s32 s5, s2;
	s31 =	sadd.s32 s13, s30;
	s10 =	simm.s32 $0x2  }
0xf: {  	s11 =	simm.s32 $0x80;
	s13 =	simm.s32 $0x100;
	s12 =	sshrl.u32 s12, $0x3  }
0x10: {  	s23 =	sshrl.u32 @!p0 s23, $0x3;
	s7 =	smax.u32 s7, $0x1;
	s5 =	sadd.s32 s6, s12  }
0x11: {  	s6 =	sadd.s32 s6, s9;
	s9 =	sshrl.u32 s31, $0x3;
	s12 =	simm.s32 $0x500  }
0x12: {  	v0 =	vimm.f32 $1.000000000e+00;
	v1 =	vimm.f32 $0.0e+00;
	s6 =	sadd.s32 $0x16E90, s6;
	s8 =	sadd.s32 s9, s8;
	s9 =	simm.s32 $0xD00  }
.LBB2_1:
0x13: {  	s25 =	simm.s32 $0x0  }
.LBB2_2:
0x14: {  	p1 =	sne.s32 s25, $0x1FC0  }
.Ltmp0:
0x15: {  	_ = 	snop;
	(pc) =	sbr.rel @p1 .LBB2_2-.Ltmp0, $4  }
0x16: {  	_ = 	snop  }
0x17: {  	s26 =	sshra.s32 s25, $0x2  }
0x18: {  	[tilespmem:s26+$0x500] =	vst v0  }
0x19: {  	s25 =	sadd.s32 $0x40, s25;
	[tilespmem:s26+$0xD00] =	vst v1  }
0x1a: {  	s25 =	sadd.s32 $0x0, s4  }
0x1b: {  	[spmem:s25] =	stream.linear.scatter [tilespmem:s9], [sflag:$0x2], $0x800, $0x38;
	[tilespmem:$0xDD00] =	vst v63  }
0x1c: {  	s25 =	simm.s32 $0x2000;
	_ =	swait.ge [sflag:s10], $0x800  }
.LBB2_4:
0x1d: {  	s26 =	sshra.s32 s25, $0x2;
	[sflag:s10] =	ssyncset.done $0x0;
	p1 =	sne.s32 s25, $0x30000  }
.Ltmp1:
0x1e: {  	s26 =	sadd.s32 s26, s4;
	[sflag:s10] =	ssyncadd.s32 $0xFFFFF800;
	(pc) =	sbr.rel @p1 .LBB2_4-.Ltmp1, $3  }
0x1f: {  	[spmem:s26] =	stream.linear.scatter [tilespmem:s9], [sflag:$0x2], $0x800, $0x38;
	[tilespmem:$0xDD00] =	vst v63  }
0x20: {  	s25 =	sadd.s32 $0x2000, s25;
	_ =	sdelay $0x1  }
0x21: {  	_ =	swait.ge [sflag:s10], $0x800  }
0x22: {  	[sflag:s10] =	ssyncset.done $0x0  }
0x23: {  	[sflag:s10] =	ssyncadd.s32 $0xFFFFF800  }
0x24: {  	s25 =	sadd.s32 $0x0, s8;
	[bflag:$0x0] =	sbarrier.arrive $0xFFFF  }
0x25: {  	[tilespmem:s3], [sflag:$0x2] =	stream.linear.gather [hbm4b:s25+s3], $0x500, $0x38;
	[tilespmem:$0xDD00] =	vst v63  }
0x26: {  	_ =	swait.ge [sflag:s10], $0x500  }
0x27: {  	[sflag:s10] =	ssyncset.done $0x0  }
0x28: {  	[sflag:s10] =	ssyncadd.s32 $0xFFFFFB00  }
0x29: {  	[spmem:s2] =	stream.indirect.scatter.add.f32 [tilespmem:s12], [sflag:$0x1], $0x10, s3, s11, $0xb8;
	[tilespmem:$0xDD00] =	vst v63  }
0x2a: {  	_ = 	snop  }
0x2b: {  	[spmem:s2] =	stream.indirect.scatter.add.f32 [tilespmem:s12], [sflag:$0x1], $0x10, s11, s11, $0xb8;
	[tilespmem:$0xDD00] =	vst v63  }
0x2c: {  	_ = 	snop  }
0x2d: {  	[spmem:s2] =	stream.indirect.scatter.add.f32 [tilespmem:s12], [sflag:$0x1], $0x10, s13, s11, $0xb8;
	[tilespmem:$0xDD00] =	vst v63  }
0x2e: {  	_ = 	snop  }
0x2f: {  	[spmem:s2] =	stream.indirect.scatter.add.f32 [tilespmem:s12], [sflag:$0x1], $0x10, s14, s11, $0xb8;
	[tilespmem:$0xDD00] =	vst v63  }
0x30: {  	_ = 	snop  }
0x31: {  	[spmem:s2] =	stream.indirect.scatter.add.f32 [tilespmem:s12], [sflag:$0x1], $0x10, s15, s11, $0xb8;
	[tilespmem:$0xDD00] =	vst v63  }
0x32: {  	_ = 	snop  }
0x33: {  	[spmem:s2] =	stream.indirect.scatter.add.f32 [tilespmem:s12], [sflag:$0x1], $0x10, s16, s11, $0xb8;
	[tilespmem:$0xDD00] =	vst v63  }
0x34: {  	_ = 	snop  }
0x35: {  	[spmem:s2] =	stream.indirect.scatter.add.f32 [tilespmem:s12], [sflag:$0x1], $0x10, s17, s11, $0xb8;
	[tilespmem:$0xDD00] =	vst v63  }
0x36: {  	_ = 	snop  }
0x37: {  	[spmem:s2] =	stream.indirect.scatter.add.f32 [tilespmem:s12], [sflag:$0x1], $0x10, s18, s11, $0xb8;
	[tilespmem:$0xDD00] =	vst v63  }
0x38: {  	_ = 	snop  }
0x39: {  	[spmem:s2] =	stream.indirect.scatter.add.f32 [tilespmem:s12], [sflag:$0x1], $0x10, s19, s11, $0xb8;
	[tilespmem:$0xDD00] =	vst v63  }
0x3a: {  	_ = 	snop  }
0x3b: {  	[spmem:s2] =	stream.indirect.scatter.add.f32 [tilespmem:s12], [sflag:$0x1], $0x10, s20, s11, $0xb8;
	[tilespmem:$0xDD00] =	vst v63  }
0x3c: {  	_ =	swait.ge [sflag:s21], $0x800  }
0x3d: {  	[sflag:s21] =	ssyncset.done $0x0  }
0x3e: {  	[sflag:s21] =	ssyncadd.s32 $0xFFFFF800  }
0x3f: {  	_ =	swait.ge [sflag:s21], $0x800  }
0x40: {  	[sflag:s21] =	ssyncset.done $0x0  }
0x41: {  	[sflag:s21] =	ssyncadd.s32 $0xFFFFF800  }
0x42: {  	_ =	swait.ge [sflag:s21], $0x800  }
0x43: {  	[sflag:s21] =	ssyncset.done $0x0  }
0x44: {  	[sflag:s21] =	ssyncadd.s32 $0xFFFFF800  }
0x45: {  	_ =	swait.ge [sflag:s21], $0x800  }
0x46: {  	[sflag:s21] =	ssyncset.done $0x0  }
0x47: {  	[sflag:s21] =	ssyncadd.s32 $0xFFFFF800  }
0x48: {  	_ =	swait.ge [sflag:s21], $0x800  }
0x49: {  	[sflag:s21] =	ssyncset.done $0x0  }
0x4a: {  	[sflag:s21] =	ssyncadd.s32 $0xFFFFF800  }
0x4b: {  	_ =	swait.ge [sflag:s21], $0x800  }
0x4c: {  	[sflag:s21] =	ssyncset.done $0x0  }
0x4d: {  	[sflag:s21] =	ssyncadd.s32 $0xFFFFF800  }
0x4e: {  	_ =	swait.ge [sflag:s21], $0x800  }
0x4f: {  	[sflag:s21] =	ssyncset.done $0x0  }
0x50: {  	[sflag:s21] =	ssyncadd.s32 $0xFFFFF800  }
0x51: {  	_ =	swait.ge [sflag:s21], $0x800  }
0x52: {  	[sflag:s21] =	ssyncset.done $0x0  }
0x53: {  	[sflag:s21] =	ssyncadd.s32 $0xFFFFF800  }
0x54: {  	_ =	swait.ge [sflag:s21], $0x800  }
0x55: {  	[sflag:s21] =	ssyncset.done $0x0  }
0x56: {  	[sflag:s21] =	ssyncadd.s32 $0xFFFFF800  }
0x57: {  	_ =	swait.ge [sflag:s21], $0x800  }
0x58: {  	s28 =	simm.s32 $0x140;
	s25 =	simm.s32 $0xA0;
	[sflag:s21] =	ssyncset.done $0x0  }
.LBB2_6:
0x59: {  	s29 =	sadd.s32 s25, s8  }
0x5a: {  	[sflag:s21] =	ssyncadd.s32 $0xFFFFF800;
	s25 =	smov.u32 s28;
	s26 =	sadd.s32 $0xA0, s28  }
0x5b: {  	[tilespmem:s3], [sflag:$0x2] =	stream.linear.gather [hbm4b:s29+s3], $0x500, $0x38;
	[tilespmem:$0xDD00] =	vst v63  }
0x5c: {  	p1 =	sne.s32 s28, $0xBE0;
	_ =	swait.ge [sflag:s10], $0x500  }
0x5d: {  	[sflag:s10] =	ssyncset.done $0x0  }
0x5e: {  	[sflag:s10] =	ssyncadd.s32 $0xFFFFFB00  }
0x5f: {  	[spmem:s2] =	stream.indirect.scatter.add.f32 [tilespmem:s12], [sflag:$0x1], $0x10, s3, s11, $0xb8;
	[tilespmem:$0xDD00] =	vst v63  }
0x60: {  	_ = 	snop  }
0x61: {  	[spmem:s2] =	stream.indirect.scatter.add.f32 [tilespmem:s12], [sflag:$0x1], $0x10, s11, s11, $0xb8;
	[tilespmem:$0xDD00] =	vst v63  }
0x62: {  	_ = 	snop  }
0x63: {  	[spmem:s2] =	stream.indirect.scatter.add.f32 [tilespmem:s12], [sflag:$0x1], $0x10, s13, s11, $0xb8;
	[tilespmem:$0xDD00] =	vst v63  }
0x64: {  	_ = 	snop  }
0x65: {  	[spmem:s2] =	stream.indirect.scatter.add.f32 [tilespmem:s12], [sflag:$0x1], $0x10, s14, s11, $0xb8;
	[tilespmem:$0xDD00] =	vst v63  }
0x66: {  	_ = 	snop  }
0x67: {  	[spmem:s2] =	stream.indirect.scatter.add.f32 [tilespmem:s12], [sflag:$0x1], $0x10, s15, s11, $0xb8;
	[tilespmem:$0xDD00] =	vst v63  }
0x68: {  	_ = 	snop  }
0x69: {  	[spmem:s2] =	stream.indirect.scatter.add.f32 [tilespmem:s12], [sflag:$0x1], $0x10, s16, s11, $0xb8;
	[tilespmem:$0xDD00] =	vst v63  }
0x6a: {  	_ = 	snop  }
0x6b: {  	[spmem:s2] =	stream.indirect.scatter.add.f32 [tilespmem:s12], [sflag:$0x1], $0x10, s17, s11, $0xb8;
	[tilespmem:$0xDD00] =	vst v63  }
0x6c: {  	_ = 	snop  }
0x6d: {  	[spmem:s2] =	stream.indirect.scatter.add.f32 [tilespmem:s12], [sflag:$0x1], $0x10, s18, s11, $0xb8;
	[tilespmem:$0xDD00] =	vst v63  }
0x6e: {  	_ = 	snop  }
0x6f: {  	[spmem:s2] =	stream.indirect.scatter.add.f32 [tilespmem:s12], [sflag:$0x1], $0x10, s19, s11, $0xb8;
	[tilespmem:$0xDD00] =	vst v63  }
0x70: {  	_ = 	snop  }
0x71: {  	[spmem:s2] =	stream.indirect.scatter.add.f32 [tilespmem:s12], [sflag:$0x1], $0x10, s20, s11, $0xb8;
	[tilespmem:$0xDD00] =	vst v63  }
0x72: {  	_ =	swait.ge [sflag:s21], $0x800  }
0x73: {  	[sflag:s21] =	ssyncset.done $0x0  }
0x74: {  	[sflag:s21] =	ssyncadd.s32 $0xFFFFF800  }
0x75: {  	_ =	swait.ge [sflag:s21], $0x800  }
0x76: {  	[sflag:s21] =	ssyncset.done $0x0  }
0x77: {  	[sflag:s21] =	ssyncadd.s32 $0xFFFFF800  }
0x78: {  	_ =	swait.ge [sflag:s21], $0x800  }
0x79: {  	[sflag:s21] =	ssyncset.done $0x0  }
0x7a: {  	[sflag:s21] =	ssyncadd.s32 $0xFFFFF800  }
0x7b: {  	_ =	swait.ge [sflag:s21], $0x800  }
0x7c: {  	[sflag:s21] =	ssyncset.done $0x0  }
0x7d: {  	[sflag:s21] =	ssyncadd.s32 $0xFFFFF800  }
0x7e: {  	_ =	swait.ge [sflag:s21], $0x800  }
0x7f: {  	[sflag:s21] =	ssyncset.done $0x0  }
0x80: {  	[sflag:s21] =	ssyncadd.s32 $0xFFFFF800  }
0x81: {  	_ =	swait.ge [sflag:s21], $0x800  }
0x82: {  	[sflag:s21] =	ssyncset.done $0x0  }
0x83: {  	[sflag:s21] =	ssyncadd.s32 $0xFFFFF800  }
0x84: {  	_ =	swait.ge [sflag:s21], $0x800  }
0x85: {  	[sflag:s21] =	ssyncset.done $0x0  }
0x86: {  	[sflag:s21] =	ssyncadd.s32 $0xFFFFF800  }
0x87: {  	_ =	swait.ge [sflag:s21], $0x800  }
0x88: {  	[sflag:s21] =	ssyncset.done $0x0  }
0x89: {  	[sflag:s21] =	ssyncadd.s32 $0xFFFFF800  }
.Ltmp2:
0x8a: {  	_ =	swait.ge [sflag:s21], $0x800;
	(pc) =	sbr.rel @p1 .LBB2_6-.Ltmp2, $4  }
0x8b: {  	[sflag:s21] =	ssyncset.done $0x0  }
0x8c: {  	[sflag:s21] =	ssyncadd.s32 $0xFFFFF800  }
0x8d: {  	_ =	swait.ge [sflag:s21], $0x800  }
0x8e: {  	s28 =	smov.u32 s26;
	[sflag:s21] =	ssyncset.done $0x0  }
0x8f: {  	s25 =	sadd.s32 s25, s8;
	[sflag:s21] =	ssyncadd.s32 $0xFFFFF800  }
0x90: {  	[tilespmem:s3], [sflag:$0x2] =	stream.linear.gather [hbm4b:s25+s3], $0x500, $0x38;
	[tilespmem:$0xDD00] =	vst v63  }
0x91: {  	_ =	swait.ge [sflag:s10], $0x500  }
0x92: {  	[sflag:s10] =	ssyncset.done $0x0  }
0x93: {  	[sflag:s10] =	ssyncadd.s32 $0xFFFFFB00  }
0x94: {  	[spmem:s2] =	stream.indirect.scatter.add.f32 [tilespmem:s12], [sflag:$0x1], $0x10, s3, s11, $0xb8;
	[tilespmem:$0xDD00] =	vst v63  }
0x95: {  	_ = 	snop  }
0x96: {  	[spmem:s2] =	stream.indirect.scatter.add.f32 [tilespmem:s12], [sflag:$0x1], $0x10, s11, s11, $0xb8;
	[tilespmem:$0xDD00] =	vst v63  }
0x97: {  	_ = 	snop  }
0x98: {  	[spmem:s2] =	stream.indirect.scatter.add.f32 [tilespmem:s12], [sflag:$0x1], $0x10, s13, s11, $0xb8;
	[tilespmem:$0xDD00] =	vst v63  }
0x99: {  	_ = 	snop  }
0x9a: {  	[spmem:s2] =	stream.indirect.scatter.add.f32 [tilespmem:s12], [sflag:$0x1], $0x10, s14, s11, $0xb8;
	[tilespmem:$0xDD00] =	vst v63  }
0x9b: {  	_ = 	snop  }
0x9c: {  	[spmem:s2] =	stream.indirect.scatter.add.f32 [tilespmem:s12], [sflag:$0x1], $0x10, s15, s11, $0xb8;
	[tilespmem:$0xDD00] =	vst v63  }
0x9d: {  	_ = 	snop  }
0x9e: {  	[spmem:s2] =	stream.indirect.scatter.add.f32 [tilespmem:s12], [sflag:$0x1], $0x10, s16, s11, $0xb8;
	[tilespmem:$0xDD00] =	vst v63  }
0x9f: {  	_ = 	snop  }
0xa0: {  	[spmem:s2] =	stream.indirect.scatter.add.f32 [tilespmem:s12], [sflag:$0x1], $0x10, s17, s11, $0xb8;
	[tilespmem:$0xDD00] =	vst v63  }
0xa1: {  	_ = 	snop  }
0xa2: {  	[spmem:s2] =	stream.indirect.scatter.add.f32 [tilespmem:s12], [sflag:$0x1], $0x10, s18, s11, $0xb8;
	[tilespmem:$0xDD00] =	vst v63  }
0xa3: {  	_ = 	snop  }
0xa4: {  	[spmem:s2] =	stream.indirect.scatter.add.f32 [tilespmem:s12], [sflag:$0x1], $0x10, s19, s11, $0xb8;
	[tilespmem:$0xDD00] =	vst v63  }
0xa5: {  	_ = 	snop  }
0xa6: {  	[spmem:s2] =	stream.indirect.scatter.add.f32 [tilespmem:s12], [sflag:$0x1], $0x10, s20, s11, $0xb8;
	[tilespmem:$0xDD00] =	vst v63  }
0xa7: {  	_ =	swait.ge [sflag:s21], $0x800  }
0xa8: {  	[sflag:s21] =	ssyncset.done $0x0  }
0xa9: {  	[sflag:s21] =	ssyncadd.s32 $0xFFFFF800  }
0xaa: {  	_ =	swait.ge [sflag:s21], $0x800  }
0xab: {  	[sflag:s21] =	ssyncset.done $0x0  }
0xac: {  	[sflag:s21] =	ssyncadd.s32 $0xFFFFF800  }
0xad: {  	_ =	swait.ge [sflag:s21], $0x800  }
0xae: {  	[sflag:s21] =	ssyncset.done $0x0  }
0xaf: {  	[sflag:s21] =	ssyncadd.s32 $0xFFFFF800  }
0xb0: {  	_ =	swait.ge [sflag:s21], $0x800  }
0xb1: {  	[sflag:s21] =	ssyncset.done $0x0  }
0xb2: {  	[sflag:s21] =	ssyncadd.s32 $0xFFFFF800  }
0xb3: {  	_ =	swait.ge [sflag:s21], $0x800  }
0xb4: {  	[sflag:s21] =	ssyncset.done $0x0  }
0xb5: {  	[sflag:s21] =	ssyncadd.s32 $0xFFFFF800  }
0xb6: {  	_ =	swait.ge [sflag:s21], $0x800  }
0xb7: {  	[sflag:s21] =	ssyncset.done $0x0  }
0xb8: {  	[sflag:s21] =	ssyncadd.s32 $0xFFFFF800  }
0xb9: {  	_ =	swait.ge [sflag:s21], $0x800  }
0xba: {  	[sflag:s21] =	ssyncset.done $0x0  }
0xbb: {  	[sflag:s21] =	ssyncadd.s32 $0xFFFFF800  }
0xbc: {  	_ =	swait.ge [sflag:s21], $0x800  }
0xbd: {  	[sflag:s21] =	ssyncset.done $0x0  }
0xbe: {  	[sflag:s21] =	ssyncadd.s32 $0xFFFFF800  }
0xbf: {  	_ =	swait.ge [sflag:s21], $0x800  }
0xc0: {  	[sflag:s21] =	ssyncset.done $0x0  }
0xc1: {  	[sflag:s21] =	ssyncadd.s32 $0xFFFFF800  }
0xc2: {  	_ =	swait.ge [sflag:s21], $0x800  }
0xc3: {  	[sflag:s21] =	ssyncset.done $0x0  }
0xc4: {  	[sflag:s21] =	ssyncadd.s32 $0xFFFFF800  }
0xc5: {  	s25 =	simm.s32 @p0 $0x1FC2;
	[bflag:$0x0] =	sbarrier.arrive $0xFFFF  }
0xc6: {  	[hbm:s6], [sflag:s25] =	dma.local @p0 [spmem:s22], $0x1810  }
0xc7: {  	s25 =	simm.s32 @p0 $0x2  }
0xc8: {  	_ =	swait.ge @p0 [sflag:s25], $0x1810  }
0xc9: {  	s26 =	sshll.u32 @!p0 s1, $0x6;
	s24 =	sadd.s32 $0x1, s24;
	[sflag:s25] =	ssyncset.done @p0 $0x0  }
0xca: {  	p1 =	sne.s32 s24, s7;
	[sflag:s25] =	ssyncadd.s32 @p0 $0xFFFFE7F0;
	s25 =	sor.u32 @!p0 $0x1C02, s26  }
0xcb: {  	[hbm:s5], [sflag:s25] =	dma.local @!p0 [spmem:s23], $0x1870  }
.Ltmp3:
0xcc: {  	_ = 	snop;
	(pc) =	sbr.rel @p1 .LBB2_1-.Ltmp3, $4  }
0xcd: {  	s25 =	simm.s32 @!p0 $0x2  }
0xce: {  	_ =	swait.ge @!p0 [sflag:s25], $0x1870  }
0xcf: {  	[sflag:s25] =	ssyncset.done @!p0 $0x0  }
0xd0: {  	[sflag:s25] =	ssyncadd.s32 @!p0 $0xFFFFE790  }
0xd1: {  	_ =	sfence.sel $0x180000  }
0xd2: {  	[bflag:$0x0] =	sbarrier.arrive $0xFFFF  }
0xd3: {  	p0 =	sne.s32 s1, $0x0;
	_ =	strace $0x90000047  }
0xd4: {  	s0 =	sadd.s32 @!p0 $0x100000, s0;
	[bflag:$0x2] =	sbarrier.arrive $0xFFFF  }
0xd5: {  	[sflag:s0] =	ssyncadd.tile.s32 @!p0 $0x1;
	_ =	shalt  }
.Lfunc_end2:
_tile_overlayer_lowered:
.L_overlay_start_2:
0xd6: {  	(tag) =	ssettag $0x2  }
0xd7: {  	s0 =	rddreg [dreg:$0x0];
	s2 =	stileid.u32  }
0xd8: {  	s1 =	rddreg [dreg:$0x1];
	p0 =	sne.s32 s2, $0x0  }
0xd9: {  	s3 =	rddreg [dreg:$0x2];
	[bflag:$0x3] =	sbarrier.arrive $0xFFFF;
	s2 =	simm.s32 @!p0 $0x1C02  }
0xda: {  	[timem:s3], [sflag:s2] =	dma.local @!p0 [hbm:s0], s1  }
0xdb: {  	s0 =	simm.s32 @!p0 $0x2  }
0xdc: {  	_ =	swait.ge @!p0 [sflag:s0], s1  }
0xdd: {  	s1 =	ssub.s32 @!p0 $0x0, s1;
	[sflag:s0] =	ssyncset.done @!p0 $0x0  }
0xde: {  	[sflag:s0] =	ssyncadd.s32 @!p0 s1  }
0xdf: {  	[bflag:$0x3] =	sbarrier.arrive $0xFFFF  }
0xe0: {  	_ =	shalt  }

// kernel: _run.14.cloned.1.call-start
scs
__scs_entry_jumppad:
0x0: {  	(pc) =	sbr.rel $0x88, $3  }
0x1: {  	(tag) =	ssettag $0x0;
	lr =	simm.s32 $0x1  }
0x2: {  	[smem:$0x3F9E] =	sst lr;
	_ =	strace $0xD0000000  }
0x3: {  	_ = 	snop  }
0x4: {  	_ = 	snop  }
0x5: {  	_ = 	snop  }
0x6: {  	_ = 	snop  }
0x7: {  	_ = 	snop  }
__scs_overlays_trampoline_lowered:
0x8: {  	[smem:$0x3FAD] =	sst s0  }
0x9: {  	[smem:$0x3FAE] =	sst s1  }
0xa: {  	[smem:$0x3FAF] =	sst s2  }
0xb: {  	[smem:$0x3FB0] =	sst s3  }
0xc: {  	[smem:$0x3FB1] =	sst s4  }
0xd: {  	[smem:$0x3FB2] =	sst s5  }
0xe: {  	[smem:$0x3FB3] =	sst s6  }
0xf: {  	[smem:$0x3FB4] =	sst s7  }
0x10: {  	[smem:$0x3FB5] =	sst s8  }
0x11: {  	[smem:$0x3FB6] =	sst s9;
	s0 =	simm.s32 @!p0 $0x0  }
0x12: {  	s1 =	sld [smem:$0x3F9C];
	s0 =	simm.s32 @p0 $0x1  }
0x13: {  	[smem:$0x3FB7] =	sst s0;
	s0 =	simm.s32 @!p1 $0x0  }
0x14: {  	s2 =	sld [smem:$0x3F9B];
	s0 =	simm.s32 @p1 $0x1  }
0x15: {  	[smem:$0x3FB8] =	sst s0;
	s0 =	simm.s32 @!p2 $0x0  }
0x16: {  	s3 =	sld [smem:$0x3FDB];
	s0 =	simm.s32 @p2 $0x1  }
0x17: {  	s4 =	simm.s32 $0x1BF5;
	[smem:$0x3FBA] =	sst s0  }
0x18: {  	s0 =	sld [smem:$0x3F9D];
	_ =	swait.ge [sflag:s4], $0x0  }
0x19: {  	s7 =	sld [smem:$0x3F9E]  }
0x1a: {  	s8 =	sadd.s32 $0xFFFFE003, lr  }
0x1b: {  	s9 =	sadd.s32 $0xFFFFFEF7, lr;
	s5 =	simm.s32 $0xFFFFFFFF;
	p2 =	slt.u32 s8, $0xFFFFF086  }
0x1c: {  	p1 =	slt.u32 s9, $0xF7A;
	s5 =	simm.s32 @!p2 $0x0  }
0x1d: {  	s5 =	simm.s32 @p1 $0x1;
	p0 =	seq.s32 s7, s2  }
0x1e: {  	s7 =	smul.u32 @!p0 $0xF7A, s2;
	p2 =	seq.s32 @!p0 s5, $0x0  }
0x1f: {  	s9 =	smul.u32 $0xF7A, s1;
	s8 =	simm.s32 @!p0 $0x1BF5;
	p2 =	por !p2, p0  }
0x20: {  	[sflag:s8] =	ssyncset.s32 @!p0 $0xFFFFF086;
	s6 =	sadd.s32 @!p0 s3, s7;
	s7 =	simm.s32 @!p0 $0x108  }
0x21: {  	s3 =	sadd.s32 s3, s9;
	s6 =	sadd.s32 @!p0 $0x88, s6;
	s7 =	simm.s32 @p2 $0x1082  }
0x22: {  	[simem:s7], [sflag:s8] =	dma.local @!p0 [hbm:s6], $0xF7A  }
0x23: {  	s9 =	sor.u32 $0xD0000000, s2;
	s6 =	simm.s32 $0x108;
	_ =	swait.ge @!p0 [sflag:s8], $0x0  }
0x24: {  	s3 =	sadd.s32 $0x88, s3;
	s6 =	simm.s32 @!p1 $0x1082;
	[sflag:s4] =	ssyncset.s32 $0xFFFFF086  }
0x25: {  	[simem:s6], [sflag:s4] =	dma.local [hbm:s3], $0xF7A  }
0x26: {  	[smem:$0x3F9E] =	sst s1;
	(tag) =	ssettag s2;
	_ =	strace s9  }
0x27: {  	s1 =	sld [smem:$0x3FAE]  }
0x28: {  	s2 =	sld [smem:$0x3FAF]  }
0x29: {  	s4 =	sld [smem:$0x3FB1]  }
0x2a: {  	p0 =	seq.s32 s5, $0x0;
	s5 =	sld [smem:$0x3FB2]  }
0x2b: {  	s6 =	sld [smem:$0x3FB3]  }
0x2c: {  	s7 =	sld [smem:$0x3FB4]  }
0x2d: {  	s3 =	simm.s32 $0x108;
	s8 =	sld [smem:$0x3FB5]  }
0x2e: {  	s3 =	simm.s32 @!p0 $0x1082;
	s9 =	sld [smem:$0x3FB6]  }
0x2f: {  	lr =	sadd.s32 s0, s3;
	s0 =	sld [smem:$0x3FAD]  }
0x30: {  	s3 =	sld [smem:$0x3FB0]  }
0x31: {  	[smem:$0x3FB9] =	sst s10  }
0x32: {  	s10 =	sld [smem:$0x3FB7];
	_ =	sdelay $0x3  }
0x33: {  	p0 =	seq.s32 s10, $0x1;
	s10 =	sld [smem:$0x3FB9];
	_ =	sdelay $0x3  }
0x34: {  	[smem:$0x3FB9] =	sst s10  }
0x35: {  	s10 =	sld [smem:$0x3FB8];
	_ =	sdelay $0x3  }
0x36: {  	p1 =	seq.s32 s10, $0x1;
	s10 =	sld [smem:$0x3FB9];
	_ =	sdelay $0x3  }
0x37: {  	[smem:$0x3FB9] =	sst s10  }
0x38: {  	s10 =	sld [smem:$0x3FBA]  }
0x39: {  	_ = 	snop;
	(pc) =	sbr.ind lr, $3  }
0x3a: {  	_ = 	snop  }
0x3b: {  	_ = 	snop  }
0x3c: {  	p2 =	seq.s32 s10, $0x1;
	s10 =	sld [smem:$0x3FB9]  }
0x3d: {  	_ =	shalt  }
0x3e: {  	_ =	shalt  }
0x3f: {  	_ =	shalt  }
0x40: {  	_ =	shalt  }
0x41: {  	_ =	shalt  }
0x42: {  	_ =	shalt  }
0x43: {  	_ =	shalt  }
0x44: {  	_ =	shalt  }
0x45: {  	_ =	shalt  }
0x46: {  	_ =	shalt  }
0x47: {  	_ =	shalt  }
0x48: {  	_ =	shalt  }
0x49: {  	_ =	shalt  }
0x4a: {  	_ =	shalt  }
0x4b: {  	_ =	shalt  }
0x4c: {  	_ =	shalt  }
0x4d: {  	_ =	shalt  }
0x4e: {  	_ =	shalt  }
0x4f: {  	_ =	shalt  }
0x50: {  	_ =	shalt  }
0x51: {  	_ =	shalt  }
0x52: {  	_ =	shalt  }
0x53: {  	_ =	shalt  }
0x54: {  	_ =	shalt  }
0x55: {  	_ =	shalt  }
0x56: {  	_ =	shalt  }
0x57: {  	_ =	shalt  }
0x58: {  	_ =	shalt  }
0x59: {  	_ =	shalt  }
0x5a: {  	_ =	shalt  }
0x5b: {  	_ =	shalt  }
0x5c: {  	_ =	shalt  }
0x5d: {  	_ =	shalt  }
0x5e: {  	_ =	shalt  }
0x5f: {  	_ =	shalt  }
0x60: {  	_ =	shalt  }
0x61: {  	_ =	shalt  }
0x62: {  	_ =	shalt  }
0x63: {  	_ =	shalt  }
0x64: {  	_ =	shalt  }
0x65: {  	_ =	shalt  }
0x66: {  	_ =	shalt  }
0x67: {  	_ =	shalt  }
0x68: {  	_ =	shalt  }
0x69: {  	_ =	shalt  }
0x6a: {  	_ =	shalt  }
0x6b: {  	_ =	shalt  }
0x6c: {  	_ =	shalt  }
0x6d: {  	_ =	shalt  }
0x6e: {  	_ =	shalt  }
0x6f: {  	_ =	shalt  }
0x70: {  	_ =	shalt  }
0x71: {  	_ =	shalt  }
0x72: {  	_ =	shalt  }
0x73: {  	_ =	shalt  }
0x74: {  	_ =	shalt  }
0x75: {  	_ =	shalt  }
0x76: {  	_ =	shalt  }
0x77: {  	_ =	shalt  }
0x78: {  	_ =	shalt  }
0x79: {  	_ =	shalt  }
0x7a: {  	_ =	shalt  }
0x7b: {  	_ =	shalt  }
0x7c: {  	_ =	shalt  }
0x7d: {  	_ =	shalt  }
0x7e: {  	_ =	shalt  }
0x7f: {  	_ =	shalt  }
0x80: {  	_ =	shalt  }
0x81: {  	_ =	shalt  }
0x82: {  	_ =	shalt  }
0x83: {  	_ =	shalt  }
0x84: {  	_ =	shalt  }
0x85: {  	_ =	shalt  }
0x86: {  	_ =	shalt  }
0x87: {  	_ =	shalt  }
.Lfunc_end0:
.L_simem_size_0:
called_computation.1_lowered:
.L_overlay_start_0:
0x88: {  	s2 =	sld [smem:$0x3FD9]  }
0x89: {  	s3 =	sld [smem:$0x3FFE];
	_ =	sdelay $0x1  }
0x8a: {  	s1 =	srdreg.scid  }
0x8b: {  	s0 =	sand.u32 $0x1, s1  }
0x8c: {  	s16 =	sshll.u32 s0, $0xA;
	s2 =	sadd.s32 s3, s2  }
0x8d: {  	s2 =	sadd.s32 s2, s16  }
0x8e: {  	[smem:$0x3FC5] =	sst s2  }
0x8f: {  	_ = 	snop  }
0x90: {  	(tm) =	ssettm $0x1  }
0x91: {  	s17 =	sld [smem:$0x3FFB];
	_ =	sdelay $0x3  }
0x92: {  	_ =	strace s17  }
0x93: {  	s2 =	sld [smem:$0x3FFC];
	_ =	sdelay $0x3  }
0x94: {  	_ =	strace s2  }
0x95: {  	s2 =	sld [smem:$0x3FFD];
	_ =	sdelay $0x3  }
0x96: {  	_ =	strace s2  }
0x97: {  	_ =	strace $0x8FFFFFFF  }
0x98: {  	s18 =	sld [smem:$0x3FDB];
	_ =	sdelay $0x1  }
0x99: {  	s19 =	simm.s32 $_scs_section_size  }
0x9a: {  	s4 =	simm.s32 $_size__tile_overlayer_lowered;
	s5 =	simm.s32 $_tile_overlayer_lowered  }
0x9b: {  	s22 =	simm.s32 $0x1BFF;
	s21 =	sshll.u32 s5, $0x1;
	s2 =	sadd.s32 s19, s18  }
0x9c: {  	s6 =	simm.s32 $0x0;
	s20 =	sshll.u32 s4, $0x1;
	s4 =	sadd.s32 s21, s2  }
0x9d: {  	[timem:s6], [sflag:s22] =	dma.local [hbm:s4], s20  }
0x9e: {  	_ =	swait.ge [sflag:s22], s20  }
0x9f: {  	s3 =	ssub.s32 $0x0, s20;
	[sflag:s22] =	ssyncset.done $0x0  }
0xa0: {  	[sflag:s22] =	ssyncadd.s32 s3;
	_ =	sdelay $0x1  }
0xa1: {  	s23 =	simm.s32 $0x1B8B  }
0xa2: {  	_ =	swait.ge [sflag:s23], $0x1  }
0xa3: {  	[sflag:s23] =	ssyncset.done $0x0  }
0xa4: {  	s25 =	simm.s32 $0x1B8E;
	s24 =	sld [smem:$0x3FFE];
	[sflag:s23] =	ssyncadd.s32 $0xFFFFFFFF  }
0xa5: {  	s26 =	simm.s32 $execute0_lowered;
	[smem:$0x3FD2] =	sst s25  }
0xa6: {  	s4 =	sshll.u32 s26, $0x1;
	_ =	strace $0x80000049;
	[dreg:$0x1] =	wrdreg $0xFFFFFFFF  }
0xa7: {  	s28 =	simm.s32 $_size_execute0_lowered;
	s2 =	sadd.s32 s2, s4;
	[dreg:$0x0] =	wrdreg $0x0  }
0xa8: {  	s4 =	sshll.u32 s28, $0x1;
	[dreg:$0x2] =	wrdreg s2  }
0xa9: {  	[dreg:$0x3] =	wrdreg s4  }
0xaa: {  	[dreg:$0x4] =	wrdreg $0xC0  }
0xab: {  	_ =	task [dreg:s6], $0x5FFFF  }
0xac: {  	[dreg:$0x1] =	wrdreg $0xFFFFFFFF  }
0xad: {  	[dreg:$0x0] =	wrdreg $0x60  }
0xae: {  	[dreg:$0x2] =	wrdreg s24  }
0xaf: {  	[dreg:$0x3] =	wrdreg $0x6A000  }
0xb0: {  	[dreg:$0x4] =	wrdreg $0x9  }
0xb1: {  	_ =	task.clear_ibuf [dreg:s6], $0x5FFFF;
	_ =	strace $0x90000049  }
0xb2: {  	s29 =	simm.s32 $0x9;
	_ =	strace $0x8000004B  }
0xb3: {  	_ =	swait.ge [sflag:s29], $0x1  }
0xb4: {  	[sflag:s29] =	ssyncadd.s32 $0xFFFFFFFF  }
0xb5: {  	_ =	strace $0x9000004B  }
0xb6: {  	_ =	sfence  }
0xb7: {  	s30 =	sld [smem:$0x0];
	_ =	sdelay $0x2  }
0xb8: {  	s31 =	sshll.u32 s1, $0xD;
	s1 =	sshrl.u32 s1, $0x2  }
0xb9: {  	s3 =	sand.u32 $0x4000, s31;
	s1 =	sadd.s32 s1, s30  }
0xba: {  	s0 =	sor.u32 s3, s0;
	s1 =	sshll.u32 s1, $0x11  }
0xbb: {  	s0 =	sor.u32 s1, s0  }
0xbc: {  	s0 =	sadd.s32 $0x8F2B, s0  }
0xbd: {  	[sflag:s0] =	ssyncadd.remote.s32 $0x1  }
0xbe: {  	_ =	sfence.sel $0xFFFF  }
0xbf: {  	[dreg:$0x0] =	wrdreg $0xFFFFFFFF;
	(pc) =	sbr.abs _section_cstart, $3  }
0xc0: {  	[dreg:$0x1] =	wrdreg $0xFFFFFFFF  }
0xc1: {  	_ =	task.clear_ibuf [dreg:s6], $0x2FFFF;
	_ =	strace $0x9FFFFFFF  }
0xc2: {  	(tm) =	ssettm $0x7FFFFFFF  }
0xc3: {  	_ =	shalt  }
tec
execute0_lowered:
.L_overlay_start_1:
0x0: {  	(tag) =	ssettag $0x1  }
0x1: {  	s0 =	rddreg [dreg:$0x0]  }
0x2: {  	s1 =	srdreg.scid;
	s2 =	rddreg [dreg:$0x1]  }
0x3: {  	s22 =	stileid.u32;
	s3 =	simm.s32 $0x0;
	s23 =	simm.s32 $0x5A00  }
0x4: {  	s11 =	simm.s32 $0x500;
	s12 =	simm.s32 $0x80;
	s19 =	simm.s32 $0x100  }
0x5: {  	s13 =	simm.s32 $0xA00;
	s20 =	simm.s32 $0x180;
	s21 =	simm.s32 $0x200  }
0x6: {  	s24 =	simm.s32 $0x580;
	s25 =	simm.s32 $0x280;
	s26 =	simm.s32 $0x600  }
0x7: {  	s28 =	simm.s32 $0x380;
	s29 =	simm.s32 $0x700;
	s5 =	smul.u32 $0xC800, s22  }
0x8: {  	s30 =	simm.s32 $0x400;
	s31 =	simm.s32 $0x980;
	s6 =	smul.u32 $0x1900, s22  }
0x9: {  	s1 =	sand.u32 $0x1, s1;
	[smem:$0x7FF] =	sst s3;
	s7 =	smul.u32 $0x64000, s22  }
0xa: {  	s10 =	smul.u32 $0x18700, s22;
	_ =	strace $0x8000004A;
	[dreg:$0x5] =	wrdreg s19  }
0xb: {  	p0 =	seq.s32 s22, $0xF;
	s4 =	smul.u32 $0xC8000, s1;
	[dreg:$0x6] =	wrdreg s20  }
0xc: {  	s22 =	simm.s32 $0x5;
	s8 =	smul.u32 $0x186A00, s1;
	[dreg:$0x7] =	wrdreg s21  }
0xd: {  	s1 =	ssub.s32 $0x2, s1;
	s19 =	simm.s32 $0x4A00;
	[dreg:$0x8] =	wrdreg s24  }
0xe: {  	s20 =	simm.s32 $0x3;
	[dreg:$0x9] =	wrdreg s25;
	s21 =	simm.s32 $0x4  }
0xf: {  	[dreg:$0xa] =	wrdreg s26;
	s25 =	simm.s32 $0x300;
	s26 =	simm.s32 $0x680  }
0x10: {  	s24 =	simm.s32 $0x0;
	s6 =	sadd.s32 s6, s0;
	s14 =	sshrl.u32 s1, $0x1  }
0x11: {  	s15 =	sshrl.u32 s7, $0x2;
	s5 =	sadd.s32 s4, s5;
	s4 =	sadd.s32 $0x41D200, s0  }
0x12: {  	s1 =	ssub.s32 s1, s14;
	s16 =	sadd.s32 s10, s8;
	s8 =	sshrl.u32 s8, $0x3  }
0x13: {  	s18 =	sadd.s32 $0x1600, s6;
	s14 =	simm.s32 $0x1A00;
	s6 =	simm.s32 $0x800  }
0x14: {  	s5 =	sshrl.u32 s5, $0x3;
	s7 =	sshrl.u32 s16, $0x3;
	s1 =	smax.u32 s1, $0x1  }
0x15: {  	[dreg:$0x4] =	wrdreg s18;
	s16 =	simm.s32 $0x1;
	s18 =	simm.s32 $0x2  }
0x16: {  	s9 =	sadd.s32 s5, s0;
	s0 =	sadd.s32 $0x10FC00, s0;
	s5 =	sadd.s32 s15, s2  }
0x17: {  	[dreg:$0xd] =	wrdreg s1;
	s15 =	simm.s32 $0x2A00;
	s1 =	simm.s32 $0x480  }
0x18: {  	s7 =	sadd.s32 s0, s7;
	s0 =	sadd.s32 s0, s8;
	s17 =	sadd.s32 $0x1A600, s9  }
0x19: {  	s8 =	simm.s32 $0x900;
	[dreg:$0xb] =	wrdreg s7;
	s0 =	sadd.s32 $0x2DD20, s0  }
0x1a: {  	s7 =	sadd.s32 s10, s2;
	[dreg:$0xc] =	wrdreg s0;
	s0 =	sadd.s32 $0x16E900, s2  }
0x1b: {  	[dreg:$0x3] =	wrdreg s17;
	s10 =	simm.s32 $0x6;
	s0 =	sshrl.u32 @p0 s0, $0x3  }
0x1c: {  	s17 =	simm.s32 $0x3A00;
	[dreg:$0xe] =	wrdreg s0;
	s0 =	sshrl.u32 @!p0 s7, $0x3  }
0x1d: {  	v0 =	vimm.f32 $0.0e+00;
	s7 =	simm.s32 $0x880;
	[dreg:$0xf] =	wrdreg s0;
	s0 =	simm.s32 $0x780  }
.LBB2_1:
0x1e: {  	[dreg:$0x10] =	wrdreg s24;
	s9 =	simm.s32 $0x0  }
.LBB2_2:
0x1f: {  	p1 =	sne.s32 s9, $0x3F80  }
.Ltmp0:
0x20: {  	_ = 	snop;
	(pc) =	sbr.rel @p1 .LBB2_2-.Ltmp0, $4  }
0x21: {  	_ = 	snop  }
0x22: {  	s24 =	sshra.s32 s9, $0x2  }
0x23: {  	[tilespmem:s24+$0x5A00] =	vst v0  }
0x24: {  	s9 =	sadd.s32 $0x80, s9;
	[tilespmem:s24+$0x5A10] =	vst v0  }
0x25: {  	s9 =	sadd.s32 $0x0, s5  }
0x26: {  	[spmem:s9] =	stream.linear.scatter [tilespmem:s23], [sflag:$0x6], $0x1000, $0x38;
	[tilespmem:$0x1FA00] =	vst v63  }
0x27: {  	s24 =	simm.s32 $0x4000;
	_ =	swait.ge [sflag:s10], $0x1000  }
.LBB2_4:
0x28: {  	s9 =	sshra.s32 s24, $0x2;
	[sflag:s10] =	ssyncset.done $0x0;
	p1 =	sne.s32 s24, $0x60000  }
.Ltmp1:
0x29: {  	s9 =	sadd.s32 s9, s5;
	[sflag:s10] =	ssyncadd.s32 $0xFFFFF000;
	(pc) =	sbr.rel @p1 .LBB2_4-.Ltmp1, $3  }
0x2a: {  	[spmem:s9] =	stream.linear.scatter [tilespmem:s23], [sflag:$0x6], $0x1000, $0x38;
	[tilespmem:$0x1FA00] =	vst v63  }
0x2b: {  	s24 =	sadd.s32 $0x4000, s24;
	_ =	sdelay $0x1  }
0x2c: {  	_ =	swait.ge [sflag:s10], $0x1000  }
0x2d: {  	[sflag:s10] =	ssyncset.done $0x0  }
0x2e: {  	[sflag:s10] =	ssyncadd.s32 $0xFFFFF000  }
0x2f: {  	[bflag:$0x0] =	sbarrier.arrive $0xFFFF  }
0x30: {  	s9 =	rddreg [dreg:$0x3]  }
0x31: {  	s9 =	sadd.s32 $0x0, s9  }
0x32: {  	[tilespmem:s3], [sflag:$0x6] =	stream.linear.gather [hbm4b:s9+s3], $0x500, $0x38;
	[tilespmem:$0x1FA00] =	vst v63  }
0x33: {  	_ =	swait.ge [sflag:s10], $0x500  }
0x34: {  	s24 =	rddreg [dreg:$0x4];
	[sflag:s10] =	ssyncset.done $0x0  }
0x35: {  	[sflag:s10] =	ssyncadd.s32 $0xFFFFFB00;
	s9 =	sadd.s32 $0x0, s24  }
0x36: {  	[tilespmem:s11], [sflag:$0x6] =	stream.linear.gather [hbm4b:s9+s3], $0x500, $0x38;
	[tilespmem:$0x1FA00] =	vst v63  }
0x37: {  	_ =	swait.ge [sflag:s10], $0x500  }
0x38: {  	[sflag:s10] =	ssyncset.done $0x0  }
0x39: {  	[sflag:s10] =	ssyncadd.s32 $0xFFFFFB00  }
0x3a: {  	[tilespmem:s13], [sflag:$0x1] =	stream.indirect.gather [hbm4b:s4+s12], $0x20, s3, s12, $0xb8;
	[tilespmem:$0x1FA00] =	vst v63  }
0x3b: {  	_ = 	snop  }
0x3c: {  	[tilespmem:s14], [sflag:$0x2] =	stream.indirect.gather [hbm4b:s4+s12], $0x20, s12, s12, $0xb8;
	[tilespmem:$0x1FA00] =	vst v63  }
0x3d: {  	s23 =	rddreg [dreg:$0x5]  }
0x3e: {  	[tilespmem:s15], [sflag:$0x3] =	stream.indirect.gather [hbm4b:s4+s12], $0x20, s23, s12, $0xb8;
	[tilespmem:$0x1FA00] =	vst v63  }
0x3f: {  	_ =	swait.ge [sflag:s16], $0x1000  }
0x40: {  	[sflag:s16] =	ssyncset.done $0x0  }
0x41: {  	s24 =	rddreg [dreg:$0x6];
	[sflag:s16] =	ssyncadd.s32 $0xFFFFF000  }
0x42: {  	[tilespmem:s17], [sflag:$0x1] =	stream.indirect.gather [hbm4b:s4+s12], $0x20, s24, s12, $0xb8;
	[tilespmem:$0x1FA00] =	vst v63  }
0x43: {  	_ = 	snop  }
0x44: {  	[spmem:s2] =	stream.indirect.scatter.add.f32 [tilespmem:s13], [sflag:$0x4], $0x20, s11, s12, $0xb8;
	[tilespmem:$0x1FA00] =	vst v63  }
0x45: {  	_ =	swait.ge [sflag:s18], $0x1000  }
0x46: {  	[sflag:s18] =	ssyncset.done $0x0  }
0x47: {  	s23 =	rddreg [dreg:$0x7];
	[sflag:s18] =	ssyncadd.s32 $0xFFFFF000  }
0x48: {  	[tilespmem:s19], [sflag:$0x2] =	stream.indirect.gather [hbm4b:s4+s12], $0x20, s23, s12, $0xb8;
	[tilespmem:$0x1FA00] =	vst v63  }
0x49: {  	s24 =	rddreg [dreg:$0x8]  }
0x4a: {  	[spmem:s2] =	stream.indirect.scatter.add.f32 [tilespmem:s14], [sflag:$0x5], $0x20, s24, s12, $0xb8;
	[tilespmem:$0x1FA00] =	vst v63  }
0x4b: {  	_ =	swait.ge [sflag:s20], $0x1000  }
0x4c: {  	[sflag:s20] =	ssyncset.done $0x0  }
0x4d: {  	[sflag:s20] =	ssyncadd.s32 $0xFFFFF000  }
0x4e: {  	_ =	swait.ge [sflag:s21], $0x1000  }
0x4f: {  	[sflag:s21] =	ssyncset.done $0x0  }
0x50: {  	s24 =	rddreg [dreg:$0x9];
	[sflag:s21] =	ssyncadd.s32 $0xFFFFF000  }
0x51: {  	[tilespmem:s13], [sflag:$0x3] =	stream.indirect.gather [hbm4b:s4+s12], $0x20, s24, s12, $0xb8;
	[tilespmem:$0x1FA00] =	vst v63  }
0x52: {  	s23 =	rddreg [dreg:$0xa]  }
0x53: {  	[spmem:s2] =	stream.indirect.scatter.add.f32 [tilespmem:s15], [sflag:$0x4], $0x20, s23, s12, $0xb8;
	[tilespmem:$0x1FA00] =	vst v63  }
0x54: {  	_ =	swait.ge [sflag:s16], $0x1000  }
0x55: {  	[sflag:s16] =	ssyncset.done $0x0  }
0x56: {  	[sflag:s16] =	ssyncadd.s32 $0xFFFFF000  }
0x57: {  	_ =	swait.ge [sflag:s22], $0x1000  }
0x58: {  	[sflag:s22] =	ssyncset.done $0x0  }
0x59: {  	[sflag:s22] =	ssyncadd.s32 $0xFFFFF000  }
0x5a: {  	[tilespmem:s14], [sflag:$0x1] =	stream.indirect.gather [hbm4b:s4+s12], $0x20, s25, s12, $0xb8;
	[tilespmem:$0x1FA00] =	vst v63  }
0x5b: {  	_ = 	snop  }
0x5c: {  	[spmem:s2] =	stream.indirect.scatter.add.f32 [tilespmem:s17], [sflag:$0x5], $0x20, s26, s12, $0xb8;
	[tilespmem:$0x1FA00] =	vst v63  }
0x5d: {  	_ =	swait.ge [sflag:s18], $0x1000  }
0x5e: {  	[sflag:s18] =	ssyncset.done $0x0  }
0x5f: {  	[sflag:s18] =	ssyncadd.s32 $0xFFFFF000  }
0x60: {  	_ =	swait.ge [sflag:s21], $0x1000  }
0x61: {  	[sflag:s21] =	ssyncset.done $0x0  }
0x62: {  	[sflag:s21] =	ssyncadd.s32 $0xFFFFF000  }
0x63: {  	[tilespmem:s15], [sflag:$0x2] =	stream.indirect.gather [hbm4b:s4+s12], $0x20, s28, s12, $0xb8;
	[tilespmem:$0x1FA00] =	vst v63  }
0x64: {  	_ = 	snop  }
0x65: {  	[spmem:s2] =	stream.indirect.scatter.add.f32 [tilespmem:s19], [sflag:$0x4], $0x20, s29, s12, $0xb8;
	[tilespmem:$0x1FA00] =	vst v63  }
0x66: {  	_ =	swait.ge [sflag:s20], $0x1000  }
0x67: {  	[sflag:s20] =	ssyncset.done $0x0  }
0x68: {  	[sflag:s20] =	ssyncadd.s32 $0xFFFFF000  }
0x69: {  	_ =	swait.ge [sflag:s22], $0x1000  }
0x6a: {  	[sflag:s22] =	ssyncset.done $0x0  }
0x6b: {  	[sflag:s22] =	ssyncadd.s32 $0xFFFFF000  }
0x6c: {  	[tilespmem:s17], [sflag:$0x3] =	stream.indirect.gather [hbm4b:s4+s12], $0x20, s30, s12, $0xb8;
	[tilespmem:$0x1FA00] =	vst v63  }
0x6d: {  	_ = 	snop  }
0x6e: {  	[spmem:s2] =	stream.indirect.scatter.add.f32 [tilespmem:s13], [sflag:$0x5], $0x20, s0, s12, $0xb8;
	[tilespmem:$0x1FA00] =	vst v63  }
0x6f: {  	_ =	swait.ge [sflag:s16], $0x1000  }
0x70: {  	[sflag:s16] =	ssyncset.done $0x0  }
0x71: {  	[sflag:s16] =	ssyncadd.s32 $0xFFFFF000  }
0x72: {  	_ =	swait.ge [sflag:s21], $0x1000  }
0x73: {  	[sflag:s21] =	ssyncset.done $0x0  }
0x74: {  	[sflag:s21] =	ssyncadd.s32 $0xFFFFF000  }
0x75: {  	[tilespmem:s19], [sflag:$0x1] =	stream.indirect.gather [hbm4b:s4+s12], $0x20, s1, s12, $0xb8;
	[tilespmem:$0x1FA00] =	vst v63  }
0x76: {  	_ = 	snop  }
0x77: {  	[spmem:s2] =	stream.indirect.scatter.add.f32 [tilespmem:s14], [sflag:$0x4], $0x20, s6, s12, $0xb8;
	[tilespmem:$0x1FA00] =	vst v63  }
0x78: {  	_ =	swait.ge [sflag:s18], $0x1000  }
0x79: {  	[sflag:s18] =	ssyncset.done $0x0  }
0x7a: {  	[sflag:s18] =	ssyncadd.s32 $0xFFFFF000  }
0x7b: {  	[spmem:s2] =	stream.indirect.scatter.add.f32 [tilespmem:s15], [sflag:$0x5], $0x20, s7, s12, $0xb8;
	[tilespmem:$0x1FA00] =	vst v63  }
0x7c: {  	_ =	swait.ge [sflag:s20], $0x1000  }
0x7d: {  	[sflag:s20] =	ssyncset.done $0x0  }
0x7e: {  	[sflag:s20] =	ssyncadd.s32 $0xFFFFF000  }
0x7f: {  	[spmem:s2] =	stream.indirect.scatter.add.f32 [tilespmem:s17], [sflag:$0x4], $0x20, s8, s12, $0xb8;
	[tilespmem:$0x1FA00] =	vst v63  }
0x80: {  	_ =	swait.ge [sflag:s16], $0x1000  }
0x81: {  	[sflag:s16] =	ssyncset.done $0x0  }
0x82: {  	[sflag:s16] =	ssyncadd.s32 $0xFFFFF000  }
0x83: {  	[spmem:s2] =	stream.indirect.scatter.add.f32 [tilespmem:s19], [sflag:$0x5], $0x20, s31, s12, $0xb8;
	[tilespmem:$0x1FA00] =	vst v63  }
0x84: {  	_ =	swait.ge [sflag:s22], $0x1000  }
0x85: {  	[sflag:s22] =	ssyncset.done $0x0  }
0x86: {  	[sflag:s22] =	ssyncadd.s32 $0xFFFFF000  }
0x87: {  	_ =	swait.ge [sflag:s21], $0x1000  }
0x88: {  	[sflag:s21] =	ssyncset.done $0x0  }
0x89: {  	[sflag:s21] =	ssyncadd.s32 $0xFFFFF000  }
0x8a: {  	_ =	swait.ge [sflag:s22], $0x1000  }
0x8b: {  	s24 =	simm.s32 $0x140;
	[sflag:s22] =	ssyncset.done $0x0  }
0x8c: {  	s25 =	simm.s32 $0xA0;
	s26 =	simm.s32 $0x300;
	[sflag:s22] =	ssyncadd.s32 $0xFFFFF000  }
0x8d: {  	s28 =	simm.s32 $0x680;
	s29 =	simm.s32 $0x380;
	_ =	swait.ge [sflag:s21], $0x1000  }
0x8e: {  	s30 =	simm.s32 $0x700;
	s0 =	simm.s32 $0x780;
	[sflag:s21] =	ssyncset.done $0x0  }
0x8f: {  	s1 =	simm.s32 $0x480;
	s6 =	simm.s32 $0x800;
	[sflag:s21] =	ssyncadd.s32 $0xFFFFF000  }
0x90: {  	s7 =	simm.s32 $0x880;
	s8 =	simm.s32 $0x900;
	_ =	swait.ge [sflag:s22], $0x1000  }
0x91: {  	s31 =	simm.s32 $0x400;
	s9 =	rddreg [dreg:$0x3];
	[sflag:s22] =	ssyncset.done $0x0  }
.LBB2_6:
0x92: {  	[sflag:s22] =	ssyncadd.s32 $0xFFFFF000;
	s9 =	sadd.s32 s25, s9  }
0x93: {  	[tilespmem:s3], [sflag:$0x6] =	stream.linear.gather [hbm4b:s9+s3], $0x500, $0x38;
	[tilespmem:$0x1FA00] =	vst v63  }
0x94: {  	_ =	swait.ge [sflag:s10], $0x500  }
0x95: {  	s9 =	rddreg [dreg:$0x4];
	[sflag:s10] =	ssyncset.done $0x0  }
0x96: {  	[sflag:s10] =	ssyncadd.s32 $0xFFFFFB00;
	s9 =	sadd.s32 s25, s9  }
0x97: {  	[tilespmem:s11], [sflag:$0x6] =	stream.linear.gather [hbm4b:s9+s3], $0x500, $0x38;
	[tilespmem:$0x1FA00] =	vst v63  }
0x98: {  	_ =	swait.ge [sflag:s10], $0x500  }
0x99: {  	[sflag:s10] =	ssyncset.done $0x0  }
0x9a: {  	[sflag:s10] =	ssyncadd.s32 $0xFFFFFB00  }
0x9b: {  	[tilespmem:s13], [sflag:$0x1] =	stream.indirect.gather [hbm4b:s4+s12], $0x20, s3, s12, $0xb8;
	[tilespmem:$0x1FA00] =	vst v63  }
0x9c: {  	s23 =	smov.u32 s24  }
0x9d: {  	[tilespmem:s14], [sflag:$0x2] =	stream.indirect.gather [hbm4b:s4+s12], $0x20, s12, s12, $0xb8;
	[tilespmem:$0x1FA00] =	vst v63  }
0x9e: {  	s25 =	smov.u32 s23;
	s23 =	rddreg [dreg:$0x5]  }
0x9f: {  	[tilespmem:s15], [sflag:$0x3] =	stream.indirect.gather [hbm4b:s4+s12], $0x20, s23, s12, $0xb8;
	[tilespmem:$0x1FA00] =	vst v63  }
0xa0: {  	_ =	swait.ge [sflag:s16], $0x1000  }
0xa1: {  	[sflag:s16] =	ssyncset.done $0x0  }
0xa2: {  	s23 =	rddreg [dreg:$0x6];
	[sflag:s16] =	ssyncadd.s32 $0xFFFFF000  }
0xa3: {  	[tilespmem:s17], [sflag:$0x1] =	stream.indirect.gather [hbm4b:s4+s12], $0x20, s23, s12, $0xb8;
	[tilespmem:$0x1FA00] =	vst v63  }
0xa4: {  	_ = 	snop  }
0xa5: {  	[spmem:s2] =	stream.indirect.scatter.add.f32 [tilespmem:s13], [sflag:$0x4], $0x20, s11, s12, $0xb8;
	[tilespmem:$0x1FA00] =	vst v63  }
0xa6: {  	_ =	swait.ge [sflag:s18], $0x1000  }
0xa7: {  	[sflag:s18] =	ssyncset.done $0x0  }
0xa8: {  	s9 =	rddreg [dreg:$0x7];
	[sflag:s18] =	ssyncadd.s32 $0xFFFFF000  }
0xa9: {  	[tilespmem:s19], [sflag:$0x2] =	stream.indirect.gather [hbm4b:s4+s12], $0x20, s9, s12, $0xb8;
	[tilespmem:$0x1FA00] =	vst v63  }
0xaa: {  	s23 =	rddreg [dreg:$0x8]  }
0xab: {  	[spmem:s2] =	stream.indirect.scatter.add.f32 [tilespmem:s14], [sflag:$0x5], $0x20, s23, s12, $0xb8;
	[tilespmem:$0x1FA00] =	vst v63  }
0xac: {  	_ =	swait.ge [sflag:s20], $0x1000  }
0xad: {  	[sflag:s20] =	ssyncset.done $0x0  }
0xae: {  	[sflag:s20] =	ssyncadd.s32 $0xFFFFF000  }
0xaf: {  	_ =	swait.ge [sflag:s21], $0x1000  }
0xb0: {  	[sflag:s21] =	ssyncset.done $0x0  }
0xb1: {  	s9 =	rddreg [dreg:$0x9];
	[sflag:s21] =	ssyncadd.s32 $0xFFFFF000  }
0xb2: {  	[tilespmem:s13], [sflag:$0x3] =	stream.indirect.gather [hbm4b:s4+s12], $0x20, s9, s12, $0xb8;
	[tilespmem:$0x1FA00] =	vst v63  }
0xb3: {  	s23 =	rddreg [dreg:$0xa]  }
0xb4: {  	[spmem:s2] =	stream.indirect.scatter.add.f32 [tilespmem:s15], [sflag:$0x4], $0x20, s23, s12, $0xb8;
	[tilespmem:$0x1FA00] =	vst v63  }
0xb5: {  	_ =	swait.ge [sflag:s16], $0x1000  }
0xb6: {  	[sflag:s16] =	ssyncset.done $0x0  }
0xb7: {  	[sflag:s16] =	ssyncadd.s32 $0xFFFFF000  }
0xb8: {  	_ =	swait.ge [sflag:s22], $0x1000  }
0xb9: {  	[sflag:s22] =	ssyncset.done $0x0  }
0xba: {  	[sflag:s22] =	ssyncadd.s32 $0xFFFFF000  }
0xbb: {  	[tilespmem:s14], [sflag:$0x1] =	stream.indirect.gather [hbm4b:s4+s12], $0x20, s26, s12, $0xb8;
	[tilespmem:$0x1FA00] =	vst v63  }
0xbc: {  	_ = 	snop  }
0xbd: {  	[spmem:s2] =	stream.indirect.scatter.add.f32 [tilespmem:s17], [sflag:$0x5], $0x20, s28, s12, $0xb8;
	[tilespmem:$0x1FA00] =	vst v63  }
0xbe: {  	_ =	swait.ge [sflag:s18], $0x1000  }
0xbf: {  	[sflag:s18] =	ssyncset.done $0x0  }
0xc0: {  	[sflag:s18] =	ssyncadd.s32 $0xFFFFF000  }
0xc1: {  	_ =	swait.ge [sflag:s21], $0x1000  }
0xc2: {  	[sflag:s21] =	ssyncset.done $0x0  }
0xc3: {  	[sflag:s21] =	ssyncadd.s32 $0xFFFFF000  }
0xc4: {  	[tilespmem:s15], [sflag:$0x2] =	stream.indirect.gather [hbm4b:s4+s12], $0x20, s29, s12, $0xb8;
	[tilespmem:$0x1FA00] =	vst v63  }
0xc5: {  	_ = 	snop  }
0xc6: {  	[spmem:s2] =	stream.indirect.scatter.add.f32 [tilespmem:s19], [sflag:$0x4], $0x20, s30, s12, $0xb8;
	[tilespmem:$0x1FA00] =	vst v63  }
0xc7: {  	_ =	swait.ge [sflag:s20], $0x1000  }
0xc8: {  	[sflag:s20] =	ssyncset.done $0x0  }
0xc9: {  	[sflag:s20] =	ssyncadd.s32 $0xFFFFF000  }
0xca: {  	_ =	swait.ge [sflag:s22], $0x1000  }
0xcb: {  	[sflag:s22] =	ssyncset.done $0x0  }
0xcc: {  	[sflag:s22] =	ssyncadd.s32 $0xFFFFF000  }
0xcd: {  	[tilespmem:s17], [sflag:$0x3] =	stream.indirect.gather [hbm4b:s4+s12], $0x20, s31, s12, $0xb8;
	[tilespmem:$0x1FA00] =	vst v63  }
0xce: {  	_ = 	snop  }
0xcf: {  	[spmem:s2] =	stream.indirect.scatter.add.f32 [tilespmem:s13], [sflag:$0x5], $0x20, s0, s12, $0xb8;
	[tilespmem:$0x1FA00] =	vst v63  }
0xd0: {  	_ =	swait.ge [sflag:s16], $0x1000  }
0xd1: {  	[sflag:s16] =	ssyncset.done $0x0  }
0xd2: {  	[sflag:s16] =	ssyncadd.s32 $0xFFFFF000  }
0xd3: {  	_ =	swait.ge [sflag:s21], $0x1000  }
0xd4: {  	[sflag:s21] =	ssyncset.done $0x0  }
0xd5: {  	[sflag:s21] =	ssyncadd.s32 $0xFFFFF000  }
0xd6: {  	[tilespmem:s19], [sflag:$0x1] =	stream.indirect.gather [hbm4b:s4+s12], $0x20, s1, s12, $0xb8;
	[tilespmem:$0x1FA00] =	vst v63  }
0xd7: {  	_ = 	snop  }
0xd8: {  	[spmem:s2] =	stream.indirect.scatter.add.f32 [tilespmem:s14], [sflag:$0x4], $0x20, s6, s12, $0xb8;
	[tilespmem:$0x1FA00] =	vst v63  }
0xd9: {  	_ =	swait.ge [sflag:s18], $0x1000  }
0xda: {  	[sflag:s18] =	ssyncset.done $0x0  }
0xdb: {  	[sflag:s18] =	ssyncadd.s32 $0xFFFFF000  }
0xdc: {  	[spmem:s2] =	stream.indirect.scatter.add.f32 [tilespmem:s15], [sflag:$0x5], $0x20, s7, s12, $0xb8;
	[tilespmem:$0x1FA00] =	vst v63  }
0xdd: {  	_ =	swait.ge [sflag:s20], $0x1000  }
0xde: {  	[sflag:s20] =	ssyncset.done $0x0  }
0xdf: {  	[sflag:s20] =	ssyncadd.s32 $0xFFFFF000  }
0xe0: {  	[spmem:s2] =	stream.indirect.scatter.add.f32 [tilespmem:s17], [sflag:$0x4], $0x20, s8, s12, $0xb8;
	[tilespmem:$0x1FA00] =	vst v63  }
0xe1: {  	_ =	swait.ge [sflag:s16], $0x1000  }
0xe2: {  	[sflag:s16] =	ssyncset.done $0x0  }
0xe3: {  	s23 =	simm.s32 $0x980;
	[sflag:s16] =	ssyncadd.s32 $0xFFFFF000  }
0xe4: {  	[spmem:s2] =	stream.indirect.scatter.add.f32 [tilespmem:s19], [sflag:$0x5], $0x20, s23, s12, $0xb8;
	[tilespmem:$0x1FA00] =	vst v63  }
0xe5: {  	_ =	swait.ge [sflag:s22], $0x1000  }
0xe6: {  	[sflag:s22] =	ssyncset.done $0x0  }
0xe7: {  	[sflag:s22] =	ssyncadd.s32 $0xFFFFF000  }
0xe8: {  	_ =	swait.ge [sflag:s21], $0x1000  }
0xe9: {  	[sflag:s21] =	ssyncset.done $0x0  }
0xea: {  	[sflag:s21] =	ssyncadd.s32 $0xFFFFF000  }
0xeb: {  	_ =	swait.ge [sflag:s22], $0x1000  }
0xec: {  	[sflag:s22] =	ssyncset.done $0x0  }
0xed: {  	p1 =	sne.s32 s24, $0x1860;
	[sflag:s22] =	ssyncadd.s32 $0xFFFFF000  }
.Ltmp2:
0xee: {  	_ =	swait.ge [sflag:s21], $0x1000;
	(pc) =	sbr.rel @p1 .LBB2_6-.Ltmp2, $4  }
0xef: {  	[sflag:s21] =	ssyncset.done $0x0  }
0xf0: {  	[sflag:s21] =	ssyncadd.s32 $0xFFFFF000  }
0xf1: {  	_ =	swait.ge [sflag:s22], $0x1000  }
0xf2: {  	s24 =	sadd.s32 $0xA0, s24;
	s9 =	rddreg [dreg:$0x3];
	[sflag:s22] =	ssyncset.done $0x0  }
0xf3: {  	[sflag:s22] =	ssyncadd.s32 $0xFFFFF000;
	s9 =	sadd.s32 s25, s9  }
0xf4: {  	[tilespmem:s3], [sflag:$0x6] =	stream.linear.gather [hbm4b:s9+s3], $0x500, $0x38;
	[tilespmem:$0x1FA00] =	vst v63  }
0xf5: {  	_ =	swait.ge [sflag:s10], $0x500  }
0xf6: {  	s24 =	rddreg [dreg:$0x4];
	[sflag:s10] =	ssyncset.done $0x0  }
0xf7: {  	[sflag:s10] =	ssyncadd.s32 $0xFFFFFB00;
	s9 =	sadd.s32 s25, s24  }
0xf8: {  	[tilespmem:s11], [sflag:$0x6] =	stream.linear.gather [hbm4b:s9+s3], $0x500, $0x38;
	[tilespmem:$0x1FA00] =	vst v63  }
0xf9: {  	_ =	swait.ge [sflag:s10], $0x500  }
0xfa: {  	[sflag:s10] =	ssyncset.done $0x0  }
0xfb: {  	[sflag:s10] =	ssyncadd.s32 $0xFFFFFB00  }
0xfc: {  	[tilespmem:s13], [sflag:$0x1] =	stream.indirect.gather [hbm4b:s4+s12], $0x20, s3, s12, $0xb8;
	[tilespmem:$0x1FA00] =	vst v63  }
0xfd: {  	_ = 	snop  }
0xfe: {  	[tilespmem:s14], [sflag:$0x2] =	stream.indirect.gather [hbm4b:s4+s12], $0x20, s12, s12, $0xb8;
	[tilespmem:$0x1FA00] =	vst v63  }
0xff: {  	s23 =	rddreg [dreg:$0x5]  }
0x100: {  	[tilespmem:s15], [sflag:$0x3] =	stream.indirect.gather [hbm4b:s4+s12], $0x20, s23, s12, $0xb8;
	[tilespmem:$0x1FA00] =	vst v63  }
0x101: {  	_ =	swait.ge [sflag:s16], $0x1000  }
0x102: {  	[sflag:s16] =	ssyncset.done $0x0  }
0x103: {  	s24 =	rddreg [dreg:$0x6];
	[sflag:s16] =	ssyncadd.s32 $0xFFFFF000  }
0x104: {  	[tilespmem:s17], [sflag:$0x1] =	stream.indirect.gather [hbm4b:s4+s12], $0x20, s24, s12, $0xb8;
	[tilespmem:$0x1FA00] =	vst v63  }
0x105: {  	_ = 	snop  }
0x106: {  	[spmem:s2] =	stream.indirect.scatter.add.f32 [tilespmem:s13], [sflag:$0x4], $0x20, s11, s12, $0xb8;
	[tilespmem:$0x1FA00] =	vst v63  }
0x107: {  	_ =	swait.ge [sflag:s18], $0x1000  }
0x108: {  	[sflag:s18] =	ssyncset.done $0x0  }
0x109: {  	s25 =	rddreg [dreg:$0x7];
	[sflag:s18] =	ssyncadd.s32 $0xFFFFF000  }
0x10a: {  	[tilespmem:s19], [sflag:$0x2] =	stream.indirect.gather [hbm4b:s4+s12], $0x20, s25, s12, $0xb8;
	[tilespmem:$0x1FA00] =	vst v63  }
0x10b: {  	s23 =	rddreg [dreg:$0x8]  }
0x10c: {  	[spmem:s2] =	stream.indirect.scatter.add.f32 [tilespmem:s14], [sflag:$0x5], $0x20, s23, s12, $0xb8;
	[tilespmem:$0x1FA00] =	vst v63  }
0x10d: {  	_ =	swait.ge [sflag:s20], $0x1000  }
0x10e: {  	[sflag:s20] =	ssyncset.done $0x0  }
0x10f: {  	[sflag:s20] =	ssyncadd.s32 $0xFFFFF000  }
0x110: {  	_ =	swait.ge [sflag:s21], $0x1000  }
0x111: {  	[sflag:s21] =	ssyncset.done $0x0  }
0x112: {  	s24 =	rddreg [dreg:$0x9];
	[sflag:s21] =	ssyncadd.s32 $0xFFFFF000  }
0x113: {  	[tilespmem:s13], [sflag:$0x3] =	stream.indirect.gather [hbm4b:s4+s12], $0x20, s24, s12, $0xb8;
	[tilespmem:$0x1FA00] =	vst v63  }
0x114: {  	s25 =	rddreg [dreg:$0xa]  }
0x115: {  	[spmem:s2] =	stream.indirect.scatter.add.f32 [tilespmem:s15], [sflag:$0x4], $0x20, s25, s12, $0xb8;
	[tilespmem:$0x1FA00] =	vst v63  }
0x116: {  	_ =	swait.ge [sflag:s16], $0x1000  }
0x117: {  	[sflag:s16] =	ssyncset.done $0x0  }
0x118: {  	[sflag:s16] =	ssyncadd.s32 $0xFFFFF000  }
0x119: {  	_ =	swait.ge [sflag:s22], $0x1000  }
0x11a: {  	[sflag:s22] =	ssyncset.done $0x0  }
0x11b: {  	[sflag:s22] =	ssyncadd.s32 $0xFFFFF000  }
0x11c: {  	[tilespmem:s14], [sflag:$0x1] =	stream.indirect.gather [hbm4b:s4+s12], $0x20, s26, s12, $0xb8;
	[tilespmem:$0x1FA00] =	vst v63  }
0x11d: {  	_ = 	snop  }
0x11e: {  	[spmem:s2] =	stream.indirect.scatter.add.f32 [tilespmem:s17], [sflag:$0x5], $0x20, s28, s12, $0xb8;
	[tilespmem:$0x1FA00] =	vst v63  }
0x11f: {  	_ =	swait.ge [sflag:s18], $0x1000  }
0x120: {  	[sflag:s18] =	ssyncset.done $0x0  }
0x121: {  	[sflag:s18] =	ssyncadd.s32 $0xFFFFF000  }
0x122: {  	_ =	swait.ge [sflag:s21], $0x1000  }
0x123: {  	[sflag:s21] =	ssyncset.done $0x0  }
0x124: {  	[sflag:s21] =	ssyncadd.s32 $0xFFFFF000  }
0x125: {  	[tilespmem:s15], [sflag:$0x2] =	stream.indirect.gather [hbm4b:s4+s12], $0x20, s29, s12, $0xb8;
	[tilespmem:$0x1FA00] =	vst v63  }
0x126: {  	_ = 	snop  }
0x127: {  	[spmem:s2] =	stream.indirect.scatter.add.f32 [tilespmem:s19], [sflag:$0x4], $0x20, s30, s12, $0xb8;
	[tilespmem:$0x1FA00] =	vst v63  }
0x128: {  	_ =	swait.ge [sflag:s20], $0x1000  }
0x129: {  	[sflag:s20] =	ssyncset.done $0x0  }
0x12a: {  	[sflag:s20] =	ssyncadd.s32 $0xFFFFF000  }
0x12b: {  	_ =	swait.ge [sflag:s22], $0x1000  }
0x12c: {  	[sflag:s22] =	ssyncset.done $0x0  }
0x12d: {  	[sflag:s22] =	ssyncadd.s32 $0xFFFFF000  }
0x12e: {  	[tilespmem:s17], [sflag:$0x3] =	stream.indirect.gather [hbm4b:s4+s12], $0x20, s31, s12, $0xb8;
	[tilespmem:$0x1FA00] =	vst v63  }
0x12f: {  	_ = 	snop  }
0x130: {  	[spmem:s2] =	stream.indirect.scatter.add.f32 [tilespmem:s13], [sflag:$0x5], $0x20, s0, s12, $0xb8;
	[tilespmem:$0x1FA00] =	vst v63  }
0x131: {  	_ =	swait.ge [sflag:s16], $0x1000  }
0x132: {  	[sflag:s16] =	ssyncset.done $0x0  }
0x133: {  	[sflag:s16] =	ssyncadd.s32 $0xFFFFF000  }
0x134: {  	_ =	swait.ge [sflag:s21], $0x1000  }
0x135: {  	[sflag:s21] =	ssyncset.done $0x0  }
0x136: {  	[sflag:s21] =	ssyncadd.s32 $0xFFFFF000  }
0x137: {  	[tilespmem:s19], [sflag:$0x1] =	stream.indirect.gather [hbm4b:s4+s12], $0x20, s1, s12, $0xb8;
	[tilespmem:$0x1FA00] =	vst v63  }
0x138: {  	_ = 	snop  }
0x139: {  	[spmem:s2] =	stream.indirect.scatter.add.f32 [tilespmem:s14], [sflag:$0x4], $0x20, s6, s12, $0xb8;
	[tilespmem:$0x1FA00] =	vst v63  }
0x13a: {  	_ =	swait.ge [sflag:s18], $0x1000  }
0x13b: {  	[sflag:s18] =	ssyncset.done $0x0  }
0x13c: {  	[sflag:s18] =	ssyncadd.s32 $0xFFFFF000  }
0x13d: {  	[spmem:s2] =	stream.indirect.scatter.add.f32 [tilespmem:s15], [sflag:$0x5], $0x20, s7, s12, $0xb8;
	[tilespmem:$0x1FA00] =	vst v63  }
0x13e: {  	_ =	swait.ge [sflag:s20], $0x1000  }
0x13f: {  	[sflag:s20] =	ssyncset.done $0x0  }
0x140: {  	[sflag:s20] =	ssyncadd.s32 $0xFFFFF000  }
0x141: {  	[spmem:s2] =	stream.indirect.scatter.add.f32 [tilespmem:s17], [sflag:$0x4], $0x20, s8, s12, $0xb8;
	[tilespmem:$0x1FA00] =	vst v63  }
0x142: {  	_ =	swait.ge [sflag:s16], $0x1000  }
0x143: {  	[sflag:s16] =	ssyncset.done $0x0  }
0x144: {  	s24 =	simm.s32 $0x980;
	[sflag:s16] =	ssyncadd.s32 $0xFFFFF000  }
0x145: {  	[spmem:s2] =	stream.indirect.scatter.add.f32 [tilespmem:s19], [sflag:$0x5], $0x20, s24, s12, $0xb8;
	[tilespmem:$0x1FA00] =	vst v63  }
0x146: {  	_ =	swait.ge [sflag:s22], $0x1000  }
0x147: {  	[sflag:s22] =	ssyncset.done $0x0  }
0x148: {  	[sflag:s22] =	ssyncadd.s32 $0xFFFFF000  }
0x149: {  	_ =	swait.ge [sflag:s21], $0x1000  }
0x14a: {  	[sflag:s21] =	ssyncset.done $0x0  }
0x14b: {  	[sflag:s21] =	ssyncadd.s32 $0xFFFFF000  }
0x14c: {  	_ =	swait.ge [sflag:s22], $0x1000  }
0x14d: {  	[sflag:s22] =	ssyncset.done $0x0  }
0x14e: {  	[sflag:s22] =	ssyncadd.s32 $0xFFFFF000  }
0x14f: {  	_ =	swait.ge [sflag:s21], $0x1000  }
0x150: {  	[sflag:s21] =	ssyncset.done $0x0  }
0x151: {  	[sflag:s21] =	ssyncadd.s32 $0xFFFFF000  }
0x152: {  	_ =	swait.ge [sflag:s22], $0x1000  }
0x153: {  	[sflag:s22] =	ssyncset.done $0x0  }
0x154: {  	[sflag:s22] =	ssyncadd.s32 $0xFFFFF000  }
0x155: {  	[bflag:$0x0] =	sbarrier.arrive $0xFFFF  }
0x156: {  	s23 =	rddreg [dreg:$0xc]  }
0x157: {  	s9 =	simm.s32 @p0 $0x1FC6;
	s24 =	rddreg [dreg:$0xe]  }
0x158: {  	[hbm:s23], [sflag:s9] =	dma.local @p0 [spmem:s24], $0x3020  }
0x159: {  	s9 =	simm.s32 @p0 $0x6  }
0x15a: {  	s23 =	stileid.u32;
	_ =	swait.ge @p0 [sflag:s9], $0x3020  }
0x15b: {  	s23 =	sshll.u32 @!p0 s23, $0x6;
	[sflag:s9] =	ssyncset.done @p0 $0x0;
	s24 =	rddreg [dreg:$0xf]  }
0x15c: {  	[sflag:s9] =	ssyncadd.s32 @p0 $0xFFFFCFE0;
	s9 =	sor.u32 @!p0 $0x1C06, s23;
	s23 =	rddreg [dreg:$0xb]  }
0x15d: {  	[hbm:s23], [sflag:s9] =	dma.local @!p0 [spmem:s24], $0x30E0  }
0x15e: {  	s9 =	simm.s32 @!p0 $0x6  }
0x15f: {  	_ =	swait.ge @!p0 [sflag:s9], $0x30E0  }
0x160: {  	s25 =	rddreg [dreg:$0x10]  }
0x161: {  	s26 =	rddreg [dreg:$0xd];
	s24 =	sadd.s32 $0x1, s25  }
0x162: {  	p1 =	sne.s32 s24, s26  }
.Ltmp3:
0x163: {  	s28 =	simm.s32 $0x380;
	s29 =	simm.s32 $0x700;
	(pc) =	sbr.rel @p1 .LBB2_1-.Ltmp3, $4  }
0x164: {  	s30 =	simm.s32 $0x400;
	s31 =	simm.s32 $0x980;
	s0 =	simm.s32 $0x780  }
0x165: {  	s1 =	simm.s32 $0x480;
	s6 =	simm.s32 $0x800;
	s7 =	simm.s32 $0x880  }
0x166: {  	s8 =	simm.s32 $0x900;
	s23 =	simm.s32 $0x5A00;
	[sflag:s9] =	ssyncset.done @!p0 $0x0  }
0x167: {  	[sflag:s9] =	ssyncadd.s32 @!p0 $0xFFFFCF20;
	s25 =	simm.s32 $0x300;
	s26 =	simm.s32 $0x680  }
0x168: {  	_ =	sfence.sel $0x180000  }
0x169: {  	[bflag:$0x0] =	sbarrier.arrive $0xFFFF  }
0x16a: {  	_ =	strace $0x9000004A  }
0x16b: {  	s0 =	stileid.u32;
	[bflag:$0x2] =	sbarrier.arrive $0xFFFF  }
0x16c: {  	p0 =	sne.s32 s0, $0x0;
	s0 =	rddreg [dreg:$0x2]  }
0x16d: {  	s0 =	sadd.s32 @!p0 $0x100000, s0  }
0x16e: {  	[sflag:s0] =	ssyncadd.tile.s32 @!p0 $0x1;
	_ =	shalt  }
.Lfunc_end2:
_tile_overlayer_lowered:
.L_overlay_start_2:
0x16f: {  	(tag) =	ssettag $0x2  }
0x170: {  	s0 =	rddreg [dreg:$0x0];
	s2 =	stileid.u32  }
0x171: {  	s1 =	rddreg [dreg:$0x1];
	p0 =	sne.s32 s2, $0x0  }
0x172: {  	s3 =	rddreg [dreg:$0x2];
	[bflag:$0x3] =	sbarrier.arrive $0xFFFF;
	s2 =	simm.s32 @!p0 $0x1C06  }
0x173: {  	[timem:s3], [sflag:s2] =	dma.local @!p0 [hbm:s0], s1  }
0x174: {  	s0 =	simm.s32 @!p0 $0x6  }
0x175: {  	_ =	swait.ge @!p0 [sflag:s0], s1  }
0x176: {  	s1 =	ssub.s32 @!p0 $0x0, s1;
	[sflag:s0] =	ssyncset.done @!p0 $0x0  }
0x177: {  	[sflag:s0] =	ssyncadd.s32 @!p0 s1  }
0x178: {  	[bflag:$0x3] =	sbarrier.arrive $0xFFFF  }
0x179: {  	_ =	shalt  }

// kernel: _run.17.cloned.1.call-start
scs
__scs_entry_jumppad:
0x0: {  	(pc) =	sbr.rel $0x88, $3  }
0x1: {  	(tag) =	ssettag $0x0;
	lr =	simm.s32 $0x1  }
0x2: {  	[smem:$0x3F9E] =	sst lr;
	_ =	strace $0xD0000000  }
0x3: {  	_ = 	snop  }
0x4: {  	_ = 	snop  }
0x5: {  	_ = 	snop  }
0x6: {  	_ = 	snop  }
0x7: {  	_ = 	snop  }
__scs_overlays_trampoline_lowered:
0x8: {  	[smem:$0x3FAD] =	sst s0  }
0x9: {  	[smem:$0x3FAE] =	sst s1  }
0xa: {  	[smem:$0x3FAF] =	sst s2  }
0xb: {  	[smem:$0x3FB0] =	sst s3  }
0xc: {  	[smem:$0x3FB1] =	sst s4  }
0xd: {  	[smem:$0x3FB2] =	sst s5  }
0xe: {  	[smem:$0x3FB3] =	sst s6  }
0xf: {  	[smem:$0x3FB4] =	sst s7  }
0x10: {  	[smem:$0x3FB5] =	sst s8  }
0x11: {  	[smem:$0x3FB6] =	sst s9;
	s0 =	simm.s32 @!p0 $0x0  }
0x12: {  	s1 =	sld [smem:$0x3F9C];
	s0 =	simm.s32 @p0 $0x1  }
0x13: {  	[smem:$0x3FB7] =	sst s0;
	s0 =	simm.s32 @!p1 $0x0  }
0x14: {  	s2 =	sld [smem:$0x3F9B];
	s0 =	simm.s32 @p1 $0x1  }
0x15: {  	[smem:$0x3FB8] =	sst s0;
	s0 =	simm.s32 @!p2 $0x0  }
0x16: {  	s3 =	sld [smem:$0x3FDB];
	s0 =	simm.s32 @p2 $0x1  }
0x17: {  	s4 =	simm.s32 $0x1BF5;
	[smem:$0x3FBA] =	sst s0  }
0x18: {  	s0 =	sld [smem:$0x3F9D];
	_ =	swait.ge [sflag:s4], $0x0  }
0x19: {  	s7 =	sld [smem:$0x3F9E]  }
0x1a: {  	s8 =	sadd.s32 $0xFFFFE003, lr  }
0x1b: {  	s9 =	sadd.s32 $0xFFFFFEF7, lr;
	s5 =	simm.s32 $0xFFFFFFFF;
	p2 =	slt.u32 s8, $0xFFFFF086  }
0x1c: {  	p1 =	slt.u32 s9, $0xF7A;
	s5 =	simm.s32 @!p2 $0x0  }
0x1d: {  	s5 =	simm.s32 @p1 $0x1;
	p0 =	seq.s32 s7, s2  }
0x1e: {  	s7 =	smul.u32 @!p0 $0xF7A, s2;
	p2 =	seq.s32 @!p0 s5, $0x0  }
0x1f: {  	s9 =	smul.u32 $0xF7A, s1;
	s8 =	simm.s32 @!p0 $0x1BF5;
	p2 =	por !p2, p0  }
0x20: {  	[sflag:s8] =	ssyncset.s32 @!p0 $0xFFFFF086;
	s6 =	sadd.s32 @!p0 s3, s7;
	s7 =	simm.s32 @!p0 $0x108  }
0x21: {  	s3 =	sadd.s32 s3, s9;
	s6 =	sadd.s32 @!p0 $0x88, s6;
	s7 =	simm.s32 @p2 $0x1082  }
0x22: {  	[simem:s7], [sflag:s8] =	dma.local @!p0 [hbm:s6], $0xF7A  }
0x23: {  	s9 =	sor.u32 $0xD0000000, s2;
	s6 =	simm.s32 $0x108;
	_ =	swait.ge @!p0 [sflag:s8], $0x0  }
0x24: {  	s3 =	sadd.s32 $0x88, s3;
	s6 =	simm.s32 @!p1 $0x1082;
	[sflag:s4] =	ssyncset.s32 $0xFFFFF086  }
0x25: {  	[simem:s6], [sflag:s4] =	dma.local [hbm:s3], $0xF7A  }
0x26: {  	[smem:$0x3F9E] =	sst s1;
	(tag) =	ssettag s2;
	_ =	strace s9  }
0x27: {  	s1 =	sld [smem:$0x3FAE]  }
0x28: {  	s2 =	sld [smem:$0x3FAF]  }
0x29: {  	s4 =	sld [smem:$0x3FB1]  }
0x2a: {  	p0 =	seq.s32 s5, $0x0;
	s5 =	sld [smem:$0x3FB2]  }
0x2b: {  	s6 =	sld [smem:$0x3FB3]  }
0x2c: {  	s7 =	sld [smem:$0x3FB4]  }
0x2d: {  	s3 =	simm.s32 $0x108;
	s8 =	sld [smem:$0x3FB5]  }
0x2e: {  	s3 =	simm.s32 @!p0 $0x1082;
	s9 =	sld [smem:$0x3FB6]  }
0x2f: {  	lr =	sadd.s32 s0, s3;
	s0 =	sld [smem:$0x3FAD]  }
0x30: {  	s3 =	sld [smem:$0x3FB0]  }
0x31: {  	[smem:$0x3FB9] =	sst s10  }
0x32: {  	s10 =	sld [smem:$0x3FB7];
	_ =	sdelay $0x3  }
0x33: {  	p0 =	seq.s32 s10, $0x1;
	s10 =	sld [smem:$0x3FB9];
	_ =	sdelay $0x3  }
0x34: {  	[smem:$0x3FB9] =	sst s10  }
0x35: {  	s10 =	sld [smem:$0x3FB8];
	_ =	sdelay $0x3  }
0x36: {  	p1 =	seq.s32 s10, $0x1;
	s10 =	sld [smem:$0x3FB9];
	_ =	sdelay $0x3  }
0x37: {  	[smem:$0x3FB9] =	sst s10  }
0x38: {  	s10 =	sld [smem:$0x3FBA]  }
0x39: {  	_ = 	snop;
	(pc) =	sbr.ind lr, $3  }
0x3a: {  	_ = 	snop  }
0x3b: {  	_ = 	snop  }
0x3c: {  	p2 =	seq.s32 s10, $0x1;
	s10 =	sld [smem:$0x3FB9]  }
0x3d: {  	_ =	shalt  }
0x3e: {  	_ =	shalt  }
0x3f: {  	_ =	shalt  }
0x40: {  	_ =	shalt  }
0x41: {  	_ =	shalt  }
0x42: {  	_ =	shalt  }
0x43: {  	_ =	shalt  }
0x44: {  	_ =	shalt  }
0x45: {  	_ =	shalt  }
0x46: {  	_ =	shalt  }
0x47: {  	_ =	shalt  }
0x48: {  	_ =	shalt  }
0x49: {  	_ =	shalt  }
0x4a: {  	_ =	shalt  }
0x4b: {  	_ =	shalt  }
0x4c: {  	_ =	shalt  }
0x4d: {  	_ =	shalt  }
0x4e: {  	_ =	shalt  }
0x4f: {  	_ =	shalt  }
0x50: {  	_ =	shalt  }
0x51: {  	_ =	shalt  }
0x52: {  	_ =	shalt  }
0x53: {  	_ =	shalt  }
0x54: {  	_ =	shalt  }
0x55: {  	_ =	shalt  }
0x56: {  	_ =	shalt  }
0x57: {  	_ =	shalt  }
0x58: {  	_ =	shalt  }
0x59: {  	_ =	shalt  }
0x5a: {  	_ =	shalt  }
0x5b: {  	_ =	shalt  }
0x5c: {  	_ =	shalt  }
0x5d: {  	_ =	shalt  }
0x5e: {  	_ =	shalt  }
0x5f: {  	_ =	shalt  }
0x60: {  	_ =	shalt  }
0x61: {  	_ =	shalt  }
0x62: {  	_ =	shalt  }
0x63: {  	_ =	shalt  }
0x64: {  	_ =	shalt  }
0x65: {  	_ =	shalt  }
0x66: {  	_ =	shalt  }
0x67: {  	_ =	shalt  }
0x68: {  	_ =	shalt  }
0x69: {  	_ =	shalt  }
0x6a: {  	_ =	shalt  }
0x6b: {  	_ =	shalt  }
0x6c: {  	_ =	shalt  }
0x6d: {  	_ =	shalt  }
0x6e: {  	_ =	shalt  }
0x6f: {  	_ =	shalt  }
0x70: {  	_ =	shalt  }
0x71: {  	_ =	shalt  }
0x72: {  	_ =	shalt  }
0x73: {  	_ =	shalt  }
0x74: {  	_ =	shalt  }
0x75: {  	_ =	shalt  }
0x76: {  	_ =	shalt  }
0x77: {  	_ =	shalt  }
0x78: {  	_ =	shalt  }
0x79: {  	_ =	shalt  }
0x7a: {  	_ =	shalt  }
0x7b: {  	_ =	shalt  }
0x7c: {  	_ =	shalt  }
0x7d: {  	_ =	shalt  }
0x7e: {  	_ =	shalt  }
0x7f: {  	_ =	shalt  }
0x80: {  	_ =	shalt  }
0x81: {  	_ =	shalt  }
0x82: {  	_ =	shalt  }
0x83: {  	_ =	shalt  }
0x84: {  	_ =	shalt  }
0x85: {  	_ =	shalt  }
0x86: {  	_ =	shalt  }
0x87: {  	_ =	shalt  }
.Lfunc_end0:
.L_simem_size_0:
called_computation.2_lowered:
.L_overlay_start_0:
0x88: {  	s2 =	sld [smem:$0x3FD9]  }
0x89: {  	s3 =	sld [smem:$0x3FFE];
	_ =	sdelay $0x1  }
0x8a: {  	s1 =	srdreg.scid  }
0x8b: {  	s0 =	sand.u32 $0x1, s1  }
0x8c: {  	s16 =	sshll.u32 s0, $0xA;
	s2 =	sadd.s32 s3, s2  }
0x8d: {  	s2 =	sadd.s32 s2, s16  }
0x8e: {  	[smem:$0x3FC5] =	sst s2  }
0x8f: {  	_ = 	snop  }
0x90: {  	(tm) =	ssettm $0x1  }
0x91: {  	s17 =	sld [smem:$0x3FFB];
	_ =	sdelay $0x3  }
0x92: {  	_ =	strace s17  }
0x93: {  	s2 =	sld [smem:$0x3FFC];
	_ =	sdelay $0x3  }
0x94: {  	_ =	strace s2  }
0x95: {  	s2 =	sld [smem:$0x3FFD];
	_ =	sdelay $0x3  }
0x96: {  	_ =	strace s2  }
0x97: {  	_ =	strace $0x8FFFFFFF  }
0x98: {  	s18 =	sld [smem:$0x3FDB];
	_ =	sdelay $0x1  }
0x99: {  	s19 =	simm.s32 $_scs_section_size  }
0x9a: {  	s4 =	simm.s32 $_size__tile_overlayer_lowered;
	s5 =	simm.s32 $_tile_overlayer_lowered  }
0x9b: {  	s22 =	simm.s32 $0x1BFF;
	s21 =	sshll.u32 s5, $0x1;
	s2 =	sadd.s32 s19, s18  }
0x9c: {  	s6 =	simm.s32 $0x0;
	s20 =	sshll.u32 s4, $0x1;
	s4 =	sadd.s32 s21, s2  }
0x9d: {  	[timem:s6], [sflag:s22] =	dma.local [hbm:s4], s20  }
0x9e: {  	_ =	swait.ge [sflag:s22], s20  }
0x9f: {  	s3 =	ssub.s32 $0x0, s20;
	[sflag:s22] =	ssyncset.done $0x0  }
0xa0: {  	[sflag:s22] =	ssyncadd.s32 s3;
	_ =	sdelay $0x1  }
0xa1: {  	s23 =	simm.s32 $0x1B8B  }
0xa2: {  	_ =	swait.ge [sflag:s23], $0x1  }
0xa3: {  	[sflag:s23] =	ssyncset.done $0x0  }
0xa4: {  	s25 =	simm.s32 $0x1B8E;
	s24 =	sld [smem:$0x3FFE];
	[sflag:s23] =	ssyncadd.s32 $0xFFFFFFFF  }
0xa5: {  	s26 =	simm.s32 $execute0_lowered;
	[smem:$0x3FD2] =	sst s25  }
0xa6: {  	s4 =	sshll.u32 s26, $0x1;
	_ =	strace $0x8000004C;
	[dreg:$0x1] =	wrdreg $0xFFFFFFFF  }
0xa7: {  	s28 =	simm.s32 $_size_execute0_lowered;
	s2 =	sadd.s32 s2, s4;
	[dreg:$0x0] =	wrdreg $0x0  }
0xa8: {  	s4 =	sshll.u32 s28, $0x1;
	[dreg:$0x2] =	wrdreg s2  }
0xa9: {  	[dreg:$0x3] =	wrdreg s4  }
0xaa: {  	[dreg:$0x4] =	wrdreg $0xC0  }
0xab: {  	_ =	task [dreg:s6], $0x5FFFF  }
0xac: {  	[dreg:$0x1] =	wrdreg $0xFFFFFFFF  }
0xad: {  	[dreg:$0x0] =	wrdreg $0x60  }
0xae: {  	[dreg:$0x2] =	wrdreg s24  }
0xaf: {  	[dreg:$0x3] =	wrdreg $0x6A000  }
0xb0: {  	[dreg:$0x4] =	wrdreg $0x9  }
0xb1: {  	_ =	task.clear_ibuf [dreg:s6], $0x5FFFF;
	_ =	strace $0x9000004C  }
0xb2: {  	s29 =	simm.s32 $0x9;
	_ =	strace $0x8000004E  }
0xb3: {  	_ =	swait.ge [sflag:s29], $0x1  }
0xb4: {  	[sflag:s29] =	ssyncadd.s32 $0xFFFFFFFF  }
0xb5: {  	_ =	strace $0x9000004E  }
0xb6: {  	_ =	sfence  }
0xb7: {  	s30 =	sld [smem:$0x0];
	_ =	sdelay $0x2  }
0xb8: {  	s31 =	sshll.u32 s1, $0xD;
	s1 =	sshrl.u32 s1, $0x2  }
0xb9: {  	s3 =	sand.u32 $0x4000, s31;
	s1 =	sadd.s32 s1, s30  }
0xba: {  	s0 =	sor.u32 s3, s0;
	s1 =	sshll.u32 s1, $0x11  }
0xbb: {  	s0 =	sor.u32 s1, s0  }
0xbc: {  	s0 =	sadd.s32 $0x8F2B, s0  }
0xbd: {  	[sflag:s0] =	ssyncadd.remote.s32 $0x1  }
0xbe: {  	_ =	sfence.sel $0xFFFF  }
0xbf: {  	[dreg:$0x0] =	wrdreg $0xFFFFFFFF;
	(pc) =	sbr.abs _section_cstart, $3  }
0xc0: {  	[dreg:$0x1] =	wrdreg $0xFFFFFFFF  }
0xc1: {  	_ =	task.clear_ibuf [dreg:s6], $0x2FFFF;
	_ =	strace $0x9FFFFFFF  }
0xc2: {  	(tm) =	ssettm $0x7FFFFFFF  }
0xc3: {  	_ =	shalt  }
tec
execute0_lowered:
.L_overlay_start_1:
0x0: {  	(tag) =	ssettag $0x1  }
0x1: {  	s0 =	rddreg [dreg:$0x0]  }
0x2: {  	s1 =	srdreg.scid;
	s2 =	rddreg [dreg:$0x1]  }
0x3: {  	s22 =	stileid.u32;
	s3 =	simm.s32 $0x0;
	s23 =	simm.s32 $0x5A00  }
0x4: {  	s11 =	simm.s32 $0x500;
	s12 =	simm.s32 $0x80;
	s19 =	simm.s32 $0x100  }
0x5: {  	s13 =	simm.s32 $0xA00;
	s20 =	simm.s32 $0x180;
	s21 =	simm.s32 $0x200  }
0x6: {  	s24 =	simm.s32 $0x580;
	s25 =	simm.s32 $0x280;
	s26 =	simm.s32 $0x600  }
0x7: {  	s28 =	simm.s32 $0x380;
	s29 =	simm.s32 $0x700;
	s5 =	smul.u32 $0xC800, s22  }
0x8: {  	s30 =	simm.s32 $0x400;
	s31 =	simm.s32 $0x980;
	s6 =	smul.u32 $0x1900, s22  }
0x9: {  	s1 =	sand.u32 $0x1, s1;
	[smem:$0x7FF] =	sst s3;
	s7 =	smul.u32 $0x64000, s22  }
0xa: {  	s10 =	smul.u32 $0x18700, s22;
	_ =	strace $0x8000004D;
	[dreg:$0x5] =	wrdreg s19  }
0xb: {  	p0 =	seq.s32 s22, $0xF;
	s4 =	smul.u32 $0xC8000, s1;
	[dreg:$0x6] =	wrdreg s20  }
0xc: {  	s22 =	simm.s32 $0x5;
	s8 =	smul.u32 $0x186A00, s1;
	[dreg:$0x7] =	wrdreg s21  }
0xd: {  	s1 =	ssub.s32 $0x2, s1;
	s19 =	simm.s32 $0x4A00;
	[dreg:$0x8] =	wrdreg s24  }
0xe: {  	s20 =	simm.s32 $0x3;
	[dreg:$0x9] =	wrdreg s25;
	s21 =	simm.s32 $0x4  }
0xf: {  	[dreg:$0xa] =	wrdreg s26;
	s25 =	simm.s32 $0x300;
	s26 =	simm.s32 $0x680  }
0x10: {  	s24 =	simm.s32 $0x0;
	s6 =	sadd.s32 s6, s0;
	s14 =	sshrl.u32 s1, $0x1  }
0x11: {  	s15 =	sshrl.u32 s7, $0x2;
	s5 =	sadd.s32 s4, s5;
	s4 =	sadd.s32 $0x5A3C00, s0  }
0x12: {  	s1 =	ssub.s32 s1, s14;
	s16 =	sadd.s32 s10, s8;
	s8 =	sshrl.u32 s8, $0x3  }
0x13: {  	s18 =	sadd.s32 $0x1600, s6;
	s14 =	simm.s32 $0x1A00;
	s6 =	simm.s32 $0x800  }
0x14: {  	s5 =	sshrl.u32 s5, $0x3;
	s7 =	sshrl.u32 s16, $0x3;
	s1 =	smax.u32 s1, $0x1  }
0x15: {  	[dreg:$0x4] =	wrdreg s18;
	s16 =	simm.s32 $0x1;
	s18 =	simm.s32 $0x2  }
0x16: {  	s9 =	sadd.s32 s5, s0;
	s0 =	sadd.s32 $0x10FC00, s0;
	s5 =	sadd.s32 s15, s2  }
0x17: {  	[dreg:$0xd] =	wrdreg s1;
	s15 =	simm.s32 $0x2A00;
	s1 =	simm.s32 $0x480  }
0x18: {  	s7 =	sadd.s32 s0, s7;
	s0 =	sadd.s32 s0, s8;
	s17 =	sadd.s32 $0x1A600, s9  }
0x19: {  	s8 =	simm.s32 $0x900;
	[dreg:$0xb] =	wrdreg s7;
	s0 =	sadd.s32 $0x2DD20, s0  }
0x1a: {  	s7 =	sadd.s32 s10, s2;
	[dreg:$0xc] =	wrdreg s0;
	s0 =	sadd.s32 $0x16E900, s2  }
0x1b: {  	[dreg:$0x3] =	wrdreg s17;
	s10 =	simm.s32 $0x6;
	s0 =	sshrl.u32 @p0 s0, $0x3  }
0x1c: {  	s17 =	simm.s32 $0x3A00;
	[dreg:$0xe] =	wrdreg s0;
	s0 =	sshrl.u32 @!p0 s7, $0x3  }
0x1d: {  	v0 =	vimm.f32 $0.0e+00;
	s7 =	simm.s32 $0x880;
	[dreg:$0xf] =	wrdreg s0;
	s0 =	simm.s32 $0x780  }
.LBB2_1:
0x1e: {  	[dreg:$0x10] =	wrdreg s24;
	s9 =	simm.s32 $0x0  }
.LBB2_2:
0x1f: {  	p1 =	sne.s32 s9, $0x3F80  }
.Ltmp0:
0x20: {  	_ = 	snop;
	(pc) =	sbr.rel @p1 .LBB2_2-.Ltmp0, $4  }
0x21: {  	_ = 	snop  }
0x22: {  	s24 =	sshra.s32 s9, $0x2  }
0x23: {  	[tilespmem:s24+$0x5A00] =	vst v0  }
0x24: {  	s9 =	sadd.s32 $0x80, s9;
	[tilespmem:s24+$0x5A10] =	vst v0  }
0x25: {  	s9 =	sadd.s32 $0x0, s5  }
0x26: {  	[spmem:s9] =	stream.linear.scatter [tilespmem:s23], [sflag:$0x6], $0x1000, $0x38;
	[tilespmem:$0x1FA00] =	vst v63  }
0x27: {  	s24 =	simm.s32 $0x4000;
	_ =	swait.ge [sflag:s10], $0x1000  }
.LBB2_4:
0x28: {  	s9 =	sshra.s32 s24, $0x2;
	[sflag:s10] =	ssyncset.done $0x0;
	p1 =	sne.s32 s24, $0x60000  }
.Ltmp1:
0x29: {  	s9 =	sadd.s32 s9, s5;
	[sflag:s10] =	ssyncadd.s32 $0xFFFFF000;
	(pc) =	sbr.rel @p1 .LBB2_4-.Ltmp1, $3  }
0x2a: {  	[spmem:s9] =	stream.linear.scatter [tilespmem:s23], [sflag:$0x6], $0x1000, $0x38;
	[tilespmem:$0x1FA00] =	vst v63  }
0x2b: {  	s24 =	sadd.s32 $0x4000, s24;
	_ =	sdelay $0x1  }
0x2c: {  	_ =	swait.ge [sflag:s10], $0x1000  }
0x2d: {  	[sflag:s10] =	ssyncset.done $0x0  }
0x2e: {  	[sflag:s10] =	ssyncadd.s32 $0xFFFFF000  }
0x2f: {  	[bflag:$0x0] =	sbarrier.arrive $0xFFFF  }
0x30: {  	s9 =	rddreg [dreg:$0x3]  }
0x31: {  	s9 =	sadd.s32 $0x0, s9  }
0x32: {  	[tilespmem:s3], [sflag:$0x6] =	stream.linear.gather [hbm4b:s9+s3], $0x500, $0x38;
	[tilespmem:$0x1FA00] =	vst v63  }
0x33: {  	_ =	swait.ge [sflag:s10], $0x500  }
0x34: {  	s24 =	rddreg [dreg:$0x4];
	[sflag:s10] =	ssyncset.done $0x0  }
0x35: {  	[sflag:s10] =	ssyncadd.s32 $0xFFFFFB00;
	s9 =	sadd.s32 $0x0, s24  }
0x36: {  	[tilespmem:s11], [sflag:$0x6] =	stream.linear.gather [hbm4b:s9+s3], $0x500, $0x38;
	[tilespmem:$0x1FA00] =	vst v63  }
0x37: {  	_ =	swait.ge [sflag:s10], $0x500  }
0x38: {  	[sflag:s10] =	ssyncset.done $0x0  }
0x39: {  	[sflag:s10] =	ssyncadd.s32 $0xFFFFFB00  }
0x3a: {  	[tilespmem:s13], [sflag:$0x1] =	stream.indirect.gather [hbm4b:s4+s12], $0x20, s3, s12, $0xb8;
	[tilespmem:$0x1FA00] =	vst v63  }
0x3b: {  	_ = 	snop  }
0x3c: {  	[tilespmem:s14], [sflag:$0x2] =	stream.indirect.gather [hbm4b:s4+s12], $0x20, s12, s12, $0xb8;
	[tilespmem:$0x1FA00] =	vst v63  }
0x3d: {  	s23 =	rddreg [dreg:$0x5]  }
0x3e: {  	[tilespmem:s15], [sflag:$0x3] =	stream.indirect.gather [hbm4b:s4+s12], $0x20, s23, s12, $0xb8;
	[tilespmem:$0x1FA00] =	vst v63  }
0x3f: {  	_ =	swait.ge [sflag:s16], $0x1000  }
0x40: {  	[sflag:s16] =	ssyncset.done $0x0  }
0x41: {  	s24 =	rddreg [dreg:$0x6];
	[sflag:s16] =	ssyncadd.s32 $0xFFFFF000  }
0x42: {  	[tilespmem:s17], [sflag:$0x1] =	stream.indirect.gather [hbm4b:s4+s12], $0x20, s24, s12, $0xb8;
	[tilespmem:$0x1FA00] =	vst v63  }
0x43: {  	_ = 	snop  }
0x44: {  	[spmem:s2] =	stream.indirect.scatter.add.f32 [tilespmem:s13], [sflag:$0x4], $0x20, s11, s12, $0xb8;
	[tilespmem:$0x1FA00] =	vst v63  }
0x45: {  	_ =	swait.ge [sflag:s18], $0x1000  }
0x46: {  	[sflag:s18] =	ssyncset.done $0x0  }
0x47: {  	s23 =	rddreg [dreg:$0x7];
	[sflag:s18] =	ssyncadd.s32 $0xFFFFF000  }
0x48: {  	[tilespmem:s19], [sflag:$0x2] =	stream.indirect.gather [hbm4b:s4+s12], $0x20, s23, s12, $0xb8;
	[tilespmem:$0x1FA00] =	vst v63  }
0x49: {  	s24 =	rddreg [dreg:$0x8]  }
0x4a: {  	[spmem:s2] =	stream.indirect.scatter.add.f32 [tilespmem:s14], [sflag:$0x5], $0x20, s24, s12, $0xb8;
	[tilespmem:$0x1FA00] =	vst v63  }
0x4b: {  	_ =	swait.ge [sflag:s20], $0x1000  }
0x4c: {  	[sflag:s20] =	ssyncset.done $0x0  }
0x4d: {  	[sflag:s20] =	ssyncadd.s32 $0xFFFFF000  }
0x4e: {  	_ =	swait.ge [sflag:s21], $0x1000  }
0x4f: {  	[sflag:s21] =	ssyncset.done $0x0  }
0x50: {  	s24 =	rddreg [dreg:$0x9];
	[sflag:s21] =	ssyncadd.s32 $0xFFFFF000  }
0x51: {  	[tilespmem:s13], [sflag:$0x3] =	stream.indirect.gather [hbm4b:s4+s12], $0x20, s24, s12, $0xb8;
	[tilespmem:$0x1FA00] =	vst v63  }
0x52: {  	s23 =	rddreg [dreg:$0xa]  }
0x53: {  	[spmem:s2] =	stream.indirect.scatter.add.f32 [tilespmem:s15], [sflag:$0x4], $0x20, s23, s12, $0xb8;
	[tilespmem:$0x1FA00] =	vst v63  }
0x54: {  	_ =	swait.ge [sflag:s16], $0x1000  }
0x55: {  	[sflag:s16] =	ssyncset.done $0x0  }
0x56: {  	[sflag:s16] =	ssyncadd.s32 $0xFFFFF000  }
0x57: {  	_ =	swait.ge [sflag:s22], $0x1000  }
0x58: {  	[sflag:s22] =	ssyncset.done $0x0  }
0x59: {  	[sflag:s22] =	ssyncadd.s32 $0xFFFFF000  }
0x5a: {  	[tilespmem:s14], [sflag:$0x1] =	stream.indirect.gather [hbm4b:s4+s12], $0x20, s25, s12, $0xb8;
	[tilespmem:$0x1FA00] =	vst v63  }
0x5b: {  	_ = 	snop  }
0x5c: {  	[spmem:s2] =	stream.indirect.scatter.add.f32 [tilespmem:s17], [sflag:$0x5], $0x20, s26, s12, $0xb8;
	[tilespmem:$0x1FA00] =	vst v63  }
0x5d: {  	_ =	swait.ge [sflag:s18], $0x1000  }
0x5e: {  	[sflag:s18] =	ssyncset.done $0x0  }
0x5f: {  	[sflag:s18] =	ssyncadd.s32 $0xFFFFF000  }
0x60: {  	_ =	swait.ge [sflag:s21], $0x1000  }
0x61: {  	[sflag:s21] =	ssyncset.done $0x0  }
0x62: {  	[sflag:s21] =	ssyncadd.s32 $0xFFFFF000  }
0x63: {  	[tilespmem:s15], [sflag:$0x2] =	stream.indirect.gather [hbm4b:s4+s12], $0x20, s28, s12, $0xb8;
	[tilespmem:$0x1FA00] =	vst v63  }
0x64: {  	_ = 	snop  }
0x65: {  	[spmem:s2] =	stream.indirect.scatter.add.f32 [tilespmem:s19], [sflag:$0x4], $0x20, s29, s12, $0xb8;
	[tilespmem:$0x1FA00] =	vst v63  }
0x66: {  	_ =	swait.ge [sflag:s20], $0x1000  }
0x67: {  	[sflag:s20] =	ssyncset.done $0x0  }
0x68: {  	[sflag:s20] =	ssyncadd.s32 $0xFFFFF000  }
0x69: {  	_ =	swait.ge [sflag:s22], $0x1000  }
0x6a: {  	[sflag:s22] =	ssyncset.done $0x0  }
0x6b: {  	[sflag:s22] =	ssyncadd.s32 $0xFFFFF000  }
0x6c: {  	[tilespmem:s17], [sflag:$0x3] =	stream.indirect.gather [hbm4b:s4+s12], $0x20, s30, s12, $0xb8;
	[tilespmem:$0x1FA00] =	vst v63  }
0x6d: {  	_ = 	snop  }
0x6e: {  	[spmem:s2] =	stream.indirect.scatter.add.f32 [tilespmem:s13], [sflag:$0x5], $0x20, s0, s12, $0xb8;
	[tilespmem:$0x1FA00] =	vst v63  }
0x6f: {  	_ =	swait.ge [sflag:s16], $0x1000  }
0x70: {  	[sflag:s16] =	ssyncset.done $0x0  }
0x71: {  	[sflag:s16] =	ssyncadd.s32 $0xFFFFF000  }
0x72: {  	_ =	swait.ge [sflag:s21], $0x1000  }
0x73: {  	[sflag:s21] =	ssyncset.done $0x0  }
0x74: {  	[sflag:s21] =	ssyncadd.s32 $0xFFFFF000  }
0x75: {  	[tilespmem:s19], [sflag:$0x1] =	stream.indirect.gather [hbm4b:s4+s12], $0x20, s1, s12, $0xb8;
	[tilespmem:$0x1FA00] =	vst v63  }
0x76: {  	_ = 	snop  }
0x77: {  	[spmem:s2] =	stream.indirect.scatter.add.f32 [tilespmem:s14], [sflag:$0x4], $0x20, s6, s12, $0xb8;
	[tilespmem:$0x1FA00] =	vst v63  }
0x78: {  	_ =	swait.ge [sflag:s18], $0x1000  }
0x79: {  	[sflag:s18] =	ssyncset.done $0x0  }
0x7a: {  	[sflag:s18] =	ssyncadd.s32 $0xFFFFF000  }
0x7b: {  	[spmem:s2] =	stream.indirect.scatter.add.f32 [tilespmem:s15], [sflag:$0x5], $0x20, s7, s12, $0xb8;
	[tilespmem:$0x1FA00] =	vst v63  }
0x7c: {  	_ =	swait.ge [sflag:s20], $0x1000  }
0x7d: {  	[sflag:s20] =	ssyncset.done $0x0  }
0x7e: {  	[sflag:s20] =	ssyncadd.s32 $0xFFFFF000  }
0x7f: {  	[spmem:s2] =	stream.indirect.scatter.add.f32 [tilespmem:s17], [sflag:$0x4], $0x20, s8, s12, $0xb8;
	[tilespmem:$0x1FA00] =	vst v63  }
0x80: {  	_ =	swait.ge [sflag:s16], $0x1000  }
0x81: {  	[sflag:s16] =	ssyncset.done $0x0  }
0x82: {  	[sflag:s16] =	ssyncadd.s32 $0xFFFFF000  }
0x83: {  	[spmem:s2] =	stream.indirect.scatter.add.f32 [tilespmem:s19], [sflag:$0x5], $0x20, s31, s12, $0xb8;
	[tilespmem:$0x1FA00] =	vst v63  }
0x84: {  	_ =	swait.ge [sflag:s22], $0x1000  }
0x85: {  	[sflag:s22] =	ssyncset.done $0x0  }
0x86: {  	[sflag:s22] =	ssyncadd.s32 $0xFFFFF000  }
0x87: {  	_ =	swait.ge [sflag:s21], $0x1000  }
0x88: {  	[sflag:s21] =	ssyncset.done $0x0  }
0x89: {  	[sflag:s21] =	ssyncadd.s32 $0xFFFFF000  }
0x8a: {  	_ =	swait.ge [sflag:s22], $0x1000  }
0x8b: {  	s24 =	simm.s32 $0x140;
	[sflag:s22] =	ssyncset.done $0x0  }
0x8c: {  	s25 =	simm.s32 $0xA0;
	s26 =	simm.s32 $0x300;
	[sflag:s22] =	ssyncadd.s32 $0xFFFFF000  }
0x8d: {  	s28 =	simm.s32 $0x680;
	s29 =	simm.s32 $0x380;
	_ =	swait.ge [sflag:s21], $0x1000  }
0x8e: {  	s30 =	simm.s32 $0x700;
	s0 =	simm.s32 $0x780;
	[sflag:s21] =	ssyncset.done $0x0  }
0x8f: {  	s1 =	simm.s32 $0x480;
	s6 =	simm.s32 $0x800;
	[sflag:s21] =	ssyncadd.s32 $0xFFFFF000  }
0x90: {  	s7 =	simm.s32 $0x880;
	s8 =	simm.s32 $0x900;
	_ =	swait.ge [sflag:s22], $0x1000  }
0x91: {  	s31 =	simm.s32 $0x400;
	s9 =	rddreg [dreg:$0x3];
	[sflag:s22] =	ssyncset.done $0x0  }
.LBB2_6:
0x92: {  	[sflag:s22] =	ssyncadd.s32 $0xFFFFF000;
	s9 =	sadd.s32 s25, s9  }
0x93: {  	[tilespmem:s3], [sflag:$0x6] =	stream.linear.gather [hbm4b:s9+s3], $0x500, $0x38;
	[tilespmem:$0x1FA00] =	vst v63  }
0x94: {  	_ =	swait.ge [sflag:s10], $0x500  }
0x95: {  	s9 =	rddreg [dreg:$0x4];
	[sflag:s10] =	ssyncset.done $0x0  }
0x96: {  	[sflag:s10] =	ssyncadd.s32 $0xFFFFFB00;
	s9 =	sadd.s32 s25, s9  }
0x97: {  	[tilespmem:s11], [sflag:$0x6] =	stream.linear.gather [hbm4b:s9+s3], $0x500, $0x38;
	[tilespmem:$0x1FA00] =	vst v63  }
0x98: {  	_ =	swait.ge [sflag:s10], $0x500  }
0x99: {  	[sflag:s10] =	ssyncset.done $0x0  }
0x9a: {  	[sflag:s10] =	ssyncadd.s32 $0xFFFFFB00  }
0x9b: {  	[tilespmem:s13], [sflag:$0x1] =	stream.indirect.gather [hbm4b:s4+s12], $0x20, s3, s12, $0xb8;
	[tilespmem:$0x1FA00] =	vst v63  }
0x9c: {  	s23 =	smov.u32 s24  }
0x9d: {  	[tilespmem:s14], [sflag:$0x2] =	stream.indirect.gather [hbm4b:s4+s12], $0x20, s12, s12, $0xb8;
	[tilespmem:$0x1FA00] =	vst v63  }
0x9e: {  	s25 =	smov.u32 s23;
	s23 =	rddreg [dreg:$0x5]  }
0x9f: {  	[tilespmem:s15], [sflag:$0x3] =	stream.indirect.gather [hbm4b:s4+s12], $0x20, s23, s12, $0xb8;
	[tilespmem:$0x1FA00] =	vst v63  }
0xa0: {  	_ =	swait.ge [sflag:s16], $0x1000  }
0xa1: {  	[sflag:s16] =	ssyncset.done $0x0  }
0xa2: {  	s23 =	rddreg [dreg:$0x6];
	[sflag:s16] =	ssyncadd.s32 $0xFFFFF000  }
0xa3: {  	[tilespmem:s17], [sflag:$0x1] =	stream.indirect.gather [hbm4b:s4+s12], $0x20, s23, s12, $0xb8;
	[tilespmem:$0x1FA00] =	vst v63  }
0xa4: {  	_ = 	snop  }
0xa5: {  	[spmem:s2] =	stream.indirect.scatter.add.f32 [tilespmem:s13], [sflag:$0x4], $0x20, s11, s12, $0xb8;
	[tilespmem:$0x1FA00] =	vst v63  }
0xa6: {  	_ =	swait.ge [sflag:s18], $0x1000  }
0xa7: {  	[sflag:s18] =	ssyncset.done $0x0  }
0xa8: {  	s9 =	rddreg [dreg:$0x7];
	[sflag:s18] =	ssyncadd.s32 $0xFFFFF000  }
0xa9: {  	[tilespmem:s19], [sflag:$0x2] =	stream.indirect.gather [hbm4b:s4+s12], $0x20, s9, s12, $0xb8;
	[tilespmem:$0x1FA00] =	vst v63  }
0xaa: {  	s23 =	rddreg [dreg:$0x8]  }
0xab: {  	[spmem:s2] =	stream.indirect.scatter.add.f32 [tilespmem:s14], [sflag:$0x5], $0x20, s23, s12, $0xb8;
	[tilespmem:$0x1FA00] =	vst v63  }
0xac: {  	_ =	swait.ge [sflag:s20], $0x1000  }
0xad: {  	[sflag:s20] =	ssyncset.done $0x0  }
0xae: {  	[sflag:s20] =	ssyncadd.s32 $0xFFFFF000  }
0xaf: {  	_ =	swait.ge [sflag:s21], $0x1000  }
0xb0: {  	[sflag:s21] =	ssyncset.done $0x0  }
0xb1: {  	s9 =	rddreg [dreg:$0x9];
	[sflag:s21] =	ssyncadd.s32 $0xFFFFF000  }
0xb2: {  	[tilespmem:s13], [sflag:$0x3] =	stream.indirect.gather [hbm4b:s4+s12], $0x20, s9, s12, $0xb8;
	[tilespmem:$0x1FA00] =	vst v63  }
0xb3: {  	s23 =	rddreg [dreg:$0xa]  }
0xb4: {  	[spmem:s2] =	stream.indirect.scatter.add.f32 [tilespmem:s15], [sflag:$0x4], $0x20, s23, s12, $0xb8;
	[tilespmem:$0x1FA00] =	vst v63  }
0xb5: {  	_ =	swait.ge [sflag:s16], $0x1000  }
0xb6: {  	[sflag:s16] =	ssyncset.done $0x0  }
0xb7: {  	[sflag:s16] =	ssyncadd.s32 $0xFFFFF000  }
0xb8: {  	_ =	swait.ge [sflag:s22], $0x1000  }
0xb9: {  	[sflag:s22] =	ssyncset.done $0x0  }
0xba: {  	[sflag:s22] =	ssyncadd.s32 $0xFFFFF000  }
0xbb: {  	[tilespmem:s14], [sflag:$0x1] =	stream.indirect.gather [hbm4b:s4+s12], $0x20, s26, s12, $0xb8;
	[tilespmem:$0x1FA00] =	vst v63  }
0xbc: {  	_ = 	snop  }
0xbd: {  	[spmem:s2] =	stream.indirect.scatter.add.f32 [tilespmem:s17], [sflag:$0x5], $0x20, s28, s12, $0xb8;
	[tilespmem:$0x1FA00] =	vst v63  }
0xbe: {  	_ =	swait.ge [sflag:s18], $0x1000  }
0xbf: {  	[sflag:s18] =	ssyncset.done $0x0  }
0xc0: {  	[sflag:s18] =	ssyncadd.s32 $0xFFFFF000  }
0xc1: {  	_ =	swait.ge [sflag:s21], $0x1000  }
0xc2: {  	[sflag:s21] =	ssyncset.done $0x0  }
0xc3: {  	[sflag:s21] =	ssyncadd.s32 $0xFFFFF000  }
0xc4: {  	[tilespmem:s15], [sflag:$0x2] =	stream.indirect.gather [hbm4b:s4+s12], $0x20, s29, s12, $0xb8;
	[tilespmem:$0x1FA00] =	vst v63  }
0xc5: {  	_ = 	snop  }
0xc6: {  	[spmem:s2] =	stream.indirect.scatter.add.f32 [tilespmem:s19], [sflag:$0x4], $0x20, s30, s12, $0xb8;
	[tilespmem:$0x1FA00] =	vst v63  }
0xc7: {  	_ =	swait.ge [sflag:s20], $0x1000  }
0xc8: {  	[sflag:s20] =	ssyncset.done $0x0  }
0xc9: {  	[sflag:s20] =	ssyncadd.s32 $0xFFFFF000  }
0xca: {  	_ =	swait.ge [sflag:s22], $0x1000  }
0xcb: {  	[sflag:s22] =	ssyncset.done $0x0  }
0xcc: {  	[sflag:s22] =	ssyncadd.s32 $0xFFFFF000  }
0xcd: {  	[tilespmem:s17], [sflag:$0x3] =	stream.indirect.gather [hbm4b:s4+s12], $0x20, s31, s12, $0xb8;
	[tilespmem:$0x1FA00] =	vst v63  }
0xce: {  	_ = 	snop  }
0xcf: {  	[spmem:s2] =	stream.indirect.scatter.add.f32 [tilespmem:s13], [sflag:$0x5], $0x20, s0, s12, $0xb8;
	[tilespmem:$0x1FA00] =	vst v63  }
0xd0: {  	_ =	swait.ge [sflag:s16], $0x1000  }
0xd1: {  	[sflag:s16] =	ssyncset.done $0x0  }
0xd2: {  	[sflag:s16] =	ssyncadd.s32 $0xFFFFF000  }
0xd3: {  	_ =	swait.ge [sflag:s21], $0x1000  }
0xd4: {  	[sflag:s21] =	ssyncset.done $0x0  }
0xd5: {  	[sflag:s21] =	ssyncadd.s32 $0xFFFFF000  }
0xd6: {  	[tilespmem:s19], [sflag:$0x1] =	stream.indirect.gather [hbm4b:s4+s12], $0x20, s1, s12, $0xb8;
	[tilespmem:$0x1FA00] =	vst v63  }
0xd7: {  	_ = 	snop  }
0xd8: {  	[spmem:s2] =	stream.indirect.scatter.add.f32 [tilespmem:s14], [sflag:$0x4], $0x20, s6, s12, $0xb8;
	[tilespmem:$0x1FA00] =	vst v63  }
0xd9: {  	_ =	swait.ge [sflag:s18], $0x1000  }
0xda: {  	[sflag:s18] =	ssyncset.done $0x0  }
0xdb: {  	[sflag:s18] =	ssyncadd.s32 $0xFFFFF000  }
0xdc: {  	[spmem:s2] =	stream.indirect.scatter.add.f32 [tilespmem:s15], [sflag:$0x5], $0x20, s7, s12, $0xb8;
	[tilespmem:$0x1FA00] =	vst v63  }
0xdd: {  	_ =	swait.ge [sflag:s20], $0x1000  }
0xde: {  	[sflag:s20] =	ssyncset.done $0x0  }
0xdf: {  	[sflag:s20] =	ssyncadd.s32 $0xFFFFF000  }
0xe0: {  	[spmem:s2] =	stream.indirect.scatter.add.f32 [tilespmem:s17], [sflag:$0x4], $0x20, s8, s12, $0xb8;
	[tilespmem:$0x1FA00] =	vst v63  }
0xe1: {  	_ =	swait.ge [sflag:s16], $0x1000  }
0xe2: {  	[sflag:s16] =	ssyncset.done $0x0  }
0xe3: {  	s23 =	simm.s32 $0x980;
	[sflag:s16] =	ssyncadd.s32 $0xFFFFF000  }
0xe4: {  	[spmem:s2] =	stream.indirect.scatter.add.f32 [tilespmem:s19], [sflag:$0x5], $0x20, s23, s12, $0xb8;
	[tilespmem:$0x1FA00] =	vst v63  }
0xe5: {  	_ =	swait.ge [sflag:s22], $0x1000  }
0xe6: {  	[sflag:s22] =	ssyncset.done $0x0  }
0xe7: {  	[sflag:s22] =	ssyncadd.s32 $0xFFFFF000  }
0xe8: {  	_ =	swait.ge [sflag:s21], $0x1000  }
0xe9: {  	[sflag:s21] =	ssyncset.done $0x0  }
0xea: {  	[sflag:s21] =	ssyncadd.s32 $0xFFFFF000  }
0xeb: {  	_ =	swait.ge [sflag:s22], $0x1000  }
0xec: {  	[sflag:s22] =	ssyncset.done $0x0  }
0xed: {  	p1 =	sne.s32 s24, $0x1860;
	[sflag:s22] =	ssyncadd.s32 $0xFFFFF000  }
.Ltmp2:
0xee: {  	_ =	swait.ge [sflag:s21], $0x1000;
	(pc) =	sbr.rel @p1 .LBB2_6-.Ltmp2, $4  }
0xef: {  	[sflag:s21] =	ssyncset.done $0x0  }
0xf0: {  	[sflag:s21] =	ssyncadd.s32 $0xFFFFF000  }
0xf1: {  	_ =	swait.ge [sflag:s22], $0x1000  }
0xf2: {  	s24 =	sadd.s32 $0xA0, s24;
	s9 =	rddreg [dreg:$0x3];
	[sflag:s22] =	ssyncset.done $0x0  }
0xf3: {  	[sflag:s22] =	ssyncadd.s32 $0xFFFFF000;
	s9 =	sadd.s32 s25, s9  }
0xf4: {  	[tilespmem:s3], [sflag:$0x6] =	stream.linear.gather [hbm4b:s9+s3], $0x500, $0x38;
	[tilespmem:$0x1FA00] =	vst v63  }
0xf5: {  	_ =	swait.ge [sflag:s10], $0x500  }
0xf6: {  	s24 =	rddreg [dreg:$0x4];
	[sflag:s10] =	ssyncset.done $0x0  }
0xf7: {  	[sflag:s10] =	ssyncadd.s32 $0xFFFFFB00;
	s9 =	sadd.s32 s25, s24  }
0xf8: {  	[tilespmem:s11], [sflag:$0x6] =	stream.linear.gather [hbm4b:s9+s3], $0x500, $0x38;
	[tilespmem:$0x1FA00] =	vst v63  }
0xf9: {  	_ =	swait.ge [sflag:s10], $0x500  }
0xfa: {  	[sflag:s10] =	ssyncset.done $0x0  }
0xfb: {  	[sflag:s10] =	ssyncadd.s32 $0xFFFFFB00  }
0xfc: {  	[tilespmem:s13], [sflag:$0x1] =	stream.indirect.gather [hbm4b:s4+s12], $0x20, s3, s12, $0xb8;
	[tilespmem:$0x1FA00] =	vst v63  }
0xfd: {  	_ = 	snop  }
0xfe: {  	[tilespmem:s14], [sflag:$0x2] =	stream.indirect.gather [hbm4b:s4+s12], $0x20, s12, s12, $0xb8;
	[tilespmem:$0x1FA00] =	vst v63  }
0xff: {  	s23 =	rddreg [dreg:$0x5]  }
0x100: {  	[tilespmem:s15], [sflag:$0x3] =	stream.indirect.gather [hbm4b:s4+s12], $0x20, s23, s12, $0xb8;
	[tilespmem:$0x1FA00] =	vst v63  }
0x101: {  	_ =	swait.ge [sflag:s16], $0x1000  }
0x102: {  	[sflag:s16] =	ssyncset.done $0x0  }
0x103: {  	s24 =	rddreg [dreg:$0x6];
	[sflag:s16] =	ssyncadd.s32 $0xFFFFF000  }
0x104: {  	[tilespmem:s17], [sflag:$0x1] =	stream.indirect.gather [hbm4b:s4+s12], $0x20, s24, s12, $0xb8;
	[tilespmem:$0x1FA00] =	vst v63  }
0x105: {  	_ = 	snop  }
0x106: {  	[spmem:s2] =	stream.indirect.scatter.add.f32 [tilespmem:s13], [sflag:$0x4], $0x20, s11, s12, $0xb8;
	[tilespmem:$0x1FA00] =	vst v63  }
0x107: {  	_ =	swait.ge [sflag:s18], $0x1000  }
0x108: {  	[sflag:s18] =	ssyncset.done $0x0  }
0x109: {  	s25 =	rddreg [dreg:$0x7];
	[sflag:s18] =	ssyncadd.s32 $0xFFFFF000  }
0x10a: {  	[tilespmem:s19], [sflag:$0x2] =	stream.indirect.gather [hbm4b:s4+s12], $0x20, s25, s12, $0xb8;
	[tilespmem:$0x1FA00] =	vst v63  }
0x10b: {  	s23 =	rddreg [dreg:$0x8]  }
0x10c: {  	[spmem:s2] =	stream.indirect.scatter.add.f32 [tilespmem:s14], [sflag:$0x5], $0x20, s23, s12, $0xb8;
	[tilespmem:$0x1FA00] =	vst v63  }
0x10d: {  	_ =	swait.ge [sflag:s20], $0x1000  }
0x10e: {  	[sflag:s20] =	ssyncset.done $0x0  }
0x10f: {  	[sflag:s20] =	ssyncadd.s32 $0xFFFFF000  }
0x110: {  	_ =	swait.ge [sflag:s21], $0x1000  }
0x111: {  	[sflag:s21] =	ssyncset.done $0x0  }
0x112: {  	s24 =	rddreg [dreg:$0x9];
	[sflag:s21] =	ssyncadd.s32 $0xFFFFF000  }
0x113: {  	[tilespmem:s13], [sflag:$0x3] =	stream.indirect.gather [hbm4b:s4+s12], $0x20, s24, s12, $0xb8;
	[tilespmem:$0x1FA00] =	vst v63  }
0x114: {  	s25 =	rddreg [dreg:$0xa]  }
0x115: {  	[spmem:s2] =	stream.indirect.scatter.add.f32 [tilespmem:s15], [sflag:$0x4], $0x20, s25, s12, $0xb8;
	[tilespmem:$0x1FA00] =	vst v63  }
0x116: {  	_ =	swait.ge [sflag:s16], $0x1000  }
0x117: {  	[sflag:s16] =	ssyncset.done $0x0  }
0x118: {  	[sflag:s16] =	ssyncadd.s32 $0xFFFFF000  }
0x119: {  	_ =	swait.ge [sflag:s22], $0x1000  }
0x11a: {  	[sflag:s22] =	ssyncset.done $0x0  }
0x11b: {  	[sflag:s22] =	ssyncadd.s32 $0xFFFFF000  }
0x11c: {  	[tilespmem:s14], [sflag:$0x1] =	stream.indirect.gather [hbm4b:s4+s12], $0x20, s26, s12, $0xb8;
	[tilespmem:$0x1FA00] =	vst v63  }
0x11d: {  	_ = 	snop  }
0x11e: {  	[spmem:s2] =	stream.indirect.scatter.add.f32 [tilespmem:s17], [sflag:$0x5], $0x20, s28, s12, $0xb8;
	[tilespmem:$0x1FA00] =	vst v63  }
0x11f: {  	_ =	swait.ge [sflag:s18], $0x1000  }
0x120: {  	[sflag:s18] =	ssyncset.done $0x0  }
0x121: {  	[sflag:s18] =	ssyncadd.s32 $0xFFFFF000  }
0x122: {  	_ =	swait.ge [sflag:s21], $0x1000  }
0x123: {  	[sflag:s21] =	ssyncset.done $0x0  }
0x124: {  	[sflag:s21] =	ssyncadd.s32 $0xFFFFF000  }
0x125: {  	[tilespmem:s15], [sflag:$0x2] =	stream.indirect.gather [hbm4b:s4+s12], $0x20, s29, s12, $0xb8;
	[tilespmem:$0x1FA00] =	vst v63  }
0x126: {  	_ = 	snop  }
0x127: {  	[spmem:s2] =	stream.indirect.scatter.add.f32 [tilespmem:s19], [sflag:$0x4], $0x20, s30, s12, $0xb8;
	[tilespmem:$0x1FA00] =	vst v63  }
0x128: {  	_ =	swait.ge [sflag:s20], $0x1000  }
0x129: {  	[sflag:s20] =	ssyncset.done $0x0  }
0x12a: {  	[sflag:s20] =	ssyncadd.s32 $0xFFFFF000  }
0x12b: {  	_ =	swait.ge [sflag:s22], $0x1000  }
0x12c: {  	[sflag:s22] =	ssyncset.done $0x0  }
0x12d: {  	[sflag:s22] =	ssyncadd.s32 $0xFFFFF000  }
0x12e: {  	[tilespmem:s17], [sflag:$0x3] =	stream.indirect.gather [hbm4b:s4+s12], $0x20, s31, s12, $0xb8;
	[tilespmem:$0x1FA00] =	vst v63  }
0x12f: {  	_ = 	snop  }
0x130: {  	[spmem:s2] =	stream.indirect.scatter.add.f32 [tilespmem:s13], [sflag:$0x5], $0x20, s0, s12, $0xb8;
	[tilespmem:$0x1FA00] =	vst v63  }
0x131: {  	_ =	swait.ge [sflag:s16], $0x1000  }
0x132: {  	[sflag:s16] =	ssyncset.done $0x0  }
0x133: {  	[sflag:s16] =	ssyncadd.s32 $0xFFFFF000  }
0x134: {  	_ =	swait.ge [sflag:s21], $0x1000  }
0x135: {  	[sflag:s21] =	ssyncset.done $0x0  }
0x136: {  	[sflag:s21] =	ssyncadd.s32 $0xFFFFF000  }
0x137: {  	[tilespmem:s19], [sflag:$0x1] =	stream.indirect.gather [hbm4b:s4+s12], $0x20, s1, s12, $0xb8;
	[tilespmem:$0x1FA00] =	vst v63  }
0x138: {  	_ = 	snop  }
0x139: {  	[spmem:s2] =	stream.indirect.scatter.add.f32 [tilespmem:s14], [sflag:$0x4], $0x20, s6, s12, $0xb8;
	[tilespmem:$0x1FA00] =	vst v63  }
0x13a: {  	_ =	swait.ge [sflag:s18], $0x1000  }
0x13b: {  	[sflag:s18] =	ssyncset.done $0x0  }
0x13c: {  	[sflag:s18] =	ssyncadd.s32 $0xFFFFF000  }
0x13d: {  	[spmem:s2] =	stream.indirect.scatter.add.f32 [tilespmem:s15], [sflag:$0x5], $0x20, s7, s12, $0xb8;
	[tilespmem:$0x1FA00] =	vst v63  }
0x13e: {  	_ =	swait.ge [sflag:s20], $0x1000  }
0x13f: {  	[sflag:s20] =	ssyncset.done $0x0  }
0x140: {  	[sflag:s20] =	ssyncadd.s32 $0xFFFFF000  }
0x141: {  	[spmem:s2] =	stream.indirect.scatter.add.f32 [tilespmem:s17], [sflag:$0x4], $0x20, s8, s12, $0xb8;
	[tilespmem:$0x1FA00] =	vst v63  }
0x142: {  	_ =	swait.ge [sflag:s16], $0x1000  }
0x143: {  	[sflag:s16] =	ssyncset.done $0x0  }
0x144: {  	s24 =	simm.s32 $0x980;
	[sflag:s16] =	ssyncadd.s32 $0xFFFFF000  }
0x145: {  	[spmem:s2] =	stream.indirect.scatter.add.f32 [tilespmem:s19], [sflag:$0x5], $0x20, s24, s12, $0xb8;
	[tilespmem:$0x1FA00] =	vst v63  }
0x146: {  	_ =	swait.ge [sflag:s22], $0x1000  }
0x147: {  	[sflag:s22] =	ssyncset.done $0x0  }
0x148: {  	[sflag:s22] =	ssyncadd.s32 $0xFFFFF000  }
0x149: {  	_ =	swait.ge [sflag:s21], $0x1000  }
0x14a: {  	[sflag:s21] =	ssyncset.done $0x0  }
0x14b: {  	[sflag:s21] =	ssyncadd.s32 $0xFFFFF000  }
0x14c: {  	_ =	swait.ge [sflag:s22], $0x1000  }
0x14d: {  	[sflag:s22] =	ssyncset.done $0x0  }
0x14e: {  	[sflag:s22] =	ssyncadd.s32 $0xFFFFF000  }
0x14f: {  	_ =	swait.ge [sflag:s21], $0x1000  }
0x150: {  	[sflag:s21] =	ssyncset.done $0x0  }
0x151: {  	[sflag:s21] =	ssyncadd.s32 $0xFFFFF000  }
0x152: {  	_ =	swait.ge [sflag:s22], $0x1000  }
0x153: {  	[sflag:s22] =	ssyncset.done $0x0  }
0x154: {  	[sflag:s22] =	ssyncadd.s32 $0xFFFFF000  }
0x155: {  	[bflag:$0x0] =	sbarrier.arrive $0xFFFF  }
0x156: {  	s23 =	rddreg [dreg:$0xc]  }
0x157: {  	s9 =	simm.s32 @p0 $0x1FC6;
	s24 =	rddreg [dreg:$0xe]  }
0x158: {  	[hbm:s23], [sflag:s9] =	dma.local @p0 [spmem:s24], $0x3020  }
0x159: {  	s9 =	simm.s32 @p0 $0x6  }
0x15a: {  	s23 =	stileid.u32;
	_ =	swait.ge @p0 [sflag:s9], $0x3020  }
0x15b: {  	s23 =	sshll.u32 @!p0 s23, $0x6;
	[sflag:s9] =	ssyncset.done @p0 $0x0;
	s24 =	rddreg [dreg:$0xf]  }
0x15c: {  	[sflag:s9] =	ssyncadd.s32 @p0 $0xFFFFCFE0;
	s9 =	sor.u32 @!p0 $0x1C06, s23;
	s23 =	rddreg [dreg:$0xb]  }
0x15d: {  	[hbm:s23], [sflag:s9] =	dma.local @!p0 [spmem:s24], $0x30E0  }
0x15e: {  	s9 =	simm.s32 @!p0 $0x6  }
0x15f: {  	_ =	swait.ge @!p0 [sflag:s9], $0x30E0  }
0x160: {  	s25 =	rddreg [dreg:$0x10]  }
0x161: {  	s26 =	rddreg [dreg:$0xd];
	s24 =	sadd.s32 $0x1, s25  }
0x162: {  	p1 =	sne.s32 s24, s26  }
.Ltmp3:
0x163: {  	s28 =	simm.s32 $0x380;
	s29 =	simm.s32 $0x700;
	(pc) =	sbr.rel @p1 .LBB2_1-.Ltmp3, $4  }
0x164: {  	s30 =	simm.s32 $0x400;
	s31 =	simm.s32 $0x980;
	s0 =	simm.s32 $0x780  }
0x165: {  	s1 =	simm.s32 $0x480;
	s6 =	simm.s32 $0x800;
	s7 =	simm.s32 $0x880  }
0x166: {  	s8 =	simm.s32 $0x900;
	s23 =	simm.s32 $0x5A00;
	[sflag:s9] =	ssyncset.done @!p0 $0x0  }
0x167: {  	[sflag:s9] =	ssyncadd.s32 @!p0 $0xFFFFCF20;
	s25 =	simm.s32 $0x300;
	s26 =	simm.s32 $0x680  }
0x168: {  	_ =	sfence.sel $0x180000  }
0x169: {  	[bflag:$0x0] =	sbarrier.arrive $0xFFFF  }
0x16a: {  	_ =	strace $0x9000004D  }
0x16b: {  	s0 =	stileid.u32;
	[bflag:$0x2] =	sbarrier.arrive $0xFFFF  }
0x16c: {  	p0 =	sne.s32 s0, $0x0;
	s0 =	rddreg [dreg:$0x2]  }
0x16d: {  	s0 =	sadd.s32 @!p0 $0x100000, s0  }
0x16e: {  	[sflag:s0] =	ssyncadd.tile.s32 @!p0 $0x1;
	_ =	shalt  }
.Lfunc_end2:
_tile_overlayer_lowered:
.L_overlay_start_2:
0x16f: {  	(tag) =	ssettag $0x2  }
0x170: {  	s0 =	rddreg [dreg:$0x0];
	s2 =	stileid.u32  }
0x171: {  	s1 =	rddreg [dreg:$0x1];
	p0 =	sne.s32 s2, $0x0  }
0x172: {  	s3 =	rddreg [dreg:$0x2];
	[bflag:$0x3] =	sbarrier.arrive $0xFFFF;
	s2 =	simm.s32 @!p0 $0x1C06  }
0x173: {  	[timem:s3], [sflag:s2] =	dma.local @!p0 [hbm:s0], s1  }
0x174: {  	s0 =	simm.s32 @!p0 $0x6  }
0x175: {  	_ =	swait.ge @!p0 [sflag:s0], s1  }
0x176: {  	s1 =	ssub.s32 @!p0 $0x0, s1;
	[sflag:s0] =	ssyncset.done @!p0 $0x0  }
0x177: {  	[sflag:s0] =	ssyncadd.s32 @!p0 s1  }
0x178: {  	[bflag:$0x3] =	sbarrier.arrive $0xFFFF  }
0x179: {  	_ =	shalt  }

// kernel: _run.20.cloned.1.call-start
scs
__scs_entry_jumppad:
0x0: {  	(pc) =	sbr.rel $0x88, $3  }
0x1: {  	(tag) =	ssettag $0x0;
	lr =	simm.s32 $0x1  }
0x2: {  	[smem:$0x3F9E] =	sst lr;
	_ =	strace $0xD0000000  }
0x3: {  	_ = 	snop  }
0x4: {  	_ = 	snop  }
0x5: {  	_ = 	snop  }
0x6: {  	_ = 	snop  }
0x7: {  	_ = 	snop  }
__scs_overlays_trampoline_lowered:
0x8: {  	[smem:$0x3FAD] =	sst s0  }
0x9: {  	[smem:$0x3FAE] =	sst s1  }
0xa: {  	[smem:$0x3FAF] =	sst s2  }
0xb: {  	[smem:$0x3FB0] =	sst s3  }
0xc: {  	[smem:$0x3FB1] =	sst s4  }
0xd: {  	[smem:$0x3FB2] =	sst s5  }
0xe: {  	[smem:$0x3FB3] =	sst s6  }
0xf: {  	[smem:$0x3FB4] =	sst s7  }
0x10: {  	[smem:$0x3FB5] =	sst s8  }
0x11: {  	[smem:$0x3FB6] =	sst s9;
	s0 =	simm.s32 @!p0 $0x0  }
0x12: {  	s1 =	sld [smem:$0x3F9C];
	s0 =	simm.s32 @p0 $0x1  }
0x13: {  	[smem:$0x3FB7] =	sst s0;
	s0 =	simm.s32 @!p1 $0x0  }
0x14: {  	s2 =	sld [smem:$0x3F9B];
	s0 =	simm.s32 @p1 $0x1  }
0x15: {  	[smem:$0x3FB8] =	sst s0;
	s0 =	simm.s32 @!p2 $0x0  }
0x16: {  	s3 =	sld [smem:$0x3FDB];
	s0 =	simm.s32 @p2 $0x1  }
0x17: {  	s4 =	simm.s32 $0x1BF5;
	[smem:$0x3FBA] =	sst s0  }
0x18: {  	s0 =	sld [smem:$0x3F9D];
	_ =	swait.ge [sflag:s4], $0x0  }
0x19: {  	s7 =	sld [smem:$0x3F9E]  }
0x1a: {  	s8 =	sadd.s32 $0xFFFFE003, lr  }
0x1b: {  	s9 =	sadd.s32 $0xFFFFFEF7, lr;
	s5 =	simm.s32 $0xFFFFFFFF;
	p2 =	slt.u32 s8, $0xFFFFF086  }
0x1c: {  	p1 =	slt.u32 s9, $0xF7A;
	s5 =	simm.s32 @!p2 $0x0  }
0x1d: {  	s5 =	simm.s32 @p1 $0x1;
	p0 =	seq.s32 s7, s2  }
0x1e: {  	s7 =	smul.u32 @!p0 $0xF7A, s2;
	p2 =	seq.s32 @!p0 s5, $0x0  }
0x1f: {  	s9 =	smul.u32 $0xF7A, s1;
	s8 =	simm.s32 @!p0 $0x1BF5;
	p2 =	por !p2, p0  }
0x20: {  	[sflag:s8] =	ssyncset.s32 @!p0 $0xFFFFF086;
	s6 =	sadd.s32 @!p0 s3, s7;
	s7 =	simm.s32 @!p0 $0x108  }
0x21: {  	s3 =	sadd.s32 s3, s9;
	s6 =	sadd.s32 @!p0 $0x88, s6;
	s7 =	simm.s32 @p2 $0x1082  }
0x22: {  	[simem:s7], [sflag:s8] =	dma.local @!p0 [hbm:s6], $0xF7A  }
0x23: {  	s9 =	sor.u32 $0xD0000000, s2;
	s6 =	simm.s32 $0x108;
	_ =	swait.ge @!p0 [sflag:s8], $0x0  }
0x24: {  	s3 =	sadd.s32 $0x88, s3;
	s6 =	simm.s32 @!p1 $0x1082;
	[sflag:s4] =	ssyncset.s32 $0xFFFFF086  }
0x25: {  	[simem:s6], [sflag:s4] =	dma.local [hbm:s3], $0xF7A  }
0x26: {  	[smem:$0x3F9E] =	sst s1;
	(tag) =	ssettag s2;
	_ =	strace s9  }
0x27: {  	s1 =	sld [smem:$0x3FAE]  }
0x28: {  	s2 =	sld [smem:$0x3FAF]  }
0x29: {  	s4 =	sld [smem:$0x3FB1]  }
0x2a: {  	p0 =	seq.s32 s5, $0x0;
	s5 =	sld [smem:$0x3FB2]  }
0x2b: {  	s6 =	sld [smem:$0x3FB3]  }
0x2c: {  	s7 =	sld [smem:$0x3FB4]  }
0x2d: {  	s3 =	simm.s32 $0x108;
	s8 =	sld [smem:$0x3FB5]  }
0x2e: {  	s3 =	simm.s32 @!p0 $0x1082;
	s9 =	sld [smem:$0x3FB6]  }
0x2f: {  	lr =	sadd.s32 s0, s3;
	s0 =	sld [smem:$0x3FAD]  }
0x30: {  	s3 =	sld [smem:$0x3FB0]  }
0x31: {  	[smem:$0x3FB9] =	sst s10  }
0x32: {  	s10 =	sld [smem:$0x3FB7];
	_ =	sdelay $0x3  }
0x33: {  	p0 =	seq.s32 s10, $0x1;
	s10 =	sld [smem:$0x3FB9];
	_ =	sdelay $0x3  }
0x34: {  	[smem:$0x3FB9] =	sst s10  }
0x35: {  	s10 =	sld [smem:$0x3FB8];
	_ =	sdelay $0x3  }
0x36: {  	p1 =	seq.s32 s10, $0x1;
	s10 =	sld [smem:$0x3FB9];
	_ =	sdelay $0x3  }
0x37: {  	[smem:$0x3FB9] =	sst s10  }
0x38: {  	s10 =	sld [smem:$0x3FBA]  }
0x39: {  	_ = 	snop;
	(pc) =	sbr.ind lr, $3  }
0x3a: {  	_ = 	snop  }
0x3b: {  	_ = 	snop  }
0x3c: {  	p2 =	seq.s32 s10, $0x1;
	s10 =	sld [smem:$0x3FB9]  }
0x3d: {  	_ =	shalt  }
0x3e: {  	_ =	shalt  }
0x3f: {  	_ =	shalt  }
0x40: {  	_ =	shalt  }
0x41: {  	_ =	shalt  }
0x42: {  	_ =	shalt  }
0x43: {  	_ =	shalt  }
0x44: {  	_ =	shalt  }
0x45: {  	_ =	shalt  }
0x46: {  	_ =	shalt  }
0x47: {  	_ =	shalt  }
0x48: {  	_ =	shalt  }
0x49: {  	_ =	shalt  }
0x4a: {  	_ =	shalt  }
0x4b: {  	_ =	shalt  }
0x4c: {  	_ =	shalt  }
0x4d: {  	_ =	shalt  }
0x4e: {  	_ =	shalt  }
0x4f: {  	_ =	shalt  }
0x50: {  	_ =	shalt  }
0x51: {  	_ =	shalt  }
0x52: {  	_ =	shalt  }
0x53: {  	_ =	shalt  }
0x54: {  	_ =	shalt  }
0x55: {  	_ =	shalt  }
0x56: {  	_ =	shalt  }
0x57: {  	_ =	shalt  }
0x58: {  	_ =	shalt  }
0x59: {  	_ =	shalt  }
0x5a: {  	_ =	shalt  }
0x5b: {  	_ =	shalt  }
0x5c: {  	_ =	shalt  }
0x5d: {  	_ =	shalt  }
0x5e: {  	_ =	shalt  }
0x5f: {  	_ =	shalt  }
0x60: {  	_ =	shalt  }
0x61: {  	_ =	shalt  }
0x62: {  	_ =	shalt  }
0x63: {  	_ =	shalt  }
0x64: {  	_ =	shalt  }
0x65: {  	_ =	shalt  }
0x66: {  	_ =	shalt  }
0x67: {  	_ =	shalt  }
0x68: {  	_ =	shalt  }
0x69: {  	_ =	shalt  }
0x6a: {  	_ =	shalt  }
0x6b: {  	_ =	shalt  }
0x6c: {  	_ =	shalt  }
0x6d: {  	_ =	shalt  }
0x6e: {  	_ =	shalt  }
0x6f: {  	_ =	shalt  }
0x70: {  	_ =	shalt  }
0x71: {  	_ =	shalt  }
0x72: {  	_ =	shalt  }
0x73: {  	_ =	shalt  }
0x74: {  	_ =	shalt  }
0x75: {  	_ =	shalt  }
0x76: {  	_ =	shalt  }
0x77: {  	_ =	shalt  }
0x78: {  	_ =	shalt  }
0x79: {  	_ =	shalt  }
0x7a: {  	_ =	shalt  }
0x7b: {  	_ =	shalt  }
0x7c: {  	_ =	shalt  }
0x7d: {  	_ =	shalt  }
0x7e: {  	_ =	shalt  }
0x7f: {  	_ =	shalt  }
0x80: {  	_ =	shalt  }
0x81: {  	_ =	shalt  }
0x82: {  	_ =	shalt  }
0x83: {  	_ =	shalt  }
0x84: {  	_ =	shalt  }
0x85: {  	_ =	shalt  }
0x86: {  	_ =	shalt  }
0x87: {  	_ =	shalt  }
.Lfunc_end0:
.L_simem_size_0:
called_computation.3_lowered:
.L_overlay_start_0:
0x88: {  	s2 =	sld [smem:$0x3FD9]  }
0x89: {  	s3 =	sld [smem:$0x3FFE];
	_ =	sdelay $0x1  }
0x8a: {  	s1 =	srdreg.scid  }
0x8b: {  	s0 =	sand.u32 $0x1, s1  }
0x8c: {  	s16 =	sshll.u32 s0, $0xA;
	s2 =	sadd.s32 s3, s2  }
0x8d: {  	s2 =	sadd.s32 s2, s16  }
0x8e: {  	[smem:$0x3FC5] =	sst s2  }
0x8f: {  	_ = 	snop  }
0x90: {  	(tm) =	ssettm $0x1  }
0x91: {  	s17 =	sld [smem:$0x3FFB];
	_ =	sdelay $0x3  }
0x92: {  	_ =	strace s17  }
0x93: {  	s2 =	sld [smem:$0x3FFC];
	_ =	sdelay $0x3  }
0x94: {  	_ =	strace s2  }
0x95: {  	s2 =	sld [smem:$0x3FFD];
	_ =	sdelay $0x3  }
0x96: {  	_ =	strace s2  }
0x97: {  	_ =	strace $0x8FFFFFFF  }
0x98: {  	s18 =	sld [smem:$0x3FDB];
	_ =	sdelay $0x1  }
0x99: {  	s19 =	simm.s32 $_scs_section_size  }
0x9a: {  	s4 =	simm.s32 $_size__tile_overlayer_lowered;
	s5 =	simm.s32 $_tile_overlayer_lowered  }
0x9b: {  	s22 =	simm.s32 $0x1BFF;
	s21 =	sshll.u32 s5, $0x1;
	s2 =	sadd.s32 s19, s18  }
0x9c: {  	s6 =	simm.s32 $0x0;
	s20 =	sshll.u32 s4, $0x1;
	s4 =	sadd.s32 s21, s2  }
0x9d: {  	[timem:s6], [sflag:s22] =	dma.local [hbm:s4], s20  }
0x9e: {  	_ =	swait.ge [sflag:s22], s20  }
0x9f: {  	s3 =	ssub.s32 $0x0, s20;
	[sflag:s22] =	ssyncset.done $0x0  }
0xa0: {  	[sflag:s22] =	ssyncadd.s32 s3;
	_ =	sdelay $0x1  }
0xa1: {  	s23 =	simm.s32 $0x1B8B  }
0xa2: {  	_ =	swait.ge [sflag:s23], $0x1  }
0xa3: {  	[sflag:s23] =	ssyncset.done $0x0  }
0xa4: {  	s25 =	simm.s32 $0x1B8E;
	s24 =	sld [smem:$0x3FFE];
	[sflag:s23] =	ssyncadd.s32 $0xFFFFFFFF  }
0xa5: {  	s26 =	simm.s32 $execute0_lowered;
	[smem:$0x3FD2] =	sst s25  }
0xa6: {  	s4 =	sshll.u32 s26, $0x1;
	_ =	strace $0x8000004F;
	[dreg:$0x1] =	wrdreg $0xFFFFFFFF  }
0xa7: {  	s28 =	simm.s32 $_size_execute0_lowered;
	s2 =	sadd.s32 s2, s4;
	[dreg:$0x0] =	wrdreg $0x0  }
0xa8: {  	s4 =	sshll.u32 s28, $0x1;
	[dreg:$0x2] =	wrdreg s2  }
0xa9: {  	[dreg:$0x3] =	wrdreg s4  }
0xaa: {  	[dreg:$0x4] =	wrdreg $0xC0  }
0xab: {  	_ =	task [dreg:s6], $0x5FFFF  }
0xac: {  	[dreg:$0x1] =	wrdreg $0xFFFFFFFF  }
0xad: {  	[dreg:$0x0] =	wrdreg $0x60  }
0xae: {  	[dreg:$0x2] =	wrdreg s24  }
0xaf: {  	[dreg:$0x3] =	wrdreg $0x6A000  }
0xb0: {  	[dreg:$0x4] =	wrdreg $0x9  }
0xb1: {  	_ =	task.clear_ibuf [dreg:s6], $0x5FFFF;
	_ =	strace $0x9000004F  }
0xb2: {  	s29 =	simm.s32 $0x9;
	_ =	strace $0x80000051  }
0xb3: {  	_ =	swait.ge [sflag:s29], $0x1  }
0xb4: {  	[sflag:s29] =	ssyncadd.s32 $0xFFFFFFFF  }
0xb5: {  	_ =	strace $0x90000051  }
0xb6: {  	_ =	sfence  }
0xb7: {  	s30 =	sld [smem:$0x0];
	_ =	sdelay $0x2  }
0xb8: {  	s31 =	sshll.u32 s1, $0xD;
	s1 =	sshrl.u32 s1, $0x2  }
0xb9: {  	s3 =	sand.u32 $0x4000, s31;
	s1 =	sadd.s32 s1, s30  }
0xba: {  	s0 =	sor.u32 s3, s0;
	s1 =	sshll.u32 s1, $0x11  }
0xbb: {  	s0 =	sor.u32 s1, s0  }
0xbc: {  	s0 =	sadd.s32 $0x8F2B, s0  }
0xbd: {  	[sflag:s0] =	ssyncadd.remote.s32 $0x1  }
0xbe: {  	_ =	sfence.sel $0xFFFF  }
0xbf: {  	[dreg:$0x0] =	wrdreg $0xFFFFFFFF;
	(pc) =	sbr.abs _section_cstart, $3  }
0xc0: {  	[dreg:$0x1] =	wrdreg $0xFFFFFFFF  }
0xc1: {  	_ =	task.clear_ibuf [dreg:s6], $0x2FFFF;
	_ =	strace $0x9FFFFFFF  }
0xc2: {  	(tm) =	ssettm $0x7FFFFFFF  }
0xc3: {  	_ =	shalt  }
tec
execute0_lowered:
.L_overlay_start_1:
0x0: {  	(tag) =	ssettag $0x1  }
0x1: {  	s0 =	rddreg [dreg:$0x0]  }
0x2: {  	s1 =	srdreg.scid;
	s2 =	rddreg [dreg:$0x1]  }
0x3: {  	s22 =	stileid.u32;
	s3 =	simm.s32 $0x0;
	s23 =	simm.s32 $0x5A00  }
0x4: {  	s11 =	simm.s32 $0x500;
	s12 =	simm.s32 $0x80;
	s19 =	simm.s32 $0x100  }
0x5: {  	s13 =	simm.s32 $0xA00;
	s20 =	simm.s32 $0x180;
	s21 =	simm.s32 $0x200  }
0x6: {  	s24 =	simm.s32 $0x580;
	s25 =	simm.s32 $0x280;
	s26 =	simm.s32 $0x600  }
0x7: {  	s28 =	simm.s32 $0x380;
	s29 =	simm.s32 $0x700;
	s5 =	smul.u32 $0xC800, s22  }
0x8: {  	s30 =	simm.s32 $0x400;
	s31 =	simm.s32 $0x980;
	s6 =	smul.u32 $0x1900, s22  }
0x9: {  	s1 =	sand.u32 $0x1, s1;
	[smem:$0x7FF] =	sst s3;
	s7 =	smul.u32 $0x64000, s22  }
0xa: {  	s10 =	smul.u32 $0x18700, s22;
	_ =	strace $0x80000050;
	[dreg:$0x5] =	wrdreg s19  }
0xb: {  	p0 =	seq.s32 s22, $0xF;
	s4 =	smul.u32 $0xC8000, s1;
	[dreg:$0x6] =	wrdreg s20  }
0xc: {  	s22 =	simm.s32 $0x5;
	s8 =	smul.u32 $0x186A00, s1;
	[dreg:$0x7] =	wrdreg s21  }
0xd: {  	s1 =	ssub.s32 $0x2, s1;
	s19 =	simm.s32 $0x4A00;
	[dreg:$0x8] =	wrdreg s24  }
0xe: {  	s20 =	simm.s32 $0x3;
	[dreg:$0x9] =	wrdreg s25;
	s21 =	simm.s32 $0x4  }
0xf: {  	[dreg:$0xa] =	wrdreg s26;
	s25 =	simm.s32 $0x300;
	s26 =	simm.s32 $0x680  }
0x10: {  	s24 =	simm.s32 $0x0;
	s6 =	sadd.s32 s6, s0;
	s14 =	sshrl.u32 s1, $0x1  }
0x11: {  	s15 =	sshrl.u32 s7, $0x2;
	s5 =	sadd.s32 s4, s5;
	s4 =	sadd.s32 $0x296600, s0  }
0x12: {  	s1 =	ssub.s32 s1, s14;
	s16 =	sadd.s32 s10, s8;
	s8 =	sshrl.u32 s8, $0x3  }
0x13: {  	s18 =	sadd.s32 $0x1600, s6;
	s14 =	simm.s32 $0x1A00;
	s6 =	simm.s32 $0x800  }
0x14: {  	s5 =	sshrl.u32 s5, $0x3;
	s7 =	sshrl.u32 s16, $0x3;
	s1 =	smax.u32 s1, $0x1  }
0x15: {  	[dreg:$0x4] =	wrdreg s18;
	s16 =	simm.s32 $0x1;
	s18 =	simm.s32 $0x2  }
0x16: {  	s9 =	sadd.s32 s5, s0;
	s0 =	sadd.s32 $0x10FC00, s0;
	s5 =	sadd.s32 s15, s2  }
0x17: {  	[dreg:$0xd] =	wrdreg s1;
	s15 =	simm.s32 $0x2A00;
	s1 =	simm.s32 $0x480  }
0x18: {  	s7 =	sadd.s32 s0, s7;
	s0 =	sadd.s32 s0, s8;
	s17 =	sadd.s32 $0x1A600, s9  }
0x19: {  	s8 =	simm.s32 $0x900;
	[dreg:$0xb] =	wrdreg s7;
	s0 =	sadd.s32 $0x2DD20, s0  }
0x1a: {  	s7 =	sadd.s32 s10, s2;
	[dreg:$0xc] =	wrdreg s0;
	s0 =	sadd.s32 $0x16E900, s2  }
0x1b: {  	[dreg:$0x3] =	wrdreg s17;
	s10 =	simm.s32 $0x6;
	s0 =	sshrl.u32 @p0 s0, $0x3  }
0x1c: {  	s17 =	simm.s32 $0x3A00;
	[dreg:$0xe] =	wrdreg s0;
	s0 =	sshrl.u32 @!p0 s7, $0x3  }
0x1d: {  	v0 =	vimm.f32 $0.0e+00;
	s7 =	simm.s32 $0x880;
	[dreg:$0xf] =	wrdreg s0;
	s0 =	simm.s32 $0x780  }
.LBB2_1:
0x1e: {  	[dreg:$0x10] =	wrdreg s24;
	s9 =	simm.s32 $0x0  }
.LBB2_2:
0x1f: {  	p1 =	sne.s32 s9, $0x3F80  }
.Ltmp0:
0x20: {  	_ = 	snop;
	(pc) =	sbr.rel @p1 .LBB2_2-.Ltmp0, $4  }
0x21: {  	_ = 	snop  }
0x22: {  	s24 =	sshra.s32 s9, $0x2  }
0x23: {  	[tilespmem:s24+$0x5A00] =	vst v0  }
0x24: {  	s9 =	sadd.s32 $0x80, s9;
	[tilespmem:s24+$0x5A10] =	vst v0  }
0x25: {  	s9 =	sadd.s32 $0x0, s5  }
0x26: {  	[spmem:s9] =	stream.linear.scatter [tilespmem:s23], [sflag:$0x6], $0x1000, $0x38;
	[tilespmem:$0x1FA00] =	vst v63  }
0x27: {  	s24 =	simm.s32 $0x4000;
	_ =	swait.ge [sflag:s10], $0x1000  }
.LBB2_4:
0x28: {  	s9 =	sshra.s32 s24, $0x2;
	[sflag:s10] =	ssyncset.done $0x0;
	p1 =	sne.s32 s24, $0x60000  }
.Ltmp1:
0x29: {  	s9 =	sadd.s32 s9, s5;
	[sflag:s10] =	ssyncadd.s32 $0xFFFFF000;
	(pc) =	sbr.rel @p1 .LBB2_4-.Ltmp1, $3  }
0x2a: {  	[spmem:s9] =	stream.linear.scatter [tilespmem:s23], [sflag:$0x6], $0x1000, $0x38;
	[tilespmem:$0x1FA00] =	vst v63  }
0x2b: {  	s24 =	sadd.s32 $0x4000, s24;
	_ =	sdelay $0x1  }
0x2c: {  	_ =	swait.ge [sflag:s10], $0x1000  }
0x2d: {  	[sflag:s10] =	ssyncset.done $0x0  }
0x2e: {  	[sflag:s10] =	ssyncadd.s32 $0xFFFFF000  }
0x2f: {  	[bflag:$0x0] =	sbarrier.arrive $0xFFFF  }
0x30: {  	s9 =	rddreg [dreg:$0x3]  }
0x31: {  	s9 =	sadd.s32 $0x0, s9  }
0x32: {  	[tilespmem:s3], [sflag:$0x6] =	stream.linear.gather [hbm4b:s9+s3], $0x500, $0x38;
	[tilespmem:$0x1FA00] =	vst v63  }
0x33: {  	_ =	swait.ge [sflag:s10], $0x500  }
0x34: {  	s24 =	rddreg [dreg:$0x4];
	[sflag:s10] =	ssyncset.done $0x0  }
0x35: {  	[sflag:s10] =	ssyncadd.s32 $0xFFFFFB00;
	s9 =	sadd.s32 $0x0, s24  }
0x36: {  	[tilespmem:s11], [sflag:$0x6] =	stream.linear.gather [hbm4b:s9+s3], $0x500, $0x38;
	[tilespmem:$0x1FA00] =	vst v63  }
0x37: {  	_ =	swait.ge [sflag:s10], $0x500  }
0x38: {  	[sflag:s10] =	ssyncset.done $0x0  }
0x39: {  	[sflag:s10] =	ssyncadd.s32 $0xFFFFFB00  }
0x3a: {  	[tilespmem:s13], [sflag:$0x1] =	stream.indirect.gather [hbm4b:s4+s12], $0x20, s3, s12, $0xb8;
	[tilespmem:$0x1FA00] =	vst v63  }
0x3b: {  	_ = 	snop  }
0x3c: {  	[tilespmem:s14], [sflag:$0x2] =	stream.indirect.gather [hbm4b:s4+s12], $0x20, s12, s12, $0xb8;
	[tilespmem:$0x1FA00] =	vst v63  }
0x3d: {  	s23 =	rddreg [dreg:$0x5]  }
0x3e: {  	[tilespmem:s15], [sflag:$0x3] =	stream.indirect.gather [hbm4b:s4+s12], $0x20, s23, s12, $0xb8;
	[tilespmem:$0x1FA00] =	vst v63  }
0x3f: {  	_ =	swait.ge [sflag:s16], $0x1000  }
0x40: {  	[sflag:s16] =	ssyncset.done $0x0  }
0x41: {  	s24 =	rddreg [dreg:$0x6];
	[sflag:s16] =	ssyncadd.s32 $0xFFFFF000  }
0x42: {  	[tilespmem:s17], [sflag:$0x1] =	stream.indirect.gather [hbm4b:s4+s12], $0x20, s24, s12, $0xb8;
	[tilespmem:$0x1FA00] =	vst v63  }
0x43: {  	_ = 	snop  }
0x44: {  	[spmem:s2] =	stream.indirect.scatter.add.f32 [tilespmem:s13], [sflag:$0x4], $0x20, s11, s12, $0xb8;
	[tilespmem:$0x1FA00] =	vst v63  }
0x45: {  	_ =	swait.ge [sflag:s18], $0x1000  }
0x46: {  	[sflag:s18] =	ssyncset.done $0x0  }
0x47: {  	s23 =	rddreg [dreg:$0x7];
	[sflag:s18] =	ssyncadd.s32 $0xFFFFF000  }
0x48: {  	[tilespmem:s19], [sflag:$0x2] =	stream.indirect.gather [hbm4b:s4+s12], $0x20, s23, s12, $0xb8;
	[tilespmem:$0x1FA00] =	vst v63  }
0x49: {  	s24 =	rddreg [dreg:$0x8]  }
0x4a: {  	[spmem:s2] =	stream.indirect.scatter.add.f32 [tilespmem:s14], [sflag:$0x5], $0x20, s24, s12, $0xb8;
	[tilespmem:$0x1FA00] =	vst v63  }
0x4b: {  	_ =	swait.ge [sflag:s20], $0x1000  }
0x4c: {  	[sflag:s20] =	ssyncset.done $0x0  }
0x4d: {  	[sflag:s20] =	ssyncadd.s32 $0xFFFFF000  }
0x4e: {  	_ =	swait.ge [sflag:s21], $0x1000  }
0x4f: {  	[sflag:s21] =	ssyncset.done $0x0  }
0x50: {  	s24 =	rddreg [dreg:$0x9];
	[sflag:s21] =	ssyncadd.s32 $0xFFFFF000  }
0x51: {  	[tilespmem:s13], [sflag:$0x3] =	stream.indirect.gather [hbm4b:s4+s12], $0x20, s24, s12, $0xb8;
	[tilespmem:$0x1FA00] =	vst v63  }
0x52: {  	s23 =	rddreg [dreg:$0xa]  }
0x53: {  	[spmem:s2] =	stream.indirect.scatter.add.f32 [tilespmem:s15], [sflag:$0x4], $0x20, s23, s12, $0xb8;
	[tilespmem:$0x1FA00] =	vst v63  }
0x54: {  	_ =	swait.ge [sflag:s16], $0x1000  }
0x55: {  	[sflag:s16] =	ssyncset.done $0x0  }
0x56: {  	[sflag:s16] =	ssyncadd.s32 $0xFFFFF000  }
0x57: {  	_ =	swait.ge [sflag:s22], $0x1000  }
0x58: {  	[sflag:s22] =	ssyncset.done $0x0  }
0x59: {  	[sflag:s22] =	ssyncadd.s32 $0xFFFFF000  }
0x5a: {  	[tilespmem:s14], [sflag:$0x1] =	stream.indirect.gather [hbm4b:s4+s12], $0x20, s25, s12, $0xb8;
	[tilespmem:$0x1FA00] =	vst v63  }
0x5b: {  	_ = 	snop  }
0x5c: {  	[spmem:s2] =	stream.indirect.scatter.add.f32 [tilespmem:s17], [sflag:$0x5], $0x20, s26, s12, $0xb8;
	[tilespmem:$0x1FA00] =	vst v63  }
0x5d: {  	_ =	swait.ge [sflag:s18], $0x1000  }
0x5e: {  	[sflag:s18] =	ssyncset.done $0x0  }
0x5f: {  	[sflag:s18] =	ssyncadd.s32 $0xFFFFF000  }
0x60: {  	_ =	swait.ge [sflag:s21], $0x1000  }
0x61: {  	[sflag:s21] =	ssyncset.done $0x0  }
0x62: {  	[sflag:s21] =	ssyncadd.s32 $0xFFFFF000  }
0x63: {  	[tilespmem:s15], [sflag:$0x2] =	stream.indirect.gather [hbm4b:s4+s12], $0x20, s28, s12, $0xb8;
	[tilespmem:$0x1FA00] =	vst v63  }
0x64: {  	_ = 	snop  }
0x65: {  	[spmem:s2] =	stream.indirect.scatter.add.f32 [tilespmem:s19], [sflag:$0x4], $0x20, s29, s12, $0xb8;
	[tilespmem:$0x1FA00] =	vst v63  }
0x66: {  	_ =	swait.ge [sflag:s20], $0x1000  }
0x67: {  	[sflag:s20] =	ssyncset.done $0x0  }
0x68: {  	[sflag:s20] =	ssyncadd.s32 $0xFFFFF000  }
0x69: {  	_ =	swait.ge [sflag:s22], $0x1000  }
0x6a: {  	[sflag:s22] =	ssyncset.done $0x0  }
0x6b: {  	[sflag:s22] =	ssyncadd.s32 $0xFFFFF000  }
0x6c: {  	[tilespmem:s17], [sflag:$0x3] =	stream.indirect.gather [hbm4b:s4+s12], $0x20, s30, s12, $0xb8;
	[tilespmem:$0x1FA00] =	vst v63  }
0x6d: {  	_ = 	snop  }
0x6e: {  	[spmem:s2] =	stream.indirect.scatter.add.f32 [tilespmem:s13], [sflag:$0x5], $0x20, s0, s12, $0xb8;
	[tilespmem:$0x1FA00] =	vst v63  }
0x6f: {  	_ =	swait.ge [sflag:s16], $0x1000  }
0x70: {  	[sflag:s16] =	ssyncset.done $0x0  }
0x71: {  	[sflag:s16] =	ssyncadd.s32 $0xFFFFF000  }
0x72: {  	_ =	swait.ge [sflag:s21], $0x1000  }
0x73: {  	[sflag:s21] =	ssyncset.done $0x0  }
0x74: {  	[sflag:s21] =	ssyncadd.s32 $0xFFFFF000  }
0x75: {  	[tilespmem:s19], [sflag:$0x1] =	stream.indirect.gather [hbm4b:s4+s12], $0x20, s1, s12, $0xb8;
	[tilespmem:$0x1FA00] =	vst v63  }
0x76: {  	_ = 	snop  }
0x77: {  	[spmem:s2] =	stream.indirect.scatter.add.f32 [tilespmem:s14], [sflag:$0x4], $0x20, s6, s12, $0xb8;
	[tilespmem:$0x1FA00] =	vst v63  }
0x78: {  	_ =	swait.ge [sflag:s18], $0x1000  }
0x79: {  	[sflag:s18] =	ssyncset.done $0x0  }
0x7a: {  	[sflag:s18] =	ssyncadd.s32 $0xFFFFF000  }
0x7b: {  	[spmem:s2] =	stream.indirect.scatter.add.f32 [tilespmem:s15], [sflag:$0x5], $0x20, s7, s12, $0xb8;
	[tilespmem:$0x1FA00] =	vst v63  }
0x7c: {  	_ =	swait.ge [sflag:s20], $0x1000  }
0x7d: {  	[sflag:s20] =	ssyncset.done $0x0  }
0x7e: {  	[sflag:s20] =	ssyncadd.s32 $0xFFFFF000  }
0x7f: {  	[spmem:s2] =	stream.indirect.scatter.add.f32 [tilespmem:s17], [sflag:$0x4], $0x20, s8, s12, $0xb8;
	[tilespmem:$0x1FA00] =	vst v63  }
0x80: {  	_ =	swait.ge [sflag:s16], $0x1000  }
0x81: {  	[sflag:s16] =	ssyncset.done $0x0  }
0x82: {  	[sflag:s16] =	ssyncadd.s32 $0xFFFFF000  }
0x83: {  	[spmem:s2] =	stream.indirect.scatter.add.f32 [tilespmem:s19], [sflag:$0x5], $0x20, s31, s12, $0xb8;
	[tilespmem:$0x1FA00] =	vst v63  }
0x84: {  	_ =	swait.ge [sflag:s22], $0x1000  }
0x85: {  	[sflag:s22] =	ssyncset.done $0x0  }
0x86: {  	[sflag:s22] =	ssyncadd.s32 $0xFFFFF000  }
0x87: {  	_ =	swait.ge [sflag:s21], $0x1000  }
0x88: {  	[sflag:s21] =	ssyncset.done $0x0  }
0x89: {  	[sflag:s21] =	ssyncadd.s32 $0xFFFFF000  }
0x8a: {  	_ =	swait.ge [sflag:s22], $0x1000  }
0x8b: {  	s24 =	simm.s32 $0x140;
	[sflag:s22] =	ssyncset.done $0x0  }
0x8c: {  	s25 =	simm.s32 $0xA0;
	s26 =	simm.s32 $0x300;
	[sflag:s22] =	ssyncadd.s32 $0xFFFFF000  }
0x8d: {  	s28 =	simm.s32 $0x680;
	s29 =	simm.s32 $0x380;
	_ =	swait.ge [sflag:s21], $0x1000  }
0x8e: {  	s30 =	simm.s32 $0x700;
	s0 =	simm.s32 $0x780;
	[sflag:s21] =	ssyncset.done $0x0  }
0x8f: {  	s1 =	simm.s32 $0x480;
	s6 =	simm.s32 $0x800;
	[sflag:s21] =	ssyncadd.s32 $0xFFFFF000  }
0x90: {  	s7 =	simm.s32 $0x880;
	s8 =	simm.s32 $0x900;
	_ =	swait.ge [sflag:s22], $0x1000  }
0x91: {  	s31 =	simm.s32 $0x400;
	s9 =	rddreg [dreg:$0x3];
	[sflag:s22] =	ssyncset.done $0x0  }
.LBB2_6:
0x92: {  	[sflag:s22] =	ssyncadd.s32 $0xFFFFF000;
	s9 =	sadd.s32 s25, s9  }
0x93: {  	[tilespmem:s3], [sflag:$0x6] =	stream.linear.gather [hbm4b:s9+s3], $0x500, $0x38;
	[tilespmem:$0x1FA00] =	vst v63  }
0x94: {  	_ =	swait.ge [sflag:s10], $0x500  }
0x95: {  	s9 =	rddreg [dreg:$0x4];
	[sflag:s10] =	ssyncset.done $0x0  }
0x96: {  	[sflag:s10] =	ssyncadd.s32 $0xFFFFFB00;
	s9 =	sadd.s32 s25, s9  }
0x97: {  	[tilespmem:s11], [sflag:$0x6] =	stream.linear.gather [hbm4b:s9+s3], $0x500, $0x38;
	[tilespmem:$0x1FA00] =	vst v63  }
0x98: {  	_ =	swait.ge [sflag:s10], $0x500  }
0x99: {  	[sflag:s10] =	ssyncset.done $0x0  }
0x9a: {  	[sflag:s10] =	ssyncadd.s32 $0xFFFFFB00  }
0x9b: {  	[tilespmem:s13], [sflag:$0x1] =	stream.indirect.gather [hbm4b:s4+s12], $0x20, s3, s12, $0xb8;
	[tilespmem:$0x1FA00] =	vst v63  }
0x9c: {  	s23 =	smov.u32 s24  }
0x9d: {  	[tilespmem:s14], [sflag:$0x2] =	stream.indirect.gather [hbm4b:s4+s12], $0x20, s12, s12, $0xb8;
	[tilespmem:$0x1FA00] =	vst v63  }
0x9e: {  	s25 =	smov.u32 s23;
	s23 =	rddreg [dreg:$0x5]  }
0x9f: {  	[tilespmem:s15], [sflag:$0x3] =	stream.indirect.gather [hbm4b:s4+s12], $0x20, s23, s12, $0xb8;
	[tilespmem:$0x1FA00] =	vst v63  }
0xa0: {  	_ =	swait.ge [sflag:s16], $0x1000  }
0xa1: {  	[sflag:s16] =	ssyncset.done $0x0  }
0xa2: {  	s23 =	rddreg [dreg:$0x6];
	[sflag:s16] =	ssyncadd.s32 $0xFFFFF000  }
0xa3: {  	[tilespmem:s17], [sflag:$0x1] =	stream.indirect.gather [hbm4b:s4+s12], $0x20, s23, s12, $0xb8;
	[tilespmem:$0x1FA00] =	vst v63  }
0xa4: {  	_ = 	snop  }
0xa5: {  	[spmem:s2] =	stream.indirect.scatter.add.f32 [tilespmem:s13], [sflag:$0x4], $0x20, s11, s12, $0xb8;
	[tilespmem:$0x1FA00] =	vst v63  }
0xa6: {  	_ =	swait.ge [sflag:s18], $0x1000  }
0xa7: {  	[sflag:s18] =	ssyncset.done $0x0  }
0xa8: {  	s9 =	rddreg [dreg:$0x7];
	[sflag:s18] =	ssyncadd.s32 $0xFFFFF000  }
0xa9: {  	[tilespmem:s19], [sflag:$0x2] =	stream.indirect.gather [hbm4b:s4+s12], $0x20, s9, s12, $0xb8;
	[tilespmem:$0x1FA00] =	vst v63  }
0xaa: {  	s23 =	rddreg [dreg:$0x8]  }
0xab: {  	[spmem:s2] =	stream.indirect.scatter.add.f32 [tilespmem:s14], [sflag:$0x5], $0x20, s23, s12, $0xb8;
	[tilespmem:$0x1FA00] =	vst v63  }
0xac: {  	_ =	swait.ge [sflag:s20], $0x1000  }
0xad: {  	[sflag:s20] =	ssyncset.done $0x0  }
0xae: {  	[sflag:s20] =	ssyncadd.s32 $0xFFFFF000  }
0xaf: {  	_ =	swait.ge [sflag:s21], $0x1000  }
0xb0: {  	[sflag:s21] =	ssyncset.done $0x0  }
0xb1: {  	s9 =	rddreg [dreg:$0x9];
	[sflag:s21] =	ssyncadd.s32 $0xFFFFF000  }
0xb2: {  	[tilespmem:s13], [sflag:$0x3] =	stream.indirect.gather [hbm4b:s4+s12], $0x20, s9, s12, $0xb8;
	[tilespmem:$0x1FA00] =	vst v63  }
0xb3: {  	s23 =	rddreg [dreg:$0xa]  }
0xb4: {  	[spmem:s2] =	stream.indirect.scatter.add.f32 [tilespmem:s15], [sflag:$0x4], $0x20, s23, s12, $0xb8;
	[tilespmem:$0x1FA00] =	vst v63  }
0xb5: {  	_ =	swait.ge [sflag:s16], $0x1000  }
0xb6: {  	[sflag:s16] =	ssyncset.done $0x0  }
0xb7: {  	[sflag:s16] =	ssyncadd.s32 $0xFFFFF000  }
0xb8: {  	_ =	swait.ge [sflag:s22], $0x1000  }
0xb9: {  	[sflag:s22] =	ssyncset.done $0x0  }
0xba: {  	[sflag:s22] =	ssyncadd.s32 $0xFFFFF000  }
0xbb: {  	[tilespmem:s14], [sflag:$0x1] =	stream.indirect.gather [hbm4b:s4+s12], $0x20, s26, s12, $0xb8;
	[tilespmem:$0x1FA00] =	vst v63  }
0xbc: {  	_ = 	snop  }
0xbd: {  	[spmem:s2] =	stream.indirect.scatter.add.f32 [tilespmem:s17], [sflag:$0x5], $0x20, s28, s12, $0xb8;
	[tilespmem:$0x1FA00] =	vst v63  }
0xbe: {  	_ =	swait.ge [sflag:s18], $0x1000  }
0xbf: {  	[sflag:s18] =	ssyncset.done $0x0  }
0xc0: {  	[sflag:s18] =	ssyncadd.s32 $0xFFFFF000  }
0xc1: {  	_ =	swait.ge [sflag:s21], $0x1000  }
0xc2: {  	[sflag:s21] =	ssyncset.done $0x0  }
0xc3: {  	[sflag:s21] =	ssyncadd.s32 $0xFFFFF000  }
0xc4: {  	[tilespmem:s15], [sflag:$0x2] =	stream.indirect.gather [hbm4b:s4+s12], $0x20, s29, s12, $0xb8;
	[tilespmem:$0x1FA00] =	vst v63  }
0xc5: {  	_ = 	snop  }
0xc6: {  	[spmem:s2] =	stream.indirect.scatter.add.f32 [tilespmem:s19], [sflag:$0x4], $0x20, s30, s12, $0xb8;
	[tilespmem:$0x1FA00] =	vst v63  }
0xc7: {  	_ =	swait.ge [sflag:s20], $0x1000  }
0xc8: {  	[sflag:s20] =	ssyncset.done $0x0  }
0xc9: {  	[sflag:s20] =	ssyncadd.s32 $0xFFFFF000  }
0xca: {  	_ =	swait.ge [sflag:s22], $0x1000  }
0xcb: {  	[sflag:s22] =	ssyncset.done $0x0  }
0xcc: {  	[sflag:s22] =	ssyncadd.s32 $0xFFFFF000  }
0xcd: {  	[tilespmem:s17], [sflag:$0x3] =	stream.indirect.gather [hbm4b:s4+s12], $0x20, s31, s12, $0xb8;
	[tilespmem:$0x1FA00] =	vst v63  }
0xce: {  	_ = 	snop  }
0xcf: {  	[spmem:s2] =	stream.indirect.scatter.add.f32 [tilespmem:s13], [sflag:$0x5], $0x20, s0, s12, $0xb8;
	[tilespmem:$0x1FA00] =	vst v63  }
0xd0: {  	_ =	swait.ge [sflag:s16], $0x1000  }
0xd1: {  	[sflag:s16] =	ssyncset.done $0x0  }
0xd2: {  	[sflag:s16] =	ssyncadd.s32 $0xFFFFF000  }
0xd3: {  	_ =	swait.ge [sflag:s21], $0x1000  }
0xd4: {  	[sflag:s21] =	ssyncset.done $0x0  }
0xd5: {  	[sflag:s21] =	ssyncadd.s32 $0xFFFFF000  }
0xd6: {  	[tilespmem:s19], [sflag:$0x1] =	stream.indirect.gather [hbm4b:s4+s12], $0x20, s1, s12, $0xb8;
	[tilespmem:$0x1FA00] =	vst v63  }
0xd7: {  	_ = 	snop  }
0xd8: {  	[spmem:s2] =	stream.indirect.scatter.add.f32 [tilespmem:s14], [sflag:$0x4], $0x20, s6, s12, $0xb8;
	[tilespmem:$0x1FA00] =	vst v63  }
0xd9: {  	_ =	swait.ge [sflag:s18], $0x1000  }
0xda: {  	[sflag:s18] =	ssyncset.done $0x0  }
0xdb: {  	[sflag:s18] =	ssyncadd.s32 $0xFFFFF000  }
0xdc: {  	[spmem:s2] =	stream.indirect.scatter.add.f32 [tilespmem:s15], [sflag:$0x5], $0x20, s7, s12, $0xb8;
	[tilespmem:$0x1FA00] =	vst v63  }
0xdd: {  	_ =	swait.ge [sflag:s20], $0x1000  }
0xde: {  	[sflag:s20] =	ssyncset.done $0x0  }
0xdf: {  	[sflag:s20] =	ssyncadd.s32 $0xFFFFF000  }
0xe0: {  	[spmem:s2] =	stream.indirect.scatter.add.f32 [tilespmem:s17], [sflag:$0x4], $0x20, s8, s12, $0xb8;
	[tilespmem:$0x1FA00] =	vst v63  }
0xe1: {  	_ =	swait.ge [sflag:s16], $0x1000  }
0xe2: {  	[sflag:s16] =	ssyncset.done $0x0  }
0xe3: {  	s23 =	simm.s32 $0x980;
	[sflag:s16] =	ssyncadd.s32 $0xFFFFF000  }
0xe4: {  	[spmem:s2] =	stream.indirect.scatter.add.f32 [tilespmem:s19], [sflag:$0x5], $0x20, s23, s12, $0xb8;
	[tilespmem:$0x1FA00] =	vst v63  }
0xe5: {  	_ =	swait.ge [sflag:s22], $0x1000  }
0xe6: {  	[sflag:s22] =	ssyncset.done $0x0  }
0xe7: {  	[sflag:s22] =	ssyncadd.s32 $0xFFFFF000  }
0xe8: {  	_ =	swait.ge [sflag:s21], $0x1000  }
0xe9: {  	[sflag:s21] =	ssyncset.done $0x0  }
0xea: {  	[sflag:s21] =	ssyncadd.s32 $0xFFFFF000  }
0xeb: {  	_ =	swait.ge [sflag:s22], $0x1000  }
0xec: {  	[sflag:s22] =	ssyncset.done $0x0  }
0xed: {  	p1 =	sne.s32 s24, $0x1860;
	[sflag:s22] =	ssyncadd.s32 $0xFFFFF000  }
.Ltmp2:
0xee: {  	_ =	swait.ge [sflag:s21], $0x1000;
	(pc) =	sbr.rel @p1 .LBB2_6-.Ltmp2, $4  }
0xef: {  	[sflag:s21] =	ssyncset.done $0x0  }
0xf0: {  	[sflag:s21] =	ssyncadd.s32 $0xFFFFF000  }
0xf1: {  	_ =	swait.ge [sflag:s22], $0x1000  }
0xf2: {  	s24 =	sadd.s32 $0xA0, s24;
	s9 =	rddreg [dreg:$0x3];
	[sflag:s22] =	ssyncset.done $0x0  }
0xf3: {  	[sflag:s22] =	ssyncadd.s32 $0xFFFFF000;
	s9 =	sadd.s32 s25, s9  }
0xf4: {  	[tilespmem:s3], [sflag:$0x6] =	stream.linear.gather [hbm4b:s9+s3], $0x500, $0x38;
	[tilespmem:$0x1FA00] =	vst v63  }
0xf5: {  	_ =	swait.ge [sflag:s10], $0x500  }
0xf6: {  	s24 =	rddreg [dreg:$0x4];
	[sflag:s10] =	ssyncset.done $0x0  }
0xf7: {  	[sflag:s10] =	ssyncadd.s32 $0xFFFFFB00;
	s9 =	sadd.s32 s25, s24  }
0xf8: {  	[tilespmem:s11], [sflag:$0x6] =	stream.linear.gather [hbm4b:s9+s3], $0x500, $0x38;
	[tilespmem:$0x1FA00] =	vst v63  }
0xf9: {  	_ =	swait.ge [sflag:s10], $0x500  }
0xfa: {  	[sflag:s10] =	ssyncset.done $0x0  }
0xfb: {  	[sflag:s10] =	ssyncadd.s32 $0xFFFFFB00  }
0xfc: {  	[tilespmem:s13], [sflag:$0x1] =	stream.indirect.gather [hbm4b:s4+s12], $0x20, s3, s12, $0xb8;
	[tilespmem:$0x1FA00] =	vst v63  }
0xfd: {  	_ = 	snop  }
0xfe: {  	[tilespmem:s14], [sflag:$0x2] =	stream.indirect.gather [hbm4b:s4+s12], $0x20, s12, s12, $0xb8;
	[tilespmem:$0x1FA00] =	vst v63  }
0xff: {  	s23 =	rddreg [dreg:$0x5]  }
0x100: {  	[tilespmem:s15], [sflag:$0x3] =	stream.indirect.gather [hbm4b:s4+s12], $0x20, s23, s12, $0xb8;
	[tilespmem:$0x1FA00] =	vst v63  }
0x101: {  	_ =	swait.ge [sflag:s16], $0x1000  }
0x102: {  	[sflag:s16] =	ssyncset.done $0x0  }
0x103: {  	s24 =	rddreg [dreg:$0x6];
	[sflag:s16] =	ssyncadd.s32 $0xFFFFF000  }
0x104: {  	[tilespmem:s17], [sflag:$0x1] =	stream.indirect.gather [hbm4b:s4+s12], $0x20, s24, s12, $0xb8;
	[tilespmem:$0x1FA00] =	vst v63  }
0x105: {  	_ = 	snop  }
0x106: {  	[spmem:s2] =	stream.indirect.scatter.add.f32 [tilespmem:s13], [sflag:$0x4], $0x20, s11, s12, $0xb8;
	[tilespmem:$0x1FA00] =	vst v63  }
0x107: {  	_ =	swait.ge [sflag:s18], $0x1000  }
0x108: {  	[sflag:s18] =	ssyncset.done $0x0  }
0x109: {  	s25 =	rddreg [dreg:$0x7];
	[sflag:s18] =	ssyncadd.s32 $0xFFFFF000  }
0x10a: {  	[tilespmem:s19], [sflag:$0x2] =	stream.indirect.gather [hbm4b:s4+s12], $0x20, s25, s12, $0xb8;
	[tilespmem:$0x1FA00] =	vst v63  }
0x10b: {  	s23 =	rddreg [dreg:$0x8]  }
0x10c: {  	[spmem:s2] =	stream.indirect.scatter.add.f32 [tilespmem:s14], [sflag:$0x5], $0x20, s23, s12, $0xb8;
	[tilespmem:$0x1FA00] =	vst v63  }
0x10d: {  	_ =	swait.ge [sflag:s20], $0x1000  }
0x10e: {  	[sflag:s20] =	ssyncset.done $0x0  }
0x10f: {  	[sflag:s20] =	ssyncadd.s32 $0xFFFFF000  }
0x110: {  	_ =	swait.ge [sflag:s21], $0x1000  }
0x111: {  	[sflag:s21] =	ssyncset.done $0x0  }
0x112: {  	s24 =	rddreg [dreg:$0x9];
	[sflag:s21] =	ssyncadd.s32 $0xFFFFF000  }
0x113: {  	[tilespmem:s13], [sflag:$0x3] =	stream.indirect.gather [hbm4b:s4+s12], $0x20, s24, s12, $0xb8;
	[tilespmem:$0x1FA00] =	vst v63  }
0x114: {  	s25 =	rddreg [dreg:$0xa]  }
0x115: {  	[spmem:s2] =	stream.indirect.scatter.add.f32 [tilespmem:s15], [sflag:$0x4], $0x20, s25, s12, $0xb8;
	[tilespmem:$0x1FA00] =	vst v63  }
0x116: {  	_ =	swait.ge [sflag:s16], $0x1000  }
0x117: {  	[sflag:s16] =	ssyncset.done $0x0  }
0x118: {  	[sflag:s16] =	ssyncadd.s32 $0xFFFFF000  }
0x119: {  	_ =	swait.ge [sflag:s22], $0x1000  }
0x11a: {  	[sflag:s22] =	ssyncset.done $0x0  }
0x11b: {  	[sflag:s22] =	ssyncadd.s32 $0xFFFFF000  }
0x11c: {  	[tilespmem:s14], [sflag:$0x1] =	stream.indirect.gather [hbm4b:s4+s12], $0x20, s26, s12, $0xb8;
	[tilespmem:$0x1FA00] =	vst v63  }
0x11d: {  	_ = 	snop  }
0x11e: {  	[spmem:s2] =	stream.indirect.scatter.add.f32 [tilespmem:s17], [sflag:$0x5], $0x20, s28, s12, $0xb8;
	[tilespmem:$0x1FA00] =	vst v63  }
0x11f: {  	_ =	swait.ge [sflag:s18], $0x1000  }
0x120: {  	[sflag:s18] =	ssyncset.done $0x0  }
0x121: {  	[sflag:s18] =	ssyncadd.s32 $0xFFFFF000  }
0x122: {  	_ =	swait.ge [sflag:s21], $0x1000  }
0x123: {  	[sflag:s21] =	ssyncset.done $0x0  }
0x124: {  	[sflag:s21] =	ssyncadd.s32 $0xFFFFF000  }
0x125: {  	[tilespmem:s15], [sflag:$0x2] =	stream.indirect.gather [hbm4b:s4+s12], $0x20, s29, s12, $0xb8;
	[tilespmem:$0x1FA00] =	vst v63  }
0x126: {  	_ = 	snop  }
0x127: {  	[spmem:s2] =	stream.indirect.scatter.add.f32 [tilespmem:s19], [sflag:$0x4], $0x20, s30, s12, $0xb8;
	[tilespmem:$0x1FA00] =	vst v63  }
0x128: {  	_ =	swait.ge [sflag:s20], $0x1000  }
0x129: {  	[sflag:s20] =	ssyncset.done $0x0  }
0x12a: {  	[sflag:s20] =	ssyncadd.s32 $0xFFFFF000  }
0x12b: {  	_ =	swait.ge [sflag:s22], $0x1000  }
0x12c: {  	[sflag:s22] =	ssyncset.done $0x0  }
0x12d: {  	[sflag:s22] =	ssyncadd.s32 $0xFFFFF000  }
0x12e: {  	[tilespmem:s17], [sflag:$0x3] =	stream.indirect.gather [hbm4b:s4+s12], $0x20, s31, s12, $0xb8;
	[tilespmem:$0x1FA00] =	vst v63  }
0x12f: {  	_ = 	snop  }
0x130: {  	[spmem:s2] =	stream.indirect.scatter.add.f32 [tilespmem:s13], [sflag:$0x5], $0x20, s0, s12, $0xb8;
	[tilespmem:$0x1FA00] =	vst v63  }
0x131: {  	_ =	swait.ge [sflag:s16], $0x1000  }
0x132: {  	[sflag:s16] =	ssyncset.done $0x0  }
0x133: {  	[sflag:s16] =	ssyncadd.s32 $0xFFFFF000  }
0x134: {  	_ =	swait.ge [sflag:s21], $0x1000  }
0x135: {  	[sflag:s21] =	ssyncset.done $0x0  }
0x136: {  	[sflag:s21] =	ssyncadd.s32 $0xFFFFF000  }
0x137: {  	[tilespmem:s19], [sflag:$0x1] =	stream.indirect.gather [hbm4b:s4+s12], $0x20, s1, s12, $0xb8;
	[tilespmem:$0x1FA00] =	vst v63  }
0x138: {  	_ = 	snop  }
0x139: {  	[spmem:s2] =	stream.indirect.scatter.add.f32 [tilespmem:s14], [sflag:$0x4], $0x20, s6, s12, $0xb8;
	[tilespmem:$0x1FA00] =	vst v63  }
0x13a: {  	_ =	swait.ge [sflag:s18], $0x1000  }
0x13b: {  	[sflag:s18] =	ssyncset.done $0x0  }
0x13c: {  	[sflag:s18] =	ssyncadd.s32 $0xFFFFF000  }
0x13d: {  	[spmem:s2] =	stream.indirect.scatter.add.f32 [tilespmem:s15], [sflag:$0x5], $0x20, s7, s12, $0xb8;
	[tilespmem:$0x1FA00] =	vst v63  }
0x13e: {  	_ =	swait.ge [sflag:s20], $0x1000  }
0x13f: {  	[sflag:s20] =	ssyncset.done $0x0  }
0x140: {  	[sflag:s20] =	ssyncadd.s32 $0xFFFFF000  }
0x141: {  	[spmem:s2] =	stream.indirect.scatter.add.f32 [tilespmem:s17], [sflag:$0x4], $0x20, s8, s12, $0xb8;
	[tilespmem:$0x1FA00] =	vst v63  }
0x142: {  	_ =	swait.ge [sflag:s16], $0x1000  }
0x143: {  	[sflag:s16] =	ssyncset.done $0x0  }
0x144: {  	s24 =	simm.s32 $0x980;
	[sflag:s16] =	ssyncadd.s32 $0xFFFFF000  }
0x145: {  	[spmem:s2] =	stream.indirect.scatter.add.f32 [tilespmem:s19], [sflag:$0x5], $0x20, s24, s12, $0xb8;
	[tilespmem:$0x1FA00] =	vst v63  }
0x146: {  	_ =	swait.ge [sflag:s22], $0x1000  }
0x147: {  	[sflag:s22] =	ssyncset.done $0x0  }
0x148: {  	[sflag:s22] =	ssyncadd.s32 $0xFFFFF000  }
0x149: {  	_ =	swait.ge [sflag:s21], $0x1000  }
0x14a: {  	[sflag:s21] =	ssyncset.done $0x0  }
0x14b: {  	[sflag:s21] =	ssyncadd.s32 $0xFFFFF000  }
0x14c: {  	_ =	swait.ge [sflag:s22], $0x1000  }
0x14d: {  	[sflag:s22] =	ssyncset.done $0x0  }
0x14e: {  	[sflag:s22] =	ssyncadd.s32 $0xFFFFF000  }
0x14f: {  	_ =	swait.ge [sflag:s21], $0x1000  }
0x150: {  	[sflag:s21] =	ssyncset.done $0x0  }
0x151: {  	[sflag:s21] =	ssyncadd.s32 $0xFFFFF000  }
0x152: {  	_ =	swait.ge [sflag:s22], $0x1000  }
0x153: {  	[sflag:s22] =	ssyncset.done $0x0  }
0x154: {  	[sflag:s22] =	ssyncadd.s32 $0xFFFFF000  }
0x155: {  	[bflag:$0x0] =	sbarrier.arrive $0xFFFF  }
0x156: {  	s23 =	rddreg [dreg:$0xc]  }
0x157: {  	s9 =	simm.s32 @p0 $0x1FC6;
	s24 =	rddreg [dreg:$0xe]  }
0x158: {  	[hbm:s23], [sflag:s9] =	dma.local @p0 [spmem:s24], $0x3020  }
0x159: {  	s9 =	simm.s32 @p0 $0x6  }
0x15a: {  	s23 =	stileid.u32;
	_ =	swait.ge @p0 [sflag:s9], $0x3020  }
0x15b: {  	s23 =	sshll.u32 @!p0 s23, $0x6;
	[sflag:s9] =	ssyncset.done @p0 $0x0;
	s24 =	rddreg [dreg:$0xf]  }
0x15c: {  	[sflag:s9] =	ssyncadd.s32 @p0 $0xFFFFCFE0;
	s9 =	sor.u32 @!p0 $0x1C06, s23;
	s23 =	rddreg [dreg:$0xb]  }
0x15d: {  	[hbm:s23], [sflag:s9] =	dma.local @!p0 [spmem:s24], $0x30E0  }
0x15e: {  	s9 =	simm.s32 @!p0 $0x6  }
0x15f: {  	_ =	swait.ge @!p0 [sflag:s9], $0x30E0  }
0x160: {  	s25 =	rddreg [dreg:$0x10]  }
0x161: {  	s26 =	rddreg [dreg:$0xd];
	s24 =	sadd.s32 $0x1, s25  }
0x162: {  	p1 =	sne.s32 s24, s26  }
.Ltmp3:
0x163: {  	s28 =	simm.s32 $0x380;
	s29 =	simm.s32 $0x700;
	(pc) =	sbr.rel @p1 .LBB2_1-.Ltmp3, $4  }
0x164: {  	s30 =	simm.s32 $0x400;
	s31 =	simm.s32 $0x980;
	s0 =	simm.s32 $0x780  }
0x165: {  	s1 =	simm.s32 $0x480;
	s6 =	simm.s32 $0x800;
	s7 =	simm.s32 $0x880  }
0x166: {  	s8 =	simm.s32 $0x900;
	s23 =	simm.s32 $0x5A00;
	[sflag:s9] =	ssyncset.done @!p0 $0x0  }
0x167: {  	[sflag:s9] =	ssyncadd.s32 @!p0 $0xFFFFCF20;
	s25 =	simm.s32 $0x300;
	s26 =	simm.s32 $0x680  }
0x168: {  	_ =	sfence.sel $0x180000  }
0x169: {  	[bflag:$0x0] =	sbarrier.arrive $0xFFFF  }
0x16a: {  	_ =	strace $0x90000050  }
0x16b: {  	s0 =	stileid.u32;
	[bflag:$0x2] =	sbarrier.arrive $0xFFFF  }
0x16c: {  	p0 =	sne.s32 s0, $0x0;
	s0 =	rddreg [dreg:$0x2]  }
0x16d: {  	s0 =	sadd.s32 @!p0 $0x100000, s0  }
0x16e: {  	[sflag:s0] =	ssyncadd.tile.s32 @!p0 $0x1;
	_ =	shalt  }
.Lfunc_end2:
_tile_overlayer_lowered:
.L_overlay_start_2:
0x16f: {  	(tag) =	ssettag $0x2  }
0x170: {  	s0 =	rddreg [dreg:$0x0];
	s2 =	stileid.u32  }
0x171: {  	s1 =	rddreg [dreg:$0x1];
	p0 =	sne.s32 s2, $0x0  }
0x172: {  	s3 =	rddreg [dreg:$0x2];
	[bflag:$0x3] =	sbarrier.arrive $0xFFFF;
	s2 =	simm.s32 @!p0 $0x1C06  }
0x173: {  	[timem:s3], [sflag:s2] =	dma.local @!p0 [hbm:s0], s1  }
0x174: {  	s0 =	simm.s32 @!p0 $0x6  }
0x175: {  	_ =	swait.ge @!p0 [sflag:s0], s1  }
0x176: {  	s1 =	ssub.s32 @!p0 $0x0, s1;
	[sflag:s0] =	ssyncset.done @!p0 $0x0  }
0x177: {  	[sflag:s0] =	ssyncadd.s32 @!p0 s1  }
0x178: {  	[bflag:$0x3] =	sbarrier.arrive $0xFFFF  }
0x179: {  	_ =	shalt  }

</sc_bundles>
